<compile_context>
chip_gen: v7x
topology: tpu7x:2x2x1
jax: 0.10.2.dev20260603
libtpu: 0.0.44.dev20260713+nightly
codegen_flags: <defaults>
</compile_context>

<pallas_src>
import functools

import jax
import jax.numpy as jnp
from jax import lax
from jax.experimental import pallas as pl
from jax.experimental.pallas import tpu as pltpu
from jax.experimental.pallas import tpu_sc as plsc

_N = 10000
_D = 128
_HD = 64
_E = 320000

_NC = 2
_NS = 16
_NW = _NC * _NS
_CH = 128
_CHUNKS = 80
_EPAD = _NW * _CHUNKS * _CH
_NH = 10112
_RPT = _NH // _NS

_mesh = plsc.VectorSubcoreMesh(core_axis_name="c", subcore_axis_name="s")

_f32 = jnp.float32
_i32 = jnp.int32

_WCHUNKS = (128, 128, 128, 128, 120)


def _zero_vmem_2d(buf, rows, cols):
    zero = jnp.zeros((16,), _f32)

    def body(i, _):
        for j in range(cols // 16):
            buf[i, pl.ds(j * 16, 16)] = zero
        return 0

    lax.fori_loop(0, rows, body, 0)


def _sc_deg_body(src_hbm, dst_hbm, out_o_hbm, out_i_hbm,
                 src_v, dst_v, ones_v, bounce, hist_o, hist_i):
    c = lax.axis_index("c")
    s = lax.axis_index("s")
    wid = s * _NC + c
    base = s * _RPT

    one = jnp.full((16,), 1.0, _f32)

    def fill_ones(i, _):
        ones_v[i, :] = one
        return 0

    lax.fori_loop(0, _CH, fill_ones, 0)
    _zero_vmem_2d(bounce, 128, 16)

    off = 0
    for cnt in _WCHUNKS:
        pltpu.sync_copy(bounce.at[pl.ds(0, cnt)],
                        hist_o.at[pl.ds(base + off, cnt)])
        pltpu.sync_copy(bounce.at[pl.ds(0, cnt)],
                        hist_i.at[pl.ds(base + off, cnt)])
        off += cnt
    plsc.subcore_barrier()

    pltpu.sync_copy(src_hbm.at[wid], src_v)
    pltpu.sync_copy(dst_hbm.at[wid], dst_v)

    def body(j, _):
        pltpu.sync_copy(ones_v, hist_o.at[src_v.at[j]], add=True)
        pltpu.sync_copy(ones_v, hist_i.at[dst_v.at[j]], add=True)
        return 0

    lax.fori_loop(0, _CHUNKS, body, 0)
    plsc.subcore_barrier()

    for hist, out in ((hist_o, out_o_hbm), (hist_i, out_i_hbm)):
        off = 0
        for cnt in _WCHUNKS:
            pltpu.sync_copy(hist.at[pl.ds(base + off, cnt)],
                            bounce.at[pl.ds(0, cnt)])
            pltpu.sync_copy(bounce.at[pl.ds(0, cnt)],
                            out.at[c, pl.ds(base + off, cnt)])
            off += cnt


_NBUF = 4
_EPW2 = _EPAD // _NS
_NCK = _EPW2 // _CH


def _sc_agg_body(h_hbm, src_hbm, dst_hbm, out_hbm,
                 src_v, dst_v, b0, b1, b2, b3, agg_sh,
                 g0, g1, g2, g3, s0, s1, s2, s3):
    c = lax.axis_index("c")
    s = lax.axis_index("s")
    base = s * _RPT
    bufs = (b0, b1, b2, b3)
    gsems = (g0, g1, g2, g3)
    ssems = (s0, s1, s2, s3)

    pltpu.sync_copy(src_hbm.at[s], src_v)
    pltpu.sync_copy(dst_hbm.at[s], dst_v)

    _zero_vmem_2d(b0, 128, _HD)
    off = 0
    for cnt in _WCHUNKS:
        pltpu.sync_copy(b0.at[pl.ds(0, cnt)],
                        agg_sh.at[pl.ds(base + off, cnt)])
        off += cnt
    plsc.subcore_barrier()

    hc = h_hbm.at[c]

    def g_start(j, k):
        pltpu.make_async_copy(hc.at[src_v.at[j]], bufs[k], gsems[k]).start()

    def g_wait(j, k):
        pltpu.make_async_copy(hc.at[src_v.at[j]], bufs[k], gsems[k]).wait()

    def s_start(j, k):
        pltpu.async_copy(bufs[k], agg_sh.at[dst_v.at[j]], ssems[k], add=True)

    def s_wait(j, k):
        pltpu.make_async_copy(bufs[k], agg_sh.at[dst_v.at[j]],
                              ssems[k]).wait()

    for k in range(_NBUF):
        g_start(k, k)

    def body(g, _):
        cb = _NBUF * g
        for k in range(_NBUF):
            g_wait(cb + k, k)
            s_start(cb + k, k)
        for k in range(_NBUF):
            s_wait(cb + k, k)

            @pl.when(cb + k + _NBUF < _NCK)
            def _():
                g_start(cb + k + _NBUF, k)
        return 0

    lax.fori_loop(0, _NCK // _NBUF, body, 0)
    plsc.subcore_barrier()

    off = 0
    for cnt in _WCHUNKS:
        pltpu.sync_copy(agg_sh.at[pl.ds(base + off, cnt)],
                        b0.at[pl.ds(0, cnt)])
        pltpu.sync_copy(b0.at[pl.ds(0, cnt)],
                        out_hbm.at[c, pl.ds(base + off, cnt)])
        off += cnt


_sc_deg = pl.kernel(
    _sc_deg_body,
    out_type=(jax.ShapeDtypeStruct((_NC, _NH, 16), _f32),
              jax.ShapeDtypeStruct((_NC, _NH, 16), _f32)),
    mesh=_mesh,
    compiler_params=pltpu.CompilerParams(use_tc_tiling_on_sc=False),
    scratch_types=[
        pltpu.VMEM((_CHUNKS, _CH), _i32),
        pltpu.VMEM((_CHUNKS, _CH), _i32),
        pltpu.VMEM((_CH, 16), _f32),
        pltpu.VMEM((128, 16), _f32),
        pltpu.VMEM_SHARED((_NH, 16), _f32),
        pltpu.VMEM_SHARED((_NH, 16), _f32),
    ],
)

_sc_agg = pl.kernel(
    _sc_agg_body,
    out_type=jax.ShapeDtypeStruct((_NC, _NH, _HD), _f32),
    mesh=_mesh,
    compiler_params=pltpu.CompilerParams(use_tc_tiling_on_sc=False),
    scratch_types=[
        pltpu.VMEM((_NCK, _CH), _i32),
        pltpu.VMEM((_NCK, _CH), _i32),
        pltpu.VMEM((_CH, _HD), _f32),
        pltpu.VMEM((_CH, _HD), _f32),
        pltpu.VMEM((_CH, _HD), _f32),
        pltpu.VMEM((_CH, _HD), _f32),
        pltpu.VMEM_SHARED((_NH, _HD), _f32),
        pltpu.SemaphoreType.DMA,
        pltpu.SemaphoreType.DMA,
        pltpu.SemaphoreType.DMA,
        pltpu.SemaphoreType.DMA,
        pltpu.SemaphoreType.DMA,
        pltpu.SemaphoreType.DMA,
        pltpu.SemaphoreType.DMA,
        pltpu.SemaphoreType.DMA,
    ],
)


_BN = 400


def _r_from_hist(h_ref):
    deg = h_ref[0, :, 0:1] + h_ref[1, :, 0:1]
    return lax.rsqrt(jnp.maximum(deg, 1.0))


def _tc_prep_body(x_ref, ho_ref, o_ref):
    t = x_ref[...] * _r_from_hist(ho_ref)
    o_ref[0] = t[:, :_HD]
    o_ref[1] = t[:, _HD:]


def _tc_layer_body(p_ref, hi_ref, ho_ref, w_ref, b_ref, out_ref,
                   *, relu, scale_out, split_out):
    ri = _r_from_hist(hi_ref)
    agg_l = p_ref[0] * ri
    agg_r = p_ref[1] * ri
    y = (jnp.dot(agg_l, w_ref[:_HD, :], preferred_element_type=_f32)
         + jnp.dot(agg_r, w_ref[_HD:, :], preferred_element_type=_f32)
         + b_ref[...])
    if relu:
        y = jnp.maximum(y, 0.0)
    if scale_out:
        y = y * _r_from_hist(ho_ref)
    if split_out:
        out_ref[0] = y[:, :_HD]
        out_ref[1] = y[:, _HD:]
    else:
        out_ref[...] = y


def _tc_prep(x, hist_o):
    grid = (_N // _BN,)
    return pl.pallas_call(
        _tc_prep_body,
        grid=grid,
        in_specs=[
            pl.BlockSpec((_BN, _D), lambda i: (i, 0)),
            pl.BlockSpec((_NC, _BN, 16), lambda i: (0, i, 0)),
        ],
        out_specs=pl.BlockSpec((2, _BN, _HD), lambda i: (0, i, 0)),
        out_shape=jax.ShapeDtypeStruct((2, _N, _HD), _f32),
    )(x, hist_o)


def _tc_layer(p, hist_i, hist_o, w, b, relu, scale_out, split_out):
    grid = (_N // _BN,)
    body = functools.partial(_tc_layer_body, relu=relu, scale_out=scale_out,
                             split_out=split_out)
    if split_out:
        out_specs = pl.BlockSpec((2, _BN, _HD), lambda i: (0, i, 0))
        out_shape = jax.ShapeDtypeStruct((2, _N, _HD), _f32)
    else:
        out_specs = pl.BlockSpec((_BN, _D), lambda i: (i, 0))
        out_shape = jax.ShapeDtypeStruct((_N, _D), _f32)
    return pl.pallas_call(
        body,
        grid=grid,
        in_specs=[
            pl.BlockSpec((_NC, _BN, _HD), lambda i: (0, i, 0)),
            pl.BlockSpec((_NC, _BN, 16), lambda i: (0, i, 0)),
            pl.BlockSpec((_NC, _BN, 16), lambda i: (0, i, 0)),
            pl.BlockSpec((_D, _D), lambda i: (0, 0)),
            pl.BlockSpec((1, _D), lambda i: (0, 0)),
        ],
        out_specs=out_specs,
        out_shape=out_shape,
    )(p, hist_i, hist_o, w, b)


def kernel(x, edge_index, W0, W1, W2, b0, b1, b2):
    src = edge_index[0]
    dst = edge_index[1]
    pad = _EPAD - _E
    src_deg = jnp.concatenate([src, jnp.full((pad,), _N, _i32)])
    src_agg = jnp.concatenate([src, jnp.zeros((pad,), _i32)])
    dst_pad = jnp.concatenate([dst, jnp.full((pad,), _N, _i32)])
    src_deg = src_deg.reshape(_NW, _CHUNKS, _CH)
    dst_deg = dst_pad.reshape(_NW, _CHUNKS, _CH)
    src_agg = src_agg.reshape(_NS, _NCK, _CH)
    dst_agg = dst_pad.reshape(_NS, _NCK, _CH)

    hist_o, hist_i = _sc_deg(src_deg, dst_deg)

    h = _tc_prep(x, hist_o)
    for w, b, last in ((W0, b0, False), (W1, b1, False), (W2, b2, True)):
        p = _sc_agg(h, src_agg, dst_agg)
        h = _tc_layer(p, hist_i, hist_o, w.astype(_f32),
                      b.reshape(1, _D).astype(_f32),
                      relu=not last, scale_out=not last,
                      split_out=not last)
    return h

# --- scband reference (transcript-rebuilt; emitter-appended) ---
"""Pipeline reference for scband-stacked-gcn-87351044866337 (READ-ONLY COPY).

The authoritative reference and input builder live on the scoring server;
editing this copy changes nothing except your own understanding.
"""

import jax, jax.numpy as jnp
import numpy as np

N = 10000
E = 320000
D = 128


def setup_inputs(seed: int = 0) -> dict:
    key = jax.random.key(seed)
    ks = jax.random.split(key, 8)
    x = jax.random.normal(ks[0], (N, D), dtype=jnp.float32)
    edge_index = jax.random.randint(ks[1], (2, E), 0, N, dtype=jnp.int32)
    scale = 1.0 / np.sqrt(D)
    W0 = jax.random.normal(ks[2], (D, D), dtype=jnp.float32) * scale
    W1 = jax.random.normal(ks[3], (D, D), dtype=jnp.float32) * scale
    W2 = jax.random.normal(ks[4], (D, D), dtype=jnp.float32) * scale
    b0 = jnp.zeros((D,), dtype=jnp.float32)
    b1 = jnp.zeros((D,), dtype=jnp.float32)
    b2 = jnp.zeros((D,), dtype=jnp.float32)
    return {"x": x, "edge_index": edge_index, "W0": W0, "W1": W1, "W2": W2,
            "b0": b0, "b1": b1, "b2": b2}


def _gcn_layer(x, src, dst, W, b, act):
    # DGL GraphConv with norm='both':
    # h = relu( D_in^{-1/2} * A * D_out^{-1/2} * x * W + b )
    deg_out = jnp.clip(jnp.bincount(src, length=N), 1).astype(jnp.float32)
    h = x * (deg_out ** -0.5)[:, None]
    agg = jnp.zeros((N, x.shape[1]), dtype=x.dtype).at[dst].add(h[src])
    deg_in = jnp.clip(jnp.bincount(dst, length=N), 1).astype(jnp.float32)
    agg = agg * (deg_in ** -0.5)[:, None]
    out = agg @ W + b
    if act:
        out = jax.nn.relu(out)
    return out


def reference(x, edge_index, W0, W1, W2, b0, b1, b2):
    src = edge_index[0]
    dst = edge_index[1]
    h = _gcn_layer(x, src, dst, W0, b0, True)
    h = _gcn_layer(h, src, dst, W1, b1, True)
    h = _gcn_layer(h, src, dst, W2, b2, False)  # last layer: no activation
    return h

if __name__ == "__main__":
    import jax
    _d = setup_inputs()
    print(jax.jit(kernel)(*tuple(_d.values())))

</pallas_src>

<mosaic_0001>
#map = affine_map<(d0, d1) -> (0, 0, 0)>
module attributes {stable_mosaic.version = 14 : i64} {
  func.func @_sc_agg_body(%arg0: i32, %arg1: i32, %arg2: memref<2x10000x64xf32, #tpu.memory_space<hbm>>, %arg3: memref<16x160x128xi32, #tpu.memory_space<hbm>>, %arg4: memref<16x160x128xi32, #tpu.memory_space<hbm>>, %arg5: memref<2x10112x64xf32, #tpu.memory_space<hbm>>, %arg6: memref<160x128xi32, #tpu.memory_space<vmem>>, %arg7: memref<160x128xi32, #tpu.memory_space<vmem>>, %arg8: memref<128x64xf32, #tpu.memory_space<vmem>>, %arg9: memref<128x64xf32, #tpu.memory_space<vmem>>, %arg10: memref<128x64xf32, #tpu.memory_space<vmem>>, %arg11: memref<128x64xf32, #tpu.memory_space<vmem>>, %arg12: memref<10112x64xf32, #tpu.memory_space<vmem_shared>>, %arg13: memref<!tpu.dma_semaphore, #tpu.memory_space<semaphore_mem>>, %arg14: memref<!tpu.dma_semaphore, #tpu.memory_space<semaphore_mem>>, %arg15: memref<!tpu.dma_semaphore, #tpu.memory_space<semaphore_mem>>, %arg16: memref<!tpu.dma_semaphore, #tpu.memory_space<semaphore_mem>>, %arg17: memref<!tpu.dma_semaphore, #tpu.memory_space<semaphore_mem>>, %arg18: memref<!tpu.dma_semaphore, #tpu.memory_space<semaphore_mem>>, %arg19: memref<!tpu.dma_semaphore, #tpu.memory_space<semaphore_mem>>, %arg20: memref<!tpu.dma_semaphore, #tpu.memory_space<semaphore_mem>>) attributes {dimension_semantics = [#tpu.dimension_semantics<core_parallel>, #tpu.dimension_semantics<subcore_parallel>], iteration_bounds = array<i64: 2, 16>, scalar_prefetch = 0 : i64, scratch_operands = 15 : i64, tpu.core_type = #tpu.core_type<sc_vector_subcore>, window_params = [{transform_indices = #map}, {transform_indices = #map}, {transform_indices = #map}, {transform_indices = #map}]} {
    %mul3A = arith.constant 632 : i32
    %mul3A_0 = arith.muli %arg1, %mul3A : i32
    "tpu.region"() ({
      %run_scoped3A = tpu.sem_alloc : memref<!tpu.dma_semaphore, #tpu.memory_space<semaphore_mem>>
      %dma_start3A_88 = arith.constant 0 : i32
      %dma_start3A_89 = arith.constant 0 : i32
      %dma_start3A_90 = tpu.memref_slice %arg3[%arg1, %dma_start3A_88, %dma_start3A_89] : memref<16x160x128xi32, #tpu.memory_space<hbm>> -> memref<1x160x128xi32, #tpu.memory_space<hbm>>
      %dma_start3A_91 = tpu.memref_squeeze %dma_start3A_90 : memref<1x160x128xi32, #tpu.memory_space<hbm>> -> memref<160x128xi32, #tpu.memory_space<hbm>>
      %dma_start3A_92 = arith.constant 0 : i32
      %dma_start3A_93 = arith.constant 0 : i32
      %dma_start3A_94 = tpu.memref_slice %arg3[%arg1, %dma_start3A_92, %dma_start3A_93] : memref<16x160x128xi32, #tpu.memory_space<hbm>> -> memref<1x160x128xi32, #tpu.memory_space<hbm>>
      %dma_start3A_95 = tpu.memref_squeeze %dma_start3A_94 : memref<1x160x128xi32, #tpu.memory_space<hbm>> -> memref<160x128xi32, #tpu.memory_space<hbm>>
      tpu.enqueue_dma source(%dma_start3A_95 : memref<160x128xi32, #tpu.memory_space<hbm>>) target(%arg6 : memref<160x128xi32, #tpu.memory_space<vmem>>) target_semaphore(%run_scoped3A : memref<!tpu.dma_semaphore, #tpu.memory_space<semaphore_mem>>)
      %dma_wait3A = arith.constant 0 : i32
      %dma_wait3A_96 = arith.constant 0 : i32
      %dma_wait3A_97 = tpu.memref_slice %arg3[%arg1, %dma_wait3A, %dma_wait3A_96] : memref<16x160x128xi32, #tpu.memory_space<hbm>> -> memref<1x160x128xi32, #tpu.memory_space<hbm>>
      %dma_wait3A_98 = tpu.memref_squeeze %dma_wait3A_97 : memref<1x160x128xi32, #tpu.memory_space<hbm>> -> memref<160x128xi32, #tpu.memory_space<hbm>>
      %dma_wait3A_99 = arith.constant 0 : i32
      %dma_wait3A_100 = arith.constant 0 : i32
      %dma_wait3A_101 = tpu.memref_slice %arg3[%arg1, %dma_wait3A_99, %dma_wait3A_100] : memref<16x160x128xi32, #tpu.memory_space<hbm>> -> memref<1x160x128xi32, #tpu.memory_space<hbm>>
      %dma_wait3A_102 = tpu.memref_squeeze %dma_wait3A_101 : memref<1x160x128xi32, #tpu.memory_space<hbm>> -> memref<160x128xi32, #tpu.memory_space<hbm>>
      tpu.wait_dma2 semaphore(%run_scoped3A : memref<!tpu.dma_semaphore, #tpu.memory_space<semaphore_mem>>) src(%dma_wait3A_102 : memref<160x128xi32, #tpu.memory_space<hbm>>) dst(%arg6 : memref<160x128xi32, #tpu.memory_space<vmem>>)
      tpu.yield
    }) : () -> ()
    "tpu.region"() ({
      %run_scoped3A = tpu.sem_alloc : memref<!tpu.dma_semaphore, #tpu.memory_space<semaphore_mem>>
      %dma_start3A_88 = arith.constant 0 : i32
      %dma_start3A_89 = arith.constant 0 : i32
      %dma_start3A_90 = tpu.memref_slice %arg4[%arg1, %dma_start3A_88, %dma_start3A_89] : memref<16x160x128xi32, #tpu.memory_space<hbm>> -> memref<1x160x128xi32, #tpu.memory_space<hbm>>
      %dma_start3A_91 = tpu.memref_squeeze %dma_start3A_90 : memref<1x160x128xi32, #tpu.memory_space<hbm>> -> memref<160x128xi32, #tpu.memory_space<hbm>>
      %dma_start3A_92 = arith.constant 0 : i32
      %dma_start3A_93 = arith.constant 0 : i32
      %dma_start3A_94 = tpu.memref_slice %arg4[%arg1, %dma_start3A_92, %dma_start3A_93] : memref<16x160x128xi32, #tpu.memory_space<hbm>> -> memref<1x160x128xi32, #tpu.memory_space<hbm>>
      %dma_start3A_95 = tpu.memref_squeeze %dma_start3A_94 : memref<1x160x128xi32, #tpu.memory_space<hbm>> -> memref<160x128xi32, #tpu.memory_space<hbm>>
      tpu.enqueue_dma source(%dma_start3A_95 : memref<160x128xi32, #tpu.memory_space<hbm>>) target(%arg7 : memref<160x128xi32, #tpu.memory_space<vmem>>) target_semaphore(%run_scoped3A : memref<!tpu.dma_semaphore, #tpu.memory_space<semaphore_mem>>)
      %dma_wait3A = arith.constant 0 : i32
      %dma_wait3A_96 = arith.constant 0 : i32
      %dma_wait3A_97 = tpu.memref_slice %arg4[%arg1, %dma_wait3A, %dma_wait3A_96] : memref<16x160x128xi32, #tpu.memory_space<hbm>> -> memref<1x160x128xi32, #tpu.memory_space<hbm>>
      %dma_wait3A_98 = tpu.memref_squeeze %dma_wait3A_97 : memref<1x160x128xi32, #tpu.memory_space<hbm>> -> memref<160x128xi32, #tpu.memory_space<hbm>>
      %dma_wait3A_99 = arith.constant 0 : i32
      %dma_wait3A_100 = arith.constant 0 : i32
      %dma_wait3A_101 = tpu.memref_slice %arg4[%arg1, %dma_wait3A_99, %dma_wait3A_100] : memref<16x160x128xi32, #tpu.memory_space<hbm>> -> memref<1x160x128xi32, #tpu.memory_space<hbm>>
      %dma_wait3A_102 = tpu.memref_squeeze %dma_wait3A_101 : memref<1x160x128xi32, #tpu.memory_space<hbm>> -> memref<160x128xi32, #tpu.memory_space<hbm>>
      tpu.wait_dma2 semaphore(%run_scoped3A : memref<!tpu.dma_semaphore, #tpu.memory_space<semaphore_mem>>) src(%dma_wait3A_102 : memref<160x128xi32, #tpu.memory_space<hbm>>) dst(%arg7 : memref<160x128xi32, #tpu.memory_space<vmem>>)
      tpu.yield
    }) : () -> ()
    %broadcast_in_dim3A = arith.constant 0.000000e+00 : f32
    %broadcast_in_dim3A_1 = vector.broadcast %broadcast_in_dim3A : f32 to vector<16xf32>
    %scan3A = arith.constant 0 : i32
    %scan3A_2 = arith.constant 0 : i32
    %scan3A_3 = arith.constant 128 : i32
    %scan3A_4 = arith.addi %scan3A_2, %scan3A_3 : i32
    %scan3A_5 = arith.constant 1 : i32
    %scan3A_6 = scf.for %scan3A_88 = %scan3A_2 to %scan3A_4 step %scan3A_5 iter_args(%scan3A_89 = %scan3A) -> (i32)  : i32 {
      %swap3A = arith.index_cast %scan3A_88 : i32 to index
      %swap3A_90 = arith.constant 0 : index
      %swap3A_91 = tpu.vector_load %arg8[%swap3A, %swap3A_90] {strides = array<i32>} : memref<128x64xf32, #tpu.memory_space<vmem>>, vector<1x16xf32>,
      %swap3A_92 = vector.shape_cast %swap3A_91 : vector<1x16xf32> to vector<16xf32>
      %swap3A_93 = vector.shape_cast %broadcast_in_dim3A_1 : vector<16xf32> to vector<1x16xf32>
      tpu.vector_store %arg8[%swap3A, %swap3A_90], %swap3A_93 {strides = array<i32>} : memref<128x64xf32, #tpu.memory_space<vmem>>, vector<1x16xf32>,
      %swap3A_94 = arith.index_cast %scan3A_88 : i32 to index
      %swap3A_95 = arith.constant 16 : index
      %swap3A_96 = tpu.vector_load %arg8[%swap3A_94, %swap3A_95] {strides = array<i32>} : memref<128x64xf32, #tpu.memory_space<vmem>>, vector<1x16xf32>,
      %swap3A_97 = vector.shape_cast %swap3A_96 : vector<1x16xf32> to vector<16xf32>
      %swap3A_98 = vector.shape_cast %broadcast_in_dim3A_1 : vector<16xf32> to vector<1x16xf32>
      tpu.vector_store %arg8[%swap3A_94, %swap3A_95], %swap3A_98 {strides = array<i32>} : memref<128x64xf32, #tpu.memory_space<vmem>>, vector<1x16xf32>,
      %swap3A_99 = arith.index_cast %scan3A_88 : i32 to index
      %swap3A_100 = arith.constant 32 : index
      %swap3A_101 = tpu.vector_load %arg8[%swap3A_99, %swap3A_100] {strides = array<i32>} : memref<128x64xf32, #tpu.memory_space<vmem>>, vector<1x16xf32>,
      %swap3A_102 = vector.shape_cast %swap3A_101 : vector<1x16xf32> to vector<16xf32>
      %swap3A_103 = vector.shape_cast %broadcast_in_dim3A_1 : vector<16xf32> to vector<1x16xf32>
      tpu.vector_store %arg8[%swap3A_99, %swap3A_100], %swap3A_103 {strides = array<i32>} : memref<128x64xf32, #tpu.memory_space<vmem>>, vector<1x16xf32>,
      %swap3A_104 = arith.index_cast %scan3A_88 : i32 to index
      %swap3A_105 = arith.constant 48 : index
      %swap3A_106 = tpu.vector_load %arg8[%swap3A_104, %swap3A_105] {strides = array<i32>} : memref<128x64xf32, #tpu.memory_space<vmem>>, vector<1x16xf32>,
      %swap3A_107 = vector.shape_cast %swap3A_106 : vector<1x16xf32> to vector<16xf32>
      %swap3A_108 = vector.shape_cast %broadcast_in_dim3A_1 : vector<16xf32> to vector<1x16xf32>
      tpu.vector_store %arg8[%swap3A_104, %swap3A_105], %swap3A_108 {strides = array<i32>} : memref<128x64xf32, #tpu.memory_space<vmem>>, vector<1x16xf32>,
      %scan3A_109 = arith.constant 0 : i32
      scf.yield %scan3A_109 : i32
    }
    %scan3A_7 = arith.constant 128 : i32
    %add3A = arith.constant 0 : i32
    %add3A_8 = arith.addi %mul3A_0, %add3A : i32
    "tpu.region"() ({
      %run_scoped3A = tpu.sem_alloc : memref<!tpu.dma_semaphore, #tpu.memory_space<semaphore_mem>>
      %dma_start3A_88 = arith.constant 0 : i32
      %dma_start3A_89 = arith.constant 0 : i32
      %dma_start3A_90 = tpu.memref_slice %arg8[%dma_start3A_88, %dma_start3A_89] : memref<128x64xf32, #tpu.memory_space<vmem>> -> memref<128x64xf32, #tpu.memory_space<vmem>>
      %dma_start3A_91 = arith.constant 0 : i32
      %dma_start3A_92 = tpu.memref_slice %arg12[%add3A_8, %dma_start3A_91] : memref<10112x64xf32, #tpu.memory_space<vmem_shared>> -> memref<128x64xf32, #tpu.memory_space<vmem_shared>>
      %dma_start3A_93 = arith.constant 0 : i32
      %dma_start3A_94 = tpu.memref_slice %arg12[%add3A_8, %dma_start3A_93] : memref<10112x64xf32, #tpu.memory_space<vmem_shared>> -> memref<128x64xf32, #tpu.memory_space<vmem_shared>>
      %dma_start3A_95 = arith.constant 0 : i32
      %dma_start3A_96 = arith.constant 0 : i32
      %dma_start3A_97 = tpu.memref_slice %arg8[%dma_start3A_95, %dma_start3A_96] : memref<128x64xf32, #tpu.memory_space<vmem>> -> memref<128x64xf32, #tpu.memory_space<vmem>>
      tpu.enqueue_dma source(%dma_start3A_97 : memref<128x64xf32, #tpu.memory_space<vmem>>) target(%dma_start3A_94 : memref<128x64xf32, #tpu.memory_space<vmem_shared>>) target_semaphore(%run_scoped3A : memref<!tpu.dma_semaphore, #tpu.memory_space<semaphore_mem>>)
      %dma_wait3A = arith.constant 0 : i32
      %dma_wait3A_98 = arith.constant 0 : i32
      %dma_wait3A_99 = tpu.memref_slice %arg8[%dma_wait3A, %dma_wait3A_98] : memref<128x64xf32, #tpu.memory_space<vmem>> -> memref<128x64xf32, #tpu.memory_space<vmem>>
      %dma_wait3A_100 = arith.constant 0 : i32
      %dma_wait3A_101 = tpu.memref_slice %arg12[%add3A_8, %dma_wait3A_100] : memref<10112x64xf32, #tpu.memory_space<vmem_shared>> -> memref<128x64xf32, #tpu.memory_space<vmem_shared>>
      %dma_wait3A_102 = arith.constant 0 : i32
      %dma_wait3A_103 = tpu.memref_slice %arg12[%add3A_8, %dma_wait3A_102] : memref<10112x64xf32, #tpu.memory_space<vmem_shared>> -> memref<128x64xf32, #tpu.memory_space<vmem_shared>>
      %dma_wait3A_104 = arith.constant 0 : i32
      %dma_wait3A_105 = arith.constant 0 : i32
      %dma_wait3A_106 = tpu.memref_slice %arg8[%dma_wait3A_104, %dma_wait3A_105] : memref<128x64xf32, #tpu.memory_space<vmem>> -> memref<128x64xf32, #tpu.memory_space<vmem>>
      tpu.wait_dma2 semaphore(%run_scoped3A : memref<!tpu.dma_semaphore, #tpu.memory_space<semaphore_mem>>) src(%dma_wait3A_106 : memref<128x64xf32, #tpu.memory_space<vmem>>) dst(%dma_wait3A_103 : memref<128x64xf32, #tpu.memory_space<vmem_shared>>)
      tpu.yield
    }) : () -> ()
    %add3A_9 = arith.constant 128 : i32
    %add3A_10 = arith.addi %mul3A_0, %add3A_9 : i32
    "tpu.region"() ({
      %run_scoped3A = tpu.sem_alloc : memref<!tpu.dma_semaphore, #tpu.memory_space<semaphore_mem>>
      %dma_start3A_88 = arith.constant 0 : i32
      %dma_start3A_89 = arith.constant 0 : i32
      %dma_start3A_90 = tpu.memref_slice %arg8[%dma_start3A_88, %dma_start3A_89] : memref<128x64xf32, #tpu.memory_space<vmem>> -> memref<128x64xf32, #tpu.memory_space<vmem>>
      %dma_start3A_91 = arith.constant 0 : i32
      %dma_start3A_92 = tpu.memref_slice %arg12[%add3A_10, %dma_start3A_91] : memref<10112x64xf32, #tpu.memory_space<vmem_shared>> -> memref<128x64xf32, #tpu.memory_space<vmem_shared>>
      %dma_start3A_93 = arith.constant 0 : i32
      %dma_start3A_94 = tpu.memref_slice %arg12[%add3A_10, %dma_start3A_93] : memref<10112x64xf32, #tpu.memory_space<vmem_shared>> -> memref<128x64xf32, #tpu.memory_space<vmem_shared>>
      %dma_start3A_95 = arith.constant 0 : i32
      %dma_start3A_96 = arith.constant 0 : i32
      %dma_start3A_97 = tpu.memref_slice %arg8[%dma_start3A_95, %dma_start3A_96] : memref<128x64xf32, #tpu.memory_space<vmem>> -> memref<128x64xf32, #tpu.memory_space<vmem>>
      tpu.enqueue_dma source(%dma_start3A_97 : memref<128x64xf32, #tpu.memory_space<vmem>>) target(%dma_start3A_94 : memref<128x64xf32, #tpu.memory_space<vmem_shared>>) target_semaphore(%run_scoped3A : memref<!tpu.dma_semaphore, #tpu.memory_space<semaphore_mem>>)
      %dma_wait3A = arith.constant 0 : i32
      %dma_wait3A_98 = arith.constant 0 : i32
      %dma_wait3A_99 = tpu.memref_slice %arg8[%dma_wait3A, %dma_wait3A_98] : memref<128x64xf32, #tpu.memory_space<vmem>> -> memref<128x64xf32, #tpu.memory_space<vmem>>
      %dma_wait3A_100 = arith.constant 0 : i32
      %dma_wait3A_101 = tpu.memref_slice %arg12[%add3A_10, %dma_wait3A_100] : memref<10112x64xf32, #tpu.memory_space<vmem_shared>> -> memref<128x64xf32, #tpu.memory_space<vmem_shared>>
      %dma_wait3A_102 = arith.constant 0 : i32
      %dma_wait3A_103 = tpu.memref_slice %arg12[%add3A_10, %dma_wait3A_102] : memref<10112x64xf32, #tpu.memory_space<vmem_shared>> -> memref<128x64xf32, #tpu.memory_space<vmem_shared>>
      %dma_wait3A_104 = arith.constant 0 : i32
      %dma_wait3A_105 = arith.constant 0 : i32
      %dma_wait3A_106 = tpu.memref_slice %arg8[%dma_wait3A_104, %dma_wait3A_105] : memref<128x64xf32, #tpu.memory_space<vmem>> -> memref<128x64xf32, #tpu.memory_space<vmem>>
      tpu.wait_dma2 semaphore(%run_scoped3A : memref<!tpu.dma_semaphore, #tpu.memory_space<semaphore_mem>>) src(%dma_wait3A_106 : memref<128x64xf32, #tpu.memory_space<vmem>>) dst(%dma_wait3A_103 : memref<128x64xf32, #tpu.memory_space<vmem_shared>>)
      tpu.yield
    }) : () -> ()
    %add3A_11 = arith.constant 256 : i32
    %add3A_12 = arith.addi %mul3A_0, %add3A_11 : i32
    "tpu.region"() ({
      %run_scoped3A = tpu.sem_alloc : memref<!tpu.dma_semaphore, #tpu.memory_space<semaphore_mem>>
      %dma_start3A_88 = arith.constant 0 : i32
      %dma_start3A_89 = arith.constant 0 : i32
      %dma_start3A_90 = tpu.memref_slice %arg8[%dma_start3A_88, %dma_start3A_89] : memref<128x64xf32, #tpu.memory_space<vmem>> -> memref<128x64xf32, #tpu.memory_space<vmem>>
      %dma_start3A_91 = arith.constant 0 : i32
      %dma_start3A_92 = tpu.memref_slice %arg12[%add3A_12, %dma_start3A_91] : memref<10112x64xf32, #tpu.memory_space<vmem_shared>> -> memref<128x64xf32, #tpu.memory_space<vmem_shared>>
      %dma_start3A_93 = arith.constant 0 : i32
      %dma_start3A_94 = tpu.memref_slice %arg12[%add3A_12, %dma_start3A_93] : memref<10112x64xf32, #tpu.memory_space<vmem_shared>> -> memref<128x64xf32, #tpu.memory_space<vmem_shared>>
      %dma_start3A_95 = arith.constant 0 : i32
      %dma_start3A_96 = arith.constant 0 : i32
      %dma_start3A_97 = tpu.memref_slice %arg8[%dma_start3A_95, %dma_start3A_96] : memref<128x64xf32, #tpu.memory_space<vmem>> -> memref<128x64xf32, #tpu.memory_space<vmem>>
      tpu.enqueue_dma source(%dma_start3A_97 : memref<128x64xf32, #tpu.memory_space<vmem>>) target(%dma_start3A_94 : memref<128x64xf32, #tpu.memory_space<vmem_shared>>) target_semaphore(%run_scoped3A : memref<!tpu.dma_semaphore, #tpu.memory_space<semaphore_mem>>)
      %dma_wait3A = arith.constant 0 : i32
      %dma_wait3A_98 = arith.constant 0 : i32
      %dma_wait3A_99 = tpu.memref_slice %arg8[%dma_wait3A, %dma_wait3A_98] : memref<128x64xf32, #tpu.memory_space<vmem>> -> memref<128x64xf32, #tpu.memory_space<vmem>>
      %dma_wait3A_100 = arith.constant 0 : i32
      %dma_wait3A_101 = tpu.memref_slice %arg12[%add3A_12, %dma_wait3A_100] : memref<10112x64xf32, #tpu.memory_space<vmem_shared>> -> memref<128x64xf32, #tpu.memory_space<vmem_shared>>
      %dma_wait3A_102 = arith.constant 0 : i32
      %dma_wait3A_103 = tpu.memref_slice %arg12[%add3A_12, %dma_wait3A_102] : memref<10112x64xf32, #tpu.memory_space<vmem_shared>> -> memref<128x64xf32, #tpu.memory_space<vmem_shared>>
      %dma_wait3A_104 = arith.constant 0 : i32
      %dma_wait3A_105 = arith.constant 0 : i32
      %dma_wait3A_106 = tpu.memref_slice %arg8[%dma_wait3A_104, %dma_wait3A_105] : memref<128x64xf32, #tpu.memory_space<vmem>> -> memref<128x64xf32, #tpu.memory_space<vmem>>
      tpu.wait_dma2 semaphore(%run_scoped3A : memref<!tpu.dma_semaphore, #tpu.memory_space<semaphore_mem>>) src(%dma_wait3A_106 : memref<128x64xf32, #tpu.memory_space<vmem>>) dst(%dma_wait3A_103 : memref<128x64xf32, #tpu.memory_space<vmem_shared>>)
      tpu.yield
    }) : () -> ()
    %add3A_13 = arith.constant 384 : i32
    %add3A_14 = arith.addi %mul3A_0, %add3A_13 : i32
    "tpu.region"() ({
      %run_scoped3A = tpu.sem_alloc : memref<!tpu.dma_semaphore, #tpu.memory_space<semaphore_mem>>
      %dma_start3A_88 = arith.constant 0 : i32
      %dma_start3A_89 = arith.constant 0 : i32
      %dma_start3A_90 = tpu.memref_slice %arg8[%dma_start3A_88, %dma_start3A_89] : memref<128x64xf32, #tpu.memory_space<vmem>> -> memref<128x64xf32, #tpu.memory_space<vmem>>
      %dma_start3A_91 = arith.constant 0 : i32
      %dma_start3A_92 = tpu.memref_slice %arg12[%add3A_14, %dma_start3A_91] : memref<10112x64xf32, #tpu.memory_space<vmem_shared>> -> memref<128x64xf32, #tpu.memory_space<vmem_shared>>
      %dma_start3A_93 = arith.constant 0 : i32
      %dma_start3A_94 = tpu.memref_slice %arg12[%add3A_14, %dma_start3A_93] : memref<10112x64xf32, #tpu.memory_space<vmem_shared>> -> memref<128x64xf32, #tpu.memory_space<vmem_shared>>
      %dma_start3A_95 = arith.constant 0 : i32
      %dma_start3A_96 = arith.constant 0 : i32
      %dma_start3A_97 = tpu.memref_slice %arg8[%dma_start3A_95, %dma_start3A_96] : memref<128x64xf32, #tpu.memory_space<vmem>> -> memref<128x64xf32, #tpu.memory_space<vmem>>
      tpu.enqueue_dma source(%dma_start3A_97 : memref<128x64xf32, #tpu.memory_space<vmem>>) target(%dma_start3A_94 : memref<128x64xf32, #tpu.memory_space<vmem_shared>>) target_semaphore(%run_scoped3A : memref<!tpu.dma_semaphore, #tpu.memory_space<semaphore_mem>>)
      %dma_wait3A = arith.constant 0 : i32
      %dma_wait3A_98 = arith.constant 0 : i32
      %dma_wait3A_99 = tpu.memref_slice %arg8[%dma_wait3A, %dma_wait3A_98] : memref<128x64xf32, #tpu.memory_space<vmem>> -> memref<128x64xf32, #tpu.memory_space<vmem>>
      %dma_wait3A_100 = arith.constant 0 : i32
      %dma_wait3A_101 = tpu.memref_slice %arg12[%add3A_14, %dma_wait3A_100] : memref<10112x64xf32, #tpu.memory_space<vmem_shared>> -> memref<128x64xf32, #tpu.memory_space<vmem_shared>>
      %dma_wait3A_102 = arith.constant 0 : i32
      %dma_wait3A_103 = tpu.memref_slice %arg12[%add3A_14, %dma_wait3A_102] : memref<10112x64xf32, #tpu.memory_space<vmem_shared>> -> memref<128x64xf32, #tpu.memory_space<vmem_shared>>
      %dma_wait3A_104 = arith.constant 0 : i32
      %dma_wait3A_105 = arith.constant 0 : i32
      %dma_wait3A_106 = tpu.memref_slice %arg8[%dma_wait3A_104, %dma_wait3A_105] : memref<128x64xf32, #tpu.memory_space<vmem>> -> memref<128x64xf32, #tpu.memory_space<vmem>>
      tpu.wait_dma2 semaphore(%run_scoped3A : memref<!tpu.dma_semaphore, #tpu.memory_space<semaphore_mem>>) src(%dma_wait3A_106 : memref<128x64xf32, #tpu.memory_space<vmem>>) dst(%dma_wait3A_103 : memref<128x64xf32, #tpu.memory_space<vmem_shared>>)
      tpu.yield
    }) : () -> ()
    %add3A_15 = arith.constant 512 : i32
    %add3A_16 = arith.addi %mul3A_0, %add3A_15 : i32
    "tpu.region"() ({
      %run_scoped3A = tpu.sem_alloc : memref<!tpu.dma_semaphore, #tpu.memory_space<semaphore_mem>>
      %dma_start3A_88 = arith.constant 0 : i32
      %dma_start3A_89 = arith.constant 0 : i32
      %dma_start3A_90 = tpu.memref_slice %arg8[%dma_start3A_88, %dma_start3A_89] : memref<128x64xf32, #tpu.memory_space<vmem>> -> memref<120x64xf32, #tpu.memory_space<vmem>>
      %dma_start3A_91 = arith.constant 0 : i32
      %dma_start3A_92 = tpu.memref_slice %arg12[%add3A_16, %dma_start3A_91] : memref<10112x64xf32, #tpu.memory_space<vmem_shared>> -> memref<120x64xf32, #tpu.memory_space<vmem_shared>>
      %dma_start3A_93 = arith.constant 0 : i32
      %dma_start3A_94 = tpu.memref_slice %arg12[%add3A_16, %dma_start3A_93] : memref<10112x64xf32, #tpu.memory_space<vmem_shared>> -> memref<120x64xf32, #tpu.memory_space<vmem_shared>>
      %dma_start3A_95 = arith.constant 0 : i32
      %dma_start3A_96 = arith.constant 0 : i32
      %dma_start3A_97 = tpu.memref_slice %arg8[%dma_start3A_95, %dma_start3A_96] : memref<128x64xf32, #tpu.memory_space<vmem>> -> memref<120x64xf32, #tpu.memory_space<vmem>>
      tpu.enqueue_dma source(%dma_start3A_97 : memref<120x64xf32, #tpu.memory_space<vmem>>) target(%dma_start3A_94 : memref<120x64xf32, #tpu.memory_space<vmem_shared>>) target_semaphore(%run_scoped3A : memref<!tpu.dma_semaphore, #tpu.memory_space<semaphore_mem>>)
      %dma_wait3A = arith.constant 0 : i32
      %dma_wait3A_98 = arith.constant 0 : i32
      %dma_wait3A_99 = tpu.memref_slice %arg8[%dma_wait3A, %dma_wait3A_98] : memref<128x64xf32, #tpu.memory_space<vmem>> -> memref<120x64xf32, #tpu.memory_space<vmem>>
      %dma_wait3A_100 = arith.constant 0 : i32
      %dma_wait3A_101 = tpu.memref_slice %arg12[%add3A_16, %dma_wait3A_100] : memref<10112x64xf32, #tpu.memory_space<vmem_shared>> -> memref<120x64xf32, #tpu.memory_space<vmem_shared>>
      %dma_wait3A_102 = arith.constant 0 : i32
      %dma_wait3A_103 = tpu.memref_slice %arg12[%add3A_16, %dma_wait3A_102] : memref<10112x64xf32, #tpu.memory_space<vmem_shared>> -> memref<120x64xf32, #tpu.memory_space<vmem_shared>>
      %dma_wait3A_104 = arith.constant 0 : i32
      %dma_wait3A_105 = arith.constant 0 : i32
      %dma_wait3A_106 = tpu.memref_slice %arg8[%dma_wait3A_104, %dma_wait3A_105] : memref<128x64xf32, #tpu.memory_space<vmem>> -> memref<120x64xf32, #tpu.memory_space<vmem>>
      tpu.wait_dma2 semaphore(%run_scoped3A : memref<!tpu.dma_semaphore, #tpu.memory_space<semaphore_mem>>) src(%dma_wait3A_106 : memref<120x64xf32, #tpu.memory_space<vmem>>) dst(%dma_wait3A_103 : memref<120x64xf32, #tpu.memory_space<vmem_shared>>)
      tpu.yield
    }) : () -> ()
    %barrier3A = arith.constant 0 : index
    tpu.barrier barrier_id(%barrier3A)
    %dma_start3A = arith.constant 0 : i32
    %dma_start3A_17 = arith.constant 0 : i32
    %dma_start3A_18 = tpu.memref_slice %arg6[%dma_start3A, %dma_start3A_17] : memref<160x128xi32, #tpu.memory_space<vmem>> -> memref<1x128xi32, #tpu.memory_space<vmem>>
    %dma_start3A_19 = tpu.memref_squeeze %dma_start3A_18 : memref<1x128xi32, #tpu.memory_space<vmem>> -> memref<128xi32, #tpu.memory_space<vmem>>
    %dma_start3A_20 = arith.constant 0 : i32
    %dma_start3A_21 = arith.constant 0 : i32
    %dma_start3A_22 = tpu.memref_slice %arg2[%arg0, %dma_start3A_20, %dma_start3A_21] : memref<2x10000x64xf32, #tpu.memory_space<hbm>> -> memref<1x10000x64xf32, #tpu.memory_space<hbm>>
    %dma_start3A_23 = tpu.memref_squeeze %dma_start3A_22 : memref<1x10000x64xf32, #tpu.memory_space<hbm>> -> memref<10000x64xf32, #tpu.memory_space<hbm>>
    %dma_start3A_24 = arith.constant 0 : i32
    %dma_start3A_25 = arith.constant 0 : i32
    %dma_start3A_26 = tpu.memref_slice %dma_start3A_23[%dma_start3A_24, %dma_start3A_25] : memref<10000x64xf32, #tpu.memory_space<hbm>> -> memref<10000x64xf32, #tpu.memory_space<hbm>>
    tpu.enqueue_indirect_dma source(%dma_start3A_26 : memref<10000x64xf32, #tpu.memory_space<hbm>>) target(%arg8 : memref<128x64xf32, #tpu.memory_space<vmem>>) offsets(%dma_start3A_19 : memref<128xi32, #tpu.memory_space<vmem>>) semaphore(%arg13 : memref<!tpu.dma_semaphore, #tpu.memory_space<semaphore_mem>>)
    %dma_start3A_27 = arith.constant 1 : i32
    %dma_start3A_28 = arith.constant 0 : i32
    %dma_start3A_29 = tpu.memref_slice %arg6[%dma_start3A_27, %dma_start3A_28] : memref<160x128xi32, #tpu.memory_space<vmem>> -> memref<1x128xi32, #tpu.memory_space<vmem>>
    %dma_start3A_30 = tpu.memref_squeeze %dma_start3A_29 : memref<1x128xi32, #tpu.memory_space<vmem>> -> memref<128xi32, #tpu.memory_space<vmem>>
    %dma_start3A_31 = arith.constant 0 : i32
    %dma_start3A_32 = arith.constant 0 : i32
    %dma_start3A_33 = tpu.memref_slice %arg2[%arg0, %dma_start3A_31, %dma_start3A_32] : memref<2x10000x64xf32, #tpu.memory_space<hbm>> -> memref<1x10000x64xf32, #tpu.memory_space<hbm>>
    %dma_start3A_34 = tpu.memref_squeeze %dma_start3A_33 : memref<1x10000x64xf32, #tpu.memory_space<hbm>> -> memref<10000x64xf32, #tpu.memory_space<hbm>>
    %dma_start3A_35 = arith.constant 0 : i32
    %dma_start3A_36 = arith.constant 0 : i32
    %dma_start3A_37 = tpu.memref_slice %dma_start3A_34[%dma_start3A_35, %dma_start3A_36] : memref<10000x64xf32, #tpu.memory_space<hbm>> -> memref<10000x64xf32, #tpu.memory_space<hbm>>
    tpu.enqueue_indirect_dma source(%dma_start3A_37 : memref<10000x64xf32, #tpu.memory_space<hbm>>) target(%arg9 : memref<128x64xf32, #tpu.memory_space<vmem>>) offsets(%dma_start3A_30 : memref<128xi32, #tpu.memory_space<vmem>>) semaphore(%arg14 : memref<!tpu.dma_semaphore, #tpu.memory_space<semaphore_mem>>)
    %dma_start3A_38 = arith.constant 2 : i32
    %dma_start3A_39 = arith.constant 0 : i32
    %dma_start3A_40 = tpu.memref_slice %arg6[%dma_start3A_38, %dma_start3A_39] : memref<160x128xi32, #tpu.memory_space<vmem>> -> memref<1x128xi32, #tpu.memory_space<vmem>>
    %dma_start3A_41 = tpu.memref_squeeze %dma_start3A_40 : memref<1x128xi32, #tpu.memory_space<vmem>> -> memref<128xi32, #tpu.memory_space<vmem>>
    %dma_start3A_42 = arith.constant 0 : i32
    %dma_start3A_43 = arith.constant 0 : i32
    %dma_start3A_44 = tpu.memref_slice %arg2[%arg0, %dma_start3A_42, %dma_start3A_43] : memref<2x10000x64xf32, #tpu.memory_space<hbm>> -> memref<1x10000x64xf32, #tpu.memory_space<hbm>>
    %dma_start3A_45 = tpu.memref_squeeze %dma_start3A_44 : memref<1x10000x64xf32, #tpu.memory_space<hbm>> -> memref<10000x64xf32, #tpu.memory_space<hbm>>
    %dma_start3A_46 = arith.constant 0 : i32
    %dma_start3A_47 = arith.constant 0 : i32
    %dma_start3A_48 = tpu.memref_slice %dma_start3A_45[%dma_start3A_46, %dma_start3A_47] : memref<10000x64xf32, #tpu.memory_space<hbm>> -> memref<10000x64xf32, #tpu.memory_space<hbm>>
    tpu.enqueue_indirect_dma source(%dma_start3A_48 : memref<10000x64xf32, #tpu.memory_space<hbm>>) target(%arg10 : memref<128x64xf32, #tpu.memory_space<vmem>>) offsets(%dma_start3A_41 : memref<128xi32, #tpu.memory_space<vmem>>) semaphore(%arg15 : memref<!tpu.dma_semaphore, #tpu.memory_space<semaphore_mem>>)
    %dma_start3A_49 = arith.constant 3 : i32
    %dma_start3A_50 = arith.constant 0 : i32
    %dma_start3A_51 = tpu.memref_slice %arg6[%dma_start3A_49, %dma_start3A_50] : memref<160x128xi32, #tpu.memory_space<vmem>> -> memref<1x128xi32, #tpu.memory_space<vmem>>
    %dma_start3A_52 = tpu.memref_squeeze %dma_start3A_51 : memref<1x128xi32, #tpu.memory_space<vmem>> -> memref<128xi32, #tpu.memory_space<vmem>>
    %dma_start3A_53 = arith.constant 0 : i32
    %dma_start3A_54 = arith.constant 0 : i32
    %dma_start3A_55 = tpu.memref_slice %arg2[%arg0, %dma_start3A_53, %dma_start3A_54] : memref<2x10000x64xf32, #tpu.memory_space<hbm>> -> memref<1x10000x64xf32, #tpu.memory_space<hbm>>
    %dma_start3A_56 = tpu.memref_squeeze %dma_start3A_55 : memref<1x10000x64xf32, #tpu.memory_space<hbm>> -> memref<10000x64xf32, #tpu.memory_space<hbm>>
    %dma_start3A_57 = arith.constant 0 : i32
    %dma_start3A_58 = arith.constant 0 : i32
    %dma_start3A_59 = tpu.memref_slice %dma_start3A_56[%dma_start3A_57, %dma_start3A_58] : memref<10000x64xf32, #tpu.memory_space<hbm>> -> memref<10000x64xf32, #tpu.memory_space<hbm>>
    tpu.enqueue_indirect_dma source(%dma_start3A_59 : memref<10000x64xf32, #tpu.memory_space<hbm>>) target(%arg11 : memref<128x64xf32, #tpu.memory_space<vmem>>) offsets(%dma_start3A_52 : memref<128xi32, #tpu.memory_space<vmem>>) semaphore(%arg16 : memref<!tpu.dma_semaphore, #tpu.memory_space<semaphore_mem>>)
    %scan3A_60 = arith.constant 0 : i32
    %scan3A_61 = arith.constant 0 : i32
    %scan3A_62 = arith.constant 40 : i32
    %scan3A_63 = arith.addi %scan3A_61, %scan3A_62 : i32
    %scan3A_64 = arith.constant 1 : i32
    %scan3A_65 = scf.for %scan3A_88 = %scan3A_61 to %scan3A_63 step %scan3A_64 iter_args(%scan3A_89 = %scan3A_60) -> (i32)  : i32 {
      %mul3A_90 = arith.constant 4 : i32
      %mul3A_91 = arith.muli %mul3A_90, %scan3A_88 : i32
      %add3A_92 = arith.constant 0 : i32
      %add3A_93 = arith.addi %mul3A_91, %add3A_92 : i32
      %dma_wait3A = arith.constant 0 : i32
      %dma_wait3A_94 = tpu.memref_slice %arg6[%add3A_93, %dma_wait3A] : memref<160x128xi32, #tpu.memory_space<vmem>> -> memref<1x128xi32, #tpu.memory_space<vmem>>
      %dma_wait3A_95 = tpu.memref_squeeze %dma_wait3A_94 : memref<1x128xi32, #tpu.memory_space<vmem>> -> memref<128xi32, #tpu.memory_space<vmem>>
      %dma_wait3A_96 = arith.constant 0 : i32
      %dma_wait3A_97 = arith.constant 0 : i32
      %dma_wait3A_98 = tpu.memref_slice %arg2[%arg0, %dma_wait3A_96, %dma_wait3A_97] : memref<2x10000x64xf32, #tpu.memory_space<hbm>> -> memref<1x10000x64xf32, #tpu.memory_space<hbm>>
      %dma_wait3A_99 = tpu.memref_squeeze %dma_wait3A_98 : memref<1x10000x64xf32, #tpu.memory_space<hbm>> -> memref<10000x64xf32, #tpu.memory_space<hbm>>
      %dma_wait3A_100 = arith.constant 0 : i32
      %dma_wait3A_101 = arith.constant 0 : i32
      %dma_wait3A_102 = tpu.memref_slice %dma_wait3A_99[%dma_wait3A_100, %dma_wait3A_101] : memref<10000x64xf32, #tpu.memory_space<hbm>> -> memref<10000x64xf32, #tpu.memory_space<hbm>>
      tpu.wait_indirect_dma semaphore(%arg13 : memref<!tpu.dma_semaphore, #tpu.memory_space<semaphore_mem>>) src(%dma_wait3A_102 : memref<10000x64xf32, #tpu.memory_space<hbm>>) dst(%arg8 : memref<128x64xf32, #tpu.memory_space<vmem>>)
      %add3A_103 = arith.constant 0 : i32
      %add3A_104 = arith.addi %mul3A_91, %add3A_103 : i32
      %dma_start3A_105 = arith.constant 0 : i32
      %dma_start3A_106 = tpu.memref_slice %arg7[%add3A_104, %dma_start3A_105] : memref<160x128xi32, #tpu.memory_space<vmem>> -> memref<1x128xi32, #tpu.memory_space<vmem>>
      %dma_start3A_107 = tpu.memref_squeeze %dma_start3A_106 : memref<1x128xi32, #tpu.memory_space<vmem>> -> memref<128xi32, #tpu.memory_space<vmem>>
      %dma_start3A_108 = arith.constant 0 : i32
      %dma_start3A_109 = arith.constant 0 : i32
      %dma_start3A_110 = tpu.memref_slice %arg12[%dma_start3A_108, %dma_start3A_109] : memref<10112x64xf32, #tpu.memory_space<vmem_shared>> -> memref<10112x64xf32, #tpu.memory_space<vmem_shared>>
      tpu.enqueue_indirect_dma source(%arg8 : memref<128x64xf32, #tpu.memory_space<vmem>>) target(%dma_start3A_110 : memref<10112x64xf32, #tpu.memory_space<vmem_shared>>) offsets(%dma_start3A_107 : memref<128xi32, #tpu.memory_space<vmem>>) semaphore(%arg17 : memref<!tpu.dma_semaphore, #tpu.memory_space<semaphore_mem>>) {add = true}
      %add3A_111 = arith.constant 1 : i32
      %add3A_112 = arith.addi %mul3A_91, %add3A_111 : i32
      %dma_wait3A_113 = arith.constant 0 : i32
      %dma_wait3A_114 = tpu.memref_slice %arg6[%add3A_112, %dma_wait3A_113] : memref<160x128xi32, #tpu.memory_space<vmem>> -> memref<1x128xi32, #tpu.memory_space<vmem>>
      %dma_wait3A_115 = tpu.memref_squeeze %dma_wait3A_114 : memref<1x128xi32, #tpu.memory_space<vmem>> -> memref<128xi32, #tpu.memory_space<vmem>>
      %dma_wait3A_116 = arith.constant 0 : i32
      %dma_wait3A_117 = arith.constant 0 : i32
      %dma_wait3A_118 = tpu.memref_slice %arg2[%arg0, %dma_wait3A_116, %dma_wait3A_117] : memref<2x10000x64xf32, #tpu.memory_space<hbm>> -> memref<1x10000x64xf32, #tpu.memory_space<hbm>>
      %dma_wait3A_119 = tpu.memref_squeeze %dma_wait3A_118 : memref<1x10000x64xf32, #tpu.memory_space<hbm>> -> memref<10000x64xf32, #tpu.memory_space<hbm>>
      %dma_wait3A_120 = arith.constant 0 : i32
      %dma_wait3A_121 = arith.constant 0 : i32
      %dma_wait3A_122 = tpu.memref_slice %dma_wait3A_119[%dma_wait3A_120, %dma_wait3A_121] : memref<10000x64xf32, #tpu.memory_space<hbm>> -> memref<10000x64xf32, #tpu.memory_space<hbm>>
      tpu.wait_indirect_dma semaphore(%arg14 : memref<!tpu.dma_semaphore, #tpu.memory_space<semaphore_mem>>) src(%dma_wait3A_122 : memref<10000x64xf32, #tpu.memory_space<hbm>>) dst(%arg9 : memref<128x64xf32, #tpu.memory_space<vmem>>)
      %add3A_123 = arith.constant 1 : i32
      %add3A_124 = arith.addi %mul3A_91, %add3A_123 : i32
      %dma_start3A_125 = arith.constant 0 : i32
      %dma_start3A_126 = tpu.memref_slice %arg7[%add3A_124, %dma_start3A_125] : memref<160x128xi32, #tpu.memory_space<vmem>> -> memref<1x128xi32, #tpu.memory_space<vmem>>
      %dma_start3A_127 = tpu.memref_squeeze %dma_start3A_126 : memref<1x128xi32, #tpu.memory_space<vmem>> -> memref<128xi32, #tpu.memory_space<vmem>>
      %dma_start3A_128 = arith.constant 0 : i32
      %dma_start3A_129 = arith.constant 0 : i32
      %dma_start3A_130 = tpu.memref_slice %arg12[%dma_start3A_128, %dma_start3A_129] : memref<10112x64xf32, #tpu.memory_space<vmem_shared>> -> memref<10112x64xf32, #tpu.memory_space<vmem_shared>>
      tpu.enqueue_indirect_dma source(%arg9 : memref<128x64xf32, #tpu.memory_space<vmem>>) target(%dma_start3A_130 : memref<10112x64xf32, #tpu.memory_space<vmem_shared>>) offsets(%dma_start3A_127 : memref<128xi32, #tpu.memory_space<vmem>>) semaphore(%arg18 : memref<!tpu.dma_semaphore, #tpu.memory_space<semaphore_mem>>) {add = true}
      %add3A_131 = arith.constant 2 : i32
      %add3A_132 = arith.addi %mul3A_91, %add3A_131 : i32
      %dma_wait3A_133 = arith.constant 0 : i32
      %dma_wait3A_134 = tpu.memref_slice %arg6[%add3A_132, %dma_wait3A_133] : memref<160x128xi32, #tpu.memory_space<vmem>> -> memref<1x128xi32, #tpu.memory_space<vmem>>
      %dma_wait3A_135 = tpu.memref_squeeze %dma_wait3A_134 : memref<1x128xi32, #tpu.memory_space<vmem>> -> memref<128xi32, #tpu.memory_space<vmem>>
      %dma_wait3A_136 = arith.constant 0 : i32
      %dma_wait3A_137 = arith.constant 0 : i32
      %dma_wait3A_138 = tpu.memref_slice %arg2[%arg0, %dma_wait3A_136, %dma_wait3A_137] : memref<2x10000x64xf32, #tpu.memory_space<hbm>> -> memref<1x10000x64xf32, #tpu.memory_space<hbm>>
      %dma_wait3A_139 = tpu.memref_squeeze %dma_wait3A_138 : memref<1x10000x64xf32, #tpu.memory_space<hbm>> -> memref<10000x64xf32, #tpu.memory_space<hbm>>
      %dma_wait3A_140 = arith.constant 0 : i32
      %dma_wait3A_141 = arith.constant 0 : i32
      %dma_wait3A_142 = tpu.memref_slice %dma_wait3A_139[%dma_wait3A_140, %dma_wait3A_141] : memref<10000x64xf32, #tpu.memory_space<hbm>> -> memref<10000x64xf32, #tpu.memory_space<hbm>>
      tpu.wait_indirect_dma semaphore(%arg15 : memref<!tpu.dma_semaphore, #tpu.memory_space<semaphore_mem>>) src(%dma_wait3A_142 : memref<10000x64xf32, #tpu.memory_space<hbm>>) dst(%arg10 : memref<128x64xf32, #tpu.memory_space<vmem>>)
      %add3A_143 = arith.constant 2 : i32
      %add3A_144 = arith.addi %mul3A_91, %add3A_143 : i32
      %dma_start3A_145 = arith.constant 0 : i32
      %dma_start3A_146 = tpu.memref_slice %arg7[%add3A_144, %dma_start3A_145] : memref<160x128xi32, #tpu.memory_space<vmem>> -> memref<1x128xi32, #tpu.memory_space<vmem>>
      %dma_start3A_147 = tpu.memref_squeeze %dma_start3A_146 : memref<1x128xi32, #tpu.memory_space<vmem>> -> memref<128xi32, #tpu.memory_space<vmem>>
      %dma_start3A_148 = arith.constant 0 : i32
      %dma_start3A_149 = arith.constant 0 : i32
      %dma_start3A_150 = tpu.memref_slice %arg12[%dma_start3A_148, %dma_start3A_149] : memref<10112x64xf32, #tpu.memory_space<vmem_shared>> -> memref<10112x64xf32, #tpu.memory_space<vmem_shared>>
      tpu.enqueue_indirect_dma source(%arg10 : memref<128x64xf32, #tpu.memory_space<vmem>>) target(%dma_start3A_150 : memref<10112x64xf32, #tpu.memory_space<vmem_shared>>) offsets(%dma_start3A_147 : memref<128xi32, #tpu.memory_space<vmem>>) semaphore(%arg19 : memref<!tpu.dma_semaphore, #tpu.memory_space<semaphore_mem>>) {add = true}
      %add3A_151 = arith.constant 3 : i32
      %add3A_152 = arith.addi %mul3A_91, %add3A_151 : i32
      %dma_wait3A_153 = arith.constant 0 : i32
      %dma_wait3A_154 = tpu.memref_slice %arg6[%add3A_152, %dma_wait3A_153] : memref<160x128xi32, #tpu.memory_space<vmem>> -> memref<1x128xi32, #tpu.memory_space<vmem>>
      %dma_wait3A_155 = tpu.memref_squeeze %dma_wait3A_154 : memref<1x128xi32, #tpu.memory_space<vmem>> -> memref<128xi32, #tpu.memory_space<vmem>>
      %dma_wait3A_156 = arith.constant 0 : i32
      %dma_wait3A_157 = arith.constant 0 : i32
      %dma_wait3A_158 = tpu.memref_slice %arg2[%arg0, %dma_wait3A_156, %dma_wait3A_157] : memref<2x10000x64xf32, #tpu.memory_space<hbm>> -> memref<1x10000x64xf32, #tpu.memory_space<hbm>>
      %dma_wait3A_159 = tpu.memref_squeeze %dma_wait3A_158 : memref<1x10000x64xf32, #tpu.memory_space<hbm>> -> memref<10000x64xf32, #tpu.memory_space<hbm>>
      %dma_wait3A_160 = arith.constant 0 : i32
      %dma_wait3A_161 = arith.constant 0 : i32
      %dma_wait3A_162 = tpu.memref_slice %dma_wait3A_159[%dma_wait3A_160, %dma_wait3A_161] : memref<10000x64xf32, #tpu.memory_space<hbm>> -> memref<10000x64xf32, #tpu.memory_space<hbm>>
      tpu.wait_indirect_dma semaphore(%arg16 : memref<!tpu.dma_semaphore, #tpu.memory_space<semaphore_mem>>) src(%dma_wait3A_162 : memref<10000x64xf32, #tpu.memory_space<hbm>>) dst(%arg11 : memref<128x64xf32, #tpu.memory_space<vmem>>)
      %add3A_163 = arith.constant 3 : i32
      %add3A_164 = arith.addi %mul3A_91, %add3A_163 : i32
      %dma_start3A_165 = arith.constant 0 : i32
      %dma_start3A_166 = tpu.memref_slice %arg7[%add3A_164, %dma_start3A_165] : memref<160x128xi32, #tpu.memory_space<vmem>> -> memref<1x128xi32, #tpu.memory_space<vmem>>
      %dma_start3A_167 = tpu.memref_squeeze %dma_start3A_166 : memref<1x128xi32, #tpu.memory_space<vmem>> -> memref<128xi32, #tpu.memory_space<vmem>>
      %dma_start3A_168 = arith.constant 0 : i32
      %dma_start3A_169 = arith.constant 0 : i32
      %dma_start3A_170 = tpu.memref_slice %arg12[%dma_start3A_168, %dma_start3A_169] : memref<10112x64xf32, #tpu.memory_space<vmem_shared>> -> memref<10112x64xf32, #tpu.memory_space<vmem_shared>>
      tpu.enqueue_indirect_dma source(%arg11 : memref<128x64xf32, #tpu.memory_space<vmem>>) target(%dma_start3A_170 : memref<10112x64xf32, #tpu.memory_space<vmem_shared>>) offsets(%dma_start3A_167 : memref<128xi32, #tpu.memory_space<vmem>>) semaphore(%arg20 : memref<!tpu.dma_semaphore, #tpu.memory_space<semaphore_mem>>) {add = true}
      %add3A_171 = arith.constant 0 : i32
      %add3A_172 = arith.addi %mul3A_91, %add3A_171 : i32
      %dma_wait3A_173 = arith.constant 0 : i32
      %dma_wait3A_174 = tpu.memref_slice %arg7[%add3A_172, %dma_wait3A_173] : memref<160x128xi32, #tpu.memory_space<vmem>> -> memref<1x128xi32, #tpu.memory_space<vmem>>
      %dma_wait3A_175 = tpu.memref_squeeze %dma_wait3A_174 : memref<1x128xi32, #tpu.memory_space<vmem>> -> memref<128xi32, #tpu.memory_space<vmem>>
      %dma_wait3A_176 = arith.constant 0 : i32
      %dma_wait3A_177 = arith.constant 0 : i32
      %dma_wait3A_178 = tpu.memref_slice %arg12[%dma_wait3A_176, %dma_wait3A_177] : memref<10112x64xf32, #tpu.memory_space<vmem_shared>> -> memref<10112x64xf32, #tpu.memory_space<vmem_shared>>
      tpu.wait_indirect_dma semaphore(%arg17 : memref<!tpu.dma_semaphore, #tpu.memory_space<semaphore_mem>>) src(%arg8 : memref<128x64xf32, #tpu.memory_space<vmem>>) dst(%dma_wait3A_178 : memref<10112x64xf32, #tpu.memory_space<vmem_shared>>)
      %add3A_179 = arith.constant 0 : i32
      %add3A_180 = arith.addi %mul3A_91, %add3A_179 : i32
      %add3A_181 = arith.constant 4 : i32
      %add3A_182 = arith.addi %add3A_180, %add3A_181 : i32
      %lt3A = arith.constant 160 : i32
      %lt3A_183 = arith.cmpi slt, %add3A_182, %lt3A : i32
      %convert_element_type3A = arith.extui %lt3A_183 : i1 to i32
      %cond3A = arith.constant 0 : i32
      %cond3A_184 = arith.cmpi ne, %convert_element_type3A, %cond3A : i32
      scf.if %cond3A_184 {
        %add3A_237 = arith.constant 0 : i32
        %add3A_238 = arith.addi %mul3A_91, %add3A_237 : i32
        %add3A_239 = arith.constant 4 : i32
        %add3A_240 = arith.addi %add3A_238, %add3A_239 : i32
        %dma_start3A_241 = arith.constant 0 : i32
        %dma_start3A_242 = tpu.memref_slice %arg6[%add3A_240, %dma_start3A_241] : memref<160x128xi32, #tpu.memory_space<vmem>> -> memref<1x128xi32, #tpu.memory_space<vmem>>
        %dma_start3A_243 = tpu.memref_squeeze %dma_start3A_242 : memref<1x128xi32, #tpu.memory_space<vmem>> -> memref<128xi32, #tpu.memory_space<vmem>>
        %dma_start3A_244 = arith.constant 0 : i32
        %dma_start3A_245 = arith.constant 0 : i32
        %dma_start3A_246 = tpu.memref_slice %arg2[%arg0, %dma_start3A_244, %dma_start3A_245] : memref<2x10000x64xf32, #tpu.memory_space<hbm>> -> memref<1x10000x64xf32, #tpu.memory_space<hbm>>
        %dma_start3A_247 = tpu.memref_squeeze %dma_start3A_246 : memref<1x10000x64xf32, #tpu.memory_space<hbm>> -> memref<10000x64xf32, #tpu.memory_space<hbm>>
        %dma_start3A_248 = arith.constant 0 : i32
        %dma_start3A_249 = arith.constant 0 : i32
        %dma_start3A_250 = tpu.memref_slice %dma_start3A_247[%dma_start3A_248, %dma_start3A_249] : memref<10000x64xf32, #tpu.memory_space<hbm>> -> memref<10000x64xf32, #tpu.memory_space<hbm>>
        tpu.enqueue_indirect_dma source(%dma_start3A_250 : memref<10000x64xf32, #tpu.memory_space<hbm>>) target(%arg8 : memref<128x64xf32, #tpu.memory_space<vmem>>) offsets(%dma_start3A_243 : memref<128xi32, #tpu.memory_space<vmem>>) semaphore(%arg13 : memref<!tpu.dma_semaphore, #tpu.memory_space<semaphore_mem>>)
      } else {
      }
      %add3A_185 = arith.constant 1 : i32
      %add3A_186 = arith.addi %mul3A_91, %add3A_185 : i32
      %dma_wait3A_187 = arith.constant 0 : i32
      %dma_wait3A_188 = tpu.memref_slice %arg7[%add3A_186, %dma_wait3A_187] : memref<160x128xi32, #tpu.memory_space<vmem>> -> memref<1x128xi32, #tpu.memory_space<vmem>>
      %dma_wait3A_189 = tpu.memref_squeeze %dma_wait3A_188 : memref<1x128xi32, #tpu.memory_space<vmem>> -> memref<128xi32, #tpu.memory_space<vmem>>
      %dma_wait3A_190 = arith.constant 0 : i32
      %dma_wait3A_191 = arith.constant 0 : i32
      %dma_wait3A_192 = tpu.memref_slice %arg12[%dma_wait3A_190, %dma_wait3A_191] : memref<10112x64xf32, #tpu.memory_space<vmem_shared>> -> memref<10112x64xf32, #tpu.memory_space<vmem_shared>>
      tpu.wait_indirect_dma semaphore(%arg18 : memref<!tpu.dma_semaphore, #tpu.memory_space<semaphore_mem>>) src(%arg9 : memref<128x64xf32, #tpu.memory_space<vmem>>) dst(%dma_wait3A_192 : memref<10112x64xf32, #tpu.memory_space<vmem_shared>>)
      %add3A_193 = arith.constant 1 : i32
      %add3A_194 = arith.addi %mul3A_91, %add3A_193 : i32
      %add3A_195 = arith.constant 4 : i32
      %add3A_196 = arith.addi %add3A_194, %add3A_195 : i32
      %lt3A_197 = arith.constant 160 : i32
      %lt3A_198 = arith.cmpi slt, %add3A_196, %lt3A_197 : i32
      %convert_element_type3A_199 = arith.extui %lt3A_198 : i1 to i32
      %cond3A_200 = arith.constant 0 : i32
      %cond3A_201 = arith.cmpi ne, %convert_element_type3A_199, %cond3A_200 : i32
      scf.if %cond3A_201 {
        %add3A_237 = arith.constant 1 : i32
        %add3A_238 = arith.addi %mul3A_91, %add3A_237 : i32
        %add3A_239 = arith.constant 4 : i32
        %add3A_240 = arith.addi %add3A_238, %add3A_239 : i32
        %dma_start3A_241 = arith.constant 0 : i32
        %dma_start3A_242 = tpu.memref_slice %arg6[%add3A_240, %dma_start3A_241] : memref<160x128xi32, #tpu.memory_space<vmem>> -> memref<1x128xi32, #tpu.memory_space<vmem>>
        %dma_start3A_243 = tpu.memref_squeeze %dma_start3A_242 : memref<1x128xi32, #tpu.memory_space<vmem>> -> memref<128xi32, #tpu.memory_space<vmem>>
        %dma_start3A_244 = arith.constant 0 : i32
        %dma_start3A_245 = arith.constant 0 : i32
        %dma_start3A_246 = tpu.memref_slice %arg2[%arg0, %dma_start3A_244, %dma_start3A_245] : memref<2x10000x64xf32, #tpu.memory_space<hbm>> -> memref<1x10000x64xf32, #tpu.memory_space<hbm>>
        %dma_start3A_247 = tpu.memref_squeeze %dma_start3A_246 : memref<1x10000x64xf32, #tpu.memory_space<hbm>> -> memref<10000x64xf32, #tpu.memory_space<hbm>>
        %dma_start3A_248 = arith.constant 0 : i32
        %dma_start3A_249 = arith.constant 0 : i32
        %dma_start3A_250 = tpu.memref_slice %dma_start3A_247[%dma_start3A_248, %dma_start3A_249] : memref<10000x64xf32, #tpu.memory_space<hbm>> -> memref<10000x64xf32, #tpu.memory_space<hbm>>
        tpu.enqueue_indirect_dma source(%dma_start3A_250 : memref<10000x64xf32, #tpu.memory_space<hbm>>) target(%arg9 : memref<128x64xf32, #tpu.memory_space<vmem>>) offsets(%dma_start3A_243 : memref<128xi32, #tpu.memory_space<vmem>>) semaphore(%arg14 : memref<!tpu.dma_semaphore, #tpu.memory_space<semaphore_mem>>)
      } else {
      }
      %add3A_202 = arith.constant 2 : i32
      %add3A_203 = arith.addi %mul3A_91, %add3A_202 : i32
      %dma_wait3A_204 = arith.constant 0 : i32
      %dma_wait3A_205 = tpu.memref_slice %arg7[%add3A_203, %dma_wait3A_204] : memref<160x128xi32, #tpu.memory_space<vmem>> -> memref<1x128xi32, #tpu.memory_space<vmem>>
      %dma_wait3A_206 = tpu.memref_squeeze %dma_wait3A_205 : memref<1x128xi32, #tpu.memory_space<vmem>> -> memref<128xi32, #tpu.memory_space<vmem>>
      %dma_wait3A_207 = arith.constant 0 : i32
      %dma_wait3A_208 = arith.constant 0 : i32
      %dma_wait3A_209 = tpu.memref_slice %arg12[%dma_wait3A_207, %dma_wait3A_208] : memref<10112x64xf32, #tpu.memory_space<vmem_shared>> -> memref<10112x64xf32, #tpu.memory_space<vmem_shared>>
      tpu.wait_indirect_dma semaphore(%arg19 : memref<!tpu.dma_semaphore, #tpu.memory_space<semaphore_mem>>) src(%arg10 : memref<128x64xf32, #tpu.memory_space<vmem>>) dst(%dma_wait3A_209 : memref<10112x64xf32, #tpu.memory_space<vmem_shared>>)
      %add3A_210 = arith.constant 2 : i32
      %add3A_211 = arith.addi %mul3A_91, %add3A_210 : i32
      %add3A_212 = arith.constant 4 : i32
      %add3A_213 = arith.addi %add3A_211, %add3A_212 : i32
      %lt3A_214 = arith.constant 160 : i32
      %lt3A_215 = arith.cmpi slt, %add3A_213, %lt3A_214 : i32
      %convert_element_type3A_216 = arith.extui %lt3A_215 : i1 to i32
      %cond3A_217 = arith.constant 0 : i32
      %cond3A_218 = arith.cmpi ne, %convert_element_type3A_216, %cond3A_217 : i32
      scf.if %cond3A_218 {
        %add3A_237 = arith.constant 2 : i32
        %add3A_238 = arith.addi %mul3A_91, %add3A_237 : i32
        %add3A_239 = arith.constant 4 : i32
        %add3A_240 = arith.addi %add3A_238, %add3A_239 : i32
        %dma_start3A_241 = arith.constant 0 : i32
        %dma_start3A_242 = tpu.memref_slice %arg6[%add3A_240, %dma_start3A_241] : memref<160x128xi32, #tpu.memory_space<vmem>> -> memref<1x128xi32, #tpu.memory_space<vmem>>
        %dma_start3A_243 = tpu.memref_squeeze %dma_start3A_242 : memref<1x128xi32, #tpu.memory_space<vmem>> -> memref<128xi32, #tpu.memory_space<vmem>>
        %dma_start3A_244 = arith.constant 0 : i32
        %dma_start3A_245 = arith.constant 0 : i32
        %dma_start3A_246 = tpu.memref_slice %arg2[%arg0, %dma_start3A_244, %dma_start3A_245] : memref<2x10000x64xf32, #tpu.memory_space<hbm>> -> memref<1x10000x64xf32, #tpu.memory_space<hbm>>
        %dma_start3A_247 = tpu.memref_squeeze %dma_start3A_246 : memref<1x10000x64xf32, #tpu.memory_space<hbm>> -> memref<10000x64xf32, #tpu.memory_space<hbm>>
        %dma_start3A_248 = arith.constant 0 : i32
        %dma_start3A_249 = arith.constant 0 : i32
        %dma_start3A_250 = tpu.memref_slice %dma_start3A_247[%dma_start3A_248, %dma_start3A_249] : memref<10000x64xf32, #tpu.memory_space<hbm>> -> memref<10000x64xf32, #tpu.memory_space<hbm>>
        tpu.enqueue_indirect_dma source(%dma_start3A_250 : memref<10000x64xf32, #tpu.memory_space<hbm>>) target(%arg10 : memref<128x64xf32, #tpu.memory_space<vmem>>) offsets(%dma_start3A_243 : memref<128xi32, #tpu.memory_space<vmem>>) semaphore(%arg15 : memref<!tpu.dma_semaphore, #tpu.memory_space<semaphore_mem>>)
      } else {
      }
      %add3A_219 = arith.constant 3 : i32
      %add3A_220 = arith.addi %mul3A_91, %add3A_219 : i32
      %dma_wait3A_221 = arith.constant 0 : i32
      %dma_wait3A_222 = tpu.memref_slice %arg7[%add3A_220, %dma_wait3A_221] : memref<160x128xi32, #tpu.memory_space<vmem>> -> memref<1x128xi32, #tpu.memory_space<vmem>>
      %dma_wait3A_223 = tpu.memref_squeeze %dma_wait3A_222 : memref<1x128xi32, #tpu.memory_space<vmem>> -> memref<128xi32, #tpu.memory_space<vmem>>
      %dma_wait3A_224 = arith.constant 0 : i32
      %dma_wait3A_225 = arith.constant 0 : i32
      %dma_wait3A_226 = tpu.memref_slice %arg12[%dma_wait3A_224, %dma_wait3A_225] : memref<10112x64xf32, #tpu.memory_space<vmem_shared>> -> memref<10112x64xf32, #tpu.memory_space<vmem_shared>>
      tpu.wait_indirect_dma semaphore(%arg20 : memref<!tpu.dma_semaphore, #tpu.memory_space<semaphore_mem>>) src(%arg11 : memref<128x64xf32, #tpu.memory_space<vmem>>) dst(%dma_wait3A_226 : memref<10112x64xf32, #tpu.memory_space<vmem_shared>>)
      %add3A_227 = arith.constant 3 : i32
      %add3A_228 = arith.addi %mul3A_91, %add3A_227 : i32
      %add3A_229 = arith.constant 4 : i32
      %add3A_230 = arith.addi %add3A_228, %add3A_229 : i32
      %lt3A_231 = arith.constant 160 : i32
      %lt3A_232 = arith.cmpi slt, %add3A_230, %lt3A_231 : i32
      %convert_element_type3A_233 = arith.extui %lt3A_232 : i1 to i32
      %cond3A_234 = arith.constant 0 : i32
      %cond3A_235 = arith.cmpi ne, %convert_element_type3A_233, %cond3A_234 : i32
      scf.if %cond3A_235 {
        %add3A_237 = arith.constant 3 : i32
        %add3A_238 = arith.addi %mul3A_91, %add3A_237 : i32
        %add3A_239 = arith.constant 4 : i32
        %add3A_240 = arith.addi %add3A_238, %add3A_239 : i32
        %dma_start3A_241 = arith.constant 0 : i32
        %dma_start3A_242 = tpu.memref_slice %arg6[%add3A_240, %dma_start3A_241] : memref<160x128xi32, #tpu.memory_space<vmem>> -> memref<1x128xi32, #tpu.memory_space<vmem>>
        %dma_start3A_243 = tpu.memref_squeeze %dma_start3A_242 : memref<1x128xi32, #tpu.memory_space<vmem>> -> memref<128xi32, #tpu.memory_space<vmem>>
        %dma_start3A_244 = arith.constant 0 : i32
        %dma_start3A_245 = arith.constant 0 : i32
        %dma_start3A_246 = tpu.memref_slice %arg2[%arg0, %dma_start3A_244, %dma_start3A_245] : memref<2x10000x64xf32, #tpu.memory_space<hbm>> -> memref<1x10000x64xf32, #tpu.memory_space<hbm>>
        %dma_start3A_247 = tpu.memref_squeeze %dma_start3A_246 : memref<1x10000x64xf32, #tpu.memory_space<hbm>> -> memref<10000x64xf32, #tpu.memory_space<hbm>>
        %dma_start3A_248 = arith.constant 0 : i32
        %dma_start3A_249 = arith.constant 0 : i32
        %dma_start3A_250 = tpu.memref_slice %dma_start3A_247[%dma_start3A_248, %dma_start3A_249] : memref<10000x64xf32, #tpu.memory_space<hbm>> -> memref<10000x64xf32, #tpu.memory_space<hbm>>
        tpu.enqueue_indirect_dma source(%dma_start3A_250 : memref<10000x64xf32, #tpu.memory_space<hbm>>) target(%arg11 : memref<128x64xf32, #tpu.memory_space<vmem>>) offsets(%dma_start3A_243 : memref<128xi32, #tpu.memory_space<vmem>>) semaphore(%arg16 : memref<!tpu.dma_semaphore, #tpu.memory_space<semaphore_mem>>)
      } else {
      }
      %scan3A_236 = arith.constant 0 : i32
      scf.yield %scan3A_236 : i32
    }
    %scan3A_66 = arith.constant 40 : i32
    %barrier3A_67 = arith.constant 0 : index
    tpu.barrier barrier_id(%barrier3A_67)
    %add3A_68 = arith.constant 0 : i32
    %add3A_69 = arith.addi %mul3A_0, %add3A_68 : i32
    "tpu.region"() ({
      %run_scoped3A = tpu.sem_alloc : memref<!tpu.dma_semaphore, #tpu.memory_space<semaphore_mem>>
      %dma_start3A_88 = arith.constant 0 : i32
      %dma_start3A_89 = arith.constant 0 : i32
      %dma_start3A_90 = tpu.memref_slice %arg8[%dma_start3A_88, %dma_start3A_89] : memref<128x64xf32, #tpu.memory_space<vmem>> -> memref<128x64xf32, #tpu.memory_space<vmem>>
      %dma_start3A_91 = arith.constant 0 : i32
      %dma_start3A_92 = tpu.memref_slice %arg12[%add3A_69, %dma_start3A_91] : memref<10112x64xf32, #tpu.memory_space<vmem_shared>> -> memref<128x64xf32, #tpu.memory_space<vmem_shared>>
      %dma_start3A_93 = arith.constant 0 : i32
      %dma_start3A_94 = arith.constant 0 : i32
      %dma_start3A_95 = tpu.memref_slice %arg8[%dma_start3A_93, %dma_start3A_94] : memref<128x64xf32, #tpu.memory_space<vmem>> -> memref<128x64xf32, #tpu.memory_space<vmem>>
      %dma_start3A_96 = arith.constant 0 : i32
      %dma_start3A_97 = tpu.memref_slice %arg12[%add3A_69, %dma_start3A_96] : memref<10112x64xf32, #tpu.memory_space<vmem_shared>> -> memref<128x64xf32, #tpu.memory_space<vmem_shared>>
      tpu.enqueue_dma source(%dma_start3A_97 : memref<128x64xf32, #tpu.memory_space<vmem_shared>>) target(%dma_start3A_95 : memref<128x64xf32, #tpu.memory_space<vmem>>) target_semaphore(%run_scoped3A : memref<!tpu.dma_semaphore, #tpu.memory_space<semaphore_mem>>)
      %dma_wait3A = arith.constant 0 : i32
      %dma_wait3A_98 = arith.constant 0 : i32
      %dma_wait3A_99 = tpu.memref_slice %arg8[%dma_wait3A, %dma_wait3A_98] : memref<128x64xf32, #tpu.memory_space<vmem>> -> memref<128x64xf32, #tpu.memory_space<vmem>>
      %dma_wait3A_100 = arith.constant 0 : i32
      %dma_wait3A_101 = tpu.memref_slice %arg12[%add3A_69, %dma_wait3A_100] : memref<10112x64xf32, #tpu.memory_space<vmem_shared>> -> memref<128x64xf32, #tpu.memory_space<vmem_shared>>
      %dma_wait3A_102 = arith.constant 0 : i32
      %dma_wait3A_103 = arith.constant 0 : i32
      %dma_wait3A_104 = tpu.memref_slice %arg8[%dma_wait3A_102, %dma_wait3A_103] : memref<128x64xf32, #tpu.memory_space<vmem>> -> memref<128x64xf32, #tpu.memory_space<vmem>>
      %dma_wait3A_105 = arith.constant 0 : i32
      %dma_wait3A_106 = tpu.memref_slice %arg12[%add3A_69, %dma_wait3A_105] : memref<10112x64xf32, #tpu.memory_space<vmem_shared>> -> memref<128x64xf32, #tpu.memory_space<vmem_shared>>
      tpu.wait_dma2 semaphore(%run_scoped3A : memref<!tpu.dma_semaphore, #tpu.memory_space<semaphore_mem>>) src(%dma_wait3A_106 : memref<128x64xf32, #tpu.memory_space<vmem_shared>>) dst(%dma_wait3A_104 : memref<128x64xf32, #tpu.memory_space<vmem>>)
      tpu.yield
    }) : () -> ()
    %add3A_70 = arith.constant 0 : i32
    %add3A_71 = arith.addi %mul3A_0, %add3A_70 : i32
    "tpu.region"() ({
      %run_scoped3A = tpu.sem_alloc : memref<!tpu.dma_semaphore, #tpu.memory_space<semaphore_mem>>
      %dma_start3A_88 = arith.constant 0 : i32
      %dma_start3A_89 = arith.constant 0 : i32
      %dma_start3A_90 = tpu.memref_slice %arg8[%dma_start3A_88, %dma_start3A_89] : memref<128x64xf32, #tpu.memory_space<vmem>> -> memref<128x64xf32, #tpu.memory_space<vmem>>
      %dma_start3A_91 = arith.constant 0 : i32
      %dma_start3A_92 = tpu.memref_slice %arg5[%arg0, %add3A_71, %dma_start3A_91] : memref<2x10112x64xf32, #tpu.memory_space<hbm>> -> memref<1x128x64xf32, #tpu.memory_space<hbm>>
      %dma_start3A_93 = tpu.memref_squeeze %dma_start3A_92 : memref<1x128x64xf32, #tpu.memory_space<hbm>> -> memref<128x64xf32, #tpu.memory_space<hbm>>
      %dma_start3A_94 = arith.constant 0 : i32
      %dma_start3A_95 = tpu.memref_slice %arg5[%arg0, %add3A_71, %dma_start3A_94] : memref<2x10112x64xf32, #tpu.memory_space<hbm>> -> memref<1x128x64xf32, #tpu.memory_space<hbm>>
      %dma_start3A_96 = tpu.memref_squeeze %dma_start3A_95 : memref<1x128x64xf32, #tpu.memory_space<hbm>> -> memref<128x64xf32, #tpu.memory_space<hbm>>
      %dma_start3A_97 = arith.constant 0 : i32
      %dma_start3A_98 = arith.constant 0 : i32
      %dma_start3A_99 = tpu.memref_slice %arg8[%dma_start3A_97, %dma_start3A_98] : memref<128x64xf32, #tpu.memory_space<vmem>> -> memref<128x64xf32, #tpu.memory_space<vmem>>
      tpu.enqueue_dma source(%dma_start3A_99 : memref<128x64xf32, #tpu.memory_space<vmem>>) target(%dma_start3A_96 : memref<128x64xf32, #tpu.memory_space<hbm>>) target_semaphore(%run_scoped3A : memref<!tpu.dma_semaphore, #tpu.memory_space<semaphore_mem>>)
      %dma_wait3A = arith.constant 0 : i32
      %dma_wait3A_100 = arith.constant 0 : i32
      %dma_wait3A_101 = tpu.memref_slice %arg8[%dma_wait3A, %dma_wait3A_100] : memref<128x64xf32, #tpu.memory_space<vmem>> -> memref<128x64xf32, #tpu.memory_space<vmem>>
      %dma_wait3A_102 = arith.constant 0 : i32
      %dma_wait3A_103 = tpu.memref_slice %arg5[%arg0, %add3A_71, %dma_wait3A_102] : memref<2x10112x64xf32, #tpu.memory_space<hbm>> -> memref<1x128x64xf32, #tpu.memory_space<hbm>>
      %dma_wait3A_104 = tpu.memref_squeeze %dma_wait3A_103 : memref<1x128x64xf32, #tpu.memory_space<hbm>> -> memref<128x64xf32, #tpu.memory_space<hbm>>
      %dma_wait3A_105 = arith.constant 0 : i32
      %dma_wait3A_106 = tpu.memref_slice %arg5[%arg0, %add3A_71, %dma_wait3A_105] : memref<2x10112x64xf32, #tpu.memory_space<hbm>> -> memref<1x128x64xf32, #tpu.memory_space<hbm>>
      %dma_wait3A_107 = tpu.memref_squeeze %dma_wait3A_106 : memref<1x128x64xf32, #tpu.memory_space<hbm>> -> memref<128x64xf32, #tpu.memory_space<hbm>>
      %dma_wait3A_108 = arith.constant 0 : i32
      %dma_wait3A_109 = arith.constant 0 : i32
      %dma_wait3A_110 = tpu.memref_slice %arg8[%dma_wait3A_108, %dma_wait3A_109] : memref<128x64xf32, #tpu.memory_space<vmem>> -> memref<128x64xf32, #tpu.memory_space<vmem>>
      tpu.wait_dma2 semaphore(%run_scoped3A : memref<!tpu.dma_semaphore, #tpu.memory_space<semaphore_mem>>) src(%dma_wait3A_110 : memref<128x64xf32, #tpu.memory_space<vmem>>) dst(%dma_wait3A_107 : memref<128x64xf32, #tpu.memory_space<hbm>>)
      tpu.yield
    }) : () -> ()
    %add3A_72 = arith.constant 128 : i32
    %add3A_73 = arith.addi %mul3A_0, %add3A_72 : i32
    "tpu.region"() ({
      %run_scoped3A = tpu.sem_alloc : memref<!tpu.dma_semaphore, #tpu.memory_space<semaphore_mem>>
      %dma_start3A_88 = arith.constant 0 : i32
      %dma_start3A_89 = arith.constant 0 : i32
      %dma_start3A_90 = tpu.memref_slice %arg8[%dma_start3A_88, %dma_start3A_89] : memref<128x64xf32, #tpu.memory_space<vmem>> -> memref<128x64xf32, #tpu.memory_space<vmem>>
      %dma_start3A_91 = arith.constant 0 : i32
      %dma_start3A_92 = tpu.memref_slice %arg12[%add3A_73, %dma_start3A_91] : memref<10112x64xf32, #tpu.memory_space<vmem_shared>> -> memref<128x64xf32, #tpu.memory_space<vmem_shared>>
      %dma_start3A_93 = arith.constant 0 : i32
      %dma_start3A_94 = arith.constant 0 : i32
      %dma_start3A_95 = tpu.memref_slice %arg8[%dma_start3A_93, %dma_start3A_94] : memref<128x64xf32, #tpu.memory_space<vmem>> -> memref<128x64xf32, #tpu.memory_space<vmem>>
      %dma_start3A_96 = arith.constant 0 : i32
      %dma_start3A_97 = tpu.memref_slice %arg12[%add3A_73, %dma_start3A_96] : memref<10112x64xf32, #tpu.memory_space<vmem_shared>> -> memref<128x64xf32, #tpu.memory_space<vmem_shared>>
      tpu.enqueue_dma source(%dma_start3A_97 : memref<128x64xf32, #tpu.memory_space<vmem_shared>>) target(%dma_start3A_95 : memref<128x64xf32, #tpu.memory_space<vmem>>) target_semaphore(%run_scoped3A : memref<!tpu.dma_semaphore, #tpu.memory_space<semaphore_mem>>)
      %dma_wait3A = arith.constant 0 : i32
      %dma_wait3A_98 = arith.constant 0 : i32
      %dma_wait3A_99 = tpu.memref_slice %arg8[%dma_wait3A, %dma_wait3A_98] : memref<128x64xf32, #tpu.memory_space<vmem>> -> memref<128x64xf32, #tpu.memory_space<vmem>>
      %dma_wait3A_100 = arith.constant 0 : i32
      %dma_wait3A_101 = tpu.memref_slice %arg12[%add3A_73, %dma_wait3A_100] : memref<10112x64xf32, #tpu.memory_space<vmem_shared>> -> memref<128x64xf32, #tpu.memory_space<vmem_shared>>
      %dma_wait3A_102 = arith.constant 0 : i32
      %dma_wait3A_103 = arith.constant 0 : i32
      %dma_wait3A_104 = tpu.memref_slice %arg8[%dma_wait3A_102, %dma_wait3A_103] : memref<128x64xf32, #tpu.memory_space<vmem>> -> memref<128x64xf32, #tpu.memory_space<vmem>>
      %dma_wait3A_105 = arith.constant 0 : i32
      %dma_wait3A_106 = tpu.memref_slice %arg12[%add3A_73, %dma_wait3A_105] : memref<10112x64xf32, #tpu.memory_space<vmem_shared>> -> memref<128x64xf32, #tpu.memory_space<vmem_shared>>
      tpu.wait_dma2 semaphore(%run_scoped3A : memref<!tpu.dma_semaphore, #tpu.memory_space<semaphore_mem>>) src(%dma_wait3A_106 : memref<128x64xf32, #tpu.memory_space<vmem_shared>>) dst(%dma_wait3A_104 : memref<128x64xf32, #tpu.memory_space<vmem>>)
      tpu.yield
    }) : () -> ()
    %add3A_74 = arith.constant 128 : i32
    %add3A_75 = arith.addi %mul3A_0, %add3A_74 : i32
    "tpu.region"() ({
      %run_scoped3A = tpu.sem_alloc : memref<!tpu.dma_semaphore, #tpu.memory_space<semaphore_mem>>
      %dma_start3A_88 = arith.constant 0 : i32
      %dma_start3A_89 = arith.constant 0 : i32
      %dma_start3A_90 = tpu.memref_slice %arg8[%dma_start3A_88, %dma_start3A_89] : memref<128x64xf32, #tpu.memory_space<vmem>> -> memref<128x64xf32, #tpu.memory_space<vmem>>
      %dma_start3A_91 = arith.constant 0 : i32
      %dma_start3A_92 = tpu.memref_slice %arg5[%arg0, %add3A_75, %dma_start3A_91] : memref<2x10112x64xf32, #tpu.memory_space<hbm>> -> memref<1x128x64xf32, #tpu.memory_space<hbm>>
      %dma_start3A_93 = tpu.memref_squeeze %dma_start3A_92 : memref<1x128x64xf32, #tpu.memory_space<hbm>> -> memref<128x64xf32, #tpu.memory_space<hbm>>
      %dma_start3A_94 = arith.constant 0 : i32
      %dma_start3A_95 = tpu.memref_slice %arg5[%arg0, %add3A_75, %dma_start3A_94] : memref<2x10112x64xf32, #tpu.memory_space<hbm>> -> memref<1x128x64xf32, #tpu.memory_space<hbm>>
      %dma_start3A_96 = tpu.memref_squeeze %dma_start3A_95 : memref<1x128x64xf32, #tpu.memory_space<hbm>> -> memref<128x64xf32, #tpu.memory_space<hbm>>
      %dma_start3A_97 = arith.constant 0 : i32
      %dma_start3A_98 = arith.constant 0 : i32
      %dma_start3A_99 = tpu.memref_slice %arg8[%dma_start3A_97, %dma_start3A_98] : memref<128x64xf32, #tpu.memory_space<vmem>> -> memref<128x64xf32, #tpu.memory_space<vmem>>
      tpu.enqueue_dma source(%dma_start3A_99 : memref<128x64xf32, #tpu.memory_space<vmem>>) target(%dma_start3A_96 : memref<128x64xf32, #tpu.memory_space<hbm>>) target_semaphore(%run_scoped3A : memref<!tpu.dma_semaphore, #tpu.memory_space<semaphore_mem>>)
      %dma_wait3A = arith.constant 0 : i32
      %dma_wait3A_100 = arith.constant 0 : i32
      %dma_wait3A_101 = tpu.memref_slice %arg8[%dma_wait3A, %dma_wait3A_100] : memref<128x64xf32, #tpu.memory_space<vmem>> -> memref<128x64xf32, #tpu.memory_space<vmem>>
      %dma_wait3A_102 = arith.constant 0 : i32
      %dma_wait3A_103 = tpu.memref_slice %arg5[%arg0, %add3A_75, %dma_wait3A_102] : memref<2x10112x64xf32, #tpu.memory_space<hbm>> -> memref<1x128x64xf32, #tpu.memory_space<hbm>>
      %dma_wait3A_104 = tpu.memref_squeeze %dma_wait3A_103 : memref<1x128x64xf32, #tpu.memory_space<hbm>> -> memref<128x64xf32, #tpu.memory_space<hbm>>
      %dma_wait3A_105 = arith.constant 0 : i32
      %dma_wait3A_106 = tpu.memref_slice %arg5[%arg0, %add3A_75, %dma_wait3A_105] : memref<2x10112x64xf32, #tpu.memory_space<hbm>> -> memref<1x128x64xf32, #tpu.memory_space<hbm>>
      %dma_wait3A_107 = tpu.memref_squeeze %dma_wait3A_106 : memref<1x128x64xf32, #tpu.memory_space<hbm>> -> memref<128x64xf32, #tpu.memory_space<hbm>>
      %dma_wait3A_108 = arith.constant 0 : i32
      %dma_wait3A_109 = arith.constant 0 : i32
      %dma_wait3A_110 = tpu.memref_slice %arg8[%dma_wait3A_108, %dma_wait3A_109] : memref<128x64xf32, #tpu.memory_space<vmem>> -> memref<128x64xf32, #tpu.memory_space<vmem>>
      tpu.wait_dma2 semaphore(%run_scoped3A : memref<!tpu.dma_semaphore, #tpu.memory_space<semaphore_mem>>) src(%dma_wait3A_110 : memref<128x64xf32, #tpu.memory_space<vmem>>) dst(%dma_wait3A_107 : memref<128x64xf32, #tpu.memory_space<hbm>>)
      tpu.yield
    }) : () -> ()
    %add3A_76 = arith.constant 256 : i32
    %add3A_77 = arith.addi %mul3A_0, %add3A_76 : i32
    "tpu.region"() ({
      %run_scoped3A = tpu.sem_alloc : memref<!tpu.dma_semaphore, #tpu.memory_space<semaphore_mem>>
      %dma_start3A_88 = arith.constant 0 : i32
      %dma_start3A_89 = arith.constant 0 : i32
      %dma_start3A_90 = tpu.memref_slice %arg8[%dma_start3A_88, %dma_start3A_89] : memref<128x64xf32, #tpu.memory_space<vmem>> -> memref<128x64xf32, #tpu.memory_space<vmem>>
      %dma_start3A_91 = arith.constant 0 : i32
      %dma_start3A_92 = tpu.memref_slice %arg12[%add3A_77, %dma_start3A_91] : memref<10112x64xf32, #tpu.memory_space<vmem_shared>> -> memref<128x64xf32, #tpu.memory_space<vmem_shared>>
      %dma_start3A_93 = arith.constant 0 : i32
      %dma_start3A_94 = arith.constant 0 : i32
      %dma_start3A_95 = tpu.memref_slice %arg8[%dma_start3A_93, %dma_start3A_94] : memref<128x64xf32, #tpu.memory_space<vmem>> -> memref<128x64xf32, #tpu.memory_space<vmem>>
      %dma_start3A_96 = arith.constant 0 : i32
      %dma_start3A_97 = tpu.memref_slice %arg12[%add3A_77, %dma_start3A_96] : memref<10112x64xf32, #tpu.memory_space<vmem_shared>> -> memref<128x64xf32, #tpu.memory_space<vmem_shared>>
      tpu.enqueue_dma source(%dma_start3A_97 : memref<128x64xf32, #tpu.memory_space<vmem_shared>>) target(%dma_start3A_95 : memref<128x64xf32, #tpu.memory_space<vmem>>) target_semaphore(%run_scoped3A : memref<!tpu.dma_semaphore, #tpu.memory_space<semaphore_mem>>)
      %dma_wait3A = arith.constant 0 : i32
      %dma_wait3A_98 = arith.constant 0 : i32
      %dma_wait3A_99 = tpu.memref_slice %arg8[%dma_wait3A, %dma_wait3A_98] : memref<128x64xf32, #tpu.memory_space<vmem>> -> memref<128x64xf32, #tpu.memory_space<vmem>>
      %dma_wait3A_100 = arith.constant 0 : i32
      %dma_wait3A_101 = tpu.memref_slice %arg12[%add3A_77, %dma_wait3A_100] : memref<10112x64xf32, #tpu.memory_space<vmem_shared>> -> memref<128x64xf32, #tpu.memory_space<vmem_shared>>
      %dma_wait3A_102 = arith.constant 0 : i32
      %dma_wait3A_103 = arith.constant 0 : i32
      %dma_wait3A_104 = tpu.memref_slice %arg8[%dma_wait3A_102, %dma_wait3A_103] : memref<128x64xf32, #tpu.memory_space<vmem>> -> memref<128x64xf32, #tpu.memory_space<vmem>>
      %dma_wait3A_105 = arith.constant 0 : i32
      %dma_wait3A_106 = tpu.memref_slice %arg12[%add3A_77, %dma_wait3A_105] : memref<10112x64xf32, #tpu.memory_space<vmem_shared>> -> memref<128x64xf32, #tpu.memory_space<vmem_shared>>
      tpu.wait_dma2 semaphore(%run_scoped3A : memref<!tpu.dma_semaphore, #tpu.memory_space<semaphore_mem>>) src(%dma_wait3A_106 : memref<128x64xf32, #tpu.memory_space<vmem_shared>>) dst(%dma_wait3A_104 : memref<128x64xf32, #tpu.memory_space<vmem>>)
      tpu.yield
    }) : () -> ()
    %add3A_78 = arith.constant 256 : i32
    %add3A_79 = arith.addi %mul3A_0, %add3A_78 : i32
    "tpu.region"() ({
      %run_scoped3A = tpu.sem_alloc : memref<!tpu.dma_semaphore, #tpu.memory_space<semaphore_mem>>
      %dma_start3A_88 = arith.constant 0 : i32
      %dma_start3A_89 = arith.constant 0 : i32
      %dma_start3A_90 = tpu.memref_slice %arg8[%dma_start3A_88, %dma_start3A_89] : memref<128x64xf32, #tpu.memory_space<vmem>> -> memref<128x64xf32, #tpu.memory_space<vmem>>
      %dma_start3A_91 = arith.constant 0 : i32
      %dma_start3A_92 = tpu.memref_slice %arg5[%arg0, %add3A_79, %dma_start3A_91] : memref<2x10112x64xf32, #tpu.memory_space<hbm>> -> memref<1x128x64xf32, #tpu.memory_space<hbm>>
      %dma_start3A_93 = tpu.memref_squeeze %dma_start3A_92 : memref<1x128x64xf32, #tpu.memory_space<hbm>> -> memref<128x64xf32, #tpu.memory_space<hbm>>
      %dma_start3A_94 = arith.constant 0 : i32
      %dma_start3A_95 = tpu.memref_slice %arg5[%arg0, %add3A_79, %dma_start3A_94] : memref<2x10112x64xf32, #tpu.memory_space<hbm>> -> memref<1x128x64xf32, #tpu.memory_space<hbm>>
      %dma_start3A_96 = tpu.memref_squeeze %dma_start3A_95 : memref<1x128x64xf32, #tpu.memory_space<hbm>> -> memref<128x64xf32, #tpu.memory_space<hbm>>
      %dma_start3A_97 = arith.constant 0 : i32
      %dma_start3A_98 = arith.constant 0 : i32
      %dma_start3A_99 = tpu.memref_slice %arg8[%dma_start3A_97, %dma_start3A_98] : memref<128x64xf32, #tpu.memory_space<vmem>> -> memref<128x64xf32, #tpu.memory_space<vmem>>
      tpu.enqueue_dma source(%dma_start3A_99 : memref<128x64xf32, #tpu.memory_space<vmem>>) target(%dma_start3A_96 : memref<128x64xf32, #tpu.memory_space<hbm>>) target_semaphore(%run_scoped3A : memref<!tpu.dma_semaphore, #tpu.memory_space<semaphore_mem>>)
      %dma_wait3A = arith.constant 0 : i32
      %dma_wait3A_100 = arith.constant 0 : i32
      %dma_wait3A_101 = tpu.memref_slice %arg8[%dma_wait3A, %dma_wait3A_100] : memref<128x64xf32, #tpu.memory_space<vmem>> -> memref<128x64xf32, #tpu.memory_space<vmem>>
      %dma_wait3A_102 = arith.constant 0 : i32
      %dma_wait3A_103 = tpu.memref_slice %arg5[%arg0, %add3A_79, %dma_wait3A_102] : memref<2x10112x64xf32, #tpu.memory_space<hbm>> -> memref<1x128x64xf32, #tpu.memory_space<hbm>>
      %dma_wait3A_104 = tpu.memref_squeeze %dma_wait3A_103 : memref<1x128x64xf32, #tpu.memory_space<hbm>> -> memref<128x64xf32, #tpu.memory_space<hbm>>
      %dma_wait3A_105 = arith.constant 0 : i32
      %dma_wait3A_106 = tpu.memref_slice %arg5[%arg0, %add3A_79, %dma_wait3A_105] : memref<2x10112x64xf32, #tpu.memory_space<hbm>> -> memref<1x128x64xf32, #tpu.memory_space<hbm>>
      %dma_wait3A_107 = tpu.memref_squeeze %dma_wait3A_106 : memref<1x128x64xf32, #tpu.memory_space<hbm>> -> memref<128x64xf32, #tpu.memory_space<hbm>>
      %dma_wait3A_108 = arith.constant 0 : i32
      %dma_wait3A_109 = arith.constant 0 : i32
      %dma_wait3A_110 = tpu.memref_slice %arg8[%dma_wait3A_108, %dma_wait3A_109] : memref<128x64xf32, #tpu.memory_space<vmem>> -> memref<128x64xf32, #tpu.memory_space<vmem>>
      tpu.wait_dma2 semaphore(%run_scoped3A : memref<!tpu.dma_semaphore, #tpu.memory_space<semaphore_mem>>) src(%dma_wait3A_110 : memref<128x64xf32, #tpu.memory_space<vmem>>) dst(%dma_wait3A_107 : memref<128x64xf32, #tpu.memory_space<hbm>>)
      tpu.yield
    }) : () -> ()
    %add3A_80 = arith.constant 384 : i32
    %add3A_81 = arith.addi %mul3A_0, %add3A_80 : i32
    "tpu.region"() ({
      %run_scoped3A = tpu.sem_alloc : memref<!tpu.dma_semaphore, #tpu.memory_space<semaphore_mem>>
      %dma_start3A_88 = arith.constant 0 : i32
      %dma_start3A_89 = arith.constant 0 : i32
      %dma_start3A_90 = tpu.memref_slice %arg8[%dma_start3A_88, %dma_start3A_89] : memref<128x64xf32, #tpu.memory_space<vmem>> -> memref<128x64xf32, #tpu.memory_space<vmem>>
      %dma_start3A_91 = arith.constant 0 : i32
      %dma_start3A_92 = tpu.memref_slice %arg12[%add3A_81, %dma_start3A_91] : memref<10112x64xf32, #tpu.memory_space<vmem_shared>> -> memref<128x64xf32, #tpu.memory_space<vmem_shared>>
      %dma_start3A_93 = arith.constant 0 : i32
      %dma_start3A_94 = arith.constant 0 : i32
      %dma_start3A_95 = tpu.memref_slice %arg8[%dma_start3A_93, %dma_start3A_94] : memref<128x64xf32, #tpu.memory_space<vmem>> -> memref<128x64xf32, #tpu.memory_space<vmem>>
      %dma_start3A_96 = arith.constant 0 : i32
      %dma_start3A_97 = tpu.memref_slice %arg12[%add3A_81, %dma_start3A_96] : memref<10112x64xf32, #tpu.memory_space<vmem_shared>> -> memref<128x64xf32, #tpu.memory_space<vmem_shared>>
      tpu.enqueue_dma source(%dma_start3A_97 : memref<128x64xf32, #tpu.memory_space<vmem_shared>>) target(%dma_start3A_95 : memref<128x64xf32, #tpu.memory_space<vmem>>) target_semaphore(%run_scoped3A : memref<!tpu.dma_semaphore, #tpu.memory_space<semaphore_mem>>)
      %dma_wait3A = arith.constant 0 : i32
      %dma_wait3A_98 = arith.constant 0 : i32
      %dma_wait3A_99 = tpu.memref_slice %arg8[%dma_wait3A, %dma_wait3A_98] : memref<128x64xf32, #tpu.memory_space<vmem>> -> memref<128x64xf32, #tpu.memory_space<vmem>>
      %dma_wait3A_100 = arith.constant 0 : i32
      %dma_wait3A_101 = tpu.memref_slice %arg12[%add3A_81, %dma_wait3A_100] : memref<10112x64xf32, #tpu.memory_space<vmem_shared>> -> memref<128x64xf32, #tpu.memory_space<vmem_shared>>
      %dma_wait3A_102 = arith.constant 0 : i32
      %dma_wait3A_103 = arith.constant 0 : i32
      %dma_wait3A_104 = tpu.memref_slice %arg8[%dma_wait3A_102, %dma_wait3A_103] : memref<128x64xf32, #tpu.memory_space<vmem>> -> memref<128x64xf32, #tpu.memory_space<vmem>>
      %dma_wait3A_105 = arith.constant 0 : i32
      %dma_wait3A_106 = tpu.memref_slice %arg12[%add3A_81, %dma_wait3A_105] : memref<10112x64xf32, #tpu.memory_space<vmem_shared>> -> memref<128x64xf32, #tpu.memory_space<vmem_shared>>
      tpu.wait_dma2 semaphore(%run_scoped3A : memref<!tpu.dma_semaphore, #tpu.memory_space<semaphore_mem>>) src(%dma_wait3A_106 : memref<128x64xf32, #tpu.memory_space<vmem_shared>>) dst(%dma_wait3A_104 : memref<128x64xf32, #tpu.memory_space<vmem>>)
      tpu.yield
    }) : () -> ()
    %add3A_82 = arith.constant 384 : i32
    %add3A_83 = arith.addi %mul3A_0, %add3A_82 : i32
    "tpu.region"() ({
      %run_scoped3A = tpu.sem_alloc : memref<!tpu.dma_semaphore, #tpu.memory_space<semaphore_mem>>
      %dma_start3A_88 = arith.constant 0 : i32
      %dma_start3A_89 = arith.constant 0 : i32
      %dma_start3A_90 = tpu.memref_slice %arg8[%dma_start3A_88, %dma_start3A_89] : memref<128x64xf32, #tpu.memory_space<vmem>> -> memref<128x64xf32, #tpu.memory_space<vmem>>
      %dma_start3A_91 = arith.constant 0 : i32
      %dma_start3A_92 = tpu.memref_slice %arg5[%arg0, %add3A_83, %dma_start3A_91] : memref<2x10112x64xf32, #tpu.memory_space<hbm>> -> memref<1x128x64xf32, #tpu.memory_space<hbm>>
      %dma_start3A_93 = tpu.memref_squeeze %dma_start3A_92 : memref<1x128x64xf32, #tpu.memory_space<hbm>> -> memref<128x64xf32, #tpu.memory_space<hbm>>
      %dma_start3A_94 = arith.constant 0 : i32
      %dma_start3A_95 = tpu.memref_slice %arg5[%arg0, %add3A_83, %dma_start3A_94] : memref<2x10112x64xf32, #tpu.memory_space<hbm>> -> memref<1x128x64xf32, #tpu.memory_space<hbm>>
      %dma_start3A_96 = tpu.memref_squeeze %dma_start3A_95 : memref<1x128x64xf32, #tpu.memory_space<hbm>> -> memref<128x64xf32, #tpu.memory_space<hbm>>
      %dma_start3A_97 = arith.constant 0 : i32
      %dma_start3A_98 = arith.constant 0 : i32
      %dma_start3A_99 = tpu.memref_slice %arg8[%dma_start3A_97, %dma_start3A_98] : memref<128x64xf32, #tpu.memory_space<vmem>> -> memref<128x64xf32, #tpu.memory_space<vmem>>
      tpu.enqueue_dma source(%dma_start3A_99 : memref<128x64xf32, #tpu.memory_space<vmem>>) target(%dma_start3A_96 : memref<128x64xf32, #tpu.memory_space<hbm>>) target_semaphore(%run_scoped3A : memref<!tpu.dma_semaphore, #tpu.memory_space<semaphore_mem>>)
      %dma_wait3A = arith.constant 0 : i32
      %dma_wait3A_100 = arith.constant 0 : i32
      %dma_wait3A_101 = tpu.memref_slice %arg8[%dma_wait3A, %dma_wait3A_100] : memref<128x64xf32, #tpu.memory_space<vmem>> -> memref<128x64xf32, #tpu.memory_space<vmem>>
      %dma_wait3A_102 = arith.constant 0 : i32
      %dma_wait3A_103 = tpu.memref_slice %arg5[%arg0, %add3A_83, %dma_wait3A_102] : memref<2x10112x64xf32, #tpu.memory_space<hbm>> -> memref<1x128x64xf32, #tpu.memory_space<hbm>>
      %dma_wait3A_104 = tpu.memref_squeeze %dma_wait3A_103 : memref<1x128x64xf32, #tpu.memory_space<hbm>> -> memref<128x64xf32, #tpu.memory_space<hbm>>
      %dma_wait3A_105 = arith.constant 0 : i32
      %dma_wait3A_106 = tpu.memref_slice %arg5[%arg0, %add3A_83, %dma_wait3A_105] : memref<2x10112x64xf32, #tpu.memory_space<hbm>> -> memref<1x128x64xf32, #tpu.memory_space<hbm>>
      %dma_wait3A_107 = tpu.memref_squeeze %dma_wait3A_106 : memref<1x128x64xf32, #tpu.memory_space<hbm>> -> memref<128x64xf32, #tpu.memory_space<hbm>>
      %dma_wait3A_108 = arith.constant 0 : i32
      %dma_wait3A_109 = arith.constant 0 : i32
      %dma_wait3A_110 = tpu.memref_slice %arg8[%dma_wait3A_108, %dma_wait3A_109] : memref<128x64xf32, #tpu.memory_space<vmem>> -> memref<128x64xf32, #tpu.memory_space<vmem>>
      tpu.wait_dma2 semaphore(%run_scoped3A : memref<!tpu.dma_semaphore, #tpu.memory_space<semaphore_mem>>) src(%dma_wait3A_110 : memref<128x64xf32, #tpu.memory_space<vmem>>) dst(%dma_wait3A_107 : memref<128x64xf32, #tpu.memory_space<hbm>>)
      tpu.yield
    }) : () -> ()
    %add3A_84 = arith.constant 512 : i32
    %add3A_85 = arith.addi %mul3A_0, %add3A_84 : i32
    "tpu.region"() ({
      %run_scoped3A = tpu.sem_alloc : memref<!tpu.dma_semaphore, #tpu.memory_space<semaphore_mem>>
      %dma_start3A_88 = arith.constant 0 : i32
      %dma_start3A_89 = arith.constant 0 : i32
      %dma_start3A_90 = tpu.memref_slice %arg8[%dma_start3A_88, %dma_start3A_89] : memref<128x64xf32, #tpu.memory_space<vmem>> -> memref<120x64xf32, #tpu.memory_space<vmem>>
      %dma_start3A_91 = arith.constant 0 : i32
      %dma_start3A_92 = tpu.memref_slice %arg12[%add3A_85, %dma_start3A_91] : memref<10112x64xf32, #tpu.memory_space<vmem_shared>> -> memref<120x64xf32, #tpu.memory_space<vmem_shared>>
      %dma_start3A_93 = arith.constant 0 : i32
      %dma_start3A_94 = arith.constant 0 : i32
      %dma_start3A_95 = tpu.memref_slice %arg8[%dma_start3A_93, %dma_start3A_94] : memref<128x64xf32, #tpu.memory_space<vmem>> -> memref<120x64xf32, #tpu.memory_space<vmem>>
      %dma_start3A_96 = arith.constant 0 : i32
      %dma_start3A_97 = tpu.memref_slice %arg12[%add3A_85, %dma_start3A_96] : memref<10112x64xf32, #tpu.memory_space<vmem_shared>> -> memref<120x64xf32, #tpu.memory_space<vmem_shared>>
      tpu.enqueue_dma source(%dma_start3A_97 : memref<120x64xf32, #tpu.memory_space<vmem_shared>>) target(%dma_start3A_95 : memref<120x64xf32, #tpu.memory_space<vmem>>) target_semaphore(%run_scoped3A : memref<!tpu.dma_semaphore, #tpu.memory_space<semaphore_mem>>)
      %dma_wait3A = arith.constant 0 : i32
      %dma_wait3A_98 = arith.constant 0 : i32
      %dma_wait3A_99 = tpu.memref_slice %arg8[%dma_wait3A, %dma_wait3A_98] : memref<128x64xf32, #tpu.memory_space<vmem>> -> memref<120x64xf32, #tpu.memory_space<vmem>>
      %dma_wait3A_100 = arith.constant 0 : i32
      %dma_wait3A_101 = tpu.memref_slice %arg12[%add3A_85, %dma_wait3A_100] : memref<10112x64xf32, #tpu.memory_space<vmem_shared>> -> memref<120x64xf32, #tpu.memory_space<vmem_shared>>
      %dma_wait3A_102 = arith.constant 0 : i32
      %dma_wait3A_103 = arith.constant 0 : i32
      %dma_wait3A_104 = tpu.memref_slice %arg8[%dma_wait3A_102, %dma_wait3A_103] : memref<128x64xf32, #tpu.memory_space<vmem>> -> memref<120x64xf32, #tpu.memory_space<vmem>>
      %dma_wait3A_105 = arith.constant 0 : i32
      %dma_wait3A_106 = tpu.memref_slice %arg12[%add3A_85, %dma_wait3A_105] : memref<10112x64xf32, #tpu.memory_space<vmem_shared>> -> memref<120x64xf32, #tpu.memory_space<vmem_shared>>
      tpu.wait_dma2 semaphore(%run_scoped3A : memref<!tpu.dma_semaphore, #tpu.memory_space<semaphore_mem>>) src(%dma_wait3A_106 : memref<120x64xf32, #tpu.memory_space<vmem_shared>>) dst(%dma_wait3A_104 : memref<120x64xf32, #tpu.memory_space<vmem>>)
      tpu.yield
    }) : () -> ()
    %add3A_86 = arith.constant 512 : i32
    %add3A_87 = arith.addi %mul3A_0, %add3A_86 : i32
    "tpu.region"() ({
      %run_scoped3A = tpu.sem_alloc : memref<!tpu.dma_semaphore, #tpu.memory_space<semaphore_mem>>
      %dma_start3A_88 = arith.constant 0 : i32
      %dma_start3A_89 = arith.constant 0 : i32
      %dma_start3A_90 = tpu.memref_slice %arg8[%dma_start3A_88, %dma_start3A_89] : memref<128x64xf32, #tpu.memory_space<vmem>> -> memref<120x64xf32, #tpu.memory_space<vmem>>
      %dma_start3A_91 = arith.constant 0 : i32
      %dma_start3A_92 = tpu.memref_slice %arg5[%arg0, %add3A_87, %dma_start3A_91] : memref<2x10112x64xf32, #tpu.memory_space<hbm>> -> memref<1x120x64xf32, #tpu.memory_space<hbm>>
      %dma_start3A_93 = tpu.memref_squeeze %dma_start3A_92 : memref<1x120x64xf32, #tpu.memory_space<hbm>> -> memref<120x64xf32, #tpu.memory_space<hbm>>
      %dma_start3A_94 = arith.constant 0 : i32
      %dma_start3A_95 = tpu.memref_slice %arg5[%arg0, %add3A_87, %dma_start3A_94] : memref<2x10112x64xf32, #tpu.memory_space<hbm>> -> memref<1x120x64xf32, #tpu.memory_space<hbm>>
      %dma_start3A_96 = tpu.memref_squeeze %dma_start3A_95 : memref<1x120x64xf32, #tpu.memory_space<hbm>> -> memref<120x64xf32, #tpu.memory_space<hbm>>
      %dma_start3A_97 = arith.constant 0 : i32
      %dma_start3A_98 = arith.constant 0 : i32
      %dma_start3A_99 = tpu.memref_slice %arg8[%dma_start3A_97, %dma_start3A_98] : memref<128x64xf32, #tpu.memory_space<vmem>> -> memref<120x64xf32, #tpu.memory_space<vmem>>
      tpu.enqueue_dma source(%dma_start3A_99 : memref<120x64xf32, #tpu.memory_space<vmem>>) target(%dma_start3A_96 : memref<120x64xf32, #tpu.memory_space<hbm>>) target_semaphore(%run_scoped3A : memref<!tpu.dma_semaphore, #tpu.memory_space<semaphore_mem>>)
      %dma_wait3A = arith.constant 0 : i32
      %dma_wait3A_100 = arith.constant 0 : i32
      %dma_wait3A_101 = tpu.memref_slice %arg8[%dma_wait3A, %dma_wait3A_100] : memref<128x64xf32, #tpu.memory_space<vmem>> -> memref<120x64xf32, #tpu.memory_space<vmem>>
      %dma_wait3A_102 = arith.constant 0 : i32
      %dma_wait3A_103 = tpu.memref_slice %arg5[%arg0, %add3A_87, %dma_wait3A_102] : memref<2x10112x64xf32, #tpu.memory_space<hbm>> -> memref<1x120x64xf32, #tpu.memory_space<hbm>>
      %dma_wait3A_104 = tpu.memref_squeeze %dma_wait3A_103 : memref<1x120x64xf32, #tpu.memory_space<hbm>> -> memref<120x64xf32, #tpu.memory_space<hbm>>
      %dma_wait3A_105 = arith.constant 0 : i32
      %dma_wait3A_106 = tpu.memref_slice %arg5[%arg0, %add3A_87, %dma_wait3A_105] : memref<2x10112x64xf32, #tpu.memory_space<hbm>> -> memref<1x120x64xf32, #tpu.memory_space<hbm>>
      %dma_wait3A_107 = tpu.memref_squeeze %dma_wait3A_106 : memref<1x120x64xf32, #tpu.memory_space<hbm>> -> memref<120x64xf32, #tpu.memory_space<hbm>>
      %dma_wait3A_108 = arith.constant 0 : i32
      %dma_wait3A_109 = arith.constant 0 : i32
      %dma_wait3A_110 = tpu.memref_slice %arg8[%dma_wait3A_108, %dma_wait3A_109] : memref<128x64xf32, #tpu.memory_space<vmem>> -> memref<120x64xf32, #tpu.memory_space<vmem>>
      tpu.wait_dma2 semaphore(%run_scoped3A : memref<!tpu.dma_semaphore, #tpu.memory_space<semaphore_mem>>) src(%dma_wait3A_110 : memref<120x64xf32, #tpu.memory_space<vmem>>) dst(%dma_wait3A_107 : memref<120x64xf32, #tpu.memory_space<hbm>>)
      tpu.yield
    }) : () -> ()
    return
  }
}

#map = affine_map<(d0, d1) -> (0, 0, 0)>
module attributes {stable_mosaic.version = 14 : i64} {
  func.func @_sc_agg_body(%arg0: i32, %arg1: i32, %arg2: memref<2x10000x64xf32, #tpu.memory_space<hbm>>, %arg3: memref<16x160x128xi32, #tpu.memory_space<hbm>>, %arg4: memref<16x160x128xi32, #tpu.memory_space<hbm>>, %arg5: memref<2x10112x64xf32, #tpu.memory_space<hbm>>, %arg6: memref<160x128xi32, #tpu.memory_space<vmem>>, %arg7: memref<160x128xi32, #tpu.memory_space<vmem>>, %arg8: memref<128x64xf32, #tpu.memory_space<vmem>>, %arg9: memref<128x64xf32, #tpu.memory_space<vmem>>, %arg10: memref<128x64xf32, #tpu.memory_space<vmem>>, %arg11: memref<128x64xf32, #tpu.memory_space<vmem>>, %arg12: memref<10112x64xf32, #tpu.memory_space<vmem_shared>>, %arg13: memref<!tpu.dma_semaphore, #tpu.memory_space<semaphore_mem>>, %arg14: memref<!tpu.dma_semaphore, #tpu.memory_space<semaphore_mem>>, %arg15: memref<!tpu.dma_semaphore, #tpu.memory_space<semaphore_mem>>, %arg16: memref<!tpu.dma_semaphore, #tpu.memory_space<semaphore_mem>>, %arg17: memref<!tpu.dma_semaphore, #tpu.memory_space<semaphore_mem>>, %arg18: memref<!tpu.dma_semaphore, #tpu.memory_space<semaphore_mem>>, %arg19: memref<!tpu.dma_semaphore, #tpu.memory_space<semaphore_mem>>, %arg20: memref<!tpu.dma_semaphore, #tpu.memory_space<semaphore_mem>>) attributes {dimension_semantics = [#tpu.dimension_semantics<core_parallel>, #tpu.dimension_semantics<subcore_parallel>], iteration_bounds = array<i64: 2, 16>, scalar_prefetch = 0 : i64, scratch_operands = 15 : i64, tpu.core_type = #tpu.core_type<sc_vector_subcore>, window_params = [{transform_indices = #map}, {transform_indices = #map}, {transform_indices = #map}, {transform_indices = #map}]} {
    %mul3A = arith.constant 632 : i32
    %mul3A_0 = arith.muli %arg1, %mul3A : i32
    "tpu.region"() ({
      %run_scoped3A = tpu.sem_alloc : memref<!tpu.dma_semaphore, #tpu.memory_space<semaphore_mem>>
      %dma_start3A_88 = arith.constant 0 : i32
      %dma_start3A_89 = arith.constant 0 : i32
      %dma_start3A_90 = tpu.memref_slice %arg3[%arg1, %dma_start3A_88, %dma_start3A_89] : memref<16x160x128xi32, #tpu.memory_space<hbm>> -> memref<1x160x128xi32, #tpu.memory_space<hbm>>
      %dma_start3A_91 = tpu.memref_squeeze %dma_start3A_90 : memref<1x160x128xi32, #tpu.memory_space<hbm>> -> memref<160x128xi32, #tpu.memory_space<hbm>>
      %dma_start3A_92 = arith.constant 0 : i32
      %dma_start3A_93 = arith.constant 0 : i32
      %dma_start3A_94 = tpu.memref_slice %arg3[%arg1, %dma_start3A_92, %dma_start3A_93] : memref<16x160x128xi32, #tpu.memory_space<hbm>> -> memref<1x160x128xi32, #tpu.memory_space<hbm>>
      %dma_start3A_95 = tpu.memref_squeeze %dma_start3A_94 : memref<1x160x128xi32, #tpu.memory_space<hbm>> -> memref<160x128xi32, #tpu.memory_space<hbm>>
      tpu.enqueue_dma source(%dma_start3A_95 : memref<160x128xi32, #tpu.memory_space<hbm>>) target(%arg6 : memref<160x128xi32, #tpu.memory_space<vmem>>) target_semaphore(%run_scoped3A : memref<!tpu.dma_semaphore, #tpu.memory_space<semaphore_mem>>)
      %dma_wait3A = arith.constant 0 : i32
      %dma_wait3A_96 = arith.constant 0 : i32
      %dma_wait3A_97 = tpu.memref_slice %arg3[%arg1, %dma_wait3A, %dma_wait3A_96] : memref<16x160x128xi32, #tpu.memory_space<hbm>> -> memref<1x160x128xi32, #tpu.memory_space<hbm>>
      %dma_wait3A_98 = tpu.memref_squeeze %dma_wait3A_97 : memref<1x160x128xi32, #tpu.memory_space<hbm>> -> memref<160x128xi32, #tpu.memory_space<hbm>>
      %dma_wait3A_99 = arith.constant 0 : i32
      %dma_wait3A_100 = arith.constant 0 : i32
      %dma_wait3A_101 = tpu.memref_slice %arg3[%arg1, %dma_wait3A_99, %dma_wait3A_100] : memref<16x160x128xi32, #tpu.memory_space<hbm>> -> memref<1x160x128xi32, #tpu.memory_space<hbm>>
      %dma_wait3A_102 = tpu.memref_squeeze %dma_wait3A_101 : memref<1x160x128xi32, #tpu.memory_space<hbm>> -> memref<160x128xi32, #tpu.memory_space<hbm>>
      tpu.wait_dma2 semaphore(%run_scoped3A : memref<!tpu.dma_semaphore, #tpu.memory_space<semaphore_mem>>) src(%dma_wait3A_102 : memref<160x128xi32, #tpu.memory_space<hbm>>) dst(%arg6 : memref<160x128xi32, #tpu.memory_space<vmem>>)
      tpu.yield
    }) : () -> ()
    "tpu.region"() ({
      %run_scoped3A = tpu.sem_alloc : memref<!tpu.dma_semaphore, #tpu.memory_space<semaphore_mem>>
      %dma_start3A_88 = arith.constant 0 : i32
      %dma_start3A_89 = arith.constant 0 : i32
      %dma_start3A_90 = tpu.memref_slice %arg4[%arg1, %dma_start3A_88, %dma_start3A_89] : memref<16x160x128xi32, #tpu.memory_space<hbm>> -> memref<1x160x128xi32, #tpu.memory_space<hbm>>
      %dma_start3A_91 = tpu.memref_squeeze %dma_start3A_90 : memref<1x160x128xi32, #tpu.memory_space<hbm>> -> memref<160x128xi32, #tpu.memory_space<hbm>>
      %dma_start3A_92 = arith.constant 0 : i32
      %dma_start3A_93 = arith.constant 0 : i32
      %dma_start3A_94 = tpu.memref_slice %arg4[%arg1, %dma_start3A_92, %dma_start3A_93] : memref<16x160x128xi32, #tpu.memory_space<hbm>> -> memref<1x160x128xi32, #tpu.memory_space<hbm>>
      %dma_start3A_95 = tpu.memref_squeeze %dma_start3A_94 : memref<1x160x128xi32, #tpu.memory_space<hbm>> -> memref<160x128xi32, #tpu.memory_space<hbm>>
      tpu.enqueue_dma source(%dma_start3A_95 : memref<160x128xi32, #tpu.memory_space<hbm>>) target(%arg7 : memref<160x128xi32, #tpu.memory_space<vmem>>) target_semaphore(%run_scoped3A : memref<!tpu.dma_semaphore, #tpu.memory_space<semaphore_mem>>)
      %dma_wait3A = arith.constant 0 : i32
      %dma_wait3A_96 = arith.constant 0 : i32
      %dma_wait3A_97 = tpu.memref_slice %arg4[%arg1, %dma_wait3A, %dma_wait3A_96] : memref<16x160x128xi32, #tpu.memory_space<hbm>> -> memref<1x160x128xi32, #tpu.memory_space<hbm>>
      %dma_wait3A_98 = tpu.memref_squeeze %dma_wait3A_97 : memref<1x160x128xi32, #tpu.memory_space<hbm>> -> memref<160x128xi32, #tpu.memory_space<hbm>>
      %dma_wait3A_99 = arith.constant 0 : i32
      %dma_wait3A_100 = arith.constant 0 : i32
      %dma_wait3A_101 = tpu.memref_slice %arg4[%arg1, %dma_wait3A_99, %dma_wait3A_100] : memref<16x160x128xi32, #tpu.memory_space<hbm>> -> memref<1x160x128xi32, #tpu.memory_space<hbm>>
      %dma_wait3A_102 = tpu.memref_squeeze %dma_wait3A_101 : memref<1x160x128xi32, #tpu.memory_space<hbm>> -> memref<160x128xi32, #tpu.memory_space<hbm>>
      tpu.wait_dma2 semaphore(%run_scoped3A : memref<!tpu.dma_semaphore, #tpu.memory_space<semaphore_mem>>) src(%dma_wait3A_102 : memref<160x128xi32, #tpu.memory_space<hbm>>) dst(%arg7 : memref<160x128xi32, #tpu.memory_space<vmem>>)
      tpu.yield
    }) : () -> ()
    %broadcast_in_dim3A = arith.constant 0.000000e+00 : f32
    %broadcast_in_dim3A_1 = vector.broadcast %broadcast_in_dim3A : f32 to vector<16xf32>
    %scan3A = arith.constant 0 : i32
    %scan3A_2 = arith.constant 0 : i32
    %scan3A_3 = arith.constant 128 : i32
    %scan3A_4 = arith.addi %scan3A_2, %scan3A_3 : i32
    %scan3A_5 = arith.constant 1 : i32
    %scan3A_6 = scf.for %scan3A_88 = %scan3A_2 to %scan3A_4 step %scan3A_5 iter_args(%scan3A_89 = %scan3A) -> (i32)  : i32 {
      %swap3A = arith.index_cast %scan3A_88 : i32 to index
      %swap3A_90 = arith.constant 0 : index
      %swap3A_91 = tpu.vector_load %arg8[%swap3A, %swap3A_90] {strides = array<i32>} : memref<128x64xf32, #tpu.memory_space<vmem>>, vector<1x16xf32>,
      %swap3A_92 = vector.shape_cast %swap3A_91 : vector<1x16xf32> to vector<16xf32>
      %swap3A_93 = vector.shape_cast %broadcast_in_dim3A_1 : vector<16xf32> to vector<1x16xf32>
      tpu.vector_store %arg8[%swap3A, %swap3A_90], %swap3A_93 {strides = array<i32>} : memref<128x64xf32, #tpu.memory_space<vmem>>, vector<1x16xf32>,
      %swap3A_94 = arith.index_cast %scan3A_88 : i32 to index
      %swap3A_95 = arith.constant 16 : index
      %swap3A_96 = tpu.vector_load %arg8[%swap3A_94, %swap3A_95] {strides = array<i32>} : memref<128x64xf32, #tpu.memory_space<vmem>>, vector<1x16xf32>,
      %swap3A_97 = vector.shape_cast %swap3A_96 : vector<1x16xf32> to vector<16xf32>
      %swap3A_98 = vector.shape_cast %broadcast_in_dim3A_1 : vector<16xf32> to vector<1x16xf32>
      tpu.vector_store %arg8[%swap3A_94, %swap3A_95], %swap3A_98 {strides = array<i32>} : memref<128x64xf32, #tpu.memory_space<vmem>>, vector<1x16xf32>,
      %swap3A_99 = arith.index_cast %scan3A_88 : i32 to index
      %swap3A_100 = arith.constant 32 : index
      %swap3A_101 = tpu.vector_load %arg8[%swap3A_99, %swap3A_100] {strides = array<i32>} : memref<128x64xf32, #tpu.memory_space<vmem>>, vector<1x16xf32>,
      %swap3A_102 = vector.shape_cast %swap3A_101 : vector<1x16xf32> to vector<16xf32>
      %swap3A_103 = vector.shape_cast %broadcast_in_dim3A_1 : vector<16xf32> to vector<1x16xf32>
      tpu.vector_store %arg8[%swap3A_99, %swap3A_100], %swap3A_103 {strides = array<i32>} : memref<128x64xf32, #tpu.memory_space<vmem>>, vector<1x16xf32>,
      %swap3A_104 = arith.index_cast %scan3A_88 : i32 to index
      %swap3A_105 = arith.constant 48 : index
      %swap3A_106 = tpu.vector_load %arg8[%swap3A_104, %swap3A_105] {strides = array<i32>} : memref<128x64xf32, #tpu.memory_space<vmem>>, vector<1x16xf32>,
      %swap3A_107 = vector.shape_cast %swap3A_106 : vector<1x16xf32> to vector<16xf32>
      %swap3A_108 = vector.shape_cast %broadcast_in_dim3A_1 : vector<16xf32> to vector<1x16xf32>
      tpu.vector_store %arg8[%swap3A_104, %swap3A_105], %swap3A_108 {strides = array<i32>} : memref<128x64xf32, #tpu.memory_space<vmem>>, vector<1x16xf32>,
      %scan3A_109 = arith.constant 0 : i32
      scf.yield %scan3A_109 : i32
    }
    %scan3A_7 = arith.constant 128 : i32
    %add3A = arith.constant 0 : i32
    %add3A_8 = arith.addi %mul3A_0, %add3A : i32
    "tpu.region"() ({
      %run_scoped3A = tpu.sem_alloc : memref<!tpu.dma_semaphore, #tpu.memory_space<semaphore_mem>>
      %dma_start3A_88 = arith.constant 0 : i32
      %dma_start3A_89 = arith.constant 0 : i32
      %dma_start3A_90 = tpu.memref_slice %arg8[%dma_start3A_88, %dma_start3A_89] : memref<128x64xf32, #tpu.memory_space<vmem>> -> memref<128x64xf32, #tpu.memory_space<vmem>>
      %dma_start3A_91 = arith.constant 0 : i32
      %dma_start3A_92 = tpu.memref_slice %arg12[%add3A_8, %dma_start3A_91] : memref<10112x64xf32, #tpu.memory_space<vmem_shared>> -> memref<128x64xf32, #tpu.memory_space<vmem_shared>>
      %dma_start3A_93 = arith.constant 0 : i32
      %dma_start3A_94 = tpu.memref_slice %arg12[%add3A_8, %dma_start3A_93] : memref<10112x64xf32, #tpu.memory_space<vmem_shared>> -> memref<128x64xf32, #tpu.memory_space<vmem_shared>>
      %dma_start3A_95 = arith.constant 0 : i32
      %dma_start3A_96 = arith.constant 0 : i32
      %dma_start3A_97 = tpu.memref_slice %arg8[%dma_start3A_95, %dma_start3A_96] : memref<128x64xf32, #tpu.memory_space<vmem>> -> memref<128x64xf32, #tpu.memory_space<vmem>>
      tpu.enqueue_dma source(%dma_start3A_97 : memref<128x64xf32, #tpu.memory_space<vmem>>) target(%dma_start3A_94 : memref<128x64xf32, #tpu.memory_space<vmem_shared>>) target_semaphore(%run_scoped3A : memref<!tpu.dma_semaphore, #tpu.memory_space<semaphore_mem>>)
      %dma_wait3A = arith.constant 0 : i32
      %dma_wait3A_98 = arith.constant 0 : i32
      %dma_wait3A_99 = tpu.memref_slice %arg8[%dma_wait3A, %dma_wait3A_98] : memref<128x64xf32, #tpu.memory_space<vmem>> -> memref<128x64xf32, #tpu.memory_space<vmem>>
      %dma_wait3A_100 = arith.constant 0 : i32
      %dma_wait3A_101 = tpu.memref_slice %arg12[%add3A_8, %dma_wait3A_100] : memref<10112x64xf32, #tpu.memory_space<vmem_shared>> -> memref<128x64xf32, #tpu.memory_space<vmem_shared>>
      %dma_wait3A_102 = arith.constant 0 : i32
      %dma_wait3A_103 = tpu.memref_slice %arg12[%add3A_8, %dma_wait3A_102] : memref<10112x64xf32, #tpu.memory_space<vmem_shared>> -> memref<128x64xf32, #tpu.memory_space<vmem_shared>>
      %dma_wait3A_104 = arith.constant 0 : i32
      %dma_wait3A_105 = arith.constant 0 : i32
      %dma_wait3A_106 = tpu.memref_slice %arg8[%dma_wait3A_104, %dma_wait3A_105] : memref<128x64xf32, #tpu.memory_space<vmem>> -> memref<128x64xf32, #tpu.memory_space<vmem>>
      tpu.wait_dma2 semaphore(%run_scoped3A : memref<!tpu.dma_semaphore, #tpu.memory_space<semaphore_mem>>) src(%dma_wait3A_106 : memref<128x64xf32, #tpu.memory_space<vmem>>) dst(%dma_wait3A_103 : memref<128x64xf32, #tpu.memory_space<vmem_shared>>)
      tpu.yield
    }) : () -> ()
    %add3A_9 = arith.constant 128 : i32
    %add3A_10 = arith.addi %mul3A_0, %add3A_9 : i32
    "tpu.region"() ({
      %run_scoped3A = tpu.sem_alloc : memref<!tpu.dma_semaphore, #tpu.memory_space<semaphore_mem>>
      %dma_start3A_88 = arith.constant 0 : i32
      %dma_start3A_89 = arith.constant 0 : i32
      %dma_start3A_90 = tpu.memref_slice %arg8[%dma_start3A_88, %dma_start3A_89] : memref<128x64xf32, #tpu.memory_space<vmem>> -> memref<128x64xf32, #tpu.memory_space<vmem>>
      %dma_start3A_91 = arith.constant 0 : i32
      %dma_start3A_92 = tpu.memref_slice %arg12[%add3A_10, %dma_start3A_91] : memref<10112x64xf32, #tpu.memory_space<vmem_shared>> -> memref<128x64xf32, #tpu.memory_space<vmem_shared>>
      %dma_start3A_93 = arith.constant 0 : i32
      %dma_start3A_94 = tpu.memref_slice %arg12[%add3A_10, %dma_start3A_93] : memref<10112x64xf32, #tpu.memory_space<vmem_shared>> -> memref<128x64xf32, #tpu.memory_space<vmem_shared>>
      %dma_start3A_95 = arith.constant 0 : i32
      %dma_start3A_96 = arith.constant 0 : i32
      %dma_start3A_97 = tpu.memref_slice %arg8[%dma_start3A_95, %dma_start3A_96] : memref<128x64xf32, #tpu.memory_space<vmem>> -> memref<128x64xf32, #tpu.memory_space<vmem>>
      tpu.enqueue_dma source(%dma_start3A_97 : memref<128x64xf32, #tpu.memory_space<vmem>>) target(%dma_start3A_94 : memref<128x64xf32, #tpu.memory_space<vmem_shared>>) target_semaphore(%run_scoped3A : memref<!tpu.dma_semaphore, #tpu.memory_space<semaphore_mem>>)
      %dma_wait3A = arith.constant 0 : i32
      %dma_wait3A_98 = arith.constant 0 : i32
      %dma_wait3A_99 = tpu.memref_slice %arg8[%dma_wait3A, %dma_wait3A_98] : memref<128x64xf32, #tpu.memory_space<vmem>> -> memref<128x64xf32, #tpu.memory_space<vmem>>
      %dma_wait3A_100 = arith.constant 0 : i32
      %dma_wait3A_101 = tpu.memref_slice %arg12[%add3A_10, %dma_wait3A_100] : memref<10112x64xf32, #tpu.memory_space<vmem_shared>> -> memref<128x64xf32, #tpu.memory_space<vmem_shared>>
      %dma_wait3A_102 = arith.constant 0 : i32
      %dma_wait3A_103 = tpu.memref_slice %arg12[%add3A_10, %dma_wait3A_102] : memref<10112x64xf32, #tpu.memory_space<vmem_shared>> -> memref<128x64xf32, #tpu.memory_space<vmem_shared>>
      %dma_wait3A_104 = arith.constant 0 : i32
      %dma_wait3A_105 = arith.constant 0 : i32
      %dma_wait3A_106 = tpu.memref_slice %arg8[%dma_wait3A_104, %dma_wait3A_105] : memref<128x64xf32, #tpu.memory_space<vmem>> -> memref<128x64xf32, #tpu.memory_space<vmem>>
      tpu.wait_dma2 semaphore(%run_scoped3A : memref<!tpu.dma_semaphore, #tpu.memory_space<semaphore_mem>>) src(%dma_wait3A_106 : memref<128x64xf32, #tpu.memory_space<vmem>>) dst(%dma_wait3A_103 : memref<128x64xf32, #tpu.memory_space<vmem_shared>>)
      tpu.yield
    }) : () -> ()
    %add3A_11 = arith.constant 256 : i32
    %add3A_12 = arith.addi %mul3A_0, %add3A_11 : i32
    "tpu.region"() ({
      %run_scoped3A = tpu.sem_alloc : memref<!tpu.dma_semaphore, #tpu.memory_space<semaphore_mem>>
      %dma_start3A_88 = arith.constant 0 : i32
      %dma_start3A_89 = arith.constant 0 : i32
      %dma_start3A_90 = tpu.memref_slice %arg8[%dma_start3A_88, %dma_start3A_89] : memref<128x64xf32, #tpu.memory_space<vmem>> -> memref<128x64xf32, #tpu.memory_space<vmem>>
      %dma_start3A_91 = arith.constant 0 : i32
      %dma_start3A_92 = tpu.memref_slice %arg12[%add3A_12, %dma_start3A_91] : memref<10112x64xf32, #tpu.memory_space<vmem_shared>> -> memref<128x64xf32, #tpu.memory_space<vmem_shared>>
      %dma_start3A_93 = arith.constant 0 : i32
      %dma_start3A_94 = tpu.memref_slice %arg12[%add3A_12, %dma_start3A_93] : memref<10112x64xf32, #tpu.memory_space<vmem_shared>> -> memref<128x64xf32, #tpu.memory_space<vmem_shared>>
      %dma_start3A_95 = arith.constant 0 : i32
      %dma_start3A_96 = arith.constant 0 : i32
      %dma_start3A_97 = tpu.memref_slice %arg8[%dma_start3A_95, %dma_start3A_96] : memref<128x64xf32, #tpu.memory_space<vmem>> -> memref<128x64xf32, #tpu.memory_space<vmem>>
      tpu.enqueue_dma source(%dma_start3A_97 : memref<128x64xf32, #tpu.memory_space<vmem>>) target(%dma_start3A_94 : memref<128x64xf32, #tpu.memory_space<vmem_shared>>) target_semaphore(%run_scoped3A : memref<!tpu.dma_semaphore, #tpu.memory_space<semaphore_mem>>)
      %dma_wait3A = arith.constant 0 : i32
      %dma_wait3A_98 = arith.constant 0 : i32
      %dma_wait3A_99 = tpu.memref_slice %arg8[%dma_wait3A, %dma_wait3A_98] : memref<128x64xf32, #tpu.memory_space<vmem>> -> memref<128x64xf32, #tpu.memory_space<vmem>>
      %dma_wait3A_100 = arith.constant 0 : i32
      %dma_wait3A_101 = tpu.memref_slice %arg12[%add3A_12, %dma_wait3A_100] : memref<10112x64xf32, #tpu.memory_space<vmem_shared>> -> memref<128x64xf32, #tpu.memory_space<vmem_shared>>
      %dma_wait3A_102 = arith.constant 0 : i32
      %dma_wait3A_103 = tpu.memref_slice %arg12[%add3A_12, %dma_wait3A_102] : memref<10112x64xf32, #tpu.memory_space<vmem_shared>> -> memref<128x64xf32, #tpu.memory_space<vmem_shared>>
      %dma_wait3A_104 = arith.constant 0 : i32
      %dma_wait3A_105 = arith.constant 0 : i32
      %dma_wait3A_106 = tpu.memref_slice %arg8[%dma_wait3A_104, %dma_wait3A_105] : memref<128x64xf32, #tpu.memory_space<vmem>> -> memref<128x64xf32, #tpu.memory_space<vmem>>
      tpu.wait_dma2 semaphore(%run_scoped3A : memref<!tpu.dma_semaphore, #tpu.memory_space<semaphore_mem>>) src(%dma_wait3A_106 : memref<128x64xf32, #tpu.memory_space<vmem>>) dst(%dma_wait3A_103 : memref<128x64xf32, #tpu.memory_space<vmem_shared>>)
      tpu.yield
    }) : () -> ()
    %add3A_13 = arith.constant 384 : i32
    %add3A_14 = arith.addi %mul3A_0, %add3A_13 : i32
    "tpu.region"() ({
      %run_scoped3A = tpu.sem_alloc : memref<!tpu.dma_semaphore, #tpu.memory_space<semaphore_mem>>
      %dma_start3A_88 = arith.constant 0 : i32
      %dma_start3A_89 = arith.constant 0 : i32
      %dma_start3A_90 = tpu.memref_slice %arg8[%dma_start3A_88, %dma_start3A_89] : memref<128x64xf32, #tpu.memory_space<vmem>> -> memref<128x64xf32, #tpu.memory_space<vmem>>
      %dma_start3A_91 = arith.constant 0 : i32
      %dma_start3A_92 = tpu.memref_slice %arg12[%add3A_14, %dma_start3A_91] : memref<10112x64xf32, #tpu.memory_space<vmem_shared>> -> memref<128x64xf32, #tpu.memory_space<vmem_shared>>
      %dma_start3A_93 = arith.constant 0 : i32
      %dma_start3A_94 = tpu.memref_slice %arg12[%add3A_14, %dma_start3A_93] : memref<10112x64xf32, #tpu.memory_space<vmem_shared>> -> memref<128x64xf32, #tpu.memory_space<vmem_shared>>
      %dma_start3A_95 = arith.constant 0 : i32
      %dma_start3A_96 = arith.constant 0 : i32
      %dma_start3A_97 = tpu.memref_slice %arg8[%dma_start3A_95, %dma_start3A_96] : memref<128x64xf32, #tpu.memory_space<vmem>> -> memref<128x64xf32, #tpu.memory_space<vmem>>
      tpu.enqueue_dma source(%dma_start3A_97 : memref<128x64xf32, #tpu.memory_space<vmem>>) target(%dma_start3A_94 : memref<128x64xf32, #tpu.memory_space<vmem_shared>>) target_semaphore(%run_scoped3A : memref<!tpu.dma_semaphore, #tpu.memory_space<semaphore_mem>>)
      %dma_wait3A = arith.constant 0 : i32
      %dma_wait3A_98 = arith.constant 0 : i32
      %dma_wait3A_99 = tpu.memref_slice %arg8[%dma_wait3A, %dma_wait3A_98] : memref<128x64xf32, #tpu.memory_space<vmem>> -> memref<128x64xf32, #tpu.memory_space<vmem>>
      %dma_wait3A_100 = arith.constant 0 : i32
      %dma_wait3A_101 = tpu.memref_slice %arg12[%add3A_14, %dma_wait3A_100] : memref<10112x64xf32, #tpu.memory_space<vmem_shared>> -> memref<128x64xf32, #tpu.memory_space<vmem_shared>>
      %dma_wait3A_102 = arith.constant 0 : i32
      %dma_wait3A_103 = tpu.memref_slice %arg12[%add3A_14, %dma_wait3A_102] : memref<10112x64xf32, #tpu.memory_space<vmem_shared>> -> memref<128x64xf32, #tpu.memory_space<vmem_shared>>
      %dma_wait3A_104 = arith.constant 0 : i32
      %dma_wait3A_105 = arith.constant 0 : i32
      %dma_wait3A_106 = tpu.memref_slice %arg8[%dma_wait3A_104, %dma_wait3A_105] : memref<128x64xf32, #tpu.memory_space<vmem>> -> memref<128x64xf32, #tpu.memory_space<vmem>>
      tpu.wait_dma2 semaphore(%run_scoped3A : memref<!tpu.dma_semaphore, #tpu.memory_space<semaphore_mem>>) src(%dma_wait3A_106 : memref<128x64xf32, #tpu.memory_space<vmem>>) dst(%dma_wait3A_103 : memref<128x64xf32, #tpu.memory_space<vmem_shared>>)
      tpu.yield
    }) : () -> ()
    %add3A_15 = arith.constant 512 : i32
    %add3A_16 = arith.addi %mul3A_0, %add3A_15 : i32
    "tpu.region"() ({
      %run_scoped3A = tpu.sem_alloc : memref<!tpu.dma_semaphore, #tpu.memory_space<semaphore_mem>>
      %dma_start3A_88 = arith.constant 0 : i32
      %dma_start3A_89 = arith.constant 0 : i32
      %dma_start3A_90 = tpu.memref_slice %arg8[%dma_start3A_88, %dma_start3A_89] : memref<128x64xf32, #tpu.memory_space<vmem>> -> memref<120x64xf32, #tpu.memory_space<vmem>>
      %dma_start3A_91 = arith.constant 0 : i32
      %dma_start3A_92 = tpu.memref_slice %arg12[%add3A_16, %dma_start3A_91] : memref<10112x64xf32, #tpu.memory_space<vmem_shared>> -> memref<120x64xf32, #tpu.memory_space<vmem_shared>>
      %dma_start3A_93 = arith.constant 0 : i32
      %dma_start3A_94 = tpu.memref_slice %arg12[%add3A_16, %dma_start3A_93] : memref<10112x64xf32, #tpu.memory_space<vmem_shared>> -> memref<120x64xf32, #tpu.memory_space<vmem_shared>>
      %dma_start3A_95 = arith.constant 0 : i32
      %dma_start3A_96 = arith.constant 0 : i32
      %dma_start3A_97 = tpu.memref_slice %arg8[%dma_start3A_95, %dma_start3A_96] : memref<128x64xf32, #tpu.memory_space<vmem>> -> memref<120x64xf32, #tpu.memory_space<vmem>>
      tpu.enqueue_dma source(%dma_start3A_97 : memref<120x64xf32, #tpu.memory_space<vmem>>) target(%dma_start3A_94 : memref<120x64xf32, #tpu.memory_space<vmem_shared>>) target_semaphore(%run_scoped3A : memref<!tpu.dma_semaphore, #tpu.memory_space<semaphore_mem>>)
      %dma_wait3A = arith.constant 0 : i32
      %dma_wait3A_98 = arith.constant 0 : i32
      %dma_wait3A_99 = tpu.memref_slice %arg8[%dma_wait3A, %dma_wait3A_98] : memref<128x64xf32, #tpu.memory_space<vmem>> -> memref<120x64xf32, #tpu.memory_space<vmem>>
      %dma_wait3A_100 = arith.constant 0 : i32
      %dma_wait3A_101 = tpu.memref_slice %arg12[%add3A_16, %dma_wait3A_100] : memref<10112x64xf32, #tpu.memory_space<vmem_shared>> -> memref<120x64xf32, #tpu.memory_space<vmem_shared>>
      %dma_wait3A_102 = arith.constant 0 : i32
      %dma_wait3A_103 = tpu.memref_slice %arg12[%add3A_16, %dma_wait3A_102] : memref<10112x64xf32, #tpu.memory_space<vmem_shared>> -> memref<120x64xf32, #tpu.memory_space<vmem_shared>>
      %dma_wait3A_104 = arith.constant 0 : i32
      %dma_wait3A_105 = arith.constant 0 : i32
      %dma_wait3A_106 = tpu.memref_slice %arg8[%dma_wait3A_104, %dma_wait3A_105] : memref<128x64xf32, #tpu.memory_space<vmem>> -> memref<120x64xf32, #tpu.memory_space<vmem>>
      tpu.wait_dma2 semaphore(%run_scoped3A : memref<!tpu.dma_semaphore, #tpu.memory_space<semaphore_mem>>) src(%dma_wait3A_106 : memref<120x64xf32, #tpu.memory_space<vmem>>) dst(%dma_wait3A_103 : memref<120x64xf32, #tpu.memory_space<vmem_shared>>)
      tpu.yield
    }) : () -> ()
    %barrier3A = arith.constant 0 : index
    tpu.barrier barrier_id(%barrier3A)
    %dma_start3A = arith.constant 0 : i32
    %dma_start3A_17 = arith.constant 0 : i32
    %dma_start3A_18 = tpu.memref_slice %arg6[%dma_start3A, %dma_start3A_17] : memref<160x128xi32, #tpu.memory_space<vmem>> -> memref<1x128xi32, #tpu.memory_space<vmem>>
    %dma_start3A_19 = tpu.memref_squeeze %dma_start3A_18 : memref<1x128xi32, #tpu.memory_space<vmem>> -> memref<128xi32, #tpu.memory_space<vmem>>
    %dma_start3A_20 = arith.constant 0 : i32
    %dma_start3A_21 = arith.constant 0 : i32
    %dma_start3A_22 = tpu.memref_slice %arg2[%arg0, %dma_start3A_20, %dma_start3A_21] : memref<2x10000x64xf32, #tpu.memory_space<hbm>> -> memref<1x10000x64xf32, #tpu.memory_space<hbm>>
    %dma_start3A_23 = tpu.memref_squeeze %dma_start3A_22 : memref<1x10000x64xf32, #tpu.memory_space<hbm>> -> memref<10000x64xf32, #tpu.memory_space<hbm>>
    %dma_start3A_24 = arith.constant 0 : i32
    %dma_start3A_25 = arith.constant 0 : i32
    %dma_start3A_26 = tpu.memref_slice %dma_start3A_23[%dma_start3A_24, %dma_start3A_25] : memref<10000x64xf32, #tpu.memory_space<hbm>> -> memref<10000x64xf32, #tpu.memory_space<hbm>>
    tpu.enqueue_indirect_dma source(%dma_start3A_26 : memref<10000x64xf32, #tpu.memory_space<hbm>>) target(%arg8 : memref<128x64xf32, #tpu.memory_space<vmem>>) offsets(%dma_start3A_19 : memref<128xi32, #tpu.memory_space<vmem>>) semaphore(%arg13 : memref<!tpu.dma_semaphore, #tpu.memory_space<semaphore_mem>>)
    %dma_start3A_27 = arith.constant 1 : i32
    %dma_start3A_28 = arith.constant 0 : i32
    %dma_start3A_29 = tpu.memref_slice %arg6[%dma_start3A_27, %dma_start3A_28] : memref<160x128xi32, #tpu.memory_space<vmem>> -> memref<1x128xi32, #tpu.memory_space<vmem>>
    %dma_start3A_30 = tpu.memref_squeeze %dma_start3A_29 : memref<1x128xi32, #tpu.memory_space<vmem>> -> memref<128xi32, #tpu.memory_space<vmem>>
    %dma_start3A_31 = arith.constant 0 : i32
    %dma_start3A_32 = arith.constant 0 : i32
    %dma_start3A_33 = tpu.memref_slice %arg2[%arg0, %dma_start3A_31, %dma_start3A_32] : memref<2x10000x64xf32, #tpu.memory_space<hbm>> -> memref<1x10000x64xf32, #tpu.memory_space<hbm>>
    %dma_start3A_34 = tpu.memref_squeeze %dma_start3A_33 : memref<1x10000x64xf32, #tpu.memory_space<hbm>> -> memref<10000x64xf32, #tpu.memory_space<hbm>>
    %dma_start3A_35 = arith.constant 0 : i32
    %dma_start3A_36 = arith.constant 0 : i32
    %dma_start3A_37 = tpu.memref_slice %dma_start3A_34[%dma_start3A_35, %dma_start3A_36] : memref<10000x64xf32, #tpu.memory_space<hbm>> -> memref<10000x64xf32, #tpu.memory_space<hbm>>
    tpu.enqueue_indirect_dma source(%dma_start3A_37 : memref<10000x64xf32, #tpu.memory_space<hbm>>) target(%arg9 : memref<128x64xf32, #tpu.memory_space<vmem>>) offsets(%dma_start3A_30 : memref<128xi32, #tpu.memory_space<vmem>>) semaphore(%arg14 : memref<!tpu.dma_semaphore, #tpu.memory_space<semaphore_mem>>)
    %dma_start3A_38 = arith.constant 2 : i32
    %dma_start3A_39 = arith.constant 0 : i32
    %dma_start3A_40 = tpu.memref_slice %arg6[%dma_start3A_38, %dma_start3A_39] : memref<160x128xi32, #tpu.memory_space<vmem>> -> memref<1x128xi32, #tpu.memory_space<vmem>>
    %dma_start3A_41 = tpu.memref_squeeze %dma_start3A_40 : memref<1x128xi32, #tpu.memory_space<vmem>> -> memref<128xi32, #tpu.memory_space<vmem>>
    %dma_start3A_42 = arith.constant 0 : i32
    %dma_start3A_43 = arith.constant 0 : i32
    %dma_start3A_44 = tpu.memref_slice %arg2[%arg0, %dma_start3A_42, %dma_start3A_43] : memref<2x10000x64xf32, #tpu.memory_space<hbm>> -> memref<1x10000x64xf32, #tpu.memory_space<hbm>>
    %dma_start3A_45 = tpu.memref_squeeze %dma_start3A_44 : memref<1x10000x64xf32, #tpu.memory_space<hbm>> -> memref<10000x64xf32, #tpu.memory_space<hbm>>
    %dma_start3A_46 = arith.constant 0 : i32
    %dma_start3A_47 = arith.constant 0 : i32
    %dma_start3A_48 = tpu.memref_slice %dma_start3A_45[%dma_start3A_46, %dma_start3A_47] : memref<10000x64xf32, #tpu.memory_space<hbm>> -> memref<10000x64xf32, #tpu.memory_space<hbm>>
    tpu.enqueue_indirect_dma source(%dma_start3A_48 : memref<10000x64xf32, #tpu.memory_space<hbm>>) target(%arg10 : memref<128x64xf32, #tpu.memory_space<vmem>>) offsets(%dma_start3A_41 : memref<128xi32, #tpu.memory_space<vmem>>) semaphore(%arg15 : memref<!tpu.dma_semaphore, #tpu.memory_space<semaphore_mem>>)
    %dma_start3A_49 = arith.constant 3 : i32
    %dma_start3A_50 = arith.constant 0 : i32
    %dma_start3A_51 = tpu.memref_slice %arg6[%dma_start3A_49, %dma_start3A_50] : memref<160x128xi32, #tpu.memory_space<vmem>> -> memref<1x128xi32, #tpu.memory_space<vmem>>
    %dma_start3A_52 = tpu.memref_squeeze %dma_start3A_51 : memref<1x128xi32, #tpu.memory_space<vmem>> -> memref<128xi32, #tpu.memory_space<vmem>>
    %dma_start3A_53 = arith.constant 0 : i32
    %dma_start3A_54 = arith.constant 0 : i32
    %dma_start3A_55 = tpu.memref_slice %arg2[%arg0, %dma_start3A_53, %dma_start3A_54] : memref<2x10000x64xf32, #tpu.memory_space<hbm>> -> memref<1x10000x64xf32, #tpu.memory_space<hbm>>
    %dma_start3A_56 = tpu.memref_squeeze %dma_start3A_55 : memref<1x10000x64xf32, #tpu.memory_space<hbm>> -> memref<10000x64xf32, #tpu.memory_space<hbm>>
    %dma_start3A_57 = arith.constant 0 : i32
    %dma_start3A_58 = arith.constant 0 : i32
    %dma_start3A_59 = tpu.memref_slice %dma_start3A_56[%dma_start3A_57, %dma_start3A_58] : memref<10000x64xf32, #tpu.memory_space<hbm>> -> memref<10000x64xf32, #tpu.memory_space<hbm>>
    tpu.enqueue_indirect_dma source(%dma_start3A_59 : memref<10000x64xf32, #tpu.memory_space<hbm>>) target(%arg11 : memref<128x64xf32, #tpu.memory_space<vmem>>) offsets(%dma_start3A_52 : memref<128xi32, #tpu.memory_space<vmem>>) semaphore(%arg16 : memref<!tpu.dma_semaphore, #tpu.memory_space<semaphore_mem>>)
    %scan3A_60 = arith.constant 0 : i32
    %scan3A_61 = arith.constant 0 : i32
    %scan3A_62 = arith.constant 40 : i32
    %scan3A_63 = arith.addi %scan3A_61, %scan3A_62 : i32
    %scan3A_64 = arith.constant 1 : i32
    %scan3A_65 = scf.for %scan3A_88 = %scan3A_61 to %scan3A_63 step %scan3A_64 iter_args(%scan3A_89 = %scan3A_60) -> (i32)  : i32 {
      %mul3A_90 = arith.constant 4 : i32
      %mul3A_91 = arith.muli %mul3A_90, %scan3A_88 : i32
      %add3A_92 = arith.constant 0 : i32
      %add3A_93 = arith.addi %mul3A_91, %add3A_92 : i32
      %dma_wait3A = arith.constant 0 : i32
      %dma_wait3A_94 = tpu.memref_slice %arg6[%add3A_93, %dma_wait3A] : memref<160x128xi32, #tpu.memory_space<vmem>> -> memref<1x128xi32, #tpu.memory_space<vmem>>
      %dma_wait3A_95 = tpu.memref_squeeze %dma_wait3A_94 : memref<1x128xi32, #tpu.memory_space<vmem>> -> memref<128xi32, #tpu.memory_space<vmem>>
      %dma_wait3A_96 = arith.constant 0 : i32
      %dma_wait3A_97 = arith.constant 0 : i32
      %dma_wait3A_98 = tpu.memref_slice %arg2[%arg0, %dma_wait3A_96, %dma_wait3A_97] : memref<2x10000x64xf32, #tpu.memory_space<hbm>> -> memref<1x10000x64xf32, #tpu.memory_space<hbm>>
      %dma_wait3A_99 = tpu.memref_squeeze %dma_wait3A_98 : memref<1x10000x64xf32, #tpu.memory_space<hbm>> -> memref<10000x64xf32, #tpu.memory_space<hbm>>
      %dma_wait3A_100 = arith.constant 0 : i32
      %dma_wait3A_101 = arith.constant 0 : i32
      %dma_wait3A_102 = tpu.memref_slice %dma_wait3A_99[%dma_wait3A_100, %dma_wait3A_101] : memref<10000x64xf32, #tpu.memory_space<hbm>> -> memref<10000x64xf32, #tpu.memory_space<hbm>>
      tpu.wait_indirect_dma semaphore(%arg13 : memref<!tpu.dma_semaphore, #tpu.memory_space<semaphore_mem>>) src(%dma_wait3A_102 : memref<10000x64xf32, #tpu.memory_space<hbm>>) dst(%arg8 : memref<128x64xf32, #tpu.memory_space<vmem>>)
      %add3A_103 = arith.constant 0 : i32
      %add3A_104 = arith.addi %mul3A_91, %add3A_103 : i32
      %dma_start3A_105 = arith.constant 0 : i32
      %dma_start3A_106 = tpu.memref_slice %arg7[%add3A_104, %dma_start3A_105] : memref<160x128xi32, #tpu.memory_space<vmem>> -> memref<1x128xi32, #tpu.memory_space<vmem>>
      %dma_start3A_107 = tpu.memref_squeeze %dma_start3A_106 : memref<1x128xi32, #tpu.memory_space<vmem>> -> memref<128xi32, #tpu.memory_space<vmem>>
      %dma_start3A_108 = arith.constant 0 : i32
      %dma_start3A_109 = arith.constant 0 : i32
      %dma_start3A_110 = tpu.memref_slice %arg12[%dma_start3A_108, %dma_start3A_109] : memref<10112x64xf32, #tpu.memory_space<vmem_shared>> -> memref<10112x64xf32, #tpu.memory_space<vmem_shared>>
      tpu.enqueue_indirect_dma source(%arg8 : memref<128x64xf32, #tpu.memory_space<vmem>>) target(%dma_start3A_110 : memref<10112x64xf32, #tpu.memory_space<vmem_shared>>) offsets(%dma_start3A_107 : memref<128xi32, #tpu.memory_space<vmem>>) semaphore(%arg17 : memref<!tpu.dma_semaphore, #tpu.memory_space<semaphore_mem>>) {add = true}
      %add3A_111 = arith.constant 1 : i32
      %add3A_112 = arith.addi %mul3A_91, %add3A_111 : i32
      %dma_wait3A_113 = arith.constant 0 : i32
      %dma_wait3A_114 = tpu.memref_slice %arg6[%add3A_112, %dma_wait3A_113] : memref<160x128xi32, #tpu.memory_space<vmem>> -> memref<1x128xi32, #tpu.memory_space<vmem>>
      %dma_wait3A_115 = tpu.memref_squeeze %dma_wait3A_114 : memref<1x128xi32, #tpu.memory_space<vmem>> -> memref<128xi32, #tpu.memory_space<vmem>>
      %dma_wait3A_116 = arith.constant 0 : i32
      %dma_wait3A_117 = arith.constant 0 : i32
      %dma_wait3A_118 = tpu.memref_slice %arg2[%arg0, %dma_wait3A_116, %dma_wait3A_117] : memref<2x10000x64xf32, #tpu.memory_space<hbm>> -> memref<1x10000x64xf32, #tpu.memory_space<hbm>>
      %dma_wait3A_119 = tpu.memref_squeeze %dma_wait3A_118 : memref<1x10000x64xf32, #tpu.memory_space<hbm>> -> memref<10000x64xf32, #tpu.memory_space<hbm>>
      %dma_wait3A_120 = arith.constant 0 : i32
      %dma_wait3A_121 = arith.constant 0 : i32
      %dma_wait3A_122 = tpu.memref_slice %dma_wait3A_119[%dma_wait3A_120, %dma_wait3A_121] : memref<10000x64xf32, #tpu.memory_space<hbm>> -> memref<10000x64xf32, #tpu.memory_space<hbm>>
      tpu.wait_indirect_dma semaphore(%arg14 : memref<!tpu.dma_semaphore, #tpu.memory_space<semaphore_mem>>) src(%dma_wait3A_122 : memref<10000x64xf32, #tpu.memory_space<hbm>>) dst(%arg9 : memref<128x64xf32, #tpu.memory_space<vmem>>)
      %add3A_123 = arith.constant 1 : i32
      %add3A_124 = arith.addi %mul3A_91, %add3A_123 : i32
      %dma_start3A_125 = arith.constant 0 : i32
      %dma_start3A_126 = tpu.memref_slice %arg7[%add3A_124, %dma_start3A_125] : memref<160x128xi32, #tpu.memory_space<vmem>> -> memref<1x128xi32, #tpu.memory_space<vmem>>
      %dma_start3A_127 = tpu.memref_squeeze %dma_start3A_126 : memref<1x128xi32, #tpu.memory_space<vmem>> -> memref<128xi32, #tpu.memory_space<vmem>>
      %dma_start3A_128 = arith.constant 0 : i32
      %dma_start3A_129 = arith.constant 0 : i32
      %dma_start3A_130 = tpu.memref_slice %arg12[%dma_start3A_128, %dma_start3A_129] : memref<10112x64xf32, #tpu.memory_space<vmem_shared>> -> memref<10112x64xf32, #tpu.memory_space<vmem_shared>>
      tpu.enqueue_indirect_dma source(%arg9 : memref<128x64xf32, #tpu.memory_space<vmem>>) target(%dma_start3A_130 : memref<10112x64xf32, #tpu.memory_space<vmem_shared>>) offsets(%dma_start3A_127 : memref<128xi32, #tpu.memory_space<vmem>>) semaphore(%arg18 : memref<!tpu.dma_semaphore, #tpu.memory_space<semaphore_mem>>) {add = true}
      %add3A_131 = arith.constant 2 : i32
      %add3A_132 = arith.addi %mul3A_91, %add3A_131 : i32
      %dma_wait3A_133 = arith.constant 0 : i32
      %dma_wait3A_134 = tpu.memref_slice %arg6[%add3A_132, %dma_wait3A_133] : memref<160x128xi32, #tpu.memory_space<vmem>> -> memref<1x128xi32, #tpu.memory_space<vmem>>
      %dma_wait3A_135 = tpu.memref_squeeze %dma_wait3A_134 : memref<1x128xi32, #tpu.memory_space<vmem>> -> memref<128xi32, #tpu.memory_space<vmem>>
      %dma_wait3A_136 = arith.constant 0 : i32
      %dma_wait3A_137 = arith.constant 0 : i32
      %dma_wait3A_138 = tpu.memref_slice %arg2[%arg0, %dma_wait3A_136, %dma_wait3A_137] : memref<2x10000x64xf32, #tpu.memory_space<hbm>> -> memref<1x10000x64xf32, #tpu.memory_space<hbm>>
      %dma_wait3A_139 = tpu.memref_squeeze %dma_wait3A_138 : memref<1x10000x64xf32, #tpu.memory_space<hbm>> -> memref<10000x64xf32, #tpu.memory_space<hbm>>
      %dma_wait3A_140 = arith.constant 0 : i32
      %dma_wait3A_141 = arith.constant 0 : i32
      %dma_wait3A_142 = tpu.memref_slice %dma_wait3A_139[%dma_wait3A_140, %dma_wait3A_141] : memref<10000x64xf32, #tpu.memory_space<hbm>> -> memref<10000x64xf32, #tpu.memory_space<hbm>>
      tpu.wait_indirect_dma semaphore(%arg15 : memref<!tpu.dma_semaphore, #tpu.memory_space<semaphore_mem>>) src(%dma_wait3A_142 : memref<10000x64xf32, #tpu.memory_space<hbm>>) dst(%arg10 : memref<128x64xf32, #tpu.memory_space<vmem>>)
      %add3A_143 = arith.constant 2 : i32
      %add3A_144 = arith.addi %mul3A_91, %add3A_143 : i32
      %dma_start3A_145 = arith.constant 0 : i32
      %dma_start3A_146 = tpu.memref_slice %arg7[%add3A_144, %dma_start3A_145] : memref<160x128xi32, #tpu.memory_space<vmem>> -> memref<1x128xi32, #tpu.memory_space<vmem>>
      %dma_start3A_147 = tpu.memref_squeeze %dma_start3A_146 : memref<1x128xi32, #tpu.memory_space<vmem>> -> memref<128xi32, #tpu.memory_space<vmem>>
      %dma_start3A_148 = arith.constant 0 : i32
      %dma_start3A_149 = arith.constant 0 : i32
      %dma_start3A_150 = tpu.memref_slice %arg12[%dma_start3A_148, %dma_start3A_149] : memref<10112x64xf32, #tpu.memory_space<vmem_shared>> -> memref<10112x64xf32, #tpu.memory_space<vmem_shared>>
      tpu.enqueue_indirect_dma source(%arg10 : memref<128x64xf32, #tpu.memory_space<vmem>>) target(%dma_start3A_150 : memref<10112x64xf32, #tpu.memory_space<vmem_shared>>) offsets(%dma_start3A_147 : memref<128xi32, #tpu.memory_space<vmem>>) semaphore(%arg19 : memref<!tpu.dma_semaphore, #tpu.memory_space<semaphore_mem>>) {add = true}
      %add3A_151 = arith.constant 3 : i32
      %add3A_152 = arith.addi %mul3A_91, %add3A_151 : i32
      %dma_wait3A_153 = arith.constant 0 : i32
      %dma_wait3A_154 = tpu.memref_slice %arg6[%add3A_152, %dma_wait3A_153] : memref<160x128xi32, #tpu.memory_space<vmem>> -> memref<1x128xi32, #tpu.memory_space<vmem>>
      %dma_wait3A_155 = tpu.memref_squeeze %dma_wait3A_154 : memref<1x128xi32, #tpu.memory_space<vmem>> -> memref<128xi32, #tpu.memory_space<vmem>>
      %dma_wait3A_156 = arith.constant 0 : i32
      %dma_wait3A_157 = arith.constant 0 : i32
      %dma_wait3A_158 = tpu.memref_slice %arg2[%arg0, %dma_wait3A_156, %dma_wait3A_157] : memref<2x10000x64xf32, #tpu.memory_space<hbm>> -> memref<1x10000x64xf32, #tpu.memory_space<hbm>>
      %dma_wait3A_159 = tpu.memref_squeeze %dma_wait3A_158 : memref<1x10000x64xf32, #tpu.memory_space<hbm>> -> memref<10000x64xf32, #tpu.memory_space<hbm>>
      %dma_wait3A_160 = arith.constant 0 : i32
      %dma_wait3A_161 = arith.constant 0 : i32
      %dma_wait3A_162 = tpu.memref_slice %dma_wait3A_159[%dma_wait3A_160, %dma_wait3A_161] : memref<10000x64xf32, #tpu.memory_space<hbm>> -> memref<10000x64xf32, #tpu.memory_space<hbm>>
      tpu.wait_indirect_dma semaphore(%arg16 : memref<!tpu.dma_semaphore, #tpu.memory_space<semaphore_mem>>) src(%dma_wait3A_162 : memref<10000x64xf32, #tpu.memory_space<hbm>>) dst(%arg11 : memref<128x64xf32, #tpu.memory_space<vmem>>)
      %add3A_163 = arith.constant 3 : i32
      %add3A_164 = arith.addi %mul3A_91, %add3A_163 : i32
      %dma_start3A_165 = arith.constant 0 : i32
      %dma_start3A_166 = tpu.memref_slice %arg7[%add3A_164, %dma_start3A_165] : memref<160x128xi32, #tpu.memory_space<vmem>> -> memref<1x128xi32, #tpu.memory_space<vmem>>
      %dma_start3A_167 = tpu.memref_squeeze %dma_start3A_166 : memref<1x128xi32, #tpu.memory_space<vmem>> -> memref<128xi32, #tpu.memory_space<vmem>>
      %dma_start3A_168 = arith.constant 0 : i32
      %dma_start3A_169 = arith.constant 0 : i32
      %dma_start3A_170 = tpu.memref_slice %arg12[%dma_start3A_168, %dma_start3A_169] : memref<10112x64xf32, #tpu.memory_space<vmem_shared>> -> memref<10112x64xf32, #tpu.memory_space<vmem_shared>>
      tpu.enqueue_indirect_dma source(%arg11 : memref<128x64xf32, #tpu.memory_space<vmem>>) target(%dma_start3A_170 : memref<10112x64xf32, #tpu.memory_space<vmem_shared>>) offsets(%dma_start3A_167 : memref<128xi32, #tpu.memory_space<vmem>>) semaphore(%arg20 : memref<!tpu.dma_semaphore, #tpu.memory_space<semaphore_mem>>) {add = true}
      %add3A_171 = arith.constant 0 : i32
      %add3A_172 = arith.addi %mul3A_91, %add3A_171 : i32
      %dma_wait3A_173 = arith.constant 0 : i32
      %dma_wait3A_174 = tpu.memref_slice %arg7[%add3A_172, %dma_wait3A_173] : memref<160x128xi32, #tpu.memory_space<vmem>> -> memref<1x128xi32, #tpu.memory_space<vmem>>
      %dma_wait3A_175 = tpu.memref_squeeze %dma_wait3A_174 : memref<1x128xi32, #tpu.memory_space<vmem>> -> memref<128xi32, #tpu.memory_space<vmem>>
      %dma_wait3A_176 = arith.constant 0 : i32
      %dma_wait3A_177 = arith.constant 0 : i32
      %dma_wait3A_178 = tpu.memref_slice %arg12[%dma_wait3A_176, %dma_wait3A_177] : memref<10112x64xf32, #tpu.memory_space<vmem_shared>> -> memref<10112x64xf32, #tpu.memory_space<vmem_shared>>
      tpu.wait_indirect_dma semaphore(%arg17 : memref<!tpu.dma_semaphore, #tpu.memory_space<semaphore_mem>>) src(%arg8 : memref<128x64xf32, #tpu.memory_space<vmem>>) dst(%dma_wait3A_178 : memref<10112x64xf32, #tpu.memory_space<vmem_shared>>)
      %add3A_179 = arith.constant 0 : i32
      %add3A_180 = arith.addi %mul3A_91, %add3A_179 : i32
      %add3A_181 = arith.constant 4 : i32
      %add3A_182 = arith.addi %add3A_180, %add3A_181 : i32
      %lt3A = arith.constant 160 : i32
      %lt3A_183 = arith.cmpi slt, %add3A_182, %lt3A : i32
      %convert_element_type3A = arith.extui %lt3A_183 : i1 to i32
      %cond3A = arith.constant 0 : i32
      %cond3A_184 = arith.cmpi ne, %convert_element_type3A, %cond3A : i32
      scf.if %cond3A_184 {
        %add3A_237 = arith.constant 0 : i32
        %add3A_238 = arith.addi %mul3A_91, %add3A_237 : i32
        %add3A_239 = arith.constant 4 : i32
        %add3A_240 = arith.addi %add3A_238, %add3A_239 : i32
        %dma_start3A_241 = arith.constant 0 : i32
        %dma_start3A_242 = tpu.memref_slice %arg6[%add3A_240, %dma_start3A_241] : memref<160x128xi32, #tpu.memory_space<vmem>> -> memref<1x128xi32, #tpu.memory_space<vmem>>
        %dma_start3A_243 = tpu.memref_squeeze %dma_start3A_242 : memref<1x128xi32, #tpu.memory_space<vmem>> -> memref<128xi32, #tpu.memory_space<vmem>>
        %dma_start3A_244 = arith.constant 0 : i32
        %dma_start3A_245 = arith.constant 0 : i32
        %dma_start3A_246 = tpu.memref_slice %arg2[%arg0, %dma_start3A_244, %dma_start3A_245] : memref<2x10000x64xf32, #tpu.memory_space<hbm>> -> memref<1x10000x64xf32, #tpu.memory_space<hbm>>
        %dma_start3A_247 = tpu.memref_squeeze %dma_start3A_246 : memref<1x10000x64xf32, #tpu.memory_space<hbm>> -> memref<10000x64xf32, #tpu.memory_space<hbm>>
        %dma_start3A_248 = arith.constant 0 : i32
        %dma_start3A_249 = arith.constant 0 : i32
        %dma_start3A_250 = tpu.memref_slice %dma_start3A_247[%dma_start3A_248, %dma_start3A_249] : memref<10000x64xf32, #tpu.memory_space<hbm>> -> memref<10000x64xf32, #tpu.memory_space<hbm>>
        tpu.enqueue_indirect_dma source(%dma_start3A_250 : memref<10000x64xf32, #tpu.memory_space<hbm>>) target(%arg8 : memref<128x64xf32, #tpu.memory_space<vmem>>) offsets(%dma_start3A_243 : memref<128xi32, #tpu.memory_space<vmem>>) semaphore(%arg13 : memref<!tpu.dma_semaphore, #tpu.memory_space<semaphore_mem>>)
      } else {
      }
      %add3A_185 = arith.constant 1 : i32
      %add3A_186 = arith.addi %mul3A_91, %add3A_185 : i32
      %dma_wait3A_187 = arith.constant 0 : i32
      %dma_wait3A_188 = tpu.memref_slice %arg7[%add3A_186, %dma_wait3A_187] : memref<160x128xi32, #tpu.memory_space<vmem>> -> memref<1x128xi32, #tpu.memory_space<vmem>>
      %dma_wait3A_189 = tpu.memref_squeeze %dma_wait3A_188 : memref<1x128xi32, #tpu.memory_space<vmem>> -> memref<128xi32, #tpu.memory_space<vmem>>
      %dma_wait3A_190 = arith.constant 0 : i32
      %dma_wait3A_191 = arith.constant 0 : i32
      %dma_wait3A_192 = tpu.memref_slice %arg12[%dma_wait3A_190, %dma_wait3A_191] : memref<10112x64xf32, #tpu.memory_space<vmem_shared>> -> memref<10112x64xf32, #tpu.memory_space<vmem_shared>>
      tpu.wait_indirect_dma semaphore(%arg18 : memref<!tpu.dma_semaphore, #tpu.memory_space<semaphore_mem>>) src(%arg9 : memref<128x64xf32, #tpu.memory_space<vmem>>) dst(%dma_wait3A_192 : memref<10112x64xf32, #tpu.memory_space<vmem_shared>>)
      %add3A_193 = arith.constant 1 : i32
      %add3A_194 = arith.addi %mul3A_91, %add3A_193 : i32
      %add3A_195 = arith.constant 4 : i32
      %add3A_196 = arith.addi %add3A_194, %add3A_195 : i32
      %lt3A_197 = arith.constant 160 : i32
      %lt3A_198 = arith.cmpi slt, %add3A_196, %lt3A_197 : i32
      %convert_element_type3A_199 = arith.extui %lt3A_198 : i1 to i32
      %cond3A_200 = arith.constant 0 : i32
      %cond3A_201 = arith.cmpi ne, %convert_element_type3A_199, %cond3A_200 : i32
      scf.if %cond3A_201 {
        %add3A_237 = arith.constant 1 : i32
        %add3A_238 = arith.addi %mul3A_91, %add3A_237 : i32
        %add3A_239 = arith.constant 4 : i32
        %add3A_240 = arith.addi %add3A_238, %add3A_239 : i32
        %dma_start3A_241 = arith.constant 0 : i32
        %dma_start3A_242 = tpu.memref_slice %arg6[%add3A_240, %dma_start3A_241] : memref<160x128xi32, #tpu.memory_space<vmem>> -> memref<1x128xi32, #tpu.memory_space<vmem>>
        %dma_start3A_243 = tpu.memref_squeeze %dma_start3A_242 : memref<1x128xi32, #tpu.memory_space<vmem>> -> memref<128xi32, #tpu.memory_space<vmem>>
        %dma_start3A_244 = arith.constant 0 : i32
        %dma_start3A_245 = arith.constant 0 : i32
        %dma_start3A_246 = tpu.memref_slice %arg2[%arg0, %dma_start3A_244, %dma_start3A_245] : memref<2x10000x64xf32, #tpu.memory_space<hbm>> -> memref<1x10000x64xf32, #tpu.memory_space<hbm>>
        %dma_start3A_247 = tpu.memref_squeeze %dma_start3A_246 : memref<1x10000x64xf32, #tpu.memory_space<hbm>> -> memref<10000x64xf32, #tpu.memory_space<hbm>>
        %dma_start3A_248 = arith.constant 0 : i32
        %dma_start3A_249 = arith.constant 0 : i32
        %dma_start3A_250 = tpu.memref_slice %dma_start3A_247[%dma_start3A_248, %dma_start3A_249] : memref<10000x64xf32, #tpu.memory_space<hbm>> -> memref<10000x64xf32, #tpu.memory_space<hbm>>
        tpu.enqueue_indirect_dma source(%dma_start3A_250 : memref<10000x64xf32, #tpu.memory_space<hbm>>) target(%arg9 : memref<128x64xf32, #tpu.memory_space<vmem>>) offsets(%dma_start3A_243 : memref<128xi32, #tpu.memory_space<vmem>>) semaphore(%arg14 : memref<!tpu.dma_semaphore, #tpu.memory_space<semaphore_mem>>)
      } else {
      }
      %add3A_202 = arith.constant 2 : i32
      %add3A_203 = arith.addi %mul3A_91, %add3A_202 : i32
      %dma_wait3A_204 = arith.constant 0 : i32
      %dma_wait3A_205 = tpu.memref_slice %arg7[%add3A_203, %dma_wait3A_204] : memref<160x128xi32, #tpu.memory_space<vmem>> -> memref<1x128xi32, #tpu.memory_space<vmem>>
      %dma_wait3A_206 = tpu.memref_squeeze %dma_wait3A_205 : memref<1x128xi32, #tpu.memory_space<vmem>> -> memref<128xi32, #tpu.memory_space<vmem>>
      %dma_wait3A_207 = arith.constant 0 : i32
      %dma_wait3A_208 = arith.constant 0 : i32
      %dma_wait3A_209 = tpu.memref_slice %arg12[%dma_wait3A_207, %dma_wait3A_208] : memref<10112x64xf32, #tpu.memory_space<vmem_shared>> -> memref<10112x64xf32, #tpu.memory_space<vmem_shared>>
      tpu.wait_indirect_dma semaphore(%arg19 : memref<!tpu.dma_semaphore, #tpu.memory_space<semaphore_mem>>) src(%arg10 : memref<128x64xf32, #tpu.memory_space<vmem>>) dst(%dma_wait3A_209 : memref<10112x64xf32, #tpu.memory_space<vmem_shared>>)
      %add3A_210 = arith.constant 2 : i32
      %add3A_211 = arith.addi %mul3A_91, %add3A_210 : i32
      %add3A_212 = arith.constant 4 : i32
      %add3A_213 = arith.addi %add3A_211, %add3A_212 : i32
      %lt3A_214 = arith.constant 160 : i32
      %lt3A_215 = arith.cmpi slt, %add3A_213, %lt3A_214 : i32
      %convert_element_type3A_216 = arith.extui %lt3A_215 : i1 to i32
      %cond3A_217 = arith.constant 0 : i32
      %cond3A_218 = arith.cmpi ne, %convert_element_type3A_216, %cond3A_217 : i32
      scf.if %cond3A_218 {
        %add3A_237 = arith.constant 2 : i32
        %add3A_238 = arith.addi %mul3A_91, %add3A_237 : i32
        %add3A_239 = arith.constant 4 : i32
        %add3A_240 = arith.addi %add3A_238, %add3A_239 : i32
        %dma_start3A_241 = arith.constant 0 : i32
        %dma_start3A_242 = tpu.memref_slice %arg6[%add3A_240, %dma_start3A_241] : memref<160x128xi32, #tpu.memory_space<vmem>> -> memref<1x128xi32, #tpu.memory_space<vmem>>
        %dma_start3A_243 = tpu.memref_squeeze %dma_start3A_242 : memref<1x128xi32, #tpu.memory_space<vmem>> -> memref<128xi32, #tpu.memory_space<vmem>>
        %dma_start3A_244 = arith.constant 0 : i32
        %dma_start3A_245 = arith.constant 0 : i32
        %dma_start3A_246 = tpu.memref_slice %arg2[%arg0, %dma_start3A_244, %dma_start3A_245] : memref<2x10000x64xf32, #tpu.memory_space<hbm>> -> memref<1x10000x64xf32, #tpu.memory_space<hbm>>
        %dma_start3A_247 = tpu.memref_squeeze %dma_start3A_246 : memref<1x10000x64xf32, #tpu.memory_space<hbm>> -> memref<10000x64xf32, #tpu.memory_space<hbm>>
        %dma_start3A_248 = arith.constant 0 : i32
        %dma_start3A_249 = arith.constant 0 : i32
        %dma_start3A_250 = tpu.memref_slice %dma_start3A_247[%dma_start3A_248, %dma_start3A_249] : memref<10000x64xf32, #tpu.memory_space<hbm>> -> memref<10000x64xf32, #tpu.memory_space<hbm>>
        tpu.enqueue_indirect_dma source(%dma_start3A_250 : memref<10000x64xf32, #tpu.memory_space<hbm>>) target(%arg10 : memref<128x64xf32, #tpu.memory_space<vmem>>) offsets(%dma_start3A_243 : memref<128xi32, #tpu.memory_space<vmem>>) semaphore(%arg15 : memref<!tpu.dma_semaphore, #tpu.memory_space<semaphore_mem>>)
      } else {
      }
      %add3A_219 = arith.constant 3 : i32
      %add3A_220 = arith.addi %mul3A_91, %add3A_219 : i32
      %dma_wait3A_221 = arith.constant 0 : i32
      %dma_wait3A_222 = tpu.memref_slice %arg7[%add3A_220, %dma_wait3A_221] : memref<160x128xi32, #tpu.memory_space<vmem>> -> memref<1x128xi32, #tpu.memory_space<vmem>>
      %dma_wait3A_223 = tpu.memref_squeeze %dma_wait3A_222 : memref<1x128xi32, #tpu.memory_space<vmem>> -> memref<128xi32, #tpu.memory_space<vmem>>
      %dma_wait3A_224 = arith.constant 0 : i32
      %dma_wait3A_225 = arith.constant 0 : i32
      %dma_wait3A_226 = tpu.memref_slice %arg12[%dma_wait3A_224, %dma_wait3A_225] : memref<10112x64xf32, #tpu.memory_space<vmem_shared>> -> memref<10112x64xf32, #tpu.memory_space<vmem_shared>>
      tpu.wait_indirect_dma semaphore(%arg20 : memref<!tpu.dma_semaphore, #tpu.memory_space<semaphore_mem>>) src(%arg11 : memref<128x64xf32, #tpu.memory_space<vmem>>) dst(%dma_wait3A_226 : memref<10112x64xf32, #tpu.memory_space<vmem_shared>>)
      %add3A_227 = arith.constant 3 : i32
      %add3A_228 = arith.addi %mul3A_91, %add3A_227 : i32
      %add3A_229 = arith.constant 4 : i32
      %add3A_230 = arith.addi %add3A_228, %add3A_229 : i32
      %lt3A_231 = arith.constant 160 : i32
      %lt3A_232 = arith.cmpi slt, %add3A_230, %lt3A_231 : i32
      %convert_element_type3A_233 = arith.extui %lt3A_232 : i1 to i32
      %cond3A_234 = arith.constant 0 : i32
      %cond3A_235 = arith.cmpi ne, %convert_element_type3A_233, %cond3A_234 : i32
      scf.if %cond3A_235 {
        %add3A_237 = arith.constant 3 : i32
        %add3A_238 = arith.addi %mul3A_91, %add3A_237 : i32
        %add3A_239 = arith.constant 4 : i32
        %add3A_240 = arith.addi %add3A_238, %add3A_239 : i32
        %dma_start3A_241 = arith.constant 0 : i32
        %dma_start3A_242 = tpu.memref_slice %arg6[%add3A_240, %dma_start3A_241] : memref<160x128xi32, #tpu.memory_space<vmem>> -> memref<1x128xi32, #tpu.memory_space<vmem>>
        %dma_start3A_243 = tpu.memref_squeeze %dma_start3A_242 : memref<1x128xi32, #tpu.memory_space<vmem>> -> memref<128xi32, #tpu.memory_space<vmem>>
        %dma_start3A_244 = arith.constant 0 : i32
        %dma_start3A_245 = arith.constant 0 : i32
        %dma_start3A_246 = tpu.memref_slice %arg2[%arg0, %dma_start3A_244, %dma_start3A_245] : memref<2x10000x64xf32, #tpu.memory_space<hbm>> -> memref<1x10000x64xf32, #tpu.memory_space<hbm>>
        %dma_start3A_247 = tpu.memref_squeeze %dma_start3A_246 : memref<1x10000x64xf32, #tpu.memory_space<hbm>> -> memref<10000x64xf32, #tpu.memory_space<hbm>>
        %dma_start3A_248 = arith.constant 0 : i32
        %dma_start3A_249 = arith.constant 0 : i32
        %dma_start3A_250 = tpu.memref_slice %dma_start3A_247[%dma_start3A_248, %dma_start3A_249] : memref<10000x64xf32, #tpu.memory_space<hbm>> -> memref<10000x64xf32, #tpu.memory_space<hbm>>
        tpu.enqueue_indirect_dma source(%dma_start3A_250 : memref<10000x64xf32, #tpu.memory_space<hbm>>) target(%arg11 : memref<128x64xf32, #tpu.memory_space<vmem>>) offsets(%dma_start3A_243 : memref<128xi32, #tpu.memory_space<vmem>>) semaphore(%arg16 : memref<!tpu.dma_semaphore, #tpu.memory_space<semaphore_mem>>)
      } else {
      }
      %scan3A_236 = arith.constant 0 : i32
      scf.yield %scan3A_236 : i32
    }
    %scan3A_66 = arith.constant 40 : i32
    %barrier3A_67 = arith.constant 0 : index
    tpu.barrier barrier_id(%barrier3A_67)
    %add3A_68 = arith.constant 0 : i32
    %add3A_69 = arith.addi %mul3A_0, %add3A_68 : i32
    "tpu.region"() ({
      %run_scoped3A = tpu.sem_alloc : memref<!tpu.dma_semaphore, #tpu.memory_space<semaphore_mem>>
      %dma_start3A_88 = arith.constant 0 : i32
      %dma_start3A_89 = arith.constant 0 : i32
      %dma_start3A_90 = tpu.memref_slice %arg8[%dma_start3A_88, %dma_start3A_89] : memref<128x64xf32, #tpu.memory_space<vmem>> -> memref<128x64xf32, #tpu.memory_space<vmem>>
      %dma_start3A_91 = arith.constant 0 : i32
      %dma_start3A_92 = tpu.memref_slice %arg12[%add3A_69, %dma_start3A_91] : memref<10112x64xf32, #tpu.memory_space<vmem_shared>> -> memref<128x64xf32, #tpu.memory_space<vmem_shared>>
      %dma_start3A_93 = arith.constant 0 : i32
      %dma_start3A_94 = arith.constant 0 : i32
      %dma_start3A_95 = tpu.memref_slice %arg8[%dma_start3A_93, %dma_start3A_94] : memref<128x64xf32, #tpu.memory_space<vmem>> -> memref<128x64xf32, #tpu.memory_space<vmem>>
      %dma_start3A_96 = arith.constant 0 : i32
      %dma_start3A_97 = tpu.memref_slice %arg12[%add3A_69, %dma_start3A_96] : memref<10112x64xf32, #tpu.memory_space<vmem_shared>> -> memref<128x64xf32, #tpu.memory_space<vmem_shared>>
      tpu.enqueue_dma source(%dma_start3A_97 : memref<128x64xf32, #tpu.memory_space<vmem_shared>>) target(%dma_start3A_95 : memref<128x64xf32, #tpu.memory_space<vmem>>) target_semaphore(%run_scoped3A : memref<!tpu.dma_semaphore, #tpu.memory_space<semaphore_mem>>)
      %dma_wait3A = arith.constant 0 : i32
      %dma_wait3A_98 = arith.constant 0 : i32
      %dma_wait3A_99 = tpu.memref_slice %arg8[%dma_wait3A, %dma_wait3A_98] : memref<128x64xf32, #tpu.memory_space<vmem>> -> memref<128x64xf32, #tpu.memory_space<vmem>>
      %dma_wait3A_100 = arith.constant 0 : i32
      %dma_wait3A_101 = tpu.memref_slice %arg12[%add3A_69, %dma_wait3A_100] : memref<10112x64xf32, #tpu.memory_space<vmem_shared>> -> memref<128x64xf32, #tpu.memory_space<vmem_shared>>
      %dma_wait3A_102 = arith.constant 0 : i32
      %dma_wait3A_103 = arith.constant 0 : i32
      %dma_wait3A_104 = tpu.memref_slice %arg8[%dma_wait3A_102, %dma_wait3A_103] : memref<128x64xf32, #tpu.memory_space<vmem>> -> memref<128x64xf32, #tpu.memory_space<vmem>>
      %dma_wait3A_105 = arith.constant 0 : i32
      %dma_wait3A_106 = tpu.memref_slice %arg12[%add3A_69, %dma_wait3A_105] : memref<10112x64xf32, #tpu.memory_space<vmem_shared>> -> memref<128x64xf32, #tpu.memory_space<vmem_shared>>
      tpu.wait_dma2 semaphore(%run_scoped3A : memref<!tpu.dma_semaphore, #tpu.memory_space<semaphore_mem>>) src(%dma_wait3A_106 : memref<128x64xf32, #tpu.memory_space<vmem_shared>>) dst(%dma_wait3A_104 : memref<128x64xf32, #tpu.memory_space<vmem>>)
      tpu.yield
    }) : () -> ()
    %add3A_70 = arith.constant 0 : i32
    %add3A_71 = arith.addi %mul3A_0, %add3A_70 : i32
    "tpu.region"() ({
      %run_scoped3A = tpu.sem_alloc : memref<!tpu.dma_semaphore, #tpu.memory_space<semaphore_mem>>
      %dma_start3A_88 = arith.constant 0 : i32
      %dma_start3A_89 = arith.constant 0 : i32
      %dma_start3A_90 = tpu.memref_slice %arg8[%dma_start3A_88, %dma_start3A_89] : memref<128x64xf32, #tpu.memory_space<vmem>> -> memref<128x64xf32, #tpu.memory_space<vmem>>
      %dma_start3A_91 = arith.constant 0 : i32
      %dma_start3A_92 = tpu.memref_slice %arg5[%arg0, %add3A_71, %dma_start3A_91] : memref<2x10112x64xf32, #tpu.memory_space<hbm>> -> memref<1x128x64xf32, #tpu.memory_space<hbm>>
      %dma_start3A_93 = tpu.memref_squeeze %dma_start3A_92 : memref<1x128x64xf32, #tpu.memory_space<hbm>> -> memref<128x64xf32, #tpu.memory_space<hbm>>
      %dma_start3A_94 = arith.constant 0 : i32
      %dma_start3A_95 = tpu.memref_slice %arg5[%arg0, %add3A_71, %dma_start3A_94] : memref<2x10112x64xf32, #tpu.memory_space<hbm>> -> memref<1x128x64xf32, #tpu.memory_space<hbm>>
      %dma_start3A_96 = tpu.memref_squeeze %dma_start3A_95 : memref<1x128x64xf32, #tpu.memory_space<hbm>> -> memref<128x64xf32, #tpu.memory_space<hbm>>
      %dma_start3A_97 = arith.constant 0 : i32
      %dma_start3A_98 = arith.constant 0 : i32
      %dma_start3A_99 = tpu.memref_slice %arg8[%dma_start3A_97, %dma_start3A_98] : memref<128x64xf32, #tpu.memory_space<vmem>> -> memref<128x64xf32, #tpu.memory_space<vmem>>
      tpu.enqueue_dma source(%dma_start3A_99 : memref<128x64xf32, #tpu.memory_space<vmem>>) target(%dma_start3A_96 : memref<128x64xf32, #tpu.memory_space<hbm>>) target_semaphore(%run_scoped3A : memref<!tpu.dma_semaphore, #tpu.memory_space<semaphore_mem>>)
      %dma_wait3A = arith.constant 0 : i32
      %dma_wait3A_100 = arith.constant 0 : i32
      %dma_wait3A_101 = tpu.memref_slice %arg8[%dma_wait3A, %dma_wait3A_100] : memref<128x64xf32, #tpu.memory_space<vmem>> -> memref<128x64xf32, #tpu.memory_space<vmem>>
      %dma_wait3A_102 = arith.constant 0 : i32
      %dma_wait3A_103 = tpu.memref_slice %arg5[%arg0, %add3A_71, %dma_wait3A_102] : memref<2x10112x64xf32, #tpu.memory_space<hbm>> -> memref<1x128x64xf32, #tpu.memory_space<hbm>>
      %dma_wait3A_104 = tpu.memref_squeeze %dma_wait3A_103 : memref<1x128x64xf32, #tpu.memory_space<hbm>> -> memref<128x64xf32, #tpu.memory_space<hbm>>
      %dma_wait3A_105 = arith.constant 0 : i32
      %dma_wait3A_106 = tpu.memref_slice %arg5[%arg0, %add3A_71, %dma_wait3A_105] : memref<2x10112x64xf32, #tpu.memory_space<hbm>> -> memref<1x128x64xf32, #tpu.memory_space<hbm>>
      %dma_wait3A_107 = tpu.memref_squeeze %dma_wait3A_106 : memref<1x128x64xf32, #tpu.memory_space<hbm>> -> memref<128x64xf32, #tpu.memory_space<hbm>>
      %dma_wait3A_108 = arith.constant 0 : i32
      %dma_wait3A_109 = arith.constant 0 : i32
      %dma_wait3A_110 = tpu.memref_slice %arg8[%dma_wait3A_108, %dma_wait3A_109] : memref<128x64xf32, #tpu.memory_space<vmem>> -> memref<128x64xf32, #tpu.memory_space<vmem>>
      tpu.wait_dma2 semaphore(%run_scoped3A : memref<!tpu.dma_semaphore, #tpu.memory_space<semaphore_mem>>) src(%dma_wait3A_110 : memref<128x64xf32, #tpu.memory_space<vmem>>) dst(%dma_wait3A_107 : memref<128x64xf32, #tpu.memory_space<hbm>>)
      tpu.yield
    }) : () -> ()
    %add3A_72 = arith.constant 128 : i32
    %add3A_73 = arith.addi %mul3A_0, %add3A_72 : i32
    "tpu.region"() ({
      %run_scoped3A = tpu.sem_alloc : memref<!tpu.dma_semaphore, #tpu.memory_space<semaphore_mem>>
      %dma_start3A_88 = arith.constant 0 : i32
      %dma_start3A_89 = arith.constant 0 : i32
      %dma_start3A_90 = tpu.memref_slice %arg8[%dma_start3A_88, %dma_start3A_89] : memref<128x64xf32, #tpu.memory_space<vmem>> -> memref<128x64xf32, #tpu.memory_space<vmem>>
      %dma_start3A_91 = arith.constant 0 : i32
      %dma_start3A_92 = tpu.memref_slice %arg12[%add3A_73, %dma_start3A_91] : memref<10112x64xf32, #tpu.memory_space<vmem_shared>> -> memref<128x64xf32, #tpu.memory_space<vmem_shared>>
      %dma_start3A_93 = arith.constant 0 : i32
      %dma_start3A_94 = arith.constant 0 : i32
      %dma_start3A_95 = tpu.memref_slice %arg8[%dma_start3A_93, %dma_start3A_94] : memref<128x64xf32, #tpu.memory_space<vmem>> -> memref<128x64xf32, #tpu.memory_space<vmem>>
      %dma_start3A_96 = arith.constant 0 : i32
      %dma_start3A_97 = tpu.memref_slice %arg12[%add3A_73, %dma_start3A_96] : memref<10112x64xf32, #tpu.memory_space<vmem_shared>> -> memref<128x64xf32, #tpu.memory_space<vmem_shared>>
      tpu.enqueue_dma source(%dma_start3A_97 : memref<128x64xf32, #tpu.memory_space<vmem_shared>>) target(%dma_start3A_95 : memref<128x64xf32, #tpu.memory_space<vmem>>) target_semaphore(%run_scoped3A : memref<!tpu.dma_semaphore, #tpu.memory_space<semaphore_mem>>)
      %dma_wait3A = arith.constant 0 : i32
      %dma_wait3A_98 = arith.constant 0 : i32
      %dma_wait3A_99 = tpu.memref_slice %arg8[%dma_wait3A, %dma_wait3A_98] : memref<128x64xf32, #tpu.memory_space<vmem>> -> memref<128x64xf32, #tpu.memory_space<vmem>>
      %dma_wait3A_100 = arith.constant 0 : i32
      %dma_wait3A_101 = tpu.memref_slice %arg12[%add3A_73, %dma_wait3A_100] : memref<10112x64xf32, #tpu.memory_space<vmem_shared>> -> memref<128x64xf32, #tpu.memory_space<vmem_shared>>
      %dma_wait3A_102 = arith.constant 0 : i32
      %dma_wait3A_103 = arith.constant 0 : i32
      %dma_wait3A_104 = tpu.memref_slice %arg8[%dma_wait3A_102, %dma_wait3A_103] : memref<128x64xf32, #tpu.memory_space<vmem>> -> memref<128x64xf32, #tpu.memory_space<vmem>>
      %dma_wait3A_105 = arith.constant 0 : i32
      %dma_wait3A_106 = tpu.memref_slice %arg12[%add3A_73, %dma_wait3A_105] : memref<10112x64xf32, #tpu.memory_space<vmem_shared>> -> memref<128x64xf32, #tpu.memory_space<vmem_shared>>
      tpu.wait_dma2 semaphore(%run_scoped3A : memref<!tpu.dma_semaphore, #tpu.memory_space<semaphore_mem>>) src(%dma_wait3A_106 : memref<128x64xf32, #tpu.memory_space<vmem_shared>>) dst(%dma_wait3A_104 : memref<128x64xf32, #tpu.memory_space<vmem>>)
      tpu.yield
    }) : () -> ()
    %add3A_74 = arith.constant 128 : i32
    %add3A_75 = arith.addi %mul3A_0, %add3A_74 : i32
    "tpu.region"() ({
      %run_scoped3A = tpu.sem_alloc : memref<!tpu.dma_semaphore, #tpu.memory_space<semaphore_mem>>
      %dma_start3A_88 = arith.constant 0 : i32
      %dma_start3A_89 = arith.constant 0 : i32
      %dma_start3A_90 = tpu.memref_slice %arg8[%dma_start3A_88, %dma_start3A_89] : memref<128x64xf32, #tpu.memory_space<vmem>> -> memref<128x64xf32, #tpu.memory_space<vmem>>
      %dma_start3A_91 = arith.constant 0 : i32
      %dma_start3A_92 = tpu.memref_slice %arg5[%arg0, %add3A_75, %dma_start3A_91] : memref<2x10112x64xf32, #tpu.memory_space<hbm>> -> memref<1x128x64xf32, #tpu.memory_space<hbm>>
      %dma_start3A_93 = tpu.memref_squeeze %dma_start3A_92 : memref<1x128x64xf32, #tpu.memory_space<hbm>> -> memref<128x64xf32, #tpu.memory_space<hbm>>
      %dma_start3A_94 = arith.constant 0 : i32
      %dma_start3A_95 = tpu.memref_slice %arg5[%arg0, %add3A_75, %dma_start3A_94] : memref<2x10112x64xf32, #tpu.memory_space<hbm>> -> memref<1x128x64xf32, #tpu.memory_space<hbm>>
      %dma_start3A_96 = tpu.memref_squeeze %dma_start3A_95 : memref<1x128x64xf32, #tpu.memory_space<hbm>> -> memref<128x64xf32, #tpu.memory_space<hbm>>
      %dma_start3A_97 = arith.constant 0 : i32
      %dma_start3A_98 = arith.constant 0 : i32
      %dma_start3A_99 = tpu.memref_slice %arg8[%dma_start3A_97, %dma_start3A_98] : memref<128x64xf32, #tpu.memory_space<vmem>> -> memref<128x64xf32, #tpu.memory_space<vmem>>
      tpu.enqueue_dma source(%dma_start3A_99 : memref<128x64xf32, #tpu.memory_space<vmem>>) target(%dma_start3A_96 : memref<128x64xf32, #tpu.memory_space<hbm>>) target_semaphore(%run_scoped3A : memref<!tpu.dma_semaphore, #tpu.memory_space<semaphore_mem>>)
      %dma_wait3A = arith.constant 0 : i32
      %dma_wait3A_100 = arith.constant 0 : i32
      %dma_wait3A_101 = tpu.memref_slice %arg8[%dma_wait3A, %dma_wait3A_100] : memref<128x64xf32, #tpu.memory_space<vmem>> -> memref<128x64xf32, #tpu.memory_space<vmem>>
      %dma_wait3A_102 = arith.constant 0 : i32
      %dma_wait3A_103 = tpu.memref_slice %arg5[%arg0, %add3A_75, %dma_wait3A_102] : memref<2x10112x64xf32, #tpu.memory_space<hbm>> -> memref<1x128x64xf32, #tpu.memory_space<hbm>>
      %dma_wait3A_104 = tpu.memref_squeeze %dma_wait3A_103 : memref<1x128x64xf32, #tpu.memory_space<hbm>> -> memref<128x64xf32, #tpu.memory_space<hbm>>
      %dma_wait3A_105 = arith.constant 0 : i32
      %dma_wait3A_106 = tpu.memref_slice %arg5[%arg0, %add3A_75, %dma_wait3A_105] : memref<2x10112x64xf32, #tpu.memory_space<hbm>> -> memref<1x128x64xf32, #tpu.memory_space<hbm>>
      %dma_wait3A_107 = tpu.memref_squeeze %dma_wait3A_106 : memref<1x128x64xf32, #tpu.memory_space<hbm>> -> memref<128x64xf32, #tpu.memory_space<hbm>>
      %dma_wait3A_108 = arith.constant 0 : i32
      %dma_wait3A_109 = arith.constant 0 : i32
      %dma_wait3A_110 = tpu.memref_slice %arg8[%dma_wait3A_108, %dma_wait3A_109] : memref<128x64xf32, #tpu.memory_space<vmem>> -> memref<128x64xf32, #tpu.memory_space<vmem>>
      tpu.wait_dma2 semaphore(%run_scoped3A : memref<!tpu.dma_semaphore, #tpu.memory_space<semaphore_mem>>) src(%dma_wait3A_110 : memref<128x64xf32, #tpu.memory_space<vmem>>) dst(%dma_wait3A_107 : memref<128x64xf32, #tpu.memory_space<hbm>>)
      tpu.yield
    }) : () -> ()
    %add3A_76 = arith.constant 256 : i32
    %add3A_77 = arith.addi %mul3A_0, %add3A_76 : i32
    "tpu.region"() ({
      %run_scoped3A = tpu.sem_alloc : memref<!tpu.dma_semaphore, #tpu.memory_space<semaphore_mem>>
      %dma_start3A_88 = arith.constant 0 : i32
      %dma_start3A_89 = arith.constant 0 : i32
      %dma_start3A_90 = tpu.memref_slice %arg8[%dma_start3A_88, %dma_start3A_89] : memref<128x64xf32, #tpu.memory_space<vmem>> -> memref<128x64xf32, #tpu.memory_space<vmem>>
      %dma_start3A_91 = arith.constant 0 : i32
      %dma_start3A_92 = tpu.memref_slice %arg12[%add3A_77, %dma_start3A_91] : memref<10112x64xf32, #tpu.memory_space<vmem_shared>> -> memref<128x64xf32, #tpu.memory_space<vmem_shared>>
      %dma_start3A_93 = arith.constant 0 : i32
      %dma_start3A_94 = arith.constant 0 : i32
      %dma_start3A_95 = tpu.memref_slice %arg8[%dma_start3A_93, %dma_start3A_94] : memref<128x64xf32, #tpu.memory_space<vmem>> -> memref<128x64xf32, #tpu.memory_space<vmem>>
      %dma_start3A_96 = arith.constant 0 : i32
      %dma_start3A_97 = tpu.memref_slice %arg12[%add3A_77, %dma_start3A_96] : memref<10112x64xf32, #tpu.memory_space<vmem_shared>> -> memref<128x64xf32, #tpu.memory_space<vmem_shared>>
      tpu.enqueue_dma source(%dma_start3A_97 : memref<128x64xf32, #tpu.memory_space<vmem_shared>>) target(%dma_start3A_95 : memref<128x64xf32, #tpu.memory_space<vmem>>) target_semaphore(%run_scoped3A : memref<!tpu.dma_semaphore, #tpu.memory_space<semaphore_mem>>)
      %dma_wait3A = arith.constant 0 : i32
      %dma_wait3A_98 = arith.constant 0 : i32
      %dma_wait3A_99 = tpu.memref_slice %arg8[%dma_wait3A, %dma_wait3A_98] : memref<128x64xf32, #tpu.memory_space<vmem>> -> memref<128x64xf32, #tpu.memory_space<vmem>>
      %dma_wait3A_100 = arith.constant 0 : i32
      %dma_wait3A_101 = tpu.memref_slice %arg12[%add3A_77, %dma_wait3A_100] : memref<10112x64xf32, #tpu.memory_space<vmem_shared>> -> memref<128x64xf32, #tpu.memory_space<vmem_shared>>
      %dma_wait3A_102 = arith.constant 0 : i32
      %dma_wait3A_103 = arith.constant 0 : i32
      %dma_wait3A_104 = tpu.memref_slice %arg8[%dma_wait3A_102, %dma_wait3A_103] : memref<128x64xf32, #tpu.memory_space<vmem>> -> memref<128x64xf32, #tpu.memory_space<vmem>>
      %dma_wait3A_105 = arith.constant 0 : i32
      %dma_wait3A_106 = tpu.memref_slice %arg12[%add3A_77, %dma_wait3A_105] : memref<10112x64xf32, #tpu.memory_space<vmem_shared>> -> memref<128x64xf32, #tpu.memory_space<vmem_shared>>
      tpu.wait_dma2 semaphore(%run_scoped3A : memref<!tpu.dma_semaphore, #tpu.memory_space<semaphore_mem>>) src(%dma_wait3A_106 : memref<128x64xf32, #tpu.memory_space<vmem_shared>>) dst(%dma_wait3A_104 : memref<128x64xf32, #tpu.memory_space<vmem>>)
      tpu.yield
    }) : () -> ()
    %add3A_78 = arith.constant 256 : i32
    %add3A_79 = arith.addi %mul3A_0, %add3A_78 : i32
    "tpu.region"() ({
      %run_scoped3A = tpu.sem_alloc : memref<!tpu.dma_semaphore, #tpu.memory_space<semaphore_mem>>
      %dma_start3A_88 = arith.constant 0 : i32
      %dma_start3A_89 = arith.constant 0 : i32
      %dma_start3A_90 = tpu.memref_slice %arg8[%dma_start3A_88, %dma_start3A_89] : memref<128x64xf32, #tpu.memory_space<vmem>> -> memref<128x64xf32, #tpu.memory_space<vmem>>
      %dma_start3A_91 = arith.constant 0 : i32
      %dma_start3A_92 = tpu.memref_slice %arg5[%arg0, %add3A_79, %dma_start3A_91] : memref<2x10112x64xf32, #tpu.memory_space<hbm>> -> memref<1x128x64xf32, #tpu.memory_space<hbm>>
      %dma_start3A_93 = tpu.memref_squeeze %dma_start3A_92 : memref<1x128x64xf32, #tpu.memory_space<hbm>> -> memref<128x64xf32, #tpu.memory_space<hbm>>
      %dma_start3A_94 = arith.constant 0 : i32
      %dma_start3A_95 = tpu.memref_slice %arg5[%arg0, %add3A_79, %dma_start3A_94] : memref<2x10112x64xf32, #tpu.memory_space<hbm>> -> memref<1x128x64xf32, #tpu.memory_space<hbm>>
      %dma_start3A_96 = tpu.memref_squeeze %dma_start3A_95 : memref<1x128x64xf32, #tpu.memory_space<hbm>> -> memref<128x64xf32, #tpu.memory_space<hbm>>
      %dma_start3A_97 = arith.constant 0 : i32
      %dma_start3A_98 = arith.constant 0 : i32
      %dma_start3A_99 = tpu.memref_slice %arg8[%dma_start3A_97, %dma_start3A_98] : memref<128x64xf32, #tpu.memory_space<vmem>> -> memref<128x64xf32, #tpu.memory_space<vmem>>
      tpu.enqueue_dma source(%dma_start3A_99 : memref<128x64xf32, #tpu.memory_space<vmem>>) target(%dma_start3A_96 : memref<128x64xf32, #tpu.memory_space<hbm>>) target_semaphore(%run_scoped3A : memref<!tpu.dma_semaphore, #tpu.memory_space<semaphore_mem>>)
      %dma_wait3A = arith.constant 0 : i32
      %dma_wait3A_100 = arith.constant 0 : i32
      %dma_wait3A_101 = tpu.memref_slice %arg8[%dma_wait3A, %dma_wait3A_100] : memref<128x64xf32, #tpu.memory_space<vmem>> -> memref<128x64xf32, #tpu.memory_space<vmem>>
      %dma_wait3A_102 = arith.constant 0 : i32
      %dma_wait3A_103 = tpu.memref_slice %arg5[%arg0, %add3A_79, %dma_wait3A_102] : memref<2x10112x64xf32, #tpu.memory_space<hbm>> -> memref<1x128x64xf32, #tpu.memory_space<hbm>>
      %dma_wait3A_104 = tpu.memref_squeeze %dma_wait3A_103 : memref<1x128x64xf32, #tpu.memory_space<hbm>> -> memref<128x64xf32, #tpu.memory_space<hbm>>
      %dma_wait3A_105 = arith.constant 0 : i32
      %dma_wait3A_106 = tpu.memref_slice %arg5[%arg0, %add3A_79, %dma_wait3A_105] : memref<2x10112x64xf32, #tpu.memory_space<hbm>> -> memref<1x128x64xf32, #tpu.memory_space<hbm>>
      %dma_wait3A_107 = tpu.memref_squeeze %dma_wait3A_106 : memref<1x128x64xf32, #tpu.memory_space<hbm>> -> memref<128x64xf32, #tpu.memory_space<hbm>>
      %dma_wait3A_108 = arith.constant 0 : i32
      %dma_wait3A_109 = arith.constant 0 : i32
      %dma_wait3A_110 = tpu.memref_slice %arg8[%dma_wait3A_108, %dma_wait3A_109] : memref<128x64xf32, #tpu.memory_space<vmem>> -> memref<128x64xf32, #tpu.memory_space<vmem>>
      tpu.wait_dma2 semaphore(%run_scoped3A : memref<!tpu.dma_semaphore, #tpu.memory_space<semaphore_mem>>) src(%dma_wait3A_110 : memref<128x64xf32, #tpu.memory_space<vmem>>) dst(%dma_wait3A_107 : memref<128x64xf32, #tpu.memory_space<hbm>>)
      tpu.yield
    }) : () -> ()
    %add3A_80 = arith.constant 384 : i32
    %add3A_81 = arith.addi %mul3A_0, %add3A_80 : i32
    "tpu.region"() ({
      %run_scoped3A = tpu.sem_alloc : memref<!tpu.dma_semaphore, #tpu.memory_space<semaphore_mem>>
      %dma_start3A_88 = arith.constant 0 : i32
      %dma_start3A_89 = arith.constant 0 : i32
      %dma_start3A_90 = tpu.memref_slice %arg8[%dma_start3A_88, %dma_start3A_89] : memref<128x64xf32, #tpu.memory_space<vmem>> -> memref<128x64xf32, #tpu.memory_space<vmem>>
      %dma_start3A_91 = arith.constant 0 : i32
      %dma_start3A_92 = tpu.memref_slice %arg12[%add3A_81, %dma_start3A_91] : memref<10112x64xf32, #tpu.memory_space<vmem_shared>> -> memref<128x64xf32, #tpu.memory_space<vmem_shared>>
      %dma_start3A_93 = arith.constant 0 : i32
      %dma_start3A_94 = arith.constant 0 : i32
      %dma_start3A_95 = tpu.memref_slice %arg8[%dma_start3A_93, %dma_start3A_94] : memref<128x64xf32, #tpu.memory_space<vmem>> -> memref<128x64xf32, #tpu.memory_space<vmem>>
      %dma_start3A_96 = arith.constant 0 : i32
      %dma_start3A_97 = tpu.memref_slice %arg12[%add3A_81, %dma_start3A_96] : memref<10112x64xf32, #tpu.memory_space<vmem_shared>> -> memref<128x64xf32, #tpu.memory_space<vmem_shared>>
      tpu.enqueue_dma source(%dma_start3A_97 : memref<128x64xf32, #tpu.memory_space<vmem_shared>>) target(%dma_start3A_95 : memref<128x64xf32, #tpu.memory_space<vmem>>) target_semaphore(%run_scoped3A : memref<!tpu.dma_semaphore, #tpu.memory_space<semaphore_mem>>)
      %dma_wait3A = arith.constant 0 : i32
      %dma_wait3A_98 = arith.constant 0 : i32
      %dma_wait3A_99 = tpu.memref_slice %arg8[%dma_wait3A, %dma_wait3A_98] : memref<128x64xf32, #tpu.memory_space<vmem>> -> memref<128x64xf32, #tpu.memory_space<vmem>>
      %dma_wait3A_100 = arith.constant 0 : i32
      %dma_wait3A_101 = tpu.memref_slice %arg12[%add3A_81, %dma_wait3A_100] : memref<10112x64xf32, #tpu.memory_space<vmem_shared>> -> memref<128x64xf32, #tpu.memory_space<vmem_shared>>
      %dma_wait3A_102 = arith.constant 0 : i32
      %dma_wait3A_103 = arith.constant 0 : i32
      %dma_wait3A_104 = tpu.memref_slice %arg8[%dma_wait3A_102, %dma_wait3A_103] : memref<128x64xf32, #tpu.memory_space<vmem>> -> memref<128x64xf32, #tpu.memory_space<vmem>>
      %dma_wait3A_105 = arith.constant 0 : i32
      %dma_wait3A_106 = tpu.memref_slice %arg12[%add3A_81, %dma_wait3A_105] : memref<10112x64xf32, #tpu.memory_space<vmem_shared>> -> memref<128x64xf32, #tpu.memory_space<vmem_shared>>
      tpu.wait_dma2 semaphore(%run_scoped3A : memref<!tpu.dma_semaphore, #tpu.memory_space<semaphore_mem>>) src(%dma_wait3A_106 : memref<128x64xf32, #tpu.memory_space<vmem_shared>>) dst(%dma_wait3A_104 : memref<128x64xf32, #tpu.memory_space<vmem>>)
      tpu.yield
    }) : () -> ()
    %add3A_82 = arith.constant 384 : i32
    %add3A_83 = arith.addi %mul3A_0, %add3A_82 : i32
    "tpu.region"() ({
      %run_scoped3A = tpu.sem_alloc : memref<!tpu.dma_semaphore, #tpu.memory_space<semaphore_mem>>
      %dma_start3A_88 = arith.constant 0 : i32
      %dma_start3A_89 = arith.constant 0 : i32
      %dma_start3A_90 = tpu.memref_slice %arg8[%dma_start3A_88, %dma_start3A_89] : memref<128x64xf32, #tpu.memory_space<vmem>> -> memref<128x64xf32, #tpu.memory_space<vmem>>
      %dma_start3A_91 = arith.constant 0 : i32
      %dma_start3A_92 = tpu.memref_slice %arg5[%arg0, %add3A_83, %dma_start3A_91] : memref<2x10112x64xf32, #tpu.memory_space<hbm>> -> memref<1x128x64xf32, #tpu.memory_space<hbm>>
      %dma_start3A_93 = tpu.memref_squeeze %dma_start3A_92 : memref<1x128x64xf32, #tpu.memory_space<hbm>> -> memref<128x64xf32, #tpu.memory_space<hbm>>
      %dma_start3A_94 = arith.constant 0 : i32
      %dma_start3A_95 = tpu.memref_slice %arg5[%arg0, %add3A_83, %dma_start3A_94] : memref<2x10112x64xf32, #tpu.memory_space<hbm>> -> memref<1x128x64xf32, #tpu.memory_space<hbm>>
      %dma_start3A_96 = tpu.memref_squeeze %dma_start3A_95 : memref<1x128x64xf32, #tpu.memory_space<hbm>> -> memref<128x64xf32, #tpu.memory_space<hbm>>
      %dma_start3A_97 = arith.constant 0 : i32
      %dma_start3A_98 = arith.constant 0 : i32
      %dma_start3A_99 = tpu.memref_slice %arg8[%dma_start3A_97, %dma_start3A_98] : memref<128x64xf32, #tpu.memory_space<vmem>> -> memref<128x64xf32, #tpu.memory_space<vmem>>
      tpu.enqueue_dma source(%dma_start3A_99 : memref<128x64xf32, #tpu.memory_space<vmem>>) target(%dma_start3A_96 : memref<128x64xf32, #tpu.memory_space<hbm>>) target_semaphore(%run_scoped3A : memref<!tpu.dma_semaphore, #tpu.memory_space<semaphore_mem>>)
      %dma_wait3A = arith.constant 0 : i32
      %dma_wait3A_100 = arith.constant 0 : i32
      %dma_wait3A_101 = tpu.memref_slice %arg8[%dma_wait3A, %dma_wait3A_100] : memref<128x64xf32, #tpu.memory_space<vmem>> -> memref<128x64xf32, #tpu.memory_space<vmem>>
      %dma_wait3A_102 = arith.constant 0 : i32
      %dma_wait3A_103 = tpu.memref_slice %arg5[%arg0, %add3A_83, %dma_wait3A_102] : memref<2x10112x64xf32, #tpu.memory_space<hbm>> -> memref<1x128x64xf32, #tpu.memory_space<hbm>>
      %dma_wait3A_104 = tpu.memref_squeeze %dma_wait3A_103 : memref<1x128x64xf32, #tpu.memory_space<hbm>> -> memref<128x64xf32, #tpu.memory_space<hbm>>
      %dma_wait3A_105 = arith.constant 0 : i32
      %dma_wait3A_106 = tpu.memref_slice %arg5[%arg0, %add3A_83, %dma_wait3A_105] : memref<2x10112x64xf32, #tpu.memory_space<hbm>> -> memref<1x128x64xf32, #tpu.memory_space<hbm>>
      %dma_wait3A_107 = tpu.memref_squeeze %dma_wait3A_106 : memref<1x128x64xf32, #tpu.memory_space<hbm>> -> memref<128x64xf32, #tpu.memory_space<hbm>>
      %dma_wait3A_108 = arith.constant 0 : i32
      %dma_wait3A_109 = arith.constant 0 : i32
      %dma_wait3A_110 = tpu.memref_slice %arg8[%dma_wait3A_108, %dma_wait3A_109] : memref<128x64xf32, #tpu.memory_space<vmem>> -> memref<128x64xf32, #tpu.memory_space<vmem>>
      tpu.wait_dma2 semaphore(%run_scoped3A : memref<!tpu.dma_semaphore, #tpu.memory_space<semaphore_mem>>) src(%dma_wait3A_110 : memref<128x64xf32, #tpu.memory_space<vmem>>) dst(%dma_wait3A_107 : memref<128x64xf32, #tpu.memory_space<hbm>>)
      tpu.yield
    }) : () -> ()
    %add3A_84 = arith.constant 512 : i32
    %add3A_85 = arith.addi %mul3A_0, %add3A_84 : i32
    "tpu.region"() ({
      %run_scoped3A = tpu.sem_alloc : memref<!tpu.dma_semaphore, #tpu.memory_space<semaphore_mem>>
      %dma_start3A_88 = arith.constant 0 : i32
      %dma_start3A_89 = arith.constant 0 : i32
      %dma_start3A_90 = tpu.memref_slice %arg8[%dma_start3A_88, %dma_start3A_89] : memref<128x64xf32, #tpu.memory_space<vmem>> -> memref<120x64xf32, #tpu.memory_space<vmem>>
      %dma_start3A_91 = arith.constant 0 : i32
      %dma_start3A_92 = tpu.memref_slice %arg12[%add3A_85, %dma_start3A_91] : memref<10112x64xf32, #tpu.memory_space<vmem_shared>> -> memref<120x64xf32, #tpu.memory_space<vmem_shared>>
      %dma_start3A_93 = arith.constant 0 : i32
      %dma_start3A_94 = arith.constant 0 : i32
      %dma_start3A_95 = tpu.memref_slice %arg8[%dma_start3A_93, %dma_start3A_94] : memref<128x64xf32, #tpu.memory_space<vmem>> -> memref<120x64xf32, #tpu.memory_space<vmem>>
      %dma_start3A_96 = arith.constant 0 : i32
      %dma_start3A_97 = tpu.memref_slice %arg12[%add3A_85, %dma_start3A_96] : memref<10112x64xf32, #tpu.memory_space<vmem_shared>> -> memref<120x64xf32, #tpu.memory_space<vmem_shared>>
      tpu.enqueue_dma source(%dma_start3A_97 : memref<120x64xf32, #tpu.memory_space<vmem_shared>>) target(%dma_start3A_95 : memref<120x64xf32, #tpu.memory_space<vmem>>) target_semaphore(%run_scoped3A : memref<!tpu.dma_semaphore, #tpu.memory_space<semaphore_mem>>)
      %dma_wait3A = arith.constant 0 : i32
      %dma_wait3A_98 = arith.constant 0 : i32
      %dma_wait3A_99 = tpu.memref_slice %arg8[%dma_wait3A, %dma_wait3A_98] : memref<128x64xf32, #tpu.memory_space<vmem>> -> memref<120x64xf32, #tpu.memory_space<vmem>>
      %dma_wait3A_100 = arith.constant 0 : i32
      %dma_wait3A_101 = tpu.memref_slice %arg12[%add3A_85, %dma_wait3A_100] : memref<10112x64xf32, #tpu.memory_space<vmem_shared>> -> memref<120x64xf32, #tpu.memory_space<vmem_shared>>
      %dma_wait3A_102 = arith.constant 0 : i32
      %dma_wait3A_103 = arith.constant 0 : i32
      %dma_wait3A_104 = tpu.memref_slice %arg8[%dma_wait3A_102, %dma_wait3A_103] : memref<128x64xf32, #tpu.memory_space<vmem>> -> memref<120x64xf32, #tpu.memory_space<vmem>>
      %dma_wait3A_105 = arith.constant 0 : i32
      %dma_wait3A_106 = tpu.memref_slice %arg12[%add3A_85, %dma_wait3A_105] : memref<10112x64xf32, #tpu.memory_space<vmem_shared>> -> memref<120x64xf32, #tpu.memory_space<vmem_shared>>
      tpu.wait_dma2 semaphore(%run_scoped3A : memref<!tpu.dma_semaphore, #tpu.memory_space<semaphore_mem>>) src(%dma_wait3A_106 : memref<120x64xf32, #tpu.memory_space<vmem_shared>>) dst(%dma_wait3A_104 : memref<120x64xf32, #tpu.memory_space<vmem>>)
      tpu.yield
    }) : () -> ()
    %add3A_86 = arith.constant 512 : i32
    %add3A_87 = arith.addi %mul3A_0, %add3A_86 : i32
    "tpu.region"() ({
      %run_scoped3A = tpu.sem_alloc : memref<!tpu.dma_semaphore, #tpu.memory_space<semaphore_mem>>
      %dma_start3A_88 = arith.constant 0 : i32
      %dma_start3A_89 = arith.constant 0 : i32
      %dma_start3A_90 = tpu.memref_slice %arg8[%dma_start3A_88, %dma_start3A_89] : memref<128x64xf32, #tpu.memory_space<vmem>> -> memref<120x64xf32, #tpu.memory_space<vmem>>
      %dma_start3A_91 = arith.constant 0 : i32
      %dma_start3A_92 = tpu.memref_slice %arg5[%arg0, %add3A_87, %dma_start3A_91] : memref<2x10112x64xf32, #tpu.memory_space<hbm>> -> memref<1x120x64xf32, #tpu.memory_space<hbm>>
      %dma_start3A_93 = tpu.memref_squeeze %dma_start3A_92 : memref<1x120x64xf32, #tpu.memory_space<hbm>> -> memref<120x64xf32, #tpu.memory_space<hbm>>
      %dma_start3A_94 = arith.constant 0 : i32
      %dma_start3A_95 = tpu.memref_slice %arg5[%arg0, %add3A_87, %dma_start3A_94] : memref<2x10112x64xf32, #tpu.memory_space<hbm>> -> memref<1x120x64xf32, #tpu.memory_space<hbm>>
      %dma_start3A_96 = tpu.memref_squeeze %dma_start3A_95 : memref<1x120x64xf32, #tpu.memory_space<hbm>> -> memref<120x64xf32, #tpu.memory_space<hbm>>
      %dma_start3A_97 = arith.constant 0 : i32
      %dma_start3A_98 = arith.constant 0 : i32
      %dma_start3A_99 = tpu.memref_slice %arg8[%dma_start3A_97, %dma_start3A_98] : memref<128x64xf32, #tpu.memory_space<vmem>> -> memref<120x64xf32, #tpu.memory_space<vmem>>
      tpu.enqueue_dma source(%dma_start3A_99 : memref<120x64xf32, #tpu.memory_space<vmem>>) target(%dma_start3A_96 : memref<120x64xf32, #tpu.memory_space<hbm>>) target_semaphore(%run_scoped3A : memref<!tpu.dma_semaphore, #tpu.memory_space<semaphore_mem>>)
      %dma_wait3A = arith.constant 0 : i32
      %dma_wait3A_100 = arith.constant 0 : i32
      %dma_wait3A_101 = tpu.memref_slice %arg8[%dma_wait3A, %dma_wait3A_100] : memref<128x64xf32, #tpu.memory_space<vmem>> -> memref<120x64xf32, #tpu.memory_space<vmem>>
      %dma_wait3A_102 = arith.constant 0 : i32
      %dma_wait3A_103 = tpu.memref_slice %arg5[%arg0, %add3A_87, %dma_wait3A_102] : memref<2x10112x64xf32, #tpu.memory_space<hbm>> -> memref<1x120x64xf32, #tpu.memory_space<hbm>>
      %dma_wait3A_104 = tpu.memref_squeeze %dma_wait3A_103 : memref<1x120x64xf32, #tpu.memory_space<hbm>> -> memref<120x64xf32, #tpu.memory_space<hbm>>
      %dma_wait3A_105 = arith.constant 0 : i32
      %dma_wait3A_106 = tpu.memref_slice %arg5[%arg0, %add3A_87, %dma_wait3A_105] : memref<2x10112x64xf32, #tpu.memory_space<hbm>> -> memref<1x120x64xf32, #tpu.memory_space<hbm>>
      %dma_wait3A_107 = tpu.memref_squeeze %dma_wait3A_106 : memref<1x120x64xf32, #tpu.memory_space<hbm>> -> memref<120x64xf32, #tpu.memory_space<hbm>>
      %dma_wait3A_108 = arith.constant 0 : i32
      %dma_wait3A_109 = arith.constant 0 : i32
      %dma_wait3A_110 = tpu.memref_slice %arg8[%dma_wait3A_108, %dma_wait3A_109] : memref<128x64xf32, #tpu.memory_space<vmem>> -> memref<120x64xf32, #tpu.memory_space<vmem>>
      tpu.wait_dma2 semaphore(%run_scoped3A : memref<!tpu.dma_semaphore, #tpu.memory_space<semaphore_mem>>) src(%dma_wait3A_110 : memref<120x64xf32, #tpu.memory_space<vmem>>) dst(%dma_wait3A_107 : memref<120x64xf32, #tpu.memory_space<hbm>>)
      tpu.yield
    }) : () -> ()
    return
  }
}

#map = affine_map<(d0, d1) -> (0, 0, 0)>
module attributes {stable_mosaic.version = 14 : i64} {
  func.func @_sc_deg_body(%arg0: i32, %arg1: i32, %arg2: memref<32x80x128xi32, #tpu.memory_space<hbm>>, %arg3: memref<32x80x128xi32, #tpu.memory_space<hbm>>, %arg4: memref<2x10112x16xf32, #tpu.memory_space<hbm>>, %arg5: memref<2x10112x16xf32, #tpu.memory_space<hbm>>, %arg6: memref<80x128xi32, #tpu.memory_space<vmem>>, %arg7: memref<80x128xi32, #tpu.memory_space<vmem>>, %arg8: memref<128x16xf32, #tpu.memory_space<vmem>>, %arg9: memref<128x16xf32, #tpu.memory_space<vmem>>, %arg10: memref<10112x16xf32, #tpu.memory_space<vmem_shared>>, %arg11: memref<10112x16xf32, #tpu.memory_space<vmem_shared>>) attributes {dimension_semantics = [#tpu.dimension_semantics<core_parallel>, #tpu.dimension_semantics<subcore_parallel>], iteration_bounds = array<i64: 2, 16>, scalar_prefetch = 0 : i64, scratch_operands = 6 : i64, tpu.core_type = #tpu.core_type<sc_vector_subcore>, window_params = [{transform_indices = #map}, {transform_indices = #map}, {transform_indices = #map}, {transform_indices = #map}]} {
    %mul3A = arith.constant 2 : i32
    %mul3A_0 = arith.muli %arg1, %mul3A : i32
    %add3A = arith.addi %mul3A_0, %arg0 : i32
    %mul3A_1 = arith.constant 632 : i32
    %mul3A_2 = arith.muli %arg1, %mul3A_1 : i32
    %broadcast_in_dim3A = arith.constant 1.000000e+00 : f32
    %broadcast_in_dim3A_3 = vector.broadcast %broadcast_in_dim3A : f32 to vector<16xf32>
    %scan3A = arith.constant 0 : i32
    %scan3A_4 = arith.constant 0 : i32
    %scan3A_5 = arith.constant 128 : i32
    %scan3A_6 = arith.addi %scan3A_4, %scan3A_5 : i32
    %scan3A_7 = arith.constant 1 : i32
    %scan3A_8 = scf.for %scan3A_87 = %scan3A_4 to %scan3A_6 step %scan3A_7 iter_args(%scan3A_88 = %scan3A) -> (i32)  : i32 {
      %swap3A = arith.index_cast %scan3A_87 : i32 to index
      %swap3A_89 = arith.constant 0 : index
      %swap3A_90 = tpu.vector_load %arg8[%swap3A, %swap3A_89] {strides = array<i32>} : memref<128x16xf32, #tpu.memory_space<vmem>>, vector<1x16xf32>,
      %swap3A_91 = vector.shape_cast %swap3A_90 : vector<1x16xf32> to vector<16xf32>
      %swap3A_92 = vector.shape_cast %broadcast_in_dim3A_3 : vector<16xf32> to vector<1x16xf32>
      tpu.vector_store %arg8[%swap3A, %swap3A_89], %swap3A_92 {strides = array<i32>} : memref<128x16xf32, #tpu.memory_space<vmem>>, vector<1x16xf32>,
      %scan3A_93 = arith.constant 0 : i32
      scf.yield %scan3A_93 : i32
    }
    %scan3A_9 = arith.constant 128 : i32
    %broadcast_in_dim3A_10 = arith.constant 0.000000e+00 : f32
    %broadcast_in_dim3A_11 = vector.broadcast %broadcast_in_dim3A_10 : f32 to vector<16xf32>
    %scan3A_12 = arith.constant 0 : i32
    %scan3A_13 = arith.constant 0 : i32
    %scan3A_14 = arith.constant 128 : i32
    %scan3A_15 = arith.addi %scan3A_13, %scan3A_14 : i32
    %scan3A_16 = arith.constant 1 : i32
    %scan3A_17 = scf.for %scan3A_87 = %scan3A_13 to %scan3A_15 step %scan3A_16 iter_args(%scan3A_88 = %scan3A_12) -> (i32)  : i32 {
      %swap3A = arith.index_cast %scan3A_87 : i32 to index
      %swap3A_89 = arith.constant 0 : index
      %swap3A_90 = tpu.vector_load %arg9[%swap3A, %swap3A_89] {strides = array<i32>} : memref<128x16xf32, #tpu.memory_space<vmem>>, vector<1x16xf32>,
      %swap3A_91 = vector.shape_cast %swap3A_90 : vector<1x16xf32> to vector<16xf32>
      %swap3A_92 = vector.shape_cast %broadcast_in_dim3A_11 : vector<16xf32> to vector<1x16xf32>
      tpu.vector_store %arg9[%swap3A, %swap3A_89], %swap3A_92 {strides = array<i32>} : memref<128x16xf32, #tpu.memory_space<vmem>>, vector<1x16xf32>,
      %scan3A_93 = arith.constant 0 : i32
      scf.yield %scan3A_93 : i32
    }
    %scan3A_18 = arith.constant 128 : i32
    %add3A_19 = arith.constant 0 : i32
    %add3A_20 = arith.addi %mul3A_2, %add3A_19 : i32
    "tpu.region"() ({
      %run_scoped3A = tpu.sem_alloc : memref<!tpu.dma_semaphore, #tpu.memory_space<semaphore_mem>>
      %dma_start3A = arith.constant 0 : i32
      %dma_start3A_87 = arith.constant 0 : i32
      %dma_start3A_88 = tpu.memref_slice %arg9[%dma_start3A, %dma_start3A_87] : memref<128x16xf32, #tpu.memory_space<vmem>> -> memref<128x16xf32, #tpu.memory_space<vmem>>
      %dma_start3A_89 = arith.constant 0 : i32
      %dma_start3A_90 = tpu.memref_slice %arg10[%add3A_20, %dma_start3A_89] : memref<10112x16xf32, #tpu.memory_space<vmem_shared>> -> memref<128x16xf32, #tpu.memory_space<vmem_shared>>
      %dma_start3A_91 = arith.constant 0 : i32
      %dma_start3A_92 = tpu.memref_slice %arg10[%add3A_20, %dma_start3A_91] : memref<10112x16xf32, #tpu.memory_space<vmem_shared>> -> memref<128x16xf32, #tpu.memory_space<vmem_shared>>
      %dma_start3A_93 = arith.constant 0 : i32
      %dma_start3A_94 = arith.constant 0 : i32
      %dma_start3A_95 = tpu.memref_slice %arg9[%dma_start3A_93, %dma_start3A_94] : memref<128x16xf32, #tpu.memory_space<vmem>> -> memref<128x16xf32, #tpu.memory_space<vmem>>
      tpu.enqueue_dma source(%dma_start3A_95 : memref<128x16xf32, #tpu.memory_space<vmem>>) target(%dma_start3A_92 : memref<128x16xf32, #tpu.memory_space<vmem_shared>>) target_semaphore(%run_scoped3A : memref<!tpu.dma_semaphore, #tpu.memory_space<semaphore_mem>>)
      %dma_wait3A = arith.constant 0 : i32
      %dma_wait3A_96 = arith.constant 0 : i32
      %dma_wait3A_97 = tpu.memref_slice %arg9[%dma_wait3A, %dma_wait3A_96] : memref<128x16xf32, #tpu.memory_space<vmem>> -> memref<128x16xf32, #tpu.memory_space<vmem>>
      %dma_wait3A_98 = arith.constant 0 : i32
      %dma_wait3A_99 = tpu.memref_slice %arg10[%add3A_20, %dma_wait3A_98] : memref<10112x16xf32, #tpu.memory_space<vmem_shared>> -> memref<128x16xf32, #tpu.memory_space<vmem_shared>>
      %dma_wait3A_100 = arith.constant 0 : i32
      %dma_wait3A_101 = tpu.memref_slice %arg10[%add3A_20, %dma_wait3A_100] : memref<10112x16xf32, #tpu.memory_space<vmem_shared>> -> memref<128x16xf32, #tpu.memory_space<vmem_shared>>
      %dma_wait3A_102 = arith.constant 0 : i32
      %dma_wait3A_103 = arith.constant 0 : i32
      %dma_wait3A_104 = tpu.memref_slice %arg9[%dma_wait3A_102, %dma_wait3A_103] : memref<128x16xf32, #tpu.memory_space<vmem>> -> memref<128x16xf32, #tpu.memory_space<vmem>>
      tpu.wait_dma2 semaphore(%run_scoped3A : memref<!tpu.dma_semaphore, #tpu.memory_space<semaphore_mem>>) src(%dma_wait3A_104 : memref<128x16xf32, #tpu.memory_space<vmem>>) dst(%dma_wait3A_101 : memref<128x16xf32, #tpu.memory_space<vmem_shared>>)
      tpu.yield
    }) : () -> ()
    %add3A_21 = arith.constant 0 : i32
    %add3A_22 = arith.addi %mul3A_2, %add3A_21 : i32
    "tpu.region"() ({
      %run_scoped3A = tpu.sem_alloc : memref<!tpu.dma_semaphore, #tpu.memory_space<semaphore_mem>>
      %dma_start3A = arith.constant 0 : i32
      %dma_start3A_87 = arith.constant 0 : i32
      %dma_start3A_88 = tpu.memref_slice %arg9[%dma_start3A, %dma_start3A_87] : memref<128x16xf32, #tpu.memory_space<vmem>> -> memref<128x16xf32, #tpu.memory_space<vmem>>
      %dma_start3A_89 = arith.constant 0 : i32
      %dma_start3A_90 = tpu.memref_slice %arg11[%add3A_22, %dma_start3A_89] : memref<10112x16xf32, #tpu.memory_space<vmem_shared>> -> memref<128x16xf32, #tpu.memory_space<vmem_shared>>
      %dma_start3A_91 = arith.constant 0 : i32
      %dma_start3A_92 = tpu.memref_slice %arg11[%add3A_22, %dma_start3A_91] : memref<10112x16xf32, #tpu.memory_space<vmem_shared>> -> memref<128x16xf32, #tpu.memory_space<vmem_shared>>
      %dma_start3A_93 = arith.constant 0 : i32
      %dma_start3A_94 = arith.constant 0 : i32
      %dma_start3A_95 = tpu.memref_slice %arg9[%dma_start3A_93, %dma_start3A_94] : memref<128x16xf32, #tpu.memory_space<vmem>> -> memref<128x16xf32, #tpu.memory_space<vmem>>
      tpu.enqueue_dma source(%dma_start3A_95 : memref<128x16xf32, #tpu.memory_space<vmem>>) target(%dma_start3A_92 : memref<128x16xf32, #tpu.memory_space<vmem_shared>>) target_semaphore(%run_scoped3A : memref<!tpu.dma_semaphore, #tpu.memory_space<semaphore_mem>>)
      %dma_wait3A = arith.constant 0 : i32
      %dma_wait3A_96 = arith.constant 0 : i32
      %dma_wait3A_97 = tpu.memref_slice %arg9[%dma_wait3A, %dma_wait3A_96] : memref<128x16xf32, #tpu.memory_space<vmem>> -> memref<128x16xf32, #tpu.memory_space<vmem>>
      %dma_wait3A_98 = arith.constant 0 : i32
      %dma_wait3A_99 = tpu.memref_slice %arg11[%add3A_22, %dma_wait3A_98] : memref<10112x16xf32, #tpu.memory_space<vmem_shared>> -> memref<128x16xf32, #tpu.memory_space<vmem_shared>>
      %dma_wait3A_100 = arith.constant 0 : i32
      %dma_wait3A_101 = tpu.memref_slice %arg11[%add3A_22, %dma_wait3A_100] : memref<10112x16xf32, #tpu.memory_space<vmem_shared>> -> memref<128x16xf32, #tpu.memory_space<vmem_shared>>
      %dma_wait3A_102 = arith.constant 0 : i32
      %dma_wait3A_103 = arith.constant 0 : i32
      %dma_wait3A_104 = tpu.memref_slice %arg9[%dma_wait3A_102, %dma_wait3A_103] : memref<128x16xf32, #tpu.memory_space<vmem>> -> memref<128x16xf32, #tpu.memory_space<vmem>>
      tpu.wait_dma2 semaphore(%run_scoped3A : memref<!tpu.dma_semaphore, #tpu.memory_space<semaphore_mem>>) src(%dma_wait3A_104 : memref<128x16xf32, #tpu.memory_space<vmem>>) dst(%dma_wait3A_101 : memref<128x16xf32, #tpu.memory_space<vmem_shared>>)
      tpu.yield
    }) : () -> ()
    %add3A_23 = arith.constant 128 : i32
    %add3A_24 = arith.addi %mul3A_2, %add3A_23 : i32
    "tpu.region"() ({
      %run_scoped3A = tpu.sem_alloc : memref<!tpu.dma_semaphore, #tpu.memory_space<semaphore_mem>>
      %dma_start3A = arith.constant 0 : i32
      %dma_start3A_87 = arith.constant 0 : i32
      %dma_start3A_88 = tpu.memref_slice %arg9[%dma_start3A, %dma_start3A_87] : memref<128x16xf32, #tpu.memory_space<vmem>> -> memref<128x16xf32, #tpu.memory_space<vmem>>
      %dma_start3A_89 = arith.constant 0 : i32
      %dma_start3A_90 = tpu.memref_slice %arg10[%add3A_24, %dma_start3A_89] : memref<10112x16xf32, #tpu.memory_space<vmem_shared>> -> memref<128x16xf32, #tpu.memory_space<vmem_shared>>
      %dma_start3A_91 = arith.constant 0 : i32
      %dma_start3A_92 = tpu.memref_slice %arg10[%add3A_24, %dma_start3A_91] : memref<10112x16xf32, #tpu.memory_space<vmem_shared>> -> memref<128x16xf32, #tpu.memory_space<vmem_shared>>
      %dma_start3A_93 = arith.constant 0 : i32
      %dma_start3A_94 = arith.constant 0 : i32
      %dma_start3A_95 = tpu.memref_slice %arg9[%dma_start3A_93, %dma_start3A_94] : memref<128x16xf32, #tpu.memory_space<vmem>> -> memref<128x16xf32, #tpu.memory_space<vmem>>
      tpu.enqueue_dma source(%dma_start3A_95 : memref<128x16xf32, #tpu.memory_space<vmem>>) target(%dma_start3A_92 : memref<128x16xf32, #tpu.memory_space<vmem_shared>>) target_semaphore(%run_scoped3A : memref<!tpu.dma_semaphore, #tpu.memory_space<semaphore_mem>>)
      %dma_wait3A = arith.constant 0 : i32
      %dma_wait3A_96 = arith.constant 0 : i32
      %dma_wait3A_97 = tpu.memref_slice %arg9[%dma_wait3A, %dma_wait3A_96] : memref<128x16xf32, #tpu.memory_space<vmem>> -> memref<128x16xf32, #tpu.memory_space<vmem>>
      %dma_wait3A_98 = arith.constant 0 : i32
      %dma_wait3A_99 = tpu.memref_slice %arg10[%add3A_24, %dma_wait3A_98] : memref<10112x16xf32, #tpu.memory_space<vmem_shared>> -> memref<128x16xf32, #tpu.memory_space<vmem_shared>>
      %dma_wait3A_100 = arith.constant 0 : i32
      %dma_wait3A_101 = tpu.memref_slice %arg10[%add3A_24, %dma_wait3A_100] : memref<10112x16xf32, #tpu.memory_space<vmem_shared>> -> memref<128x16xf32, #tpu.memory_space<vmem_shared>>
      %dma_wait3A_102 = arith.constant 0 : i32
      %dma_wait3A_103 = arith.constant 0 : i32
      %dma_wait3A_104 = tpu.memref_slice %arg9[%dma_wait3A_102, %dma_wait3A_103] : memref<128x16xf32, #tpu.memory_space<vmem>> -> memref<128x16xf32, #tpu.memory_space<vmem>>
      tpu.wait_dma2 semaphore(%run_scoped3A : memref<!tpu.dma_semaphore, #tpu.memory_space<semaphore_mem>>) src(%dma_wait3A_104 : memref<128x16xf32, #tpu.memory_space<vmem>>) dst(%dma_wait3A_101 : memref<128x16xf32, #tpu.memory_space<vmem_shared>>)
      tpu.yield
    }) : () -> ()
    %add3A_25 = arith.constant 128 : i32
    %add3A_26 = arith.addi %mul3A_2, %add3A_25 : i32
    "tpu.region"() ({
      %run_scoped3A = tpu.sem_alloc : memref<!tpu.dma_semaphore, #tpu.memory_space<semaphore_mem>>
      %dma_start3A = arith.constant 0 : i32
      %dma_start3A_87 = arith.constant 0 : i32
      %dma_start3A_88 = tpu.memref_slice %arg9[%dma_start3A, %dma_start3A_87] : memref<128x16xf32, #tpu.memory_space<vmem>> -> memref<128x16xf32, #tpu.memory_space<vmem>>
      %dma_start3A_89 = arith.constant 0 : i32
      %dma_start3A_90 = tpu.memref_slice %arg11[%add3A_26, %dma_start3A_89] : memref<10112x16xf32, #tpu.memory_space<vmem_shared>> -> memref<128x16xf32, #tpu.memory_space<vmem_shared>>
      %dma_start3A_91 = arith.constant 0 : i32
      %dma_start3A_92 = tpu.memref_slice %arg11[%add3A_26, %dma_start3A_91] : memref<10112x16xf32, #tpu.memory_space<vmem_shared>> -> memref<128x16xf32, #tpu.memory_space<vmem_shared>>
      %dma_start3A_93 = arith.constant 0 : i32
      %dma_start3A_94 = arith.constant 0 : i32
      %dma_start3A_95 = tpu.memref_slice %arg9[%dma_start3A_93, %dma_start3A_94] : memref<128x16xf32, #tpu.memory_space<vmem>> -> memref<128x16xf32, #tpu.memory_space<vmem>>
      tpu.enqueue_dma source(%dma_start3A_95 : memref<128x16xf32, #tpu.memory_space<vmem>>) target(%dma_start3A_92 : memref<128x16xf32, #tpu.memory_space<vmem_shared>>) target_semaphore(%run_scoped3A : memref<!tpu.dma_semaphore, #tpu.memory_space<semaphore_mem>>)
      %dma_wait3A = arith.constant 0 : i32
      %dma_wait3A_96 = arith.constant 0 : i32
      %dma_wait3A_97 = tpu.memref_slice %arg9[%dma_wait3A, %dma_wait3A_96] : memref<128x16xf32, #tpu.memory_space<vmem>> -> memref<128x16xf32, #tpu.memory_space<vmem>>
      %dma_wait3A_98 = arith.constant 0 : i32
      %dma_wait3A_99 = tpu.memref_slice %arg11[%add3A_26, %dma_wait3A_98] : memref<10112x16xf32, #tpu.memory_space<vmem_shared>> -> memref<128x16xf32, #tpu.memory_space<vmem_shared>>
      %dma_wait3A_100 = arith.constant 0 : i32
      %dma_wait3A_101 = tpu.memref_slice %arg11[%add3A_26, %dma_wait3A_100] : memref<10112x16xf32, #tpu.memory_space<vmem_shared>> -> memref<128x16xf32, #tpu.memory_space<vmem_shared>>
      %dma_wait3A_102 = arith.constant 0 : i32
      %dma_wait3A_103 = arith.constant 0 : i32
      %dma_wait3A_104 = tpu.memref_slice %arg9[%dma_wait3A_102, %dma_wait3A_103] : memref<128x16xf32, #tpu.memory_space<vmem>> -> memref<128x16xf32, #tpu.memory_space<vmem>>
      tpu.wait_dma2 semaphore(%run_scoped3A : memref<!tpu.dma_semaphore, #tpu.memory_space<semaphore_mem>>) src(%dma_wait3A_104 : memref<128x16xf32, #tpu.memory_space<vmem>>) dst(%dma_wait3A_101 : memref<128x16xf32, #tpu.memory_space<vmem_shared>>)
      tpu.yield
    }) : () -> ()
    %add3A_27 = arith.constant 256 : i32
    %add3A_28 = arith.addi %mul3A_2, %add3A_27 : i32
    "tpu.region"() ({
      %run_scoped3A = tpu.sem_alloc : memref<!tpu.dma_semaphore, #tpu.memory_space<semaphore_mem>>
      %dma_start3A = arith.constant 0 : i32
      %dma_start3A_87 = arith.constant 0 : i32
      %dma_start3A_88 = tpu.memref_slice %arg9[%dma_start3A, %dma_start3A_87] : memref<128x16xf32, #tpu.memory_space<vmem>> -> memref<128x16xf32, #tpu.memory_space<vmem>>
      %dma_start3A_89 = arith.constant 0 : i32
      %dma_start3A_90 = tpu.memref_slice %arg10[%add3A_28, %dma_start3A_89] : memref<10112x16xf32, #tpu.memory_space<vmem_shared>> -> memref<128x16xf32, #tpu.memory_space<vmem_shared>>
      %dma_start3A_91 = arith.constant 0 : i32
      %dma_start3A_92 = tpu.memref_slice %arg10[%add3A_28, %dma_start3A_91] : memref<10112x16xf32, #tpu.memory_space<vmem_shared>> -> memref<128x16xf32, #tpu.memory_space<vmem_shared>>
      %dma_start3A_93 = arith.constant 0 : i32
      %dma_start3A_94 = arith.constant 0 : i32
      %dma_start3A_95 = tpu.memref_slice %arg9[%dma_start3A_93, %dma_start3A_94] : memref<128x16xf32, #tpu.memory_space<vmem>> -> memref<128x16xf32, #tpu.memory_space<vmem>>
      tpu.enqueue_dma source(%dma_start3A_95 : memref<128x16xf32, #tpu.memory_space<vmem>>) target(%dma_start3A_92 : memref<128x16xf32, #tpu.memory_space<vmem_shared>>) target_semaphore(%run_scoped3A : memref<!tpu.dma_semaphore, #tpu.memory_space<semaphore_mem>>)
      %dma_wait3A = arith.constant 0 : i32
      %dma_wait3A_96 = arith.constant 0 : i32
      %dma_wait3A_97 = tpu.memref_slice %arg9[%dma_wait3A, %dma_wait3A_96] : memref<128x16xf32, #tpu.memory_space<vmem>> -> memref<128x16xf32, #tpu.memory_space<vmem>>
      %dma_wait3A_98 = arith.constant 0 : i32
      %dma_wait3A_99 = tpu.memref_slice %arg10[%add3A_28, %dma_wait3A_98] : memref<10112x16xf32, #tpu.memory_space<vmem_shared>> -> memref<128x16xf32, #tpu.memory_space<vmem_shared>>
      %dma_wait3A_100 = arith.constant 0 : i32
      %dma_wait3A_101 = tpu.memref_slice %arg10[%add3A_28, %dma_wait3A_100] : memref<10112x16xf32, #tpu.memory_space<vmem_shared>> -> memref<128x16xf32, #tpu.memory_space<vmem_shared>>
      %dma_wait3A_102 = arith.constant 0 : i32
      %dma_wait3A_103 = arith.constant 0 : i32
      %dma_wait3A_104 = tpu.memref_slice %arg9[%dma_wait3A_102, %dma_wait3A_103] : memref<128x16xf32, #tpu.memory_space<vmem>> -> memref<128x16xf32, #tpu.memory_space<vmem>>
      tpu.wait_dma2 semaphore(%run_scoped3A : memref<!tpu.dma_semaphore, #tpu.memory_space<semaphore_mem>>) src(%dma_wait3A_104 : memref<128x16xf32, #tpu.memory_space<vmem>>) dst(%dma_wait3A_101 : memref<128x16xf32, #tpu.memory_space<vmem_shared>>)
      tpu.yield
    }) : () -> ()
    %add3A_29 = arith.constant 256 : i32
    %add3A_30 = arith.addi %mul3A_2, %add3A_29 : i32
    "tpu.region"() ({
      %run_scoped3A = tpu.sem_alloc : memref<!tpu.dma_semaphore, #tpu.memory_space<semaphore_mem>>
      %dma_start3A = arith.constant 0 : i32
      %dma_start3A_87 = arith.constant 0 : i32
      %dma_start3A_88 = tpu.memref_slice %arg9[%dma_start3A, %dma_start3A_87] : memref<128x16xf32, #tpu.memory_space<vmem>> -> memref<128x16xf32, #tpu.memory_space<vmem>>
      %dma_start3A_89 = arith.constant 0 : i32
      %dma_start3A_90 = tpu.memref_slice %arg11[%add3A_30, %dma_start3A_89] : memref<10112x16xf32, #tpu.memory_space<vmem_shared>> -> memref<128x16xf32, #tpu.memory_space<vmem_shared>>
      %dma_start3A_91 = arith.constant 0 : i32
      %dma_start3A_92 = tpu.memref_slice %arg11[%add3A_30, %dma_start3A_91] : memref<10112x16xf32, #tpu.memory_space<vmem_shared>> -> memref<128x16xf32, #tpu.memory_space<vmem_shared>>
      %dma_start3A_93 = arith.constant 0 : i32
      %dma_start3A_94 = arith.constant 0 : i32
      %dma_start3A_95 = tpu.memref_slice %arg9[%dma_start3A_93, %dma_start3A_94] : memref<128x16xf32, #tpu.memory_space<vmem>> -> memref<128x16xf32, #tpu.memory_space<vmem>>
      tpu.enqueue_dma source(%dma_start3A_95 : memref<128x16xf32, #tpu.memory_space<vmem>>) target(%dma_start3A_92 : memref<128x16xf32, #tpu.memory_space<vmem_shared>>) target_semaphore(%run_scoped3A : memref<!tpu.dma_semaphore, #tpu.memory_space<semaphore_mem>>)
      %dma_wait3A = arith.constant 0 : i32
      %dma_wait3A_96 = arith.constant 0 : i32
      %dma_wait3A_97 = tpu.memref_slice %arg9[%dma_wait3A, %dma_wait3A_96] : memref<128x16xf32, #tpu.memory_space<vmem>> -> memref<128x16xf32, #tpu.memory_space<vmem>>
      %dma_wait3A_98 = arith.constant 0 : i32
      %dma_wait3A_99 = tpu.memref_slice %arg11[%add3A_30, %dma_wait3A_98] : memref<10112x16xf32, #tpu.memory_space<vmem_shared>> -> memref<128x16xf32, #tpu.memory_space<vmem_shared>>
      %dma_wait3A_100 = arith.constant 0 : i32
      %dma_wait3A_101 = tpu.memref_slice %arg11[%add3A_30, %dma_wait3A_100] : memref<10112x16xf32, #tpu.memory_space<vmem_shared>> -> memref<128x16xf32, #tpu.memory_space<vmem_shared>>
      %dma_wait3A_102 = arith.constant 0 : i32
      %dma_wait3A_103 = arith.constant 0 : i32
      %dma_wait3A_104 = tpu.memref_slice %arg9[%dma_wait3A_102, %dma_wait3A_103] : memref<128x16xf32, #tpu.memory_space<vmem>> -> memref<128x16xf32, #tpu.memory_space<vmem>>
      tpu.wait_dma2 semaphore(%run_scoped3A : memref<!tpu.dma_semaphore, #tpu.memory_space<semaphore_mem>>) src(%dma_wait3A_104 : memref<128x16xf32, #tpu.memory_space<vmem>>) dst(%dma_wait3A_101 : memref<128x16xf32, #tpu.memory_space<vmem_shared>>)
      tpu.yield
    }) : () -> ()
    %add3A_31 = arith.constant 384 : i32
    %add3A_32 = arith.addi %mul3A_2, %add3A_31 : i32
    "tpu.region"() ({
      %run_scoped3A = tpu.sem_alloc : memref<!tpu.dma_semaphore, #tpu.memory_space<semaphore_mem>>
      %dma_start3A = arith.constant 0 : i32
      %dma_start3A_87 = arith.constant 0 : i32
      %dma_start3A_88 = tpu.memref_slice %arg9[%dma_start3A, %dma_start3A_87] : memref<128x16xf32, #tpu.memory_space<vmem>> -> memref<128x16xf32, #tpu.memory_space<vmem>>
      %dma_start3A_89 = arith.constant 0 : i32
      %dma_start3A_90 = tpu.memref_slice %arg10[%add3A_32, %dma_start3A_89] : memref<10112x16xf32, #tpu.memory_space<vmem_shared>> -> memref<128x16xf32, #tpu.memory_space<vmem_shared>>
      %dma_start3A_91 = arith.constant 0 : i32
      %dma_start3A_92 = tpu.memref_slice %arg10[%add3A_32, %dma_start3A_91] : memref<10112x16xf32, #tpu.memory_space<vmem_shared>> -> memref<128x16xf32, #tpu.memory_space<vmem_shared>>
      %dma_start3A_93 = arith.constant 0 : i32
      %dma_start3A_94 = arith.constant 0 : i32
      %dma_start3A_95 = tpu.memref_slice %arg9[%dma_start3A_93, %dma_start3A_94] : memref<128x16xf32, #tpu.memory_space<vmem>> -> memref<128x16xf32, #tpu.memory_space<vmem>>
      tpu.enqueue_dma source(%dma_start3A_95 : memref<128x16xf32, #tpu.memory_space<vmem>>) target(%dma_start3A_92 : memref<128x16xf32, #tpu.memory_space<vmem_shared>>) target_semaphore(%run_scoped3A : memref<!tpu.dma_semaphore, #tpu.memory_space<semaphore_mem>>)
      %dma_wait3A = arith.constant 0 : i32
      %dma_wait3A_96 = arith.constant 0 : i32
      %dma_wait3A_97 = tpu.memref_slice %arg9[%dma_wait3A, %dma_wait3A_96] : memref<128x16xf32, #tpu.memory_space<vmem>> -> memref<128x16xf32, #tpu.memory_space<vmem>>
      %dma_wait3A_98 = arith.constant 0 : i32
      %dma_wait3A_99 = tpu.memref_slice %arg10[%add3A_32, %dma_wait3A_98] : memref<10112x16xf32, #tpu.memory_space<vmem_shared>> -> memref<128x16xf32, #tpu.memory_space<vmem_shared>>
      %dma_wait3A_100 = arith.constant 0 : i32
      %dma_wait3A_101 = tpu.memref_slice %arg10[%add3A_32, %dma_wait3A_100] : memref<10112x16xf32, #tpu.memory_space<vmem_shared>> -> memref<128x16xf32, #tpu.memory_space<vmem_shared>>
      %dma_wait3A_102 = arith.constant 0 : i32
      %dma_wait3A_103 = arith.constant 0 : i32
      %dma_wait3A_104 = tpu.memref_slice %arg9[%dma_wait3A_102, %dma_wait3A_103] : memref<128x16xf32, #tpu.memory_space<vmem>> -> memref<128x16xf32, #tpu.memory_space<vmem>>
      tpu.wait_dma2 semaphore(%run_scoped3A : memref<!tpu.dma_semaphore, #tpu.memory_space<semaphore_mem>>) src(%dma_wait3A_104 : memref<128x16xf32, #tpu.memory_space<vmem>>) dst(%dma_wait3A_101 : memref<128x16xf32, #tpu.memory_space<vmem_shared>>)
      tpu.yield
    }) : () -> ()
    %add3A_33 = arith.constant 384 : i32
    %add3A_34 = arith.addi %mul3A_2, %add3A_33 : i32
    "tpu.region"() ({
      %run_scoped3A = tpu.sem_alloc : memref<!tpu.dma_semaphore, #tpu.memory_space<semaphore_mem>>
      %dma_start3A = arith.constant 0 : i32
      %dma_start3A_87 = arith.constant 0 : i32
      %dma_start3A_88 = tpu.memref_slice %arg9[%dma_start3A, %dma_start3A_87] : memref<128x16xf32, #tpu.memory_space<vmem>> -> memref<128x16xf32, #tpu.memory_space<vmem>>
      %dma_start3A_89 = arith.constant 0 : i32
      %dma_start3A_90 = tpu.memref_slice %arg11[%add3A_34, %dma_start3A_89] : memref<10112x16xf32, #tpu.memory_space<vmem_shared>> -> memref<128x16xf32, #tpu.memory_space<vmem_shared>>
      %dma_start3A_91 = arith.constant 0 : i32
      %dma_start3A_92 = tpu.memref_slice %arg11[%add3A_34, %dma_start3A_91] : memref<10112x16xf32, #tpu.memory_space<vmem_shared>> -> memref<128x16xf32, #tpu.memory_space<vmem_shared>>
      %dma_start3A_93 = arith.constant 0 : i32
      %dma_start3A_94 = arith.constant 0 : i32
      %dma_start3A_95 = tpu.memref_slice %arg9[%dma_start3A_93, %dma_start3A_94] : memref<128x16xf32, #tpu.memory_space<vmem>> -> memref<128x16xf32, #tpu.memory_space<vmem>>
      tpu.enqueue_dma source(%dma_start3A_95 : memref<128x16xf32, #tpu.memory_space<vmem>>) target(%dma_start3A_92 : memref<128x16xf32, #tpu.memory_space<vmem_shared>>) target_semaphore(%run_scoped3A : memref<!tpu.dma_semaphore, #tpu.memory_space<semaphore_mem>>)
      %dma_wait3A = arith.constant 0 : i32
      %dma_wait3A_96 = arith.constant 0 : i32
      %dma_wait3A_97 = tpu.memref_slice %arg9[%dma_wait3A, %dma_wait3A_96] : memref<128x16xf32, #tpu.memory_space<vmem>> -> memref<128x16xf32, #tpu.memory_space<vmem>>
      %dma_wait3A_98 = arith.constant 0 : i32
      %dma_wait3A_99 = tpu.memref_slice %arg11[%add3A_34, %dma_wait3A_98] : memref<10112x16xf32, #tpu.memory_space<vmem_shared>> -> memref<128x16xf32, #tpu.memory_space<vmem_shared>>
      %dma_wait3A_100 = arith.constant 0 : i32
      %dma_wait3A_101 = tpu.memref_slice %arg11[%add3A_34, %dma_wait3A_100] : memref<10112x16xf32, #tpu.memory_space<vmem_shared>> -> memref<128x16xf32, #tpu.memory_space<vmem_shared>>
      %dma_wait3A_102 = arith.constant 0 : i32
      %dma_wait3A_103 = arith.constant 0 : i32
      %dma_wait3A_104 = tpu.memref_slice %arg9[%dma_wait3A_102, %dma_wait3A_103] : memref<128x16xf32, #tpu.memory_space<vmem>> -> memref<128x16xf32, #tpu.memory_space<vmem>>
      tpu.wait_dma2 semaphore(%run_scoped3A : memref<!tpu.dma_semaphore, #tpu.memory_space<semaphore_mem>>) src(%dma_wait3A_104 : memref<128x16xf32, #tpu.memory_space<vmem>>) dst(%dma_wait3A_101 : memref<128x16xf32, #tpu.memory_space<vmem_shared>>)
      tpu.yield
    }) : () -> ()
    %add3A_35 = arith.constant 512 : i32
    %add3A_36 = arith.addi %mul3A_2, %add3A_35 : i32
    "tpu.region"() ({
      %run_scoped3A = tpu.sem_alloc : memref<!tpu.dma_semaphore, #tpu.memory_space<semaphore_mem>>
      %dma_start3A = arith.constant 0 : i32
      %dma_start3A_87 = arith.constant 0 : i32
      %dma_start3A_88 = tpu.memref_slice %arg9[%dma_start3A, %dma_start3A_87] : memref<128x16xf32, #tpu.memory_space<vmem>> -> memref<120x16xf32, #tpu.memory_space<vmem>>
      %dma_start3A_89 = arith.constant 0 : i32
      %dma_start3A_90 = tpu.memref_slice %arg10[%add3A_36, %dma_start3A_89] : memref<10112x16xf32, #tpu.memory_space<vmem_shared>> -> memref<120x16xf32, #tpu.memory_space<vmem_shared>>
      %dma_start3A_91 = arith.constant 0 : i32
      %dma_start3A_92 = tpu.memref_slice %arg10[%add3A_36, %dma_start3A_91] : memref<10112x16xf32, #tpu.memory_space<vmem_shared>> -> memref<120x16xf32, #tpu.memory_space<vmem_shared>>
      %dma_start3A_93 = arith.constant 0 : i32
      %dma_start3A_94 = arith.constant 0 : i32
      %dma_start3A_95 = tpu.memref_slice %arg9[%dma_start3A_93, %dma_start3A_94] : memref<128x16xf32, #tpu.memory_space<vmem>> -> memref<120x16xf32, #tpu.memory_space<vmem>>
      tpu.enqueue_dma source(%dma_start3A_95 : memref<120x16xf32, #tpu.memory_space<vmem>>) target(%dma_start3A_92 : memref<120x16xf32, #tpu.memory_space<vmem_shared>>) target_semaphore(%run_scoped3A : memref<!tpu.dma_semaphore, #tpu.memory_space<semaphore_mem>>)
      %dma_wait3A = arith.constant 0 : i32
      %dma_wait3A_96 = arith.constant 0 : i32
      %dma_wait3A_97 = tpu.memref_slice %arg9[%dma_wait3A, %dma_wait3A_96] : memref<128x16xf32, #tpu.memory_space<vmem>> -> memref<120x16xf32, #tpu.memory_space<vmem>>
      %dma_wait3A_98 = arith.constant 0 : i32
      %dma_wait3A_99 = tpu.memref_slice %arg10[%add3A_36, %dma_wait3A_98] : memref<10112x16xf32, #tpu.memory_space<vmem_shared>> -> memref<120x16xf32, #tpu.memory_space<vmem_shared>>
      %dma_wait3A_100 = arith.constant 0 : i32
      %dma_wait3A_101 = tpu.memref_slice %arg10[%add3A_36, %dma_wait3A_100] : memref<10112x16xf32, #tpu.memory_space<vmem_shared>> -> memref<120x16xf32, #tpu.memory_space<vmem_shared>>
      %dma_wait3A_102 = arith.constant 0 : i32
      %dma_wait3A_103 = arith.constant 0 : i32
      %dma_wait3A_104 = tpu.memref_slice %arg9[%dma_wait3A_102, %dma_wait3A_103] : memref<128x16xf32, #tpu.memory_space<vmem>> -> memref<120x16xf32, #tpu.memory_space<vmem>>
      tpu.wait_dma2 semaphore(%run_scoped3A : memref<!tpu.dma_semaphore, #tpu.memory_space<semaphore_mem>>) src(%dma_wait3A_104 : memref<120x16xf32, #tpu.memory_space<vmem>>) dst(%dma_wait3A_101 : memref<120x16xf32, #tpu.memory_space<vmem_shared>>)
      tpu.yield
    }) : () -> ()
    %add3A_37 = arith.constant 512 : i32
    %add3A_38 = arith.addi %mul3A_2, %add3A_37 : i32
    "tpu.region"() ({
      %run_scoped3A = tpu.sem_alloc : memref<!tpu.dma_semaphore, #tpu.memory_space<semaphore_mem>>
      %dma_start3A = arith.constant 0 : i32
      %dma_start3A_87 = arith.constant 0 : i32
      %dma_start3A_88 = tpu.memref_slice %arg9[%dma_start3A, %dma_start3A_87] : memref<128x16xf32, #tpu.memory_space<vmem>> -> memref<120x16xf32, #tpu.memory_space<vmem>>
      %dma_start3A_89 = arith.constant 0 : i32
      %dma_start3A_90 = tpu.memref_slice %arg11[%add3A_38, %dma_start3A_89] : memref<10112x16xf32, #tpu.memory_space<vmem_shared>> -> memref<120x16xf32, #tpu.memory_space<vmem_shared>>
      %dma_start3A_91 = arith.constant 0 : i32
      %dma_start3A_92 = tpu.memref_slice %arg11[%add3A_38, %dma_start3A_91] : memref<10112x16xf32, #tpu.memory_space<vmem_shared>> -> memref<120x16xf32, #tpu.memory_space<vmem_shared>>
      %dma_start3A_93 = arith.constant 0 : i32
      %dma_start3A_94 = arith.constant 0 : i32
      %dma_start3A_95 = tpu.memref_slice %arg9[%dma_start3A_93, %dma_start3A_94] : memref<128x16xf32, #tpu.memory_space<vmem>> -> memref<120x16xf32, #tpu.memory_space<vmem>>
      tpu.enqueue_dma source(%dma_start3A_95 : memref<120x16xf32, #tpu.memory_space<vmem>>) target(%dma_start3A_92 : memref<120x16xf32, #tpu.memory_space<vmem_shared>>) target_semaphore(%run_scoped3A : memref<!tpu.dma_semaphore, #tpu.memory_space<semaphore_mem>>)
      %dma_wait3A = arith.constant 0 : i32
      %dma_wait3A_96 = arith.constant 0 : i32
      %dma_wait3A_97 = tpu.memref_slice %arg9[%dma_wait3A, %dma_wait3A_96] : memref<128x16xf32, #tpu.memory_space<vmem>> -> memref<120x16xf32, #tpu.memory_space<vmem>>
      %dma_wait3A_98 = arith.constant 0 : i32
      %dma_wait3A_99 = tpu.memref_slice %arg11[%add3A_38, %dma_wait3A_98] : memref<10112x16xf32, #tpu.memory_space<vmem_shared>> -> memref<120x16xf32, #tpu.memory_space<vmem_shared>>
      %dma_wait3A_100 = arith.constant 0 : i32
      %dma_wait3A_101 = tpu.memref_slice %arg11[%add3A_38, %dma_wait3A_100] : memref<10112x16xf32, #tpu.memory_space<vmem_shared>> -> memref<120x16xf32, #tpu.memory_space<vmem_shared>>
      %dma_wait3A_102 = arith.constant 0 : i32
      %dma_wait3A_103 = arith.constant 0 : i32
      %dma_wait3A_104 = tpu.memref_slice %arg9[%dma_wait3A_102, %dma_wait3A_103] : memref<128x16xf32, #tpu.memory_space<vmem>> -> memref<120x16xf32, #tpu.memory_space<vmem>>
      tpu.wait_dma2 semaphore(%run_scoped3A : memref<!tpu.dma_semaphore, #tpu.memory_space<semaphore_mem>>) src(%dma_wait3A_104 : memref<120x16xf32, #tpu.memory_space<vmem>>) dst(%dma_wait3A_101 : memref<120x16xf32, #tpu.memory_space<vmem_shared>>)
      tpu.yield
    }) : () -> ()
    %barrier3A = arith.constant 0 : index
    tpu.barrier barrier_id(%barrier3A)
    "tpu.region"() ({
      %run_scoped3A = tpu.sem_alloc : memref<!tpu.dma_semaphore, #tpu.memory_space<semaphore_mem>>
      %dma_start3A = arith.constant 0 : i32
      %dma_start3A_87 = arith.constant 0 : i32
      %dma_start3A_88 = tpu.memref_slice %arg2[%add3A, %dma_start3A, %dma_start3A_87] : memref<32x80x128xi32, #tpu.memory_space<hbm>> -> memref<1x80x128xi32, #tpu.memory_space<hbm>>
      %dma_start3A_89 = tpu.memref_squeeze %dma_start3A_88 : memref<1x80x128xi32, #tpu.memory_space<hbm>> -> memref<80x128xi32, #tpu.memory_space<hbm>>
      %dma_start3A_90 = arith.constant 0 : i32
      %dma_start3A_91 = arith.constant 0 : i32
      %dma_start3A_92 = tpu.memref_slice %arg2[%add3A, %dma_start3A_90, %dma_start3A_91] : memref<32x80x128xi32, #tpu.memory_space<hbm>> -> memref<1x80x128xi32, #tpu.memory_space<hbm>>
      %dma_start3A_93 = tpu.memref_squeeze %dma_start3A_92 : memref<1x80x128xi32, #tpu.memory_space<hbm>> -> memref<80x128xi32, #tpu.memory_space<hbm>>
      tpu.enqueue_dma source(%dma_start3A_93 : memref<80x128xi32, #tpu.memory_space<hbm>>) target(%arg6 : memref<80x128xi32, #tpu.memory_space<vmem>>) target_semaphore(%run_scoped3A : memref<!tpu.dma_semaphore, #tpu.memory_space<semaphore_mem>>)
      %dma_wait3A = arith.constant 0 : i32
      %dma_wait3A_94 = arith.constant 0 : i32
      %dma_wait3A_95 = tpu.memref_slice %arg2[%add3A, %dma_wait3A, %dma_wait3A_94] : memref<32x80x128xi32, #tpu.memory_space<hbm>> -> memref<1x80x128xi32, #tpu.memory_space<hbm>>
      %dma_wait3A_96 = tpu.memref_squeeze %dma_wait3A_95 : memref<1x80x128xi32, #tpu.memory_space<hbm>> -> memref<80x128xi32, #tpu.memory_space<hbm>>
      %dma_wait3A_97 = arith.constant 0 : i32
      %dma_wait3A_98 = arith.constant 0 : i32
      %dma_wait3A_99 = tpu.memref_slice %arg2[%add3A, %dma_wait3A_97, %dma_wait3A_98] : memref<32x80x128xi32, #tpu.memory_space<hbm>> -> memref<1x80x128xi32, #tpu.memory_space<hbm>>
      %dma_wait3A_100 = tpu.memref_squeeze %dma_wait3A_99 : memref<1x80x128xi32, #tpu.memory_space<hbm>> -> memref<80x128xi32, #tpu.memory_space<hbm>>
      tpu.wait_dma2 semaphore(%run_scoped3A : memref<!tpu.dma_semaphore, #tpu.memory_space<semaphore_mem>>) src(%dma_wait3A_100 : memref<80x128xi32, #tpu.memory_space<hbm>>) dst(%arg6 : memref<80x128xi32, #tpu.memory_space<vmem>>)
      tpu.yield
    }) : () -> ()
    "tpu.region"() ({
      %run_scoped3A = tpu.sem_alloc : memref<!tpu.dma_semaphore, #tpu.memory_space<semaphore_mem>>
      %dma_start3A = arith.constant 0 : i32
      %dma_start3A_87 = arith.constant 0 : i32
      %dma_start3A_88 = tpu.memref_slice %arg3[%add3A, %dma_start3A, %dma_start3A_87] : memref<32x80x128xi32, #tpu.memory_space<hbm>> -> memref<1x80x128xi32, #tpu.memory_space<hbm>>
      %dma_start3A_89 = tpu.memref_squeeze %dma_start3A_88 : memref<1x80x128xi32, #tpu.memory_space<hbm>> -> memref<80x128xi32, #tpu.memory_space<hbm>>
      %dma_start3A_90 = arith.constant 0 : i32
      %dma_start3A_91 = arith.constant 0 : i32
      %dma_start3A_92 = tpu.memref_slice %arg3[%add3A, %dma_start3A_90, %dma_start3A_91] : memref<32x80x128xi32, #tpu.memory_space<hbm>> -> memref<1x80x128xi32, #tpu.memory_space<hbm>>
      %dma_start3A_93 = tpu.memref_squeeze %dma_start3A_92 : memref<1x80x128xi32, #tpu.memory_space<hbm>> -> memref<80x128xi32, #tpu.memory_space<hbm>>
      tpu.enqueue_dma source(%dma_start3A_93 : memref<80x128xi32, #tpu.memory_space<hbm>>) target(%arg7 : memref<80x128xi32, #tpu.memory_space<vmem>>) target_semaphore(%run_scoped3A : memref<!tpu.dma_semaphore, #tpu.memory_space<semaphore_mem>>)
      %dma_wait3A = arith.constant 0 : i32
      %dma_wait3A_94 = arith.constant 0 : i32
      %dma_wait3A_95 = tpu.memref_slice %arg3[%add3A, %dma_wait3A, %dma_wait3A_94] : memref<32x80x128xi32, #tpu.memory_space<hbm>> -> memref<1x80x128xi32, #tpu.memory_space<hbm>>
      %dma_wait3A_96 = tpu.memref_squeeze %dma_wait3A_95 : memref<1x80x128xi32, #tpu.memory_space<hbm>> -> memref<80x128xi32, #tpu.memory_space<hbm>>
      %dma_wait3A_97 = arith.constant 0 : i32
      %dma_wait3A_98 = arith.constant 0 : i32
      %dma_wait3A_99 = tpu.memref_slice %arg3[%add3A, %dma_wait3A_97, %dma_wait3A_98] : memref<32x80x128xi32, #tpu.memory_space<hbm>> -> memref<1x80x128xi32, #tpu.memory_space<hbm>>
      %dma_wait3A_100 = tpu.memref_squeeze %dma_wait3A_99 : memref<1x80x128xi32, #tpu.memory_space<hbm>> -> memref<80x128xi32, #tpu.memory_space<hbm>>
      tpu.wait_dma2 semaphore(%run_scoped3A : memref<!tpu.dma_semaphore, #tpu.memory_space<semaphore_mem>>) src(%dma_wait3A_100 : memref<80x128xi32, #tpu.memory_space<hbm>>) dst(%arg7 : memref<80x128xi32, #tpu.memory_space<vmem>>)
      tpu.yield
    }) : () -> ()
    %scan3A_39 = arith.constant 0 : i32
    %scan3A_40 = arith.constant 0 : i32
    %scan3A_41 = arith.constant 80 : i32
    %scan3A_42 = arith.addi %scan3A_40, %scan3A_41 : i32
    %scan3A_43 = arith.constant 1 : i32
    %scan3A_44 = scf.for %scan3A_87 = %scan3A_40 to %scan3A_42 step %scan3A_43 iter_args(%scan3A_88 = %scan3A_39) -> (i32)  : i32 {
      "tpu.region"() ({
        %run_scoped3A = tpu.sem_alloc : memref<!tpu.dma_semaphore, #tpu.memory_space<semaphore_mem>>
        %dma_start3A = arith.constant 0 : i32
        %dma_start3A_90 = tpu.memref_slice %arg6[%scan3A_87, %dma_start3A] : memref<80x128xi32, #tpu.memory_space<vmem>> -> memref<1x128xi32, #tpu.memory_space<vmem>>
        %dma_start3A_91 = tpu.memref_squeeze %dma_start3A_90 : memref<1x128xi32, #tpu.memory_space<vmem>> -> memref<128xi32, #tpu.memory_space<vmem>>
        %dma_start3A_92 = arith.constant 0 : i32
        %dma_start3A_93 = arith.constant 0 : i32
        %dma_start3A_94 = tpu.memref_slice %arg10[%dma_start3A_92, %dma_start3A_93] : memref<10112x16xf32, #tpu.memory_space<vmem_shared>> -> memref<10112x16xf32, #tpu.memory_space<vmem_shared>>
        tpu.enqueue_indirect_dma source(%arg8 : memref<128x16xf32, #tpu.memory_space<vmem>>) target(%dma_start3A_94 : memref<10112x16xf32, #tpu.memory_space<vmem_shared>>) offsets(%dma_start3A_91 : memref<128xi32, #tpu.memory_space<vmem>>) semaphore(%run_scoped3A : memref<!tpu.dma_semaphore, #tpu.memory_space<semaphore_mem>>) {add = true}
        %dma_wait3A = arith.constant 0 : i32
        %dma_wait3A_95 = tpu.memref_slice %arg6[%scan3A_87, %dma_wait3A] : memref<80x128xi32, #tpu.memory_space<vmem>> -> memref<1x128xi32, #tpu.memory_space<vmem>>
        %dma_wait3A_96 = tpu.memref_squeeze %dma_wait3A_95 : memref<1x128xi32, #tpu.memory_space<vmem>> -> memref<128xi32, #tpu.memory_space<vmem>>
        %dma_wait3A_97 = arith.constant 0 : i32
        %dma_wait3A_98 = arith.constant 0 : i32
        %dma_wait3A_99 = tpu.memref_slice %arg10[%dma_wait3A_97, %dma_wait3A_98] : memref<10112x16xf32, #tpu.memory_space<vmem_shared>> -> memref<10112x16xf32, #tpu.memory_space<vmem_shared>>
        tpu.wait_indirect_dma semaphore(%run_scoped3A : memref<!tpu.dma_semaphore, #tpu.memory_space<semaphore_mem>>) src(%arg8 : memref<128x16xf32, #tpu.memory_space<vmem>>) dst(%dma_wait3A_99 : memref<10112x16xf32, #tpu.memory_space<vmem_shared>>)
        tpu.yield
      }) : () -> ()
      "tpu.region"() ({
        %run_scoped3A = tpu.sem_alloc : memref<!tpu.dma_semaphore, #tpu.memory_space<semaphore_mem>>
        %dma_start3A = arith.constant 0 : i32
        %dma_start3A_90 = tpu.memref_slice %arg7[%scan3A_87, %dma_start3A] : memref<80x128xi32, #tpu.memory_space<vmem>> -> memref<1x128xi32, #tpu.memory_space<vmem>>
        %dma_start3A_91 = tpu.memref_squeeze %dma_start3A_90 : memref<1x128xi32, #tpu.memory_space<vmem>> -> memref<128xi32, #tpu.memory_space<vmem>>
        %dma_start3A_92 = arith.constant 0 : i32
        %dma_start3A_93 = arith.constant 0 : i32
        %dma_start3A_94 = tpu.memref_slice %arg11[%dma_start3A_92, %dma_start3A_93] : memref<10112x16xf32, #tpu.memory_space<vmem_shared>> -> memref<10112x16xf32, #tpu.memory_space<vmem_shared>>
        tpu.enqueue_indirect_dma source(%arg8 : memref<128x16xf32, #tpu.memory_space<vmem>>) target(%dma_start3A_94 : memref<10112x16xf32, #tpu.memory_space<vmem_shared>>) offsets(%dma_start3A_91 : memref<128xi32, #tpu.memory_space<vmem>>) semaphore(%run_scoped3A : memref<!tpu.dma_semaphore, #tpu.memory_space<semaphore_mem>>) {add = true}
        %dma_wait3A = arith.constant 0 : i32
        %dma_wait3A_95 = tpu.memref_slice %arg7[%scan3A_87, %dma_wait3A] : memref<80x128xi32, #tpu.memory_space<vmem>> -> memref<1x128xi32, #tpu.memory_space<vmem>>
        %dma_wait3A_96 = tpu.memref_squeeze %dma_wait3A_95 : memref<1x128xi32, #tpu.memory_space<vmem>> -> memref<128xi32, #tpu.memory_space<vmem>>
        %dma_wait3A_97 = arith.constant 0 : i32
        %dma_wait3A_98 = arith.constant 0 : i32
        %dma_wait3A_99 = tpu.memref_slice %arg11[%dma_wait3A_97, %dma_wait3A_98] : memref<10112x16xf32, #tpu.memory_space<vmem_shared>> -> memref<10112x16xf32, #tpu.memory_space<vmem_shared>>
        tpu.wait_indirect_dma semaphore(%run_scoped3A : memref<!tpu.dma_semaphore, #tpu.memory_space<semaphore_mem>>) src(%arg8 : memref<128x16xf32, #tpu.memory_space<vmem>>) dst(%dma_wait3A_99 : memref<10112x16xf32, #tpu.memory_space<vmem_shared>>)
        tpu.yield
      }) : () -> ()
      %scan3A_89 = arith.constant 0 : i32
      scf.yield %scan3A_89 : i32
    }
    %scan3A_45 = arith.constant 80 : i32
    %barrier3A_46 = arith.constant 0 : index
    tpu.barrier barrier_id(%barrier3A_46)
    %add3A_47 = arith.constant 0 : i32
    %add3A_48 = arith.addi %mul3A_2, %add3A_47 : i32
    "tpu.region"() ({
      %run_scoped3A = tpu.sem_alloc : memref<!tpu.dma_semaphore, #tpu.memory_space<semaphore_mem>>
      %dma_start3A = arith.constant 0 : i32
      %dma_start3A_87 = arith.constant 0 : i32
      %dma_start3A_88 = tpu.memref_slice %arg9[%dma_start3A, %dma_start3A_87] : memref<128x16xf32, #tpu.memory_space<vmem>> -> memref<128x16xf32, #tpu.memory_space<vmem>>
      %dma_start3A_89 = arith.constant 0 : i32
      %dma_start3A_90 = tpu.memref_slice %arg10[%add3A_48, %dma_start3A_89] : memref<10112x16xf32, #tpu.memory_space<vmem_shared>> -> memref<128x16xf32, #tpu.memory_space<vmem_shared>>
      %dma_start3A_91 = arith.constant 0 : i32
      %dma_start3A_92 = arith.constant 0 : i32
      %dma_start3A_93 = tpu.memref_slice %arg9[%dma_start3A_91, %dma_start3A_92] : memref<128x16xf32, #tpu.memory_space<vmem>> -> memref<128x16xf32, #tpu.memory_space<vmem>>
      %dma_start3A_94 = arith.constant 0 : i32
      %dma_start3A_95 = tpu.memref_slice %arg10[%add3A_48, %dma_start3A_94] : memref<10112x16xf32, #tpu.memory_space<vmem_shared>> -> memref<128x16xf32, #tpu.memory_space<vmem_shared>>
      tpu.enqueue_dma source(%dma_start3A_95 : memref<128x16xf32, #tpu.memory_space<vmem_shared>>) target(%dma_start3A_93 : memref<128x16xf32, #tpu.memory_space<vmem>>) target_semaphore(%run_scoped3A : memref<!tpu.dma_semaphore, #tpu.memory_space<semaphore_mem>>)
      %dma_wait3A = arith.constant 0 : i32
      %dma_wait3A_96 = arith.constant 0 : i32
      %dma_wait3A_97 = tpu.memref_slice %arg9[%dma_wait3A, %dma_wait3A_96] : memref<128x16xf32, #tpu.memory_space<vmem>> -> memref<128x16xf32, #tpu.memory_space<vmem>>
      %dma_wait3A_98 = arith.constant 0 : i32
      %dma_wait3A_99 = tpu.memref_slice %arg10[%add3A_48, %dma_wait3A_98] : memref<10112x16xf32, #tpu.memory_space<vmem_shared>> -> memref<128x16xf32, #tpu.memory_space<vmem_shared>>
      %dma_wait3A_100 = arith.constant 0 : i32
      %dma_wait3A_101 = arith.constant 0 : i32
      %dma_wait3A_102 = tpu.memref_slice %arg9[%dma_wait3A_100, %dma_wait3A_101] : memref<128x16xf32, #tpu.memory_space<vmem>> -> memref<128x16xf32, #tpu.memory_space<vmem>>
      %dma_wait3A_103 = arith.constant 0 : i32
      %dma_wait3A_104 = tpu.memref_slice %arg10[%add3A_48, %dma_wait3A_103] : memref<10112x16xf32, #tpu.memory_space<vmem_shared>> -> memref<128x16xf32, #tpu.memory_space<vmem_shared>>
      tpu.wait_dma2 semaphore(%run_scoped3A : memref<!tpu.dma_semaphore, #tpu.memory_space<semaphore_mem>>) src(%dma_wait3A_104 : memref<128x16xf32, #tpu.memory_space<vmem_shared>>) dst(%dma_wait3A_102 : memref<128x16xf32, #tpu.memory_space<vmem>>)
      tpu.yield
    }) : () -> ()
    %add3A_49 = arith.constant 0 : i32
    %add3A_50 = arith.addi %mul3A_2, %add3A_49 : i32
    "tpu.region"() ({
      %run_scoped3A = tpu.sem_alloc : memref<!tpu.dma_semaphore, #tpu.memory_space<semaphore_mem>>
      %dma_start3A = arith.constant 0 : i32
      %dma_start3A_87 = arith.constant 0 : i32
      %dma_start3A_88 = tpu.memref_slice %arg9[%dma_start3A, %dma_start3A_87] : memref<128x16xf32, #tpu.memory_space<vmem>> -> memref<128x16xf32, #tpu.memory_space<vmem>>
      %dma_start3A_89 = arith.constant 0 : i32
      %dma_start3A_90 = tpu.memref_slice %arg4[%arg0, %add3A_50, %dma_start3A_89] : memref<2x10112x16xf32, #tpu.memory_space<hbm>> -> memref<1x128x16xf32, #tpu.memory_space<hbm>>
      %dma_start3A_91 = tpu.memref_squeeze %dma_start3A_90 : memref<1x128x16xf32, #tpu.memory_space<hbm>> -> memref<128x16xf32, #tpu.memory_space<hbm>>
      %dma_start3A_92 = arith.constant 0 : i32
      %dma_start3A_93 = tpu.memref_slice %arg4[%arg0, %add3A_50, %dma_start3A_92] : memref<2x10112x16xf32, #tpu.memory_space<hbm>> -> memref<1x128x16xf32, #tpu.memory_space<hbm>>
      %dma_start3A_94 = tpu.memref_squeeze %dma_start3A_93 : memref<1x128x16xf32, #tpu.memory_space<hbm>> -> memref<128x16xf32, #tpu.memory_space<hbm>>
      %dma_start3A_95 = arith.constant 0 : i32
      %dma_start3A_96 = arith.constant 0 : i32
      %dma_start3A_97 = tpu.memref_slice %arg9[%dma_start3A_95, %dma_start3A_96] : memref<128x16xf32, #tpu.memory_space<vmem>> -> memref<128x16xf32, #tpu.memory_space<vmem>>
      tpu.enqueue_dma source(%dma_start3A_97 : memref<128x16xf32, #tpu.memory_space<vmem>>) target(%dma_start3A_94 : memref<128x16xf32, #tpu.memory_space<hbm>>) target_semaphore(%run_scoped3A : memref<!tpu.dma_semaphore, #tpu.memory_space<semaphore_mem>>)
      %dma_wait3A = arith.constant 0 : i32
      %dma_wait3A_98 = arith.constant 0 : i32
      %dma_wait3A_99 = tpu.memref_slice %arg9[%dma_wait3A, %dma_wait3A_98] : memref<128x16xf32, #tpu.memory_space<vmem>> -> memref<128x16xf32, #tpu.memory_space<vmem>>
      %dma_wait3A_100 = arith.constant 0 : i32
      %dma_wait3A_101 = tpu.memref_slice %arg4[%arg0, %add3A_50, %dma_wait3A_100] : memref<2x10112x16xf32, #tpu.memory_space<hbm>> -> memref<1x128x16xf32, #tpu.memory_space<hbm>>
      %dma_wait3A_102 = tpu.memref_squeeze %dma_wait3A_101 : memref<1x128x16xf32, #tpu.memory_space<hbm>> -> memref<128x16xf32, #tpu.memory_space<hbm>>
      %dma_wait3A_103 = arith.constant 0 : i32
      %dma_wait3A_104 = tpu.memref_slice %arg4[%arg0, %add3A_50, %dma_wait3A_103] : memref<2x10112x16xf32, #tpu.memory_space<hbm>> -> memref<1x128x16xf32, #tpu.memory_space<hbm>>
      %dma_wait3A_105 = tpu.memref_squeeze %dma_wait3A_104 : memref<1x128x16xf32, #tpu.memory_space<hbm>> -> memref<128x16xf32, #tpu.memory_space<hbm>>
      %dma_wait3A_106 = arith.constant 0 : i32
      %dma_wait3A_107 = arith.constant 0 : i32
      %dma_wait3A_108 = tpu.memref_slice %arg9[%dma_wait3A_106, %dma_wait3A_107] : memref<128x16xf32, #tpu.memory_space<vmem>> -> memref<128x16xf32, #tpu.memory_space<vmem>>
      tpu.wait_dma2 semaphore(%run_scoped3A : memref<!tpu.dma_semaphore, #tpu.memory_space<semaphore_mem>>) src(%dma_wait3A_108 : memref<128x16xf32, #tpu.memory_space<vmem>>) dst(%dma_wait3A_105 : memref<128x16xf32, #tpu.memory_space<hbm>>)
      tpu.yield
    }) : () -> ()
    %add3A_51 = arith.constant 128 : i32
    %add3A_52 = arith.addi %mul3A_2, %add3A_51 : i32
    "tpu.region"() ({
      %run_scoped3A = tpu.sem_alloc : memref<!tpu.dma_semaphore, #tpu.memory_space<semaphore_mem>>
      %dma_start3A = arith.constant 0 : i32
      %dma_start3A_87 = arith.constant 0 : i32
      %dma_start3A_88 = tpu.memref_slice %arg9[%dma_start3A, %dma_start3A_87] : memref<128x16xf32, #tpu.memory_space<vmem>> -> memref<128x16xf32, #tpu.memory_space<vmem>>
      %dma_start3A_89 = arith.constant 0 : i32
      %dma_start3A_90 = tpu.memref_slice %arg10[%add3A_52, %dma_start3A_89] : memref<10112x16xf32, #tpu.memory_space<vmem_shared>> -> memref<128x16xf32, #tpu.memory_space<vmem_shared>>
      %dma_start3A_91 = arith.constant 0 : i32
      %dma_start3A_92 = arith.constant 0 : i32
      %dma_start3A_93 = tpu.memref_slice %arg9[%dma_start3A_91, %dma_start3A_92] : memref<128x16xf32, #tpu.memory_space<vmem>> -> memref<128x16xf32, #tpu.memory_space<vmem>>
      %dma_start3A_94 = arith.constant 0 : i32
      %dma_start3A_95 = tpu.memref_slice %arg10[%add3A_52, %dma_start3A_94] : memref<10112x16xf32, #tpu.memory_space<vmem_shared>> -> memref<128x16xf32, #tpu.memory_space<vmem_shared>>
      tpu.enqueue_dma source(%dma_start3A_95 : memref<128x16xf32, #tpu.memory_space<vmem_shared>>) target(%dma_start3A_93 : memref<128x16xf32, #tpu.memory_space<vmem>>) target_semaphore(%run_scoped3A : memref<!tpu.dma_semaphore, #tpu.memory_space<semaphore_mem>>)
      %dma_wait3A = arith.constant 0 : i32
      %dma_wait3A_96 = arith.constant 0 : i32
      %dma_wait3A_97 = tpu.memref_slice %arg9[%dma_wait3A, %dma_wait3A_96] : memref<128x16xf32, #tpu.memory_space<vmem>> -> memref<128x16xf32, #tpu.memory_space<vmem>>
      %dma_wait3A_98 = arith.constant 0 : i32
      %dma_wait3A_99 = tpu.memref_slice %arg10[%add3A_52, %dma_wait3A_98] : memref<10112x16xf32, #tpu.memory_space<vmem_shared>> -> memref<128x16xf32, #tpu.memory_space<vmem_shared>>
      %dma_wait3A_100 = arith.constant 0 : i32
      %dma_wait3A_101 = arith.constant 0 : i32
      %dma_wait3A_102 = tpu.memref_slice %arg9[%dma_wait3A_100, %dma_wait3A_101] : memref<128x16xf32, #tpu.memory_space<vmem>> -> memref<128x16xf32, #tpu.memory_space<vmem>>
      %dma_wait3A_103 = arith.constant 0 : i32
      %dma_wait3A_104 = tpu.memref_slice %arg10[%add3A_52, %dma_wait3A_103] : memref<10112x16xf32, #tpu.memory_space<vmem_shared>> -> memref<128x16xf32, #tpu.memory_space<vmem_shared>>
      tpu.wait_dma2 semaphore(%run_scoped3A : memref<!tpu.dma_semaphore, #tpu.memory_space<semaphore_mem>>) src(%dma_wait3A_104 : memref<128x16xf32, #tpu.memory_space<vmem_shared>>) dst(%dma_wait3A_102 : memref<128x16xf32, #tpu.memory_space<vmem>>)
      tpu.yield
    }) : () -> ()
    %add3A_53 = arith.constant 128 : i32
    %add3A_54 = arith.addi %mul3A_2, %add3A_53 : i32
    "tpu.region"() ({
      %run_scoped3A = tpu.sem_alloc : memref<!tpu.dma_semaphore, #tpu.memory_space<semaphore_mem>>
      %dma_start3A = arith.constant 0 : i32
      %dma_start3A_87 = arith.constant 0 : i32
      %dma_start3A_88 = tpu.memref_slice %arg9[%dma_start3A, %dma_start3A_87] : memref<128x16xf32, #tpu.memory_space<vmem>> -> memref<128x16xf32, #tpu.memory_space<vmem>>
      %dma_start3A_89 = arith.constant 0 : i32
      %dma_start3A_90 = tpu.memref_slice %arg4[%arg0, %add3A_54, %dma_start3A_89] : memref<2x10112x16xf32, #tpu.memory_space<hbm>> -> memref<1x128x16xf32, #tpu.memory_space<hbm>>
      %dma_start3A_91 = tpu.memref_squeeze %dma_start3A_90 : memref<1x128x16xf32, #tpu.memory_space<hbm>> -> memref<128x16xf32, #tpu.memory_space<hbm>>
      %dma_start3A_92 = arith.constant 0 : i32
      %dma_start3A_93 = tpu.memref_slice %arg4[%arg0, %add3A_54, %dma_start3A_92] : memref<2x10112x16xf32, #tpu.memory_space<hbm>> -> memref<1x128x16xf32, #tpu.memory_space<hbm>>
      %dma_start3A_94 = tpu.memref_squeeze %dma_start3A_93 : memref<1x128x16xf32, #tpu.memory_space<hbm>> -> memref<128x16xf32, #tpu.memory_space<hbm>>
      %dma_start3A_95 = arith.constant 0 : i32
      %dma_start3A_96 = arith.constant 0 : i32
      %dma_start3A_97 = tpu.memref_slice %arg9[%dma_start3A_95, %dma_start3A_96] : memref<128x16xf32, #tpu.memory_space<vmem>> -> memref<128x16xf32, #tpu.memory_space<vmem>>
      tpu.enqueue_dma source(%dma_start3A_97 : memref<128x16xf32, #tpu.memory_space<vmem>>) target(%dma_start3A_94 : memref<128x16xf32, #tpu.memory_space<hbm>>) target_semaphore(%run_scoped3A : memref<!tpu.dma_semaphore, #tpu.memory_space<semaphore_mem>>)
      %dma_wait3A = arith.constant 0 : i32
      %dma_wait3A_98 = arith.constant 0 : i32
      %dma_wait3A_99 = tpu.memref_slice %arg9[%dma_wait3A, %dma_wait3A_98] : memref<128x16xf32, #tpu.memory_space<vmem>> -> memref<128x16xf32, #tpu.memory_space<vmem>>
      %dma_wait3A_100 = arith.constant 0 : i32
      %dma_wait3A_101 = tpu.memref_slice %arg4[%arg0, %add3A_54, %dma_wait3A_100] : memref<2x10112x16xf32, #tpu.memory_space<hbm>> -> memref<1x128x16xf32, #tpu.memory_space<hbm>>
      %dma_wait3A_102 = tpu.memref_squeeze %dma_wait3A_101 : memref<1x128x16xf32, #tpu.memory_space<hbm>> -> memref<128x16xf32, #tpu.memory_space<hbm>>
      %dma_wait3A_103 = arith.constant 0 : i32
      %dma_wait3A_104 = tpu.memref_slice %arg4[%arg0, %add3A_54, %dma_wait3A_103] : memref<2x10112x16xf32, #tpu.memory_space<hbm>> -> memref<1x128x16xf32, #tpu.memory_space<hbm>>
      %dma_wait3A_105 = tpu.memref_squeeze %dma_wait3A_104 : memref<1x128x16xf32, #tpu.memory_space<hbm>> -> memref<128x16xf32, #tpu.memory_space<hbm>>
      %dma_wait3A_106 = arith.constant 0 : i32
      %dma_wait3A_107 = arith.constant 0 : i32
      %dma_wait3A_108 = tpu.memref_slice %arg9[%dma_wait3A_106, %dma_wait3A_107] : memref<128x16xf32, #tpu.memory_space<vmem>> -> memref<128x16xf32, #tpu.memory_space<vmem>>
      tpu.wait_dma2 semaphore(%run_scoped3A : memref<!tpu.dma_semaphore, #tpu.memory_space<semaphore_mem>>) src(%dma_wait3A_108 : memref<128x16xf32, #tpu.memory_space<vmem>>) dst(%dma_wait3A_105 : memref<128x16xf32, #tpu.memory_space<hbm>>)
      tpu.yield
    }) : () -> ()
    %add3A_55 = arith.constant 256 : i32
    %add3A_56 = arith.addi %mul3A_2, %add3A_55 : i32
    "tpu.region"() ({
      %run_scoped3A = tpu.sem_alloc : memref<!tpu.dma_semaphore, #tpu.memory_space<semaphore_mem>>
      %dma_start3A = arith.constant 0 : i32
      %dma_start3A_87 = arith.constant 0 : i32
      %dma_start3A_88 = tpu.memref_slice %arg9[%dma_start3A, %dma_start3A_87] : memref<128x16xf32, #tpu.memory_space<vmem>> -> memref<128x16xf32, #tpu.memory_space<vmem>>
      %dma_start3A_89 = arith.constant 0 : i32
      %dma_start3A_90 = tpu.memref_slice %arg10[%add3A_56, %dma_start3A_89] : memref<10112x16xf32, #tpu.memory_space<vmem_shared>> -> memref<128x16xf32, #tpu.memory_space<vmem_shared>>
      %dma_start3A_91 = arith.constant 0 : i32
      %dma_start3A_92 = arith.constant 0 : i32
      %dma_start3A_93 = tpu.memref_slice %arg9[%dma_start3A_91, %dma_start3A_92] : memref<128x16xf32, #tpu.memory_space<vmem>> -> memref<128x16xf32, #tpu.memory_space<vmem>>
      %dma_start3A_94 = arith.constant 0 : i32
      %dma_start3A_95 = tpu.memref_slice %arg10[%add3A_56, %dma_start3A_94] : memref<10112x16xf32, #tpu.memory_space<vmem_shared>> -> memref<128x16xf32, #tpu.memory_space<vmem_shared>>
      tpu.enqueue_dma source(%dma_start3A_95 : memref<128x16xf32, #tpu.memory_space<vmem_shared>>) target(%dma_start3A_93 : memref<128x16xf32, #tpu.memory_space<vmem>>) target_semaphore(%run_scoped3A : memref<!tpu.dma_semaphore, #tpu.memory_space<semaphore_mem>>)
      %dma_wait3A = arith.constant 0 : i32
      %dma_wait3A_96 = arith.constant 0 : i32
      %dma_wait3A_97 = tpu.memref_slice %arg9[%dma_wait3A, %dma_wait3A_96] : memref<128x16xf32, #tpu.memory_space<vmem>> -> memref<128x16xf32, #tpu.memory_space<vmem>>
      %dma_wait3A_98 = arith.constant 0 : i32
      %dma_wait3A_99 = tpu.memref_slice %arg10[%add3A_56, %dma_wait3A_98] : memref<10112x16xf32, #tpu.memory_space<vmem_shared>> -> memref<128x16xf32, #tpu.memory_space<vmem_shared>>
      %dma_wait3A_100 = arith.constant 0 : i32
      %dma_wait3A_101 = arith.constant 0 : i32
      %dma_wait3A_102 = tpu.memref_slice %arg9[%dma_wait3A_100, %dma_wait3A_101] : memref<128x16xf32, #tpu.memory_space<vmem>> -> memref<128x16xf32, #tpu.memory_space<vmem>>
      %dma_wait3A_103 = arith.constant 0 : i32
      %dma_wait3A_104 = tpu.memref_slice %arg10[%add3A_56, %dma_wait3A_103] : memref<10112x16xf32, #tpu.memory_space<vmem_shared>> -> memref<128x16xf32, #tpu.memory_space<vmem_shared>>
      tpu.wait_dma2 semaphore(%run_scoped3A : memref<!tpu.dma_semaphore, #tpu.memory_space<semaphore_mem>>) src(%dma_wait3A_104 : memref<128x16xf32, #tpu.memory_space<vmem_shared>>) dst(%dma_wait3A_102 : memref<128x16xf32, #tpu.memory_space<vmem>>)
      tpu.yield
    }) : () -> ()
    %add3A_57 = arith.constant 256 : i32
    %add3A_58 = arith.addi %mul3A_2, %add3A_57 : i32
    "tpu.region"() ({
      %run_scoped3A = tpu.sem_alloc : memref<!tpu.dma_semaphore, #tpu.memory_space<semaphore_mem>>
      %dma_start3A = arith.constant 0 : i32
      %dma_start3A_87 = arith.constant 0 : i32
      %dma_start3A_88 = tpu.memref_slice %arg9[%dma_start3A, %dma_start3A_87] : memref<128x16xf32, #tpu.memory_space<vmem>> -> memref<128x16xf32, #tpu.memory_space<vmem>>
      %dma_start3A_89 = arith.constant 0 : i32
      %dma_start3A_90 = tpu.memref_slice %arg4[%arg0, %add3A_58, %dma_start3A_89] : memref<2x10112x16xf32, #tpu.memory_space<hbm>> -> memref<1x128x16xf32, #tpu.memory_space<hbm>>
      %dma_start3A_91 = tpu.memref_squeeze %dma_start3A_90 : memref<1x128x16xf32, #tpu.memory_space<hbm>> -> memref<128x16xf32, #tpu.memory_space<hbm>>
      %dma_start3A_92 = arith.constant 0 : i32
      %dma_start3A_93 = tpu.memref_slice %arg4[%arg0, %add3A_58, %dma_start3A_92] : memref<2x10112x16xf32, #tpu.memory_space<hbm>> -> memref<1x128x16xf32, #tpu.memory_space<hbm>>
      %dma_start3A_94 = tpu.memref_squeeze %dma_start3A_93 : memref<1x128x16xf32, #tpu.memory_space<hbm>> -> memref<128x16xf32, #tpu.memory_space<hbm>>
      %dma_start3A_95 = arith.constant 0 : i32
      %dma_start3A_96 = arith.constant 0 : i32
      %dma_start3A_97 = tpu.memref_slice %arg9[%dma_start3A_95, %dma_start3A_96] : memref<128x16xf32, #tpu.memory_space<vmem>> -> memref<128x16xf32, #tpu.memory_space<vmem>>
      tpu.enqueue_dma source(%dma_start3A_97 : memref<128x16xf32, #tpu.memory_space<vmem>>) target(%dma_start3A_94 : memref<128x16xf32, #tpu.memory_space<hbm>>) target_semaphore(%run_scoped3A : memref<!tpu.dma_semaphore, #tpu.memory_space<semaphore_mem>>)
      %dma_wait3A = arith.constant 0 : i32
      %dma_wait3A_98 = arith.constant 0 : i32
      %dma_wait3A_99 = tpu.memref_slice %arg9[%dma_wait3A, %dma_wait3A_98] : memref<128x16xf32, #tpu.memory_space<vmem>> -> memref<128x16xf32, #tpu.memory_space<vmem>>
      %dma_wait3A_100 = arith.constant 0 : i32
      %dma_wait3A_101 = tpu.memref_slice %arg4[%arg0, %add3A_58, %dma_wait3A_100] : memref<2x10112x16xf32, #tpu.memory_space<hbm>> -> memref<1x128x16xf32, #tpu.memory_space<hbm>>
      %dma_wait3A_102 = tpu.memref_squeeze %dma_wait3A_101 : memref<1x128x16xf32, #tpu.memory_space<hbm>> -> memref<128x16xf32, #tpu.memory_space<hbm>>
      %dma_wait3A_103 = arith.constant 0 : i32
      %dma_wait3A_104 = tpu.memref_slice %arg4[%arg0, %add3A_58, %dma_wait3A_103] : memref<2x10112x16xf32, #tpu.memory_space<hbm>> -> memref<1x128x16xf32, #tpu.memory_space<hbm>>
      %dma_wait3A_105 = tpu.memref_squeeze %dma_wait3A_104 : memref<1x128x16xf32, #tpu.memory_space<hbm>> -> memref<128x16xf32, #tpu.memory_space<hbm>>
      %dma_wait3A_106 = arith.constant 0 : i32
      %dma_wait3A_107 = arith.constant 0 : i32
      %dma_wait3A_108 = tpu.memref_slice %arg9[%dma_wait3A_106, %dma_wait3A_107] : memref<128x16xf32, #tpu.memory_space<vmem>> -> memref<128x16xf32, #tpu.memory_space<vmem>>
      tpu.wait_dma2 semaphore(%run_scoped3A : memref<!tpu.dma_semaphore, #tpu.memory_space<semaphore_mem>>) src(%dma_wait3A_108 : memref<128x16xf32, #tpu.memory_space<vmem>>) dst(%dma_wait3A_105 : memref<128x16xf32, #tpu.memory_space<hbm>>)
      tpu.yield
    }) : () -> ()
    %add3A_59 = arith.constant 384 : i32
    %add3A_60 = arith.addi %mul3A_2, %add3A_59 : i32
    "tpu.region"() ({
      %run_scoped3A = tpu.sem_alloc : memref<!tpu.dma_semaphore, #tpu.memory_space<semaphore_mem>>
      %dma_start3A = arith.constant 0 : i32
      %dma_start3A_87 = arith.constant 0 : i32
      %dma_start3A_88 = tpu.memref_slice %arg9[%dma_start3A, %dma_start3A_87] : memref<128x16xf32, #tpu.memory_space<vmem>> -> memref<128x16xf32, #tpu.memory_space<vmem>>
      %dma_start3A_89 = arith.constant 0 : i32
      %dma_start3A_90 = tpu.memref_slice %arg10[%add3A_60, %dma_start3A_89] : memref<10112x16xf32, #tpu.memory_space<vmem_shared>> -> memref<128x16xf32, #tpu.memory_space<vmem_shared>>
      %dma_start3A_91 = arith.constant 0 : i32
      %dma_start3A_92 = arith.constant 0 : i32
      %dma_start3A_93 = tpu.memref_slice %arg9[%dma_start3A_91, %dma_start3A_92] : memref<128x16xf32, #tpu.memory_space<vmem>> -> memref<128x16xf32, #tpu.memory_space<vmem>>
      %dma_start3A_94 = arith.constant 0 : i32
      %dma_start3A_95 = tpu.memref_slice %arg10[%add3A_60, %dma_start3A_94] : memref<10112x16xf32, #tpu.memory_space<vmem_shared>> -> memref<128x16xf32, #tpu.memory_space<vmem_shared>>
      tpu.enqueue_dma source(%dma_start3A_95 : memref<128x16xf32, #tpu.memory_space<vmem_shared>>) target(%dma_start3A_93 : memref<128x16xf32, #tpu.memory_space<vmem>>) target_semaphore(%run_scoped3A : memref<!tpu.dma_semaphore, #tpu.memory_space<semaphore_mem>>)
      %dma_wait3A = arith.constant 0 : i32
      %dma_wait3A_96 = arith.constant 0 : i32
      %dma_wait3A_97 = tpu.memref_slice %arg9[%dma_wait3A, %dma_wait3A_96] : memref<128x16xf32, #tpu.memory_space<vmem>> -> memref<128x16xf32, #tpu.memory_space<vmem>>
      %dma_wait3A_98 = arith.constant 0 : i32
      %dma_wait3A_99 = tpu.memref_slice %arg10[%add3A_60, %dma_wait3A_98] : memref<10112x16xf32, #tpu.memory_space<vmem_shared>> -> memref<128x16xf32, #tpu.memory_space<vmem_shared>>
      %dma_wait3A_100 = arith.constant 0 : i32
      %dma_wait3A_101 = arith.constant 0 : i32
      %dma_wait3A_102 = tpu.memref_slice %arg9[%dma_wait3A_100, %dma_wait3A_101] : memref<128x16xf32, #tpu.memory_space<vmem>> -> memref<128x16xf32, #tpu.memory_space<vmem>>
      %dma_wait3A_103 = arith.constant 0 : i32
      %dma_wait3A_104 = tpu.memref_slice %arg10[%add3A_60, %dma_wait3A_103] : memref<10112x16xf32, #tpu.memory_space<vmem_shared>> -> memref<128x16xf32, #tpu.memory_space<vmem_shared>>
      tpu.wait_dma2 semaphore(%run_scoped3A : memref<!tpu.dma_semaphore, #tpu.memory_space<semaphore_mem>>) src(%dma_wait3A_104 : memref<128x16xf32, #tpu.memory_space<vmem_shared>>) dst(%dma_wait3A_102 : memref<128x16xf32, #tpu.memory_space<vmem>>)
      tpu.yield
    }) : () -> ()
    %add3A_61 = arith.constant 384 : i32
    %add3A_62 = arith.addi %mul3A_2, %add3A_61 : i32
    "tpu.region"() ({
      %run_scoped3A = tpu.sem_alloc : memref<!tpu.dma_semaphore, #tpu.memory_space<semaphore_mem>>
      %dma_start3A = arith.constant 0 : i32
      %dma_start3A_87 = arith.constant 0 : i32
      %dma_start3A_88 = tpu.memref_slice %arg9[%dma_start3A, %dma_start3A_87] : memref<128x16xf32, #tpu.memory_space<vmem>> -> memref<128x16xf32, #tpu.memory_space<vmem>>
      %dma_start3A_89 = arith.constant 0 : i32
      %dma_start3A_90 = tpu.memref_slice %arg4[%arg0, %add3A_62, %dma_start3A_89] : memref<2x10112x16xf32, #tpu.memory_space<hbm>> -> memref<1x128x16xf32, #tpu.memory_space<hbm>>
      %dma_start3A_91 = tpu.memref_squeeze %dma_start3A_90 : memref<1x128x16xf32, #tpu.memory_space<hbm>> -> memref<128x16xf32, #tpu.memory_space<hbm>>
      %dma_start3A_92 = arith.constant 0 : i32
      %dma_start3A_93 = tpu.memref_slice %arg4[%arg0, %add3A_62, %dma_start3A_92] : memref<2x10112x16xf32, #tpu.memory_space<hbm>> -> memref<1x128x16xf32, #tpu.memory_space<hbm>>
      %dma_start3A_94 = tpu.memref_squeeze %dma_start3A_93 : memref<1x128x16xf32, #tpu.memory_space<hbm>> -> memref<128x16xf32, #tpu.memory_space<hbm>>
      %dma_start3A_95 = arith.constant 0 : i32
      %dma_start3A_96 = arith.constant 0 : i32
      %dma_start3A_97 = tpu.memref_slice %arg9[%dma_start3A_95, %dma_start3A_96] : memref<128x16xf32, #tpu.memory_space<vmem>> -> memref<128x16xf32, #tpu.memory_space<vmem>>
      tpu.enqueue_dma source(%dma_start3A_97 : memref<128x16xf32, #tpu.memory_space<vmem>>) target(%dma_start3A_94 : memref<128x16xf32, #tpu.memory_space<hbm>>) target_semaphore(%run_scoped3A : memref<!tpu.dma_semaphore, #tpu.memory_space<semaphore_mem>>)
      %dma_wait3A = arith.constant 0 : i32
      %dma_wait3A_98 = arith.constant 0 : i32
      %dma_wait3A_99 = tpu.memref_slice %arg9[%dma_wait3A, %dma_wait3A_98] : memref<128x16xf32, #tpu.memory_space<vmem>> -> memref<128x16xf32, #tpu.memory_space<vmem>>
      %dma_wait3A_100 = arith.constant 0 : i32
      %dma_wait3A_101 = tpu.memref_slice %arg4[%arg0, %add3A_62, %dma_wait3A_100] : memref<2x10112x16xf32, #tpu.memory_space<hbm>> -> memref<1x128x16xf32, #tpu.memory_space<hbm>>
      %dma_wait3A_102 = tpu.memref_squeeze %dma_wait3A_101 : memref<1x128x16xf32, #tpu.memory_space<hbm>> -> memref<128x16xf32, #tpu.memory_space<hbm>>
      %dma_wait3A_103 = arith.constant 0 : i32
      %dma_wait3A_104 = tpu.memref_slice %arg4[%arg0, %add3A_62, %dma_wait3A_103] : memref<2x10112x16xf32, #tpu.memory_space<hbm>> -> memref<1x128x16xf32, #tpu.memory_space<hbm>>
      %dma_wait3A_105 = tpu.memref_squeeze %dma_wait3A_104 : memref<1x128x16xf32, #tpu.memory_space<hbm>> -> memref<128x16xf32, #tpu.memory_space<hbm>>
      %dma_wait3A_106 = arith.constant 0 : i32
      %dma_wait3A_107 = arith.constant 0 : i32
      %dma_wait3A_108 = tpu.memref_slice %arg9[%dma_wait3A_106, %dma_wait3A_107] : memref<128x16xf32, #tpu.memory_space<vmem>> -> memref<128x16xf32, #tpu.memory_space<vmem>>
      tpu.wait_dma2 semaphore(%run_scoped3A : memref<!tpu.dma_semaphore, #tpu.memory_space<semaphore_mem>>) src(%dma_wait3A_108 : memref<128x16xf32, #tpu.memory_space<vmem>>) dst(%dma_wait3A_105 : memref<128x16xf32, #tpu.memory_space<hbm>>)
      tpu.yield
    }) : () -> ()
    %add3A_63 = arith.constant 512 : i32
    %add3A_64 = arith.addi %mul3A_2, %add3A_63 : i32
    "tpu.region"() ({
      %run_scoped3A = tpu.sem_alloc : memref<!tpu.dma_semaphore, #tpu.memory_space<semaphore_mem>>
      %dma_start3A = arith.constant 0 : i32
      %dma_start3A_87 = arith.constant 0 : i32
      %dma_start3A_88 = tpu.memref_slice %arg9[%dma_start3A, %dma_start3A_87] : memref<128x16xf32, #tpu.memory_space<vmem>> -> memref<120x16xf32, #tpu.memory_space<vmem>>
      %dma_start3A_89 = arith.constant 0 : i32
      %dma_start3A_90 = tpu.memref_slice %arg10[%add3A_64, %dma_start3A_89] : memref<10112x16xf32, #tpu.memory_space<vmem_shared>> -> memref<120x16xf32, #tpu.memory_space<vmem_shared>>
      %dma_start3A_91 = arith.constant 0 : i32
      %dma_start3A_92 = arith.constant 0 : i32
      %dma_start3A_93 = tpu.memref_slice %arg9[%dma_start3A_91, %dma_start3A_92] : memref<128x16xf32, #tpu.memory_space<vmem>> -> memref<120x16xf32, #tpu.memory_space<vmem>>
      %dma_start3A_94 = arith.constant 0 : i32
      %dma_start3A_95 = tpu.memref_slice %arg10[%add3A_64, %dma_start3A_94] : memref<10112x16xf32, #tpu.memory_space<vmem_shared>> -> memref<120x16xf32, #tpu.memory_space<vmem_shared>>
      tpu.enqueue_dma source(%dma_start3A_95 : memref<120x16xf32, #tpu.memory_space<vmem_shared>>) target(%dma_start3A_93 : memref<120x16xf32, #tpu.memory_space<vmem>>) target_semaphore(%run_scoped3A : memref<!tpu.dma_semaphore, #tpu.memory_space<semaphore_mem>>)
      %dma_wait3A = arith.constant 0 : i32
      %dma_wait3A_96 = arith.constant 0 : i32
      %dma_wait3A_97 = tpu.memref_slice %arg9[%dma_wait3A, %dma_wait3A_96] : memref<128x16xf32, #tpu.memory_space<vmem>> -> memref<120x16xf32, #tpu.memory_space<vmem>>
      %dma_wait3A_98 = arith.constant 0 : i32
      %dma_wait3A_99 = tpu.memref_slice %arg10[%add3A_64, %dma_wait3A_98] : memref<10112x16xf32, #tpu.memory_space<vmem_shared>> -> memref<120x16xf32, #tpu.memory_space<vmem_shared>>
      %dma_wait3A_100 = arith.constant 0 : i32
      %dma_wait3A_101 = arith.constant 0 : i32
      %dma_wait3A_102 = tpu.memref_slice %arg9[%dma_wait3A_100, %dma_wait3A_101] : memref<128x16xf32, #tpu.memory_space<vmem>> -> memref<120x16xf32, #tpu.memory_space<vmem>>
      %dma_wait3A_103 = arith.constant 0 : i32
      %dma_wait3A_104 = tpu.memref_slice %arg10[%add3A_64, %dma_wait3A_103] : memref<10112x16xf32, #tpu.memory_space<vmem_shared>> -> memref<120x16xf32, #tpu.memory_space<vmem_shared>>
      tpu.wait_dma2 semaphore(%run_scoped3A : memref<!tpu.dma_semaphore, #tpu.memory_space<semaphore_mem>>) src(%dma_wait3A_104 : memref<120x16xf32, #tpu.memory_space<vmem_shared>>) dst(%dma_wait3A_102 : memref<120x16xf32, #tpu.memory_space<vmem>>)
      tpu.yield
    }) : () -> ()
    %add3A_65 = arith.constant 512 : i32
    %add3A_66 = arith.addi %mul3A_2, %add3A_65 : i32
    "tpu.region"() ({
      %run_scoped3A = tpu.sem_alloc : memref<!tpu.dma_semaphore, #tpu.memory_space<semaphore_mem>>
      %dma_start3A = arith.constant 0 : i32
      %dma_start3A_87 = arith.constant 0 : i32
      %dma_start3A_88 = tpu.memref_slice %arg9[%dma_start3A, %dma_start3A_87] : memref<128x16xf32, #tpu.memory_space<vmem>> -> memref<120x16xf32, #tpu.memory_space<vmem>>
      %dma_start3A_89 = arith.constant 0 : i32
      %dma_start3A_90 = tpu.memref_slice %arg4[%arg0, %add3A_66, %dma_start3A_89] : memref<2x10112x16xf32, #tpu.memory_space<hbm>> -> memref<1x120x16xf32, #tpu.memory_space<hbm>>
      %dma_start3A_91 = tpu.memref_squeeze %dma_start3A_90 : memref<1x120x16xf32, #tpu.memory_space<hbm>> -> memref<120x16xf32, #tpu.memory_space<hbm>>
      %dma_start3A_92 = arith.constant 0 : i32
      %dma_start3A_93 = tpu.memref_slice %arg4[%arg0, %add3A_66, %dma_start3A_92] : memref<2x10112x16xf32, #tpu.memory_space<hbm>> -> memref<1x120x16xf32, #tpu.memory_space<hbm>>
      %dma_start3A_94 = tpu.memref_squeeze %dma_start3A_93 : memref<1x120x16xf32, #tpu.memory_space<hbm>> -> memref<120x16xf32, #tpu.memory_space<hbm>>
      %dma_start3A_95 = arith.constant 0 : i32
      %dma_start3A_96 = arith.constant 0 : i32
      %dma_start3A_97 = tpu.memref_slice %arg9[%dma_start3A_95, %dma_start3A_96] : memref<128x16xf32, #tpu.memory_space<vmem>> -> memref<120x16xf32, #tpu.memory_space<vmem>>
      tpu.enqueue_dma source(%dma_start3A_97 : memref<120x16xf32, #tpu.memory_space<vmem>>) target(%dma_start3A_94 : memref<120x16xf32, #tpu.memory_space<hbm>>) target_semaphore(%run_scoped3A : memref<!tpu.dma_semaphore, #tpu.memory_space<semaphore_mem>>)
      %dma_wait3A = arith.constant 0 : i32
      %dma_wait3A_98 = arith.constant 0 : i32
      %dma_wait3A_99 = tpu.memref_slice %arg9[%dma_wait3A, %dma_wait3A_98] : memref<128x16xf32, #tpu.memory_space<vmem>> -> memref<120x16xf32, #tpu.memory_space<vmem>>
      %dma_wait3A_100 = arith.constant 0 : i32
      %dma_wait3A_101 = tpu.memref_slice %arg4[%arg0, %add3A_66, %dma_wait3A_100] : memref<2x10112x16xf32, #tpu.memory_space<hbm>> -> memref<1x120x16xf32, #tpu.memory_space<hbm>>
      %dma_wait3A_102 = tpu.memref_squeeze %dma_wait3A_101 : memref<1x120x16xf32, #tpu.memory_space<hbm>> -> memref<120x16xf32, #tpu.memory_space<hbm>>
      %dma_wait3A_103 = arith.constant 0 : i32
      %dma_wait3A_104 = tpu.memref_slice %arg4[%arg0, %add3A_66, %dma_wait3A_103] : memref<2x10112x16xf32, #tpu.memory_space<hbm>> -> memref<1x120x16xf32, #tpu.memory_space<hbm>>
      %dma_wait3A_105 = tpu.memref_squeeze %dma_wait3A_104 : memref<1x120x16xf32, #tpu.memory_space<hbm>> -> memref<120x16xf32, #tpu.memory_space<hbm>>
      %dma_wait3A_106 = arith.constant 0 : i32
      %dma_wait3A_107 = arith.constant 0 : i32
      %dma_wait3A_108 = tpu.memref_slice %arg9[%dma_wait3A_106, %dma_wait3A_107] : memref<128x16xf32, #tpu.memory_space<vmem>> -> memref<120x16xf32, #tpu.memory_space<vmem>>
      tpu.wait_dma2 semaphore(%run_scoped3A : memref<!tpu.dma_semaphore, #tpu.memory_space<semaphore_mem>>) src(%dma_wait3A_108 : memref<120x16xf32, #tpu.memory_space<vmem>>) dst(%dma_wait3A_105 : memref<120x16xf32, #tpu.memory_space<hbm>>)
      tpu.yield
    }) : () -> ()
    %add3A_67 = arith.constant 0 : i32
    %add3A_68 = arith.addi %mul3A_2, %add3A_67 : i32
    "tpu.region"() ({
      %run_scoped3A = tpu.sem_alloc : memref<!tpu.dma_semaphore, #tpu.memory_space<semaphore_mem>>
      %dma_start3A = arith.constant 0 : i32
      %dma_start3A_87 = arith.constant 0 : i32
      %dma_start3A_88 = tpu.memref_slice %arg9[%dma_start3A, %dma_start3A_87] : memref<128x16xf32, #tpu.memory_space<vmem>> -> memref<128x16xf32, #tpu.memory_space<vmem>>
      %dma_start3A_89 = arith.constant 0 : i32
      %dma_start3A_90 = tpu.memref_slice %arg11[%add3A_68, %dma_start3A_89] : memref<10112x16xf32, #tpu.memory_space<vmem_shared>> -> memref<128x16xf32, #tpu.memory_space<vmem_shared>>
      %dma_start3A_91 = arith.constant 0 : i32
      %dma_start3A_92 = arith.constant 0 : i32
      %dma_start3A_93 = tpu.memref_slice %arg9[%dma_start3A_91, %dma_start3A_92] : memref<128x16xf32, #tpu.memory_space<vmem>> -> memref<128x16xf32, #tpu.memory_space<vmem>>
      %dma_start3A_94 = arith.constant 0 : i32
      %dma_start3A_95 = tpu.memref_slice %arg11[%add3A_68, %dma_start3A_94] : memref<10112x16xf32, #tpu.memory_space<vmem_shared>> -> memref<128x16xf32, #tpu.memory_space<vmem_shared>>
      tpu.enqueue_dma source(%dma_start3A_95 : memref<128x16xf32, #tpu.memory_space<vmem_shared>>) target(%dma_start3A_93 : memref<128x16xf32, #tpu.memory_space<vmem>>) target_semaphore(%run_scoped3A : memref<!tpu.dma_semaphore, #tpu.memory_space<semaphore_mem>>)
      %dma_wait3A = arith.constant 0 : i32
      %dma_wait3A_96 = arith.constant 0 : i32
      %dma_wait3A_97 = tpu.memref_slice %arg9[%dma_wait3A, %dma_wait3A_96] : memref<128x16xf32, #tpu.memory_space<vmem>> -> memref<128x16xf32, #tpu.memory_space<vmem>>
      %dma_wait3A_98 = arith.constant 0 : i32
      %dma_wait3A_99 = tpu.memref_slice %arg11[%add3A_68, %dma_wait3A_98] : memref<10112x16xf32, #tpu.memory_space<vmem_shared>> -> memref<128x16xf32, #tpu.memory_space<vmem_shared>>
      %dma_wait3A_100 = arith.constant 0 : i32
      %dma_wait3A_101 = arith.constant 0 : i32
      %dma_wait3A_102 = tpu.memref_slice %arg9[%dma_wait3A_100, %dma_wait3A_101] : memref<128x16xf32, #tpu.memory_space<vmem>> -> memref<128x16xf32, #tpu.memory_space<vmem>>
      %dma_wait3A_103 = arith.constant 0 : i32
      %dma_wait3A_104 = tpu.memref_slice %arg11[%add3A_68, %dma_wait3A_103] : memref<10112x16xf32, #tpu.memory_space<vmem_shared>> -> memref<128x16xf32, #tpu.memory_space<vmem_shared>>
      tpu.wait_dma2 semaphore(%run_scoped3A : memref<!tpu.dma_semaphore, #tpu.memory_space<semaphore_mem>>) src(%dma_wait3A_104 : memref<128x16xf32, #tpu.memory_space<vmem_shared>>) dst(%dma_wait3A_102 : memref<128x16xf32, #tpu.memory_space<vmem>>)
      tpu.yield
    }) : () -> ()
    %add3A_69 = arith.constant 0 : i32
    %add3A_70 = arith.addi %mul3A_2, %add3A_69 : i32
    "tpu.region"() ({
      %run_scoped3A = tpu.sem_alloc : memref<!tpu.dma_semaphore, #tpu.memory_space<semaphore_mem>>
      %dma_start3A = arith.constant 0 : i32
      %dma_start3A_87 = arith.constant 0 : i32
      %dma_start3A_88 = tpu.memref_slice %arg9[%dma_start3A, %dma_start3A_87] : memref<128x16xf32, #tpu.memory_space<vmem>> -> memref<128x16xf32, #tpu.memory_space<vmem>>
      %dma_start3A_89 = arith.constant 0 : i32
      %dma_start3A_90 = tpu.memref_slice %arg5[%arg0, %add3A_70, %dma_start3A_89] : memref<2x10112x16xf32, #tpu.memory_space<hbm>> -> memref<1x128x16xf32, #tpu.memory_space<hbm>>
      %dma_start3A_91 = tpu.memref_squeeze %dma_start3A_90 : memref<1x128x16xf32, #tpu.memory_space<hbm>> -> memref<128x16xf32, #tpu.memory_space<hbm>>
      %dma_start3A_92 = arith.constant 0 : i32
      %dma_start3A_93 = tpu.memref_slice %arg5[%arg0, %add3A_70, %dma_start3A_92] : memref<2x10112x16xf32, #tpu.memory_space<hbm>> -> memref<1x128x16xf32, #tpu.memory_space<hbm>>
      %dma_start3A_94 = tpu.memref_squeeze %dma_start3A_93 : memref<1x128x16xf32, #tpu.memory_space<hbm>> -> memref<128x16xf32, #tpu.memory_space<hbm>>
      %dma_start3A_95 = arith.constant 0 : i32
      %dma_start3A_96 = arith.constant 0 : i32
      %dma_start3A_97 = tpu.memref_slice %arg9[%dma_start3A_95, %dma_start3A_96] : memref<128x16xf32, #tpu.memory_space<vmem>> -> memref<128x16xf32, #tpu.memory_space<vmem>>
      tpu.enqueue_dma source(%dma_start3A_97 : memref<128x16xf32, #tpu.memory_space<vmem>>) target(%dma_start3A_94 : memref<128x16xf32, #tpu.memory_space<hbm>>) target_semaphore(%run_scoped3A : memref<!tpu.dma_semaphore, #tpu.memory_space<semaphore_mem>>)
      %dma_wait3A = arith.constant 0 : i32
      %dma_wait3A_98 = arith.constant 0 : i32
      %dma_wait3A_99 = tpu.memref_slice %arg9[%dma_wait3A, %dma_wait3A_98] : memref<128x16xf32, #tpu.memory_space<vmem>> -> memref<128x16xf32, #tpu.memory_space<vmem>>
      %dma_wait3A_100 = arith.constant 0 : i32
      %dma_wait3A_101 = tpu.memref_slice %arg5[%arg0, %add3A_70, %dma_wait3A_100] : memref<2x10112x16xf32, #tpu.memory_space<hbm>> -> memref<1x128x16xf32, #tpu.memory_space<hbm>>
      %dma_wait3A_102 = tpu.memref_squeeze %dma_wait3A_101 : memref<1x128x16xf32, #tpu.memory_space<hbm>> -> memref<128x16xf32, #tpu.memory_space<hbm>>
      %dma_wait3A_103 = arith.constant 0 : i32
      %dma_wait3A_104 = tpu.memref_slice %arg5[%arg0, %add3A_70, %dma_wait3A_103] : memref<2x10112x16xf32, #tpu.memory_space<hbm>> -> memref<1x128x16xf32, #tpu.memory_space<hbm>>
      %dma_wait3A_105 = tpu.memref_squeeze %dma_wait3A_104 : memref<1x128x16xf32, #tpu.memory_space<hbm>> -> memref<128x16xf32, #tpu.memory_space<hbm>>
      %dma_wait3A_106 = arith.constant 0 : i32
      %dma_wait3A_107 = arith.constant 0 : i32
      %dma_wait3A_108 = tpu.memref_slice %arg9[%dma_wait3A_106, %dma_wait3A_107] : memref<128x16xf32, #tpu.memory_space<vmem>> -> memref<128x16xf32, #tpu.memory_space<vmem>>
      tpu.wait_dma2 semaphore(%run_scoped3A : memref<!tpu.dma_semaphore, #tpu.memory_space<semaphore_mem>>) src(%dma_wait3A_108 : memref<128x16xf32, #tpu.memory_space<vmem>>) dst(%dma_wait3A_105 : memref<128x16xf32, #tpu.memory_space<hbm>>)
      tpu.yield
    }) : () -> ()
    %add3A_71 = arith.constant 128 : i32
    %add3A_72 = arith.addi %mul3A_2, %add3A_71 : i32
    "tpu.region"() ({
      %run_scoped3A = tpu.sem_alloc : memref<!tpu.dma_semaphore, #tpu.memory_space<semaphore_mem>>
      %dma_start3A = arith.constant 0 : i32
      %dma_start3A_87 = arith.constant 0 : i32
      %dma_start3A_88 = tpu.memref_slice %arg9[%dma_start3A, %dma_start3A_87] : memref<128x16xf32, #tpu.memory_space<vmem>> -> memref<128x16xf32, #tpu.memory_space<vmem>>
      %dma_start3A_89 = arith.constant 0 : i32
      %dma_start3A_90 = tpu.memref_slice %arg11[%add3A_72, %dma_start3A_89] : memref<10112x16xf32, #tpu.memory_space<vmem_shared>> -> memref<128x16xf32, #tpu.memory_space<vmem_shared>>
      %dma_start3A_91 = arith.constant 0 : i32
      %dma_start3A_92 = arith.constant 0 : i32
      %dma_start3A_93 = tpu.memref_slice %arg9[%dma_start3A_91, %dma_start3A_92] : memref<128x16xf32, #tpu.memory_space<vmem>> -> memref<128x16xf32, #tpu.memory_space<vmem>>
      %dma_start3A_94 = arith.constant 0 : i32
      %dma_start3A_95 = tpu.memref_slice %arg11[%add3A_72, %dma_start3A_94] : memref<10112x16xf32, #tpu.memory_space<vmem_shared>> -> memref<128x16xf32, #tpu.memory_space<vmem_shared>>
      tpu.enqueue_dma source(%dma_start3A_95 : memref<128x16xf32, #tpu.memory_space<vmem_shared>>) target(%dma_start3A_93 : memref<128x16xf32, #tpu.memory_space<vmem>>) target_semaphore(%run_scoped3A : memref<!tpu.dma_semaphore, #tpu.memory_space<semaphore_mem>>)
      %dma_wait3A = arith.constant 0 : i32
      %dma_wait3A_96 = arith.constant 0 : i32
      %dma_wait3A_97 = tpu.memref_slice %arg9[%dma_wait3A, %dma_wait3A_96] : memref<128x16xf32, #tpu.memory_space<vmem>> -> memref<128x16xf32, #tpu.memory_space<vmem>>
      %dma_wait3A_98 = arith.constant 0 : i32
      %dma_wait3A_99 = tpu.memref_slice %arg11[%add3A_72, %dma_wait3A_98] : memref<10112x16xf32, #tpu.memory_space<vmem_shared>> -> memref<128x16xf32, #tpu.memory_space<vmem_shared>>
      %dma_wait3A_100 = arith.constant 0 : i32
      %dma_wait3A_101 = arith.constant 0 : i32
      %dma_wait3A_102 = tpu.memref_slice %arg9[%dma_wait3A_100, %dma_wait3A_101] : memref<128x16xf32, #tpu.memory_space<vmem>> -> memref<128x16xf32, #tpu.memory_space<vmem>>
      %dma_wait3A_103 = arith.constant 0 : i32
      %dma_wait3A_104 = tpu.memref_slice %arg11[%add3A_72, %dma_wait3A_103] : memref<10112x16xf32, #tpu.memory_space<vmem_shared>> -> memref<128x16xf32, #tpu.memory_space<vmem_shared>>
      tpu.wait_dma2 semaphore(%run_scoped3A : memref<!tpu.dma_semaphore, #tpu.memory_space<semaphore_mem>>) src(%dma_wait3A_104 : memref<128x16xf32, #tpu.memory_space<vmem_shared>>) dst(%dma_wait3A_102 : memref<128x16xf32, #tpu.memory_space<vmem>>)
      tpu.yield
    }) : () -> ()
    %add3A_73 = arith.constant 128 : i32
    %add3A_74 = arith.addi %mul3A_2, %add3A_73 : i32
    "tpu.region"() ({
      %run_scoped3A = tpu.sem_alloc : memref<!tpu.dma_semaphore, #tpu.memory_space<semaphore_mem>>
      %dma_start3A = arith.constant 0 : i32
      %dma_start3A_87 = arith.constant 0 : i32
      %dma_start3A_88 = tpu.memref_slice %arg9[%dma_start3A, %dma_start3A_87] : memref<128x16xf32, #tpu.memory_space<vmem>> -> memref<128x16xf32, #tpu.memory_space<vmem>>
      %dma_start3A_89 = arith.constant 0 : i32
      %dma_start3A_90 = tpu.memref_slice %arg5[%arg0, %add3A_74, %dma_start3A_89] : memref<2x10112x16xf32, #tpu.memory_space<hbm>> -> memref<1x128x16xf32, #tpu.memory_space<hbm>>
      %dma_start3A_91 = tpu.memref_squeeze %dma_start3A_90 : memref<1x128x16xf32, #tpu.memory_space<hbm>> -> memref<128x16xf32, #tpu.memory_space<hbm>>
      %dma_start3A_92 = arith.constant 0 : i32
      %dma_start3A_93 = tpu.memref_slice %arg5[%arg0, %add3A_74, %dma_start3A_92] : memref<2x10112x16xf32, #tpu.memory_space<hbm>> -> memref<1x128x16xf32, #tpu.memory_space<hbm>>
      %dma_start3A_94 = tpu.memref_squeeze %dma_start3A_93 : memref<1x128x16xf32, #tpu.memory_space<hbm>> -> memref<128x16xf32, #tpu.memory_space<hbm>>
      %dma_start3A_95 = arith.constant 0 : i32
      %dma_start3A_96 = arith.constant 0 : i32
      %dma_start3A_97 = tpu.memref_slice %arg9[%dma_start3A_95, %dma_start3A_96] : memref<128x16xf32, #tpu.memory_space<vmem>> -> memref<128x16xf32, #tpu.memory_space<vmem>>
      tpu.enqueue_dma source(%dma_start3A_97 : memref<128x16xf32, #tpu.memory_space<vmem>>) target(%dma_start3A_94 : memref<128x16xf32, #tpu.memory_space<hbm>>) target_semaphore(%run_scoped3A : memref<!tpu.dma_semaphore, #tpu.memory_space<semaphore_mem>>)
      %dma_wait3A = arith.constant 0 : i32
      %dma_wait3A_98 = arith.constant 0 : i32
      %dma_wait3A_99 = tpu.memref_slice %arg9[%dma_wait3A, %dma_wait3A_98] : memref<128x16xf32, #tpu.memory_space<vmem>> -> memref<128x16xf32, #tpu.memory_space<vmem>>
      %dma_wait3A_100 = arith.constant 0 : i32
      %dma_wait3A_101 = tpu.memref_slice %arg5[%arg0, %add3A_74, %dma_wait3A_100] : memref<2x10112x16xf32, #tpu.memory_space<hbm>> -> memref<1x128x16xf32, #tpu.memory_space<hbm>>
      %dma_wait3A_102 = tpu.memref_squeeze %dma_wait3A_101 : memref<1x128x16xf32, #tpu.memory_space<hbm>> -> memref<128x16xf32, #tpu.memory_space<hbm>>
      %dma_wait3A_103 = arith.constant 0 : i32
      %dma_wait3A_104 = tpu.memref_slice %arg5[%arg0, %add3A_74, %dma_wait3A_103] : memref<2x10112x16xf32, #tpu.memory_space<hbm>> -> memref<1x128x16xf32, #tpu.memory_space<hbm>>
      %dma_wait3A_105 = tpu.memref_squeeze %dma_wait3A_104 : memref<1x128x16xf32, #tpu.memory_space<hbm>> -> memref<128x16xf32, #tpu.memory_space<hbm>>
      %dma_wait3A_106 = arith.constant 0 : i32
      %dma_wait3A_107 = arith.constant 0 : i32
      %dma_wait3A_108 = tpu.memref_slice %arg9[%dma_wait3A_106, %dma_wait3A_107] : memref<128x16xf32, #tpu.memory_space<vmem>> -> memref<128x16xf32, #tpu.memory_space<vmem>>
      tpu.wait_dma2 semaphore(%run_scoped3A : memref<!tpu.dma_semaphore, #tpu.memory_space<semaphore_mem>>) src(%dma_wait3A_108 : memref<128x16xf32, #tpu.memory_space<vmem>>) dst(%dma_wait3A_105 : memref<128x16xf32, #tpu.memory_space<hbm>>)
      tpu.yield
    }) : () -> ()
    %add3A_75 = arith.constant 256 : i32
    %add3A_76 = arith.addi %mul3A_2, %add3A_75 : i32
    "tpu.region"() ({
      %run_scoped3A = tpu.sem_alloc : memref<!tpu.dma_semaphore, #tpu.memory_space<semaphore_mem>>
      %dma_start3A = arith.constant 0 : i32
      %dma_start3A_87 = arith.constant 0 : i32
      %dma_start3A_88 = tpu.memref_slice %arg9[%dma_start3A, %dma_start3A_87] : memref<128x16xf32, #tpu.memory_space<vmem>> -> memref<128x16xf32, #tpu.memory_space<vmem>>
      %dma_start3A_89 = arith.constant 0 : i32
      %dma_start3A_90 = tpu.memref_slice %arg11[%add3A_76, %dma_start3A_89] : memref<10112x16xf32, #tpu.memory_space<vmem_shared>> -> memref<128x16xf32, #tpu.memory_space<vmem_shared>>
      %dma_start3A_91 = arith.constant 0 : i32
      %dma_start3A_92 = arith.constant 0 : i32
      %dma_start3A_93 = tpu.memref_slice %arg9[%dma_start3A_91, %dma_start3A_92] : memref<128x16xf32, #tpu.memory_space<vmem>> -> memref<128x16xf32, #tpu.memory_space<vmem>>
      %dma_start3A_94 = arith.constant 0 : i32
      %dma_start3A_95 = tpu.memref_slice %arg11[%add3A_76, %dma_start3A_94] : memref<10112x16xf32, #tpu.memory_space<vmem_shared>> -> memref<128x16xf32, #tpu.memory_space<vmem_shared>>
      tpu.enqueue_dma source(%dma_start3A_95 : memref<128x16xf32, #tpu.memory_space<vmem_shared>>) target(%dma_start3A_93 : memref<128x16xf32, #tpu.memory_space<vmem>>) target_semaphore(%run_scoped3A : memref<!tpu.dma_semaphore, #tpu.memory_space<semaphore_mem>>)
      %dma_wait3A = arith.constant 0 : i32
      %dma_wait3A_96 = arith.constant 0 : i32
      %dma_wait3A_97 = tpu.memref_slice %arg9[%dma_wait3A, %dma_wait3A_96] : memref<128x16xf32, #tpu.memory_space<vmem>> -> memref<128x16xf32, #tpu.memory_space<vmem>>
      %dma_wait3A_98 = arith.constant 0 : i32
      %dma_wait3A_99 = tpu.memref_slice %arg11[%add3A_76, %dma_wait3A_98] : memref<10112x16xf32, #tpu.memory_space<vmem_shared>> -> memref<128x16xf32, #tpu.memory_space<vmem_shared>>
      %dma_wait3A_100 = arith.constant 0 : i32
      %dma_wait3A_101 = arith.constant 0 : i32
      %dma_wait3A_102 = tpu.memref_slice %arg9[%dma_wait3A_100, %dma_wait3A_101] : memref<128x16xf32, #tpu.memory_space<vmem>> -> memref<128x16xf32, #tpu.memory_space<vmem>>
      %dma_wait3A_103 = arith.constant 0 : i32
      %dma_wait3A_104 = tpu.memref_slice %arg11[%add3A_76, %dma_wait3A_103] : memref<10112x16xf32, #tpu.memory_space<vmem_shared>> -> memref<128x16xf32, #tpu.memory_space<vmem_shared>>
      tpu.wait_dma2 semaphore(%run_scoped3A : memref<!tpu.dma_semaphore, #tpu.memory_space<semaphore_mem>>) src(%dma_wait3A_104 : memref<128x16xf32, #tpu.memory_space<vmem_shared>>) dst(%dma_wait3A_102 : memref<128x16xf32, #tpu.memory_space<vmem>>)
      tpu.yield
    }) : () -> ()
    %add3A_77 = arith.constant 256 : i32
    %add3A_78 = arith.addi %mul3A_2, %add3A_77 : i32
    "tpu.region"() ({
      %run_scoped3A = tpu.sem_alloc : memref<!tpu.dma_semaphore, #tpu.memory_space<semaphore_mem>>
      %dma_start3A = arith.constant 0 : i32
      %dma_start3A_87 = arith.constant 0 : i32
      %dma_start3A_88 = tpu.memref_slice %arg9[%dma_start3A, %dma_start3A_87] : memref<128x16xf32, #tpu.memory_space<vmem>> -> memref<128x16xf32, #tpu.memory_space<vmem>>
      %dma_start3A_89 = arith.constant 0 : i32
      %dma_start3A_90 = tpu.memref_slice %arg5[%arg0, %add3A_78, %dma_start3A_89] : memref<2x10112x16xf32, #tpu.memory_space<hbm>> -> memref<1x128x16xf32, #tpu.memory_space<hbm>>
      %dma_start3A_91 = tpu.memref_squeeze %dma_start3A_90 : memref<1x128x16xf32, #tpu.memory_space<hbm>> -> memref<128x16xf32, #tpu.memory_space<hbm>>
      %dma_start3A_92 = arith.constant 0 : i32
      %dma_start3A_93 = tpu.memref_slice %arg5[%arg0, %add3A_78, %dma_start3A_92] : memref<2x10112x16xf32, #tpu.memory_space<hbm>> -> memref<1x128x16xf32, #tpu.memory_space<hbm>>
      %dma_start3A_94 = tpu.memref_squeeze %dma_start3A_93 : memref<1x128x16xf32, #tpu.memory_space<hbm>> -> memref<128x16xf32, #tpu.memory_space<hbm>>
      %dma_start3A_95 = arith.constant 0 : i32
      %dma_start3A_96 = arith.constant 0 : i32
      %dma_start3A_97 = tpu.memref_slice %arg9[%dma_start3A_95, %dma_start3A_96] : memref<128x16xf32, #tpu.memory_space<vmem>> -> memref<128x16xf32, #tpu.memory_space<vmem>>
      tpu.enqueue_dma source(%dma_start3A_97 : memref<128x16xf32, #tpu.memory_space<vmem>>) target(%dma_start3A_94 : memref<128x16xf32, #tpu.memory_space<hbm>>) target_semaphore(%run_scoped3A : memref<!tpu.dma_semaphore, #tpu.memory_space<semaphore_mem>>)
      %dma_wait3A = arith.constant 0 : i32
      %dma_wait3A_98 = arith.constant 0 : i32
      %dma_wait3A_99 = tpu.memref_slice %arg9[%dma_wait3A, %dma_wait3A_98] : memref<128x16xf32, #tpu.memory_space<vmem>> -> memref<128x16xf32, #tpu.memory_space<vmem>>
      %dma_wait3A_100 = arith.constant 0 : i32
      %dma_wait3A_101 = tpu.memref_slice %arg5[%arg0, %add3A_78, %dma_wait3A_100] : memref<2x10112x16xf32, #tpu.memory_space<hbm>> -> memref<1x128x16xf32, #tpu.memory_space<hbm>>
      %dma_wait3A_102 = tpu.memref_squeeze %dma_wait3A_101 : memref<1x128x16xf32, #tpu.memory_space<hbm>> -> memref<128x16xf32, #tpu.memory_space<hbm>>
      %dma_wait3A_103 = arith.constant 0 : i32
      %dma_wait3A_104 = tpu.memref_slice %arg5[%arg0, %add3A_78, %dma_wait3A_103] : memref<2x10112x16xf32, #tpu.memory_space<hbm>> -> memref<1x128x16xf32, #tpu.memory_space<hbm>>
      %dma_wait3A_105 = tpu.memref_squeeze %dma_wait3A_104 : memref<1x128x16xf32, #tpu.memory_space<hbm>> -> memref<128x16xf32, #tpu.memory_space<hbm>>
      %dma_wait3A_106 = arith.constant 0 : i32
      %dma_wait3A_107 = arith.constant 0 : i32
      %dma_wait3A_108 = tpu.memref_slice %arg9[%dma_wait3A_106, %dma_wait3A_107] : memref<128x16xf32, #tpu.memory_space<vmem>> -> memref<128x16xf32, #tpu.memory_space<vmem>>
      tpu.wait_dma2 semaphore(%run_scoped3A : memref<!tpu.dma_semaphore, #tpu.memory_space<semaphore_mem>>) src(%dma_wait3A_108 : memref<128x16xf32, #tpu.memory_space<vmem>>) dst(%dma_wait3A_105 : memref<128x16xf32, #tpu.memory_space<hbm>>)
      tpu.yield
    }) : () -> ()
    %add3A_79 = arith.constant 384 : i32
    %add3A_80 = arith.addi %mul3A_2, %add3A_79 : i32
    "tpu.region"() ({
      %run_scoped3A = tpu.sem_alloc : memref<!tpu.dma_semaphore, #tpu.memory_space<semaphore_mem>>
      %dma_start3A = arith.constant 0 : i32
      %dma_start3A_87 = arith.constant 0 : i32
      %dma_start3A_88 = tpu.memref_slice %arg9[%dma_start3A, %dma_start3A_87] : memref<128x16xf32, #tpu.memory_space<vmem>> -> memref<128x16xf32, #tpu.memory_space<vmem>>
      %dma_start3A_89 = arith.constant 0 : i32
      %dma_start3A_90 = tpu.memref_slice %arg11[%add3A_80, %dma_start3A_89] : memref<10112x16xf32, #tpu.memory_space<vmem_shared>> -> memref<128x16xf32, #tpu.memory_space<vmem_shared>>
      %dma_start3A_91 = arith.constant 0 : i32
      %dma_start3A_92 = arith.constant 0 : i32
      %dma_start3A_93 = tpu.memref_slice %arg9[%dma_start3A_91, %dma_start3A_92] : memref<128x16xf32, #tpu.memory_space<vmem>> -> memref<128x16xf32, #tpu.memory_space<vmem>>
      %dma_start3A_94 = arith.constant 0 : i32
      %dma_start3A_95 = tpu.memref_slice %arg11[%add3A_80, %dma_start3A_94] : memref<10112x16xf32, #tpu.memory_space<vmem_shared>> -> memref<128x16xf32, #tpu.memory_space<vmem_shared>>
      tpu.enqueue_dma source(%dma_start3A_95 : memref<128x16xf32, #tpu.memory_space<vmem_shared>>) target(%dma_start3A_93 : memref<128x16xf32, #tpu.memory_space<vmem>>) target_semaphore(%run_scoped3A : memref<!tpu.dma_semaphore, #tpu.memory_space<semaphore_mem>>)
      %dma_wait3A = arith.constant 0 : i32
      %dma_wait3A_96 = arith.constant 0 : i32
      %dma_wait3A_97 = tpu.memref_slice %arg9[%dma_wait3A, %dma_wait3A_96] : memref<128x16xf32, #tpu.memory_space<vmem>> -> memref<128x16xf32, #tpu.memory_space<vmem>>
      %dma_wait3A_98 = arith.constant 0 : i32
      %dma_wait3A_99 = tpu.memref_slice %arg11[%add3A_80, %dma_wait3A_98] : memref<10112x16xf32, #tpu.memory_space<vmem_shared>> -> memref<128x16xf32, #tpu.memory_space<vmem_shared>>
      %dma_wait3A_100 = arith.constant 0 : i32
      %dma_wait3A_101 = arith.constant 0 : i32
      %dma_wait3A_102 = tpu.memref_slice %arg9[%dma_wait3A_100, %dma_wait3A_101] : memref<128x16xf32, #tpu.memory_space<vmem>> -> memref<128x16xf32, #tpu.memory_space<vmem>>
      %dma_wait3A_103 = arith.constant 0 : i32
      %dma_wait3A_104 = tpu.memref_slice %arg11[%add3A_80, %dma_wait3A_103] : memref<10112x16xf32, #tpu.memory_space<vmem_shared>> -> memref<128x16xf32, #tpu.memory_space<vmem_shared>>
      tpu.wait_dma2 semaphore(%run_scoped3A : memref<!tpu.dma_semaphore, #tpu.memory_space<semaphore_mem>>) src(%dma_wait3A_104 : memref<128x16xf32, #tpu.memory_space<vmem_shared>>) dst(%dma_wait3A_102 : memref<128x16xf32, #tpu.memory_space<vmem>>)
      tpu.yield
    }) : () -> ()
    %add3A_81 = arith.constant 384 : i32
    %add3A_82 = arith.addi %mul3A_2, %add3A_81 : i32
    "tpu.region"() ({
      %run_scoped3A = tpu.sem_alloc : memref<!tpu.dma_semaphore, #tpu.memory_space<semaphore_mem>>
      %dma_start3A = arith.constant 0 : i32
      %dma_start3A_87 = arith.constant 0 : i32
      %dma_start3A_88 = tpu.memref_slice %arg9[%dma_start3A, %dma_start3A_87] : memref<128x16xf32, #tpu.memory_space<vmem>> -> memref<128x16xf32, #tpu.memory_space<vmem>>
      %dma_start3A_89 = arith.constant 0 : i32
      %dma_start3A_90 = tpu.memref_slice %arg5[%arg0, %add3A_82, %dma_start3A_89] : memref<2x10112x16xf32, #tpu.memory_space<hbm>> -> memref<1x128x16xf32, #tpu.memory_space<hbm>>
      %dma_start3A_91 = tpu.memref_squeeze %dma_start3A_90 : memref<1x128x16xf32, #tpu.memory_space<hbm>> -> memref<128x16xf32, #tpu.memory_space<hbm>>
      %dma_start3A_92 = arith.constant 0 : i32
      %dma_start3A_93 = tpu.memref_slice %arg5[%arg0, %add3A_82, %dma_start3A_92] : memref<2x10112x16xf32, #tpu.memory_space<hbm>> -> memref<1x128x16xf32, #tpu.memory_space<hbm>>
      %dma_start3A_94 = tpu.memref_squeeze %dma_start3A_93 : memref<1x128x16xf32, #tpu.memory_space<hbm>> -> memref<128x16xf32, #tpu.memory_space<hbm>>
      %dma_start3A_95 = arith.constant 0 : i32
      %dma_start3A_96 = arith.constant 0 : i32
      %dma_start3A_97 = tpu.memref_slice %arg9[%dma_start3A_95, %dma_start3A_96] : memref<128x16xf32, #tpu.memory_space<vmem>> -> memref<128x16xf32, #tpu.memory_space<vmem>>
      tpu.enqueue_dma source(%dma_start3A_97 : memref<128x16xf32, #tpu.memory_space<vmem>>) target(%dma_start3A_94 : memref<128x16xf32, #tpu.memory_space<hbm>>) target_semaphore(%run_scoped3A : memref<!tpu.dma_semaphore, #tpu.memory_space<semaphore_mem>>)
      %dma_wait3A = arith.constant 0 : i32
      %dma_wait3A_98 = arith.constant 0 : i32
      %dma_wait3A_99 = tpu.memref_slice %arg9[%dma_wait3A, %dma_wait3A_98] : memref<128x16xf32, #tpu.memory_space<vmem>> -> memref<128x16xf32, #tpu.memory_space<vmem>>
      %dma_wait3A_100 = arith.constant 0 : i32
      %dma_wait3A_101 = tpu.memref_slice %arg5[%arg0, %add3A_82, %dma_wait3A_100] : memref<2x10112x16xf32, #tpu.memory_space<hbm>> -> memref<1x128x16xf32, #tpu.memory_space<hbm>>
      %dma_wait3A_102 = tpu.memref_squeeze %dma_wait3A_101 : memref<1x128x16xf32, #tpu.memory_space<hbm>> -> memref<128x16xf32, #tpu.memory_space<hbm>>
      %dma_wait3A_103 = arith.constant 0 : i32
      %dma_wait3A_104 = tpu.memref_slice %arg5[%arg0, %add3A_82, %dma_wait3A_103] : memref<2x10112x16xf32, #tpu.memory_space<hbm>> -> memref<1x128x16xf32, #tpu.memory_space<hbm>>
      %dma_wait3A_105 = tpu.memref_squeeze %dma_wait3A_104 : memref<1x128x16xf32, #tpu.memory_space<hbm>> -> memref<128x16xf32, #tpu.memory_space<hbm>>
      %dma_wait3A_106 = arith.constant 0 : i32
      %dma_wait3A_107 = arith.constant 0 : i32
      %dma_wait3A_108 = tpu.memref_slice %arg9[%dma_wait3A_106, %dma_wait3A_107] : memref<128x16xf32, #tpu.memory_space<vmem>> -> memref<128x16xf32, #tpu.memory_space<vmem>>
      tpu.wait_dma2 semaphore(%run_scoped3A : memref<!tpu.dma_semaphore, #tpu.memory_space<semaphore_mem>>) src(%dma_wait3A_108 : memref<128x16xf32, #tpu.memory_space<vmem>>) dst(%dma_wait3A_105 : memref<128x16xf32, #tpu.memory_space<hbm>>)
      tpu.yield
    }) : () -> ()
    %add3A_83 = arith.constant 512 : i32
    %add3A_84 = arith.addi %mul3A_2, %add3A_83 : i32
    "tpu.region"() ({
      %run_scoped3A = tpu.sem_alloc : memref<!tpu.dma_semaphore, #tpu.memory_space<semaphore_mem>>
      %dma_start3A = arith.constant 0 : i32
      %dma_start3A_87 = arith.constant 0 : i32
      %dma_start3A_88 = tpu.memref_slice %arg9[%dma_start3A, %dma_start3A_87] : memref<128x16xf32, #tpu.memory_space<vmem>> -> memref<120x16xf32, #tpu.memory_space<vmem>>
      %dma_start3A_89 = arith.constant 0 : i32
      %dma_start3A_90 = tpu.memref_slice %arg11[%add3A_84, %dma_start3A_89] : memref<10112x16xf32, #tpu.memory_space<vmem_shared>> -> memref<120x16xf32, #tpu.memory_space<vmem_shared>>
      %dma_start3A_91 = arith.constant 0 : i32
      %dma_start3A_92 = arith.constant 0 : i32
      %dma_start3A_93 = tpu.memref_slice %arg9[%dma_start3A_91, %dma_start3A_92] : memref<128x16xf32, #tpu.memory_space<vmem>> -> memref<120x16xf32, #tpu.memory_space<vmem>>
      %dma_start3A_94 = arith.constant 0 : i32
      %dma_start3A_95 = tpu.memref_slice %arg11[%add3A_84, %dma_start3A_94] : memref<10112x16xf32, #tpu.memory_space<vmem_shared>> -> memref<120x16xf32, #tpu.memory_space<vmem_shared>>
      tpu.enqueue_dma source(%dma_start3A_95 : memref<120x16xf32, #tpu.memory_space<vmem_shared>>) target(%dma_start3A_93 : memref<120x16xf32, #tpu.memory_space<vmem>>) target_semaphore(%run_scoped3A : memref<!tpu.dma_semaphore, #tpu.memory_space<semaphore_mem>>)
      %dma_wait3A = arith.constant 0 : i32
      %dma_wait3A_96 = arith.constant 0 : i32
      %dma_wait3A_97 = tpu.memref_slice %arg9[%dma_wait3A, %dma_wait3A_96] : memref<128x16xf32, #tpu.memory_space<vmem>> -> memref<120x16xf32, #tpu.memory_space<vmem>>
      %dma_wait3A_98 = arith.constant 0 : i32
      %dma_wait3A_99 = tpu.memref_slice %arg11[%add3A_84, %dma_wait3A_98] : memref<10112x16xf32, #tpu.memory_space<vmem_shared>> -> memref<120x16xf32, #tpu.memory_space<vmem_shared>>
      %dma_wait3A_100 = arith.constant 0 : i32
      %dma_wait3A_101 = arith.constant 0 : i32
      %dma_wait3A_102 = tpu.memref_slice %arg9[%dma_wait3A_100, %dma_wait3A_101] : memref<128x16xf32, #tpu.memory_space<vmem>> -> memref<120x16xf32, #tpu.memory_space<vmem>>
      %dma_wait3A_103 = arith.constant 0 : i32
      %dma_wait3A_104 = tpu.memref_slice %arg11[%add3A_84, %dma_wait3A_103] : memref<10112x16xf32, #tpu.memory_space<vmem_shared>> -> memref<120x16xf32, #tpu.memory_space<vmem_shared>>
      tpu.wait_dma2 semaphore(%run_scoped3A : memref<!tpu.dma_semaphore, #tpu.memory_space<semaphore_mem>>) src(%dma_wait3A_104 : memref<120x16xf32, #tpu.memory_space<vmem_shared>>) dst(%dma_wait3A_102 : memref<120x16xf32, #tpu.memory_space<vmem>>)
      tpu.yield
    }) : () -> ()
    %add3A_85 = arith.constant 512 : i32
    %add3A_86 = arith.addi %mul3A_2, %add3A_85 : i32
    "tpu.region"() ({
      %run_scoped3A = tpu.sem_alloc : memref<!tpu.dma_semaphore, #tpu.memory_space<semaphore_mem>>
      %dma_start3A = arith.constant 0 : i32
      %dma_start3A_87 = arith.constant 0 : i32
      %dma_start3A_88 = tpu.memref_slice %arg9[%dma_start3A, %dma_start3A_87] : memref<128x16xf32, #tpu.memory_space<vmem>> -> memref<120x16xf32, #tpu.memory_space<vmem>>
      %dma_start3A_89 = arith.constant 0 : i32
      %dma_start3A_90 = tpu.memref_slice %arg5[%arg0, %add3A_86, %dma_start3A_89] : memref<2x10112x16xf32, #tpu.memory_space<hbm>> -> memref<1x120x16xf32, #tpu.memory_space<hbm>>
      %dma_start3A_91 = tpu.memref_squeeze %dma_start3A_90 : memref<1x120x16xf32, #tpu.memory_space<hbm>> -> memref<120x16xf32, #tpu.memory_space<hbm>>
      %dma_start3A_92 = arith.constant 0 : i32
      %dma_start3A_93 = tpu.memref_slice %arg5[%arg0, %add3A_86, %dma_start3A_92] : memref<2x10112x16xf32, #tpu.memory_space<hbm>> -> memref<1x120x16xf32, #tpu.memory_space<hbm>>
      %dma_start3A_94 = tpu.memref_squeeze %dma_start3A_93 : memref<1x120x16xf32, #tpu.memory_space<hbm>> -> memref<120x16xf32, #tpu.memory_space<hbm>>
      %dma_start3A_95 = arith.constant 0 : i32
      %dma_start3A_96 = arith.constant 0 : i32
      %dma_start3A_97 = tpu.memref_slice %arg9[%dma_start3A_95, %dma_start3A_96] : memref<128x16xf32, #tpu.memory_space<vmem>> -> memref<120x16xf32, #tpu.memory_space<vmem>>
      tpu.enqueue_dma source(%dma_start3A_97 : memref<120x16xf32, #tpu.memory_space<vmem>>) target(%dma_start3A_94 : memref<120x16xf32, #tpu.memory_space<hbm>>) target_semaphore(%run_scoped3A : memref<!tpu.dma_semaphore, #tpu.memory_space<semaphore_mem>>)
      %dma_wait3A = arith.constant 0 : i32
      %dma_wait3A_98 = arith.constant 0 : i32
      %dma_wait3A_99 = tpu.memref_slice %arg9[%dma_wait3A, %dma_wait3A_98] : memref<128x16xf32, #tpu.memory_space<vmem>> -> memref<120x16xf32, #tpu.memory_space<vmem>>
      %dma_wait3A_100 = arith.constant 0 : i32
      %dma_wait3A_101 = tpu.memref_slice %arg5[%arg0, %add3A_86, %dma_wait3A_100] : memref<2x10112x16xf32, #tpu.memory_space<hbm>> -> memref<1x120x16xf32, #tpu.memory_space<hbm>>
      %dma_wait3A_102 = tpu.memref_squeeze %dma_wait3A_101 : memref<1x120x16xf32, #tpu.memory_space<hbm>> -> memref<120x16xf32, #tpu.memory_space<hbm>>
      %dma_wait3A_103 = arith.constant 0 : i32
      %dma_wait3A_104 = tpu.memref_slice %arg5[%arg0, %add3A_86, %dma_wait3A_103] : memref<2x10112x16xf32, #tpu.memory_space<hbm>> -> memref<1x120x16xf32, #tpu.memory_space<hbm>>
      %dma_wait3A_105 = tpu.memref_squeeze %dma_wait3A_104 : memref<1x120x16xf32, #tpu.memory_space<hbm>> -> memref<120x16xf32, #tpu.memory_space<hbm>>
      %dma_wait3A_106 = arith.constant 0 : i32
      %dma_wait3A_107 = arith.constant 0 : i32
      %dma_wait3A_108 = tpu.memref_slice %arg9[%dma_wait3A_106, %dma_wait3A_107] : memref<128x16xf32, #tpu.memory_space<vmem>> -> memref<120x16xf32, #tpu.memory_space<vmem>>
      tpu.wait_dma2 semaphore(%run_scoped3A : memref<!tpu.dma_semaphore, #tpu.memory_space<semaphore_mem>>) src(%dma_wait3A_108 : memref<120x16xf32, #tpu.memory_space<vmem>>) dst(%dma_wait3A_105 : memref<120x16xf32, #tpu.memory_space<hbm>>)
      tpu.yield
    }) : () -> ()
    return
  }
}

#map = affine_map<(d0, d1) -> (0, 0, 0)>
module attributes {stable_mosaic.version = 14 : i64} {
  func.func @_sc_agg_body(%arg0: i32, %arg1: i32, %arg2: memref<2x10000x64xf32, #tpu.memory_space<hbm>>, %arg3: memref<16x160x128xi32, #tpu.memory_space<hbm>>, %arg4: memref<16x160x128xi32, #tpu.memory_space<hbm>>, %arg5: memref<2x10112x64xf32, #tpu.memory_space<hbm>>, %arg6: memref<160x128xi32, #tpu.memory_space<vmem>>, %arg7: memref<160x128xi32, #tpu.memory_space<vmem>>, %arg8: memref<128x64xf32, #tpu.memory_space<vmem>>, %arg9: memref<128x64xf32, #tpu.memory_space<vmem>>, %arg10: memref<128x64xf32, #tpu.memory_space<vmem>>, %arg11: memref<128x64xf32, #tpu.memory_space<vmem>>, %arg12: memref<10112x64xf32, #tpu.memory_space<vmem_shared>>, %arg13: memref<!tpu.dma_semaphore, #tpu.memory_space<semaphore_mem>>, %arg14: memref<!tpu.dma_semaphore, #tpu.memory_space<semaphore_mem>>, %arg15: memref<!tpu.dma_semaphore, #tpu.memory_space<semaphore_mem>>, %arg16: memref<!tpu.dma_semaphore, #tpu.memory_space<semaphore_mem>>, %arg17: memref<!tpu.dma_semaphore, #tpu.memory_space<semaphore_mem>>, %arg18: memref<!tpu.dma_semaphore, #tpu.memory_space<semaphore_mem>>, %arg19: memref<!tpu.dma_semaphore, #tpu.memory_space<semaphore_mem>>, %arg20: memref<!tpu.dma_semaphore, #tpu.memory_space<semaphore_mem>>) attributes {dimension_semantics = [#tpu.dimension_semantics<core_parallel>, #tpu.dimension_semantics<subcore_parallel>], iteration_bounds = array<i64: 2, 16>, scalar_prefetch = 0 : i64, scratch_operands = 15 : i64, tpu.core_type = #tpu.core_type<sc_vector_subcore>, window_params = [{transform_indices = #map}, {transform_indices = #map}, {transform_indices = #map}, {transform_indices = #map}]} {
    %mul3A = arith.constant 632 : i32
    %mul3A_0 = arith.muli %arg1, %mul3A : i32
    "tpu.region"() ({
      %run_scoped3A = tpu.sem_alloc : memref<!tpu.dma_semaphore, #tpu.memory_space<semaphore_mem>>
      %dma_start3A_88 = arith.constant 0 : i32
      %dma_start3A_89 = arith.constant 0 : i32
      %dma_start3A_90 = tpu.memref_slice %arg3[%arg1, %dma_start3A_88, %dma_start3A_89] : memref<16x160x128xi32, #tpu.memory_space<hbm>> -> memref<1x160x128xi32, #tpu.memory_space<hbm>>
      %dma_start3A_91 = tpu.memref_squeeze %dma_start3A_90 : memref<1x160x128xi32, #tpu.memory_space<hbm>> -> memref<160x128xi32, #tpu.memory_space<hbm>>
      %dma_start3A_92 = arith.constant 0 : i32
      %dma_start3A_93 = arith.constant 0 : i32
      %dma_start3A_94 = tpu.memref_slice %arg3[%arg1, %dma_start3A_92, %dma_start3A_93] : memref<16x160x128xi32, #tpu.memory_space<hbm>> -> memref<1x160x128xi32, #tpu.memory_space<hbm>>
      %dma_start3A_95 = tpu.memref_squeeze %dma_start3A_94 : memref<1x160x128xi32, #tpu.memory_space<hbm>> -> memref<160x128xi32, #tpu.memory_space<hbm>>
      tpu.enqueue_dma source(%dma_start3A_95 : memref<160x128xi32, #tpu.memory_space<hbm>>) target(%arg6 : memref<160x128xi32, #tpu.memory_space<vmem>>) target_semaphore(%run_scoped3A : memref<!tpu.dma_semaphore, #tpu.memory_space<semaphore_mem>>)
      %dma_wait3A = arith.constant 0 : i32
      %dma_wait3A_96 = arith.constant 0 : i32
      %dma_wait3A_97 = tpu.memref_slice %arg3[%arg1, %dma_wait3A, %dma_wait3A_96] : memref<16x160x128xi32, #tpu.memory_space<hbm>> -> memref<1x160x128xi32, #tpu.memory_space<hbm>>
      %dma_wait3A_98 = tpu.memref_squeeze %dma_wait3A_97 : memref<1x160x128xi32, #tpu.memory_space<hbm>> -> memref<160x128xi32, #tpu.memory_space<hbm>>
      %dma_wait3A_99 = arith.constant 0 : i32
      %dma_wait3A_100 = arith.constant 0 : i32
      %dma_wait3A_101 = tpu.memref_slice %arg3[%arg1, %dma_wait3A_99, %dma_wait3A_100] : memref<16x160x128xi32, #tpu.memory_space<hbm>> -> memref<1x160x128xi32, #tpu.memory_space<hbm>>
      %dma_wait3A_102 = tpu.memref_squeeze %dma_wait3A_101 : memref<1x160x128xi32, #tpu.memory_space<hbm>> -> memref<160x128xi32, #tpu.memory_space<hbm>>
      tpu.wait_dma2 semaphore(%run_scoped3A : memref<!tpu.dma_semaphore, #tpu.memory_space<semaphore_mem>>) src(%dma_wait3A_102 : memref<160x128xi32, #tpu.memory_space<hbm>>) dst(%arg6 : memref<160x128xi32, #tpu.memory_space<vmem>>)
      tpu.yield
    }) : () -> ()
    "tpu.region"() ({
      %run_scoped3A = tpu.sem_alloc : memref<!tpu.dma_semaphore, #tpu.memory_space<semaphore_mem>>
      %dma_start3A_88 = arith.constant 0 : i32
      %dma_start3A_89 = arith.constant 0 : i32
      %dma_start3A_90 = tpu.memref_slice %arg4[%arg1, %dma_start3A_88, %dma_start3A_89] : memref<16x160x128xi32, #tpu.memory_space<hbm>> -> memref<1x160x128xi32, #tpu.memory_space<hbm>>
      %dma_start3A_91 = tpu.memref_squeeze %dma_start3A_90 : memref<1x160x128xi32, #tpu.memory_space<hbm>> -> memref<160x128xi32, #tpu.memory_space<hbm>>
      %dma_start3A_92 = arith.constant 0 : i32
      %dma_start3A_93 = arith.constant 0 : i32
      %dma_start3A_94 = tpu.memref_slice %arg4[%arg1, %dma_start3A_92, %dma_start3A_93] : memref<16x160x128xi32, #tpu.memory_space<hbm>> -> memref<1x160x128xi32, #tpu.memory_space<hbm>>
      %dma_start3A_95 = tpu.memref_squeeze %dma_start3A_94 : memref<1x160x128xi32, #tpu.memory_space<hbm>> -> memref<160x128xi32, #tpu.memory_space<hbm>>
      tpu.enqueue_dma source(%dma_start3A_95 : memref<160x128xi32, #tpu.memory_space<hbm>>) target(%arg7 : memref<160x128xi32, #tpu.memory_space<vmem>>) target_semaphore(%run_scoped3A : memref<!tpu.dma_semaphore, #tpu.memory_space<semaphore_mem>>)
      %dma_wait3A = arith.constant 0 : i32
      %dma_wait3A_96 = arith.constant 0 : i32
      %dma_wait3A_97 = tpu.memref_slice %arg4[%arg1, %dma_wait3A, %dma_wait3A_96] : memref<16x160x128xi32, #tpu.memory_space<hbm>> -> memref<1x160x128xi32, #tpu.memory_space<hbm>>
      %dma_wait3A_98 = tpu.memref_squeeze %dma_wait3A_97 : memref<1x160x128xi32, #tpu.memory_space<hbm>> -> memref<160x128xi32, #tpu.memory_space<hbm>>
      %dma_wait3A_99 = arith.constant 0 : i32
      %dma_wait3A_100 = arith.constant 0 : i32
      %dma_wait3A_101 = tpu.memref_slice %arg4[%arg1, %dma_wait3A_99, %dma_wait3A_100] : memref<16x160x128xi32, #tpu.memory_space<hbm>> -> memref<1x160x128xi32, #tpu.memory_space<hbm>>
      %dma_wait3A_102 = tpu.memref_squeeze %dma_wait3A_101 : memref<1x160x128xi32, #tpu.memory_space<hbm>> -> memref<160x128xi32, #tpu.memory_space<hbm>>
      tpu.wait_dma2 semaphore(%run_scoped3A : memref<!tpu.dma_semaphore, #tpu.memory_space<semaphore_mem>>) src(%dma_wait3A_102 : memref<160x128xi32, #tpu.memory_space<hbm>>) dst(%arg7 : memref<160x128xi32, #tpu.memory_space<vmem>>)
      tpu.yield
    }) : () -> ()
    %broadcast_in_dim3A = arith.constant 0.000000e+00 : f32
    %broadcast_in_dim3A_1 = vector.broadcast %broadcast_in_dim3A : f32 to vector<16xf32>
    %scan3A = arith.constant 0 : i32
    %scan3A_2 = arith.constant 0 : i32
    %scan3A_3 = arith.constant 128 : i32
    %scan3A_4 = arith.addi %scan3A_2, %scan3A_3 : i32
    %scan3A_5 = arith.constant 1 : i32
    %scan3A_6 = scf.for %scan3A_88 = %scan3A_2 to %scan3A_4 step %scan3A_5 iter_args(%scan3A_89 = %scan3A) -> (i32)  : i32 {
      %swap3A = arith.index_cast %scan3A_88 : i32 to index
      %swap3A_90 = arith.constant 0 : index
      %swap3A_91 = tpu.vector_load %arg8[%swap3A, %swap3A_90] {strides = array<i32>} : memref<128x64xf32, #tpu.memory_space<vmem>>, vector<1x16xf32>,
      %swap3A_92 = vector.shape_cast %swap3A_91 : vector<1x16xf32> to vector<16xf32>
      %swap3A_93 = vector.shape_cast %broadcast_in_dim3A_1 : vector<16xf32> to vector<1x16xf32>
      tpu.vector_store %arg8[%swap3A, %swap3A_90], %swap3A_93 {strides = array<i32>} : memref<128x64xf32, #tpu.memory_space<vmem>>, vector<1x16xf32>,
      %swap3A_94 = arith.index_cast %scan3A_88 : i32 to index
      %swap3A_95 = arith.constant 16 : index
      %swap3A_96 = tpu.vector_load %arg8[%swap3A_94, %swap3A_95] {strides = array<i32>} : memref<128x64xf32, #tpu.memory_space<vmem>>, vector<1x16xf32>,
      %swap3A_97 = vector.shape_cast %swap3A_96 : vector<1x16xf32> to vector<16xf32>
      %swap3A_98 = vector.shape_cast %broadcast_in_dim3A_1 : vector<16xf32> to vector<1x16xf32>
      tpu.vector_store %arg8[%swap3A_94, %swap3A_95], %swap3A_98 {strides = array<i32>} : memref<128x64xf32, #tpu.memory_space<vmem>>, vector<1x16xf32>,
      %swap3A_99 = arith.index_cast %scan3A_88 : i32 to index
      %swap3A_100 = arith.constant 32 : index
      %swap3A_101 = tpu.vector_load %arg8[%swap3A_99, %swap3A_100] {strides = array<i32>} : memref<128x64xf32, #tpu.memory_space<vmem>>, vector<1x16xf32>,
      %swap3A_102 = vector.shape_cast %swap3A_101 : vector<1x16xf32> to vector<16xf32>
      %swap3A_103 = vector.shape_cast %broadcast_in_dim3A_1 : vector<16xf32> to vector<1x16xf32>
      tpu.vector_store %arg8[%swap3A_99, %swap3A_100], %swap3A_103 {strides = array<i32>} : memref<128x64xf32, #tpu.memory_space<vmem>>, vector<1x16xf32>,
      %swap3A_104 = arith.index_cast %scan3A_88 : i32 to index
      %swap3A_105 = arith.constant 48 : index
      %swap3A_106 = tpu.vector_load %arg8[%swap3A_104, %swap3A_105] {strides = array<i32>} : memref<128x64xf32, #tpu.memory_space<vmem>>, vector<1x16xf32>,
      %swap3A_107 = vector.shape_cast %swap3A_106 : vector<1x16xf32> to vector<16xf32>
      %swap3A_108 = vector.shape_cast %broadcast_in_dim3A_1 : vector<16xf32> to vector<1x16xf32>
      tpu.vector_store %arg8[%swap3A_104, %swap3A_105], %swap3A_108 {strides = array<i32>} : memref<128x64xf32, #tpu.memory_space<vmem>>, vector<1x16xf32>,
      %scan3A_109 = arith.constant 0 : i32
      scf.yield %scan3A_109 : i32
    }
    %scan3A_7 = arith.constant 128 : i32
    %add3A = arith.constant 0 : i32
    %add3A_8 = arith.addi %mul3A_0, %add3A : i32
    "tpu.region"() ({
      %run_scoped3A = tpu.sem_alloc : memref<!tpu.dma_semaphore, #tpu.memory_space<semaphore_mem>>
      %dma_start3A_88 = arith.constant 0 : i32
      %dma_start3A_89 = arith.constant 0 : i32
      %dma_start3A_90 = tpu.memref_slice %arg8[%dma_start3A_88, %dma_start3A_89] : memref<128x64xf32, #tpu.memory_space<vmem>> -> memref<128x64xf32, #tpu.memory_space<vmem>>
      %dma_start3A_91 = arith.constant 0 : i32
      %dma_start3A_92 = tpu.memref_slice %arg12[%add3A_8, %dma_start3A_91] : memref<10112x64xf32, #tpu.memory_space<vmem_shared>> -> memref<128x64xf32, #tpu.memory_space<vmem_shared>>
      %dma_start3A_93 = arith.constant 0 : i32
      %dma_start3A_94 = tpu.memref_slice %arg12[%add3A_8, %dma_start3A_93] : memref<10112x64xf32, #tpu.memory_space<vmem_shared>> -> memref<128x64xf32, #tpu.memory_space<vmem_shared>>
      %dma_start3A_95 = arith.constant 0 : i32
      %dma_start3A_96 = arith.constant 0 : i32
      %dma_start3A_97 = tpu.memref_slice %arg8[%dma_start3A_95, %dma_start3A_96] : memref<128x64xf32, #tpu.memory_space<vmem>> -> memref<128x64xf32, #tpu.memory_space<vmem>>
      tpu.enqueue_dma source(%dma_start3A_97 : memref<128x64xf32, #tpu.memory_space<vmem>>) target(%dma_start3A_94 : memref<128x64xf32, #tpu.memory_space<vmem_shared>>) target_semaphore(%run_scoped3A : memref<!tpu.dma_semaphore, #tpu.memory_space<semaphore_mem>>)
      %dma_wait3A = arith.constant 0 : i32
      %dma_wait3A_98 = arith.constant 0 : i32
      %dma_wait3A_99 = tpu.memref_slice %arg8[%dma_wait3A, %dma_wait3A_98] : memref<128x64xf32, #tpu.memory_space<vmem>> -> memref<128x64xf32, #tpu.memory_space<vmem>>
      %dma_wait3A_100 = arith.constant 0 : i32
      %dma_wait3A_101 = tpu.memref_slice %arg12[%add3A_8, %dma_wait3A_100] : memref<10112x64xf32, #tpu.memory_space<vmem_shared>> -> memref<128x64xf32, #tpu.memory_space<vmem_shared>>
      %dma_wait3A_102 = arith.constant 0 : i32
      %dma_wait3A_103 = tpu.memref_slice %arg12[%add3A_8, %dma_wait3A_102] : memref<10112x64xf32, #tpu.memory_space<vmem_shared>> -> memref<128x64xf32, #tpu.memory_space<vmem_shared>>
      %dma_wait3A_104 = arith.constant 0 : i32
      %dma_wait3A_105 = arith.constant 0 : i32
      %dma_wait3A_106 = tpu.memref_slice %arg8[%dma_wait3A_104, %dma_wait3A_105] : memref<128x64xf32, #tpu.memory_space<vmem>> -> memref<128x64xf32, #tpu.memory_space<vmem>>
      tpu.wait_dma2 semaphore(%run_scoped3A : memref<!tpu.dma_semaphore, #tpu.memory_space<semaphore_mem>>) src(%dma_wait3A_106 : memref<128x64xf32, #tpu.memory_space<vmem>>) dst(%dma_wait3A_103 : memref<128x64xf32, #tpu.memory_space<vmem_shared>>)
      tpu.yield
    }) : () -> ()
    %add3A_9 = arith.constant 128 : i32
    %add3A_10 = arith.addi %mul3A_0, %add3A_9 : i32
    "tpu.region"() ({
      %run_scoped3A = tpu.sem_alloc : memref<!tpu.dma_semaphore, #tpu.memory_space<semaphore_mem>>
      %dma_start3A_88 = arith.constant 0 : i32
      %dma_start3A_89 = arith.constant 0 : i32
      %dma_start3A_90 = tpu.memref_slice %arg8[%dma_start3A_88, %dma_start3A_89] : memref<128x64xf32, #tpu.memory_space<vmem>> -> memref<128x64xf32, #tpu.memory_space<vmem>>
      %dma_start3A_91 = arith.constant 0 : i32
      %dma_start3A_92 = tpu.memref_slice %arg12[%add3A_10, %dma_start3A_91] : memref<10112x64xf32, #tpu.memory_space<vmem_shared>> -> memref<128x64xf32, #tpu.memory_space<vmem_shared>>
      %dma_start3A_93 = arith.constant 0 : i32
      %dma_start3A_94 = tpu.memref_slice %arg12[%add3A_10, %dma_start3A_93] : memref<10112x64xf32, #tpu.memory_space<vmem_shared>> -> memref<128x64xf32, #tpu.memory_space<vmem_shared>>
      %dma_start3A_95 = arith.constant 0 : i32
      %dma_start3A_96 = arith.constant 0 : i32
      %dma_start3A_97 = tpu.memref_slice %arg8[%dma_start3A_95, %dma_start3A_96] : memref<128x64xf32, #tpu.memory_space<vmem>> -> memref<128x64xf32, #tpu.memory_space<vmem>>
      tpu.enqueue_dma source(%dma_start3A_97 : memref<128x64xf32, #tpu.memory_space<vmem>>) target(%dma_start3A_94 : memref<128x64xf32, #tpu.memory_space<vmem_shared>>) target_semaphore(%run_scoped3A : memref<!tpu.dma_semaphore, #tpu.memory_space<semaphore_mem>>)
      %dma_wait3A = arith.constant 0 : i32
      %dma_wait3A_98 = arith.constant 0 : i32
      %dma_wait3A_99 = tpu.memref_slice %arg8[%dma_wait3A, %dma_wait3A_98] : memref<128x64xf32, #tpu.memory_space<vmem>> -> memref<128x64xf32, #tpu.memory_space<vmem>>
      %dma_wait3A_100 = arith.constant 0 : i32
      %dma_wait3A_101 = tpu.memref_slice %arg12[%add3A_10, %dma_wait3A_100] : memref<10112x64xf32, #tpu.memory_space<vmem_shared>> -> memref<128x64xf32, #tpu.memory_space<vmem_shared>>
      %dma_wait3A_102 = arith.constant 0 : i32
      %dma_wait3A_103 = tpu.memref_slice %arg12[%add3A_10, %dma_wait3A_102] : memref<10112x64xf32, #tpu.memory_space<vmem_shared>> -> memref<128x64xf32, #tpu.memory_space<vmem_shared>>
      %dma_wait3A_104 = arith.constant 0 : i32
      %dma_wait3A_105 = arith.constant 0 : i32
      %dma_wait3A_106 = tpu.memref_slice %arg8[%dma_wait3A_104, %dma_wait3A_105] : memref<128x64xf32, #tpu.memory_space<vmem>> -> memref<128x64xf32, #tpu.memory_space<vmem>>
      tpu.wait_dma2 semaphore(%run_scoped3A : memref<!tpu.dma_semaphore, #tpu.memory_space<semaphore_mem>>) src(%dma_wait3A_106 : memref<128x64xf32, #tpu.memory_space<vmem>>) dst(%dma_wait3A_103 : memref<128x64xf32, #tpu.memory_space<vmem_shared>>)
      tpu.yield
    }) : () -> ()
    %add3A_11 = arith.constant 256 : i32
    %add3A_12 = arith.addi %mul3A_0, %add3A_11 : i32
    "tpu.region"() ({
      %run_scoped3A = tpu.sem_alloc : memref<!tpu.dma_semaphore, #tpu.memory_space<semaphore_mem>>
      %dma_start3A_88 = arith.constant 0 : i32
      %dma_start3A_89 = arith.constant 0 : i32
      %dma_start3A_90 = tpu.memref_slice %arg8[%dma_start3A_88, %dma_start3A_89] : memref<128x64xf32, #tpu.memory_space<vmem>> -> memref<128x64xf32, #tpu.memory_space<vmem>>
      %dma_start3A_91 = arith.constant 0 : i32
      %dma_start3A_92 = tpu.memref_slice %arg12[%add3A_12, %dma_start3A_91] : memref<10112x64xf32, #tpu.memory_space<vmem_shared>> -> memref<128x64xf32, #tpu.memory_space<vmem_shared>>
      %dma_start3A_93 = arith.constant 0 : i32
      %dma_start3A_94 = tpu.memref_slice %arg12[%add3A_12, %dma_start3A_93] : memref<10112x64xf32, #tpu.memory_space<vmem_shared>> -> memref<128x64xf32, #tpu.memory_space<vmem_shared>>
      %dma_start3A_95 = arith.constant 0 : i32
      %dma_start3A_96 = arith.constant 0 : i32
      %dma_start3A_97 = tpu.memref_slice %arg8[%dma_start3A_95, %dma_start3A_96] : memref<128x64xf32, #tpu.memory_space<vmem>> -> memref<128x64xf32, #tpu.memory_space<vmem>>
      tpu.enqueue_dma source(%dma_start3A_97 : memref<128x64xf32, #tpu.memory_space<vmem>>) target(%dma_start3A_94 : memref<128x64xf32, #tpu.memory_space<vmem_shared>>) target_semaphore(%run_scoped3A : memref<!tpu.dma_semaphore, #tpu.memory_space<semaphore_mem>>)
      %dma_wait3A = arith.constant 0 : i32
      %dma_wait3A_98 = arith.constant 0 : i32
      %dma_wait3A_99 = tpu.memref_slice %arg8[%dma_wait3A, %dma_wait3A_98] : memref<128x64xf32, #tpu.memory_space<vmem>> -> memref<128x64xf32, #tpu.memory_space<vmem>>
      %dma_wait3A_100 = arith.constant 0 : i32
      %dma_wait3A_101 = tpu.memref_slice %arg12[%add3A_12, %dma_wait3A_100] : memref<10112x64xf32, #tpu.memory_space<vmem_shared>> -> memref<128x64xf32, #tpu.memory_space<vmem_shared>>
      %dma_wait3A_102 = arith.constant 0 : i32
      %dma_wait3A_103 = tpu.memref_slice %arg12[%add3A_12, %dma_wait3A_102] : memref<10112x64xf32, #tpu.memory_space<vmem_shared>> -> memref<128x64xf32, #tpu.memory_space<vmem_shared>>
      %dma_wait3A_104 = arith.constant 0 : i32
      %dma_wait3A_105 = arith.constant 0 : i32
      %dma_wait3A_106 = tpu.memref_slice %arg8[%dma_wait3A_104, %dma_wait3A_105] : memref<128x64xf32, #tpu.memory_space<vmem>> -> memref<128x64xf32, #tpu.memory_space<vmem>>
      tpu.wait_dma2 semaphore(%run_scoped3A : memref<!tpu.dma_semaphore, #tpu.memory_space<semaphore_mem>>) src(%dma_wait3A_106 : memref<128x64xf32, #tpu.memory_space<vmem>>) dst(%dma_wait3A_103 : memref<128x64xf32, #tpu.memory_space<vmem_shared>>)
      tpu.yield
    }) : () -> ()
    %add3A_13 = arith.constant 384 : i32
    %add3A_14 = arith.addi %mul3A_0, %add3A_13 : i32
    "tpu.region"() ({
      %run_scoped3A = tpu.sem_alloc : memref<!tpu.dma_semaphore, #tpu.memory_space<semaphore_mem>>
      %dma_start3A_88 = arith.constant 0 : i32
      %dma_start3A_89 = arith.constant 0 : i32
      %dma_start3A_90 = tpu.memref_slice %arg8[%dma_start3A_88, %dma_start3A_89] : memref<128x64xf32, #tpu.memory_space<vmem>> -> memref<128x64xf32, #tpu.memory_space<vmem>>
      %dma_start3A_91 = arith.constant 0 : i32
      %dma_start3A_92 = tpu.memref_slice %arg12[%add3A_14, %dma_start3A_91] : memref<10112x64xf32, #tpu.memory_space<vmem_shared>> -> memref<128x64xf32, #tpu.memory_space<vmem_shared>>
      %dma_start3A_93 = arith.constant 0 : i32
      %dma_start3A_94 = tpu.memref_slice %arg12[%add3A_14, %dma_start3A_93] : memref<10112x64xf32, #tpu.memory_space<vmem_shared>> -> memref<128x64xf32, #tpu.memory_space<vmem_shared>>
      %dma_start3A_95 = arith.constant 0 : i32
      %dma_start3A_96 = arith.constant 0 : i32
      %dma_start3A_97 = tpu.memref_slice %arg8[%dma_start3A_95, %dma_start3A_96] : memref<128x64xf32, #tpu.memory_space<vmem>> -> memref<128x64xf32, #tpu.memory_space<vmem>>
      tpu.enqueue_dma source(%dma_start3A_97 : memref<128x64xf32, #tpu.memory_space<vmem>>) target(%dma_start3A_94 : memref<128x64xf32, #tpu.memory_space<vmem_shared>>) target_semaphore(%run_scoped3A : memref<!tpu.dma_semaphore, #tpu.memory_space<semaphore_mem>>)
      %dma_wait3A = arith.constant 0 : i32
      %dma_wait3A_98 = arith.constant 0 : i32
      %dma_wait3A_99 = tpu.memref_slice %arg8[%dma_wait3A, %dma_wait3A_98] : memref<128x64xf32, #tpu.memory_space<vmem>> -> memref<128x64xf32, #tpu.memory_space<vmem>>
      %dma_wait3A_100 = arith.constant 0 : i32
      %dma_wait3A_101 = tpu.memref_slice %arg12[%add3A_14, %dma_wait3A_100] : memref<10112x64xf32, #tpu.memory_space<vmem_shared>> -> memref<128x64xf32, #tpu.memory_space<vmem_shared>>
      %dma_wait3A_102 = arith.constant 0 : i32
      %dma_wait3A_103 = tpu.memref_slice %arg12[%add3A_14, %dma_wait3A_102] : memref<10112x64xf32, #tpu.memory_space<vmem_shared>> -> memref<128x64xf32, #tpu.memory_space<vmem_shared>>
      %dma_wait3A_104 = arith.constant 0 : i32
      %dma_wait3A_105 = arith.constant 0 : i32
      %dma_wait3A_106 = tpu.memref_slice %arg8[%dma_wait3A_104, %dma_wait3A_105] : memref<128x64xf32, #tpu.memory_space<vmem>> -> memref<128x64xf32, #tpu.memory_space<vmem>>
      tpu.wait_dma2 semaphore(%run_scoped3A : memref<!tpu.dma_semaphore, #tpu.memory_space<semaphore_mem>>) src(%dma_wait3A_106 : memref<128x64xf32, #tpu.memory_space<vmem>>) dst(%dma_wait3A_103 : memref<128x64xf32, #tpu.memory_space<vmem_shared>>)
      tpu.yield
    }) : () -> ()
    %add3A_15 = arith.constant 512 : i32
    %add3A_16 = arith.addi %mul3A_0, %add3A_15 : i32
    "tpu.region"() ({
      %run_scoped3A = tpu.sem_alloc : memref<!tpu.dma_semaphore, #tpu.memory_space<semaphore_mem>>
      %dma_start3A_88 = arith.constant 0 : i32
      %dma_start3A_89 = arith.constant 0 : i32
      %dma_start3A_90 = tpu.memref_slice %arg8[%dma_start3A_88, %dma_start3A_89] : memref<128x64xf32, #tpu.memory_space<vmem>> -> memref<120x64xf32, #tpu.memory_space<vmem>>
      %dma_start3A_91 = arith.constant 0 : i32
      %dma_start3A_92 = tpu.memref_slice %arg12[%add3A_16, %dma_start3A_91] : memref<10112x64xf32, #tpu.memory_space<vmem_shared>> -> memref<120x64xf32, #tpu.memory_space<vmem_shared>>
      %dma_start3A_93 = arith.constant 0 : i32
      %dma_start3A_94 = tpu.memref_slice %arg12[%add3A_16, %dma_start3A_93] : memref<10112x64xf32, #tpu.memory_space<vmem_shared>> -> memref<120x64xf32, #tpu.memory_space<vmem_shared>>
      %dma_start3A_95 = arith.constant 0 : i32
      %dma_start3A_96 = arith.constant 0 : i32
      %dma_start3A_97 = tpu.memref_slice %arg8[%dma_start3A_95, %dma_start3A_96] : memref<128x64xf32, #tpu.memory_space<vmem>> -> memref<120x64xf32, #tpu.memory_space<vmem>>
      tpu.enqueue_dma source(%dma_start3A_97 : memref<120x64xf32, #tpu.memory_space<vmem>>) target(%dma_start3A_94 : memref<120x64xf32, #tpu.memory_space<vmem_shared>>) target_semaphore(%run_scoped3A : memref<!tpu.dma_semaphore, #tpu.memory_space<semaphore_mem>>)
      %dma_wait3A = arith.constant 0 : i32
      %dma_wait3A_98 = arith.constant 0 : i32
      %dma_wait3A_99 = tpu.memref_slice %arg8[%dma_wait3A, %dma_wait3A_98] : memref<128x64xf32, #tpu.memory_space<vmem>> -> memref<120x64xf32, #tpu.memory_space<vmem>>
      %dma_wait3A_100 = arith.constant 0 : i32
      %dma_wait3A_101 = tpu.memref_slice %arg12[%add3A_16, %dma_wait3A_100] : memref<10112x64xf32, #tpu.memory_space<vmem_shared>> -> memref<120x64xf32, #tpu.memory_space<vmem_shared>>
      %dma_wait3A_102 = arith.constant 0 : i32
      %dma_wait3A_103 = tpu.memref_slice %arg12[%add3A_16, %dma_wait3A_102] : memref<10112x64xf32, #tpu.memory_space<vmem_shared>> -> memref<120x64xf32, #tpu.memory_space<vmem_shared>>
      %dma_wait3A_104 = arith.constant 0 : i32
      %dma_wait3A_105 = arith.constant 0 : i32
      %dma_wait3A_106 = tpu.memref_slice %arg8[%dma_wait3A_104, %dma_wait3A_105] : memref<128x64xf32, #tpu.memory_space<vmem>> -> memref<120x64xf32, #tpu.memory_space<vmem>>
      tpu.wait_dma2 semaphore(%run_scoped3A : memref<!tpu.dma_semaphore, #tpu.memory_space<semaphore_mem>>) src(%dma_wait3A_106 : memref<120x64xf32, #tpu.memory_space<vmem>>) dst(%dma_wait3A_103 : memref<120x64xf32, #tpu.memory_space<vmem_shared>>)
      tpu.yield
    }) : () -> ()
    %barrier3A = arith.constant 0 : index
    tpu.barrier barrier_id(%barrier3A)
    %dma_start3A = arith.constant 0 : i32
    %dma_start3A_17 = arith.constant 0 : i32
    %dma_start3A_18 = tpu.memref_slice %arg6[%dma_start3A, %dma_start3A_17] : memref<160x128xi32, #tpu.memory_space<vmem>> -> memref<1x128xi32, #tpu.memory_space<vmem>>
    %dma_start3A_19 = tpu.memref_squeeze %dma_start3A_18 : memref<1x128xi32, #tpu.memory_space<vmem>> -> memref<128xi32, #tpu.memory_space<vmem>>
    %dma_start3A_20 = arith.constant 0 : i32
    %dma_start3A_21 = arith.constant 0 : i32
    %dma_start3A_22 = tpu.memref_slice %arg2[%arg0, %dma_start3A_20, %dma_start3A_21] : memref<2x10000x64xf32, #tpu.memory_space<hbm>> -> memref<1x10000x64xf32, #tpu.memory_space<hbm>>
    %dma_start3A_23 = tpu.memref_squeeze %dma_start3A_22 : memref<1x10000x64xf32, #tpu.memory_space<hbm>> -> memref<10000x64xf32, #tpu.memory_space<hbm>>
    %dma_start3A_24 = arith.constant 0 : i32
    %dma_start3A_25 = arith.constant 0 : i32
    %dma_start3A_26 = tpu.memref_slice %dma_start3A_23[%dma_start3A_24, %dma_start3A_25] : memref<10000x64xf32, #tpu.memory_space<hbm>> -> memref<10000x64xf32, #tpu.memory_space<hbm>>
    tpu.enqueue_indirect_dma source(%dma_start3A_26 : memref<10000x64xf32, #tpu.memory_space<hbm>>) target(%arg8 : memref<128x64xf32, #tpu.memory_space<vmem>>) offsets(%dma_start3A_19 : memref<128xi32, #tpu.memory_space<vmem>>) semaphore(%arg13 : memref<!tpu.dma_semaphore, #tpu.memory_space<semaphore_mem>>)
    %dma_start3A_27 = arith.constant 1 : i32
    %dma_start3A_28 = arith.constant 0 : i32
    %dma_start3A_29 = tpu.memref_slice %arg6[%dma_start3A_27, %dma_start3A_28] : memref<160x128xi32, #tpu.memory_space<vmem>> -> memref<1x128xi32, #tpu.memory_space<vmem>>
    %dma_start3A_30 = tpu.memref_squeeze %dma_start3A_29 : memref<1x128xi32, #tpu.memory_space<vmem>> -> memref<128xi32, #tpu.memory_space<vmem>>
    %dma_start3A_31 = arith.constant 0 : i32
    %dma_start3A_32 = arith.constant 0 : i32
    %dma_start3A_33 = tpu.memref_slice %arg2[%arg0, %dma_start3A_31, %dma_start3A_32] : memref<2x10000x64xf32, #tpu.memory_space<hbm>> -> memref<1x10000x64xf32, #tpu.memory_space<hbm>>
    %dma_start3A_34 = tpu.memref_squeeze %dma_start3A_33 : memref<1x10000x64xf32, #tpu.memory_space<hbm>> -> memref<10000x64xf32, #tpu.memory_space<hbm>>
    %dma_start3A_35 = arith.constant 0 : i32
    %dma_start3A_36 = arith.constant 0 : i32
    %dma_start3A_37 = tpu.memref_slice %dma_start3A_34[%dma_start3A_35, %dma_start3A_36] : memref<10000x64xf32, #tpu.memory_space<hbm>> -> memref<10000x64xf32, #tpu.memory_space<hbm>>
    tpu.enqueue_indirect_dma source(%dma_start3A_37 : memref<10000x64xf32, #tpu.memory_space<hbm>>) target(%arg9 : memref<128x64xf32, #tpu.memory_space<vmem>>) offsets(%dma_start3A_30 : memref<128xi32, #tpu.memory_space<vmem>>) semaphore(%arg14 : memref<!tpu.dma_semaphore, #tpu.memory_space<semaphore_mem>>)
    %dma_start3A_38 = arith.constant 2 : i32
    %dma_start3A_39 = arith.constant 0 : i32
    %dma_start3A_40 = tpu.memref_slice %arg6[%dma_start3A_38, %dma_start3A_39] : memref<160x128xi32, #tpu.memory_space<vmem>> -> memref<1x128xi32, #tpu.memory_space<vmem>>
    %dma_start3A_41 = tpu.memref_squeeze %dma_start3A_40 : memref<1x128xi32, #tpu.memory_space<vmem>> -> memref<128xi32, #tpu.memory_space<vmem>>
    %dma_start3A_42 = arith.constant 0 : i32
    %dma_start3A_43 = arith.constant 0 : i32
    %dma_start3A_44 = tpu.memref_slice %arg2[%arg0, %dma_start3A_42, %dma_start3A_43] : memref<2x10000x64xf32, #tpu.memory_space<hbm>> -> memref<1x10000x64xf32, #tpu.memory_space<hbm>>
    %dma_start3A_45 = tpu.memref_squeeze %dma_start3A_44 : memref<1x10000x64xf32, #tpu.memory_space<hbm>> -> memref<10000x64xf32, #tpu.memory_space<hbm>>
    %dma_start3A_46 = arith.constant 0 : i32
    %dma_start3A_47 = arith.constant 0 : i32
    %dma_start3A_48 = tpu.memref_slice %dma_start3A_45[%dma_start3A_46, %dma_start3A_47] : memref<10000x64xf32, #tpu.memory_space<hbm>> -> memref<10000x64xf32, #tpu.memory_space<hbm>>
    tpu.enqueue_indirect_dma source(%dma_start3A_48 : memref<10000x64xf32, #tpu.memory_space<hbm>>) target(%arg10 : memref<128x64xf32, #tpu.memory_space<vmem>>) offsets(%dma_start3A_41 : memref<128xi32, #tpu.memory_space<vmem>>) semaphore(%arg15 : memref<!tpu.dma_semaphore, #tpu.memory_space<semaphore_mem>>)
    %dma_start3A_49 = arith.constant 3 : i32
    %dma_start3A_50 = arith.constant 0 : i32
    %dma_start3A_51 = tpu.memref_slice %arg6[%dma_start3A_49, %dma_start3A_50] : memref<160x128xi32, #tpu.memory_space<vmem>> -> memref<1x128xi32, #tpu.memory_space<vmem>>
    %dma_start3A_52 = tpu.memref_squeeze %dma_start3A_51 : memref<1x128xi32, #tpu.memory_space<vmem>> -> memref<128xi32, #tpu.memory_space<vmem>>
    %dma_start3A_53 = arith.constant 0 : i32
    %dma_start3A_54 = arith.constant 0 : i32
    %dma_start3A_55 = tpu.memref_slice %arg2[%arg0, %dma_start3A_53, %dma_start3A_54] : memref<2x10000x64xf32, #tpu.memory_space<hbm>> -> memref<1x10000x64xf32, #tpu.memory_space<hbm>>
    %dma_start3A_56 = tpu.memref_squeeze %dma_start3A_55 : memref<1x10000x64xf32, #tpu.memory_space<hbm>> -> memref<10000x64xf32, #tpu.memory_space<hbm>>
    %dma_start3A_57 = arith.constant 0 : i32
    %dma_start3A_58 = arith.constant 0 : i32
    %dma_start3A_59 = tpu.memref_slice %dma_start3A_56[%dma_start3A_57, %dma_start3A_58] : memref<10000x64xf32, #tpu.memory_space<hbm>> -> memref<10000x64xf32, #tpu.memory_space<hbm>>
    tpu.enqueue_indirect_dma source(%dma_start3A_59 : memref<10000x64xf32, #tpu.memory_space<hbm>>) target(%arg11 : memref<128x64xf32, #tpu.memory_space<vmem>>) offsets(%dma_start3A_52 : memref<128xi32, #tpu.memory_space<vmem>>) semaphore(%arg16 : memref<!tpu.dma_semaphore, #tpu.memory_space<semaphore_mem>>)
    %scan3A_60 = arith.constant 0 : i32
    %scan3A_61 = arith.constant 0 : i32
    %scan3A_62 = arith.constant 40 : i32
    %scan3A_63 = arith.addi %scan3A_61, %scan3A_62 : i32
    %scan3A_64 = arith.constant 1 : i32
    %scan3A_65 = scf.for %scan3A_88 = %scan3A_61 to %scan3A_63 step %scan3A_64 iter_args(%scan3A_89 = %scan3A_60) -> (i32)  : i32 {
      %mul3A_90 = arith.constant 4 : i32
      %mul3A_91 = arith.muli %mul3A_90, %scan3A_88 : i32
      %add3A_92 = arith.constant 0 : i32
      %add3A_93 = arith.addi %mul3A_91, %add3A_92 : i32
      %dma_wait3A = arith.constant 0 : i32
      %dma_wait3A_94 = tpu.memref_slice %arg6[%add3A_93, %dma_wait3A] : memref<160x128xi32, #tpu.memory_space<vmem>> -> memref<1x128xi32, #tpu.memory_space<vmem>>
      %dma_wait3A_95 = tpu.memref_squeeze %dma_wait3A_94 : memref<1x128xi32, #tpu.memory_space<vmem>> -> memref<128xi32, #tpu.memory_space<vmem>>
      %dma_wait3A_96 = arith.constant 0 : i32
      %dma_wait3A_97 = arith.constant 0 : i32
      %dma_wait3A_98 = tpu.memref_slice %arg2[%arg0, %dma_wait3A_96, %dma_wait3A_97] : memref<2x10000x64xf32, #tpu.memory_space<hbm>> -> memref<1x10000x64xf32, #tpu.memory_space<hbm>>
      %dma_wait3A_99 = tpu.memref_squeeze %dma_wait3A_98 : memref<1x10000x64xf32, #tpu.memory_space<hbm>> -> memref<10000x64xf32, #tpu.memory_space<hbm>>
      %dma_wait3A_100 = arith.constant 0 : i32
      %dma_wait3A_101 = arith.constant 0 : i32
      %dma_wait3A_102 = tpu.memref_slice %dma_wait3A_99[%dma_wait3A_100, %dma_wait3A_101] : memref<10000x64xf32, #tpu.memory_space<hbm>> -> memref<10000x64xf32, #tpu.memory_space<hbm>>
      tpu.wait_indirect_dma semaphore(%arg13 : memref<!tpu.dma_semaphore, #tpu.memory_space<semaphore_mem>>) src(%dma_wait3A_102 : memref<10000x64xf32, #tpu.memory_space<hbm>>) dst(%arg8 : memref<128x64xf32, #tpu.memory_space<vmem>>)
      %add3A_103 = arith.constant 0 : i32
      %add3A_104 = arith.addi %mul3A_91, %add3A_103 : i32
      %dma_start3A_105 = arith.constant 0 : i32
      %dma_start3A_106 = tpu.memref_slice %arg7[%add3A_104, %dma_start3A_105] : memref<160x128xi32, #tpu.memory_space<vmem>> -> memref<1x128xi32, #tpu.memory_space<vmem>>
      %dma_start3A_107 = tpu.memref_squeeze %dma_start3A_106 : memref<1x128xi32, #tpu.memory_space<vmem>> -> memref<128xi32, #tpu.memory_space<vmem>>
      %dma_start3A_108 = arith.constant 0 : i32
      %dma_start3A_109 = arith.constant 0 : i32
      %dma_start3A_110 = tpu.memref_slice %arg12[%dma_start3A_108, %dma_start3A_109] : memref<10112x64xf32, #tpu.memory_space<vmem_shared>> -> memref<10112x64xf32, #tpu.memory_space<vmem_shared>>
      tpu.enqueue_indirect_dma source(%arg8 : memref<128x64xf32, #tpu.memory_space<vmem>>) target(%dma_start3A_110 : memref<10112x64xf32, #tpu.memory_space<vmem_shared>>) offsets(%dma_start3A_107 : memref<128xi32, #tpu.memory_space<vmem>>) semaphore(%arg17 : memref<!tpu.dma_semaphore, #tpu.memory_space<semaphore_mem>>) {add = true}
      %add3A_111 = arith.constant 1 : i32
      %add3A_112 = arith.addi %mul3A_91, %add3A_111 : i32
      %dma_wait3A_113 = arith.constant 0 : i32
      %dma_wait3A_114 = tpu.memref_slice %arg6[%add3A_112, %dma_wait3A_113] : memref<160x128xi32, #tpu.memory_space<vmem>> -> memref<1x128xi32, #tpu.memory_space<vmem>>
      %dma_wait3A_115 = tpu.memref_squeeze %dma_wait3A_114 : memref<1x128xi32, #tpu.memory_space<vmem>> -> memref<128xi32, #tpu.memory_space<vmem>>
      %dma_wait3A_116 = arith.constant 0 : i32
      %dma_wait3A_117 = arith.constant 0 : i32
      %dma_wait3A_118 = tpu.memref_slice %arg2[%arg0, %dma_wait3A_116, %dma_wait3A_117] : memref<2x10000x64xf32, #tpu.memory_space<hbm>> -> memref<1x10000x64xf32, #tpu.memory_space<hbm>>
      %dma_wait3A_119 = tpu.memref_squeeze %dma_wait3A_118 : memref<1x10000x64xf32, #tpu.memory_space<hbm>> -> memref<10000x64xf32, #tpu.memory_space<hbm>>
      %dma_wait3A_120 = arith.constant 0 : i32
      %dma_wait3A_121 = arith.constant 0 : i32
      %dma_wait3A_122 = tpu.memref_slice %dma_wait3A_119[%dma_wait3A_120, %dma_wait3A_121] : memref<10000x64xf32, #tpu.memory_space<hbm>> -> memref<10000x64xf32, #tpu.memory_space<hbm>>
      tpu.wait_indirect_dma semaphore(%arg14 : memref<!tpu.dma_semaphore, #tpu.memory_space<semaphore_mem>>) src(%dma_wait3A_122 : memref<10000x64xf32, #tpu.memory_space<hbm>>) dst(%arg9 : memref<128x64xf32, #tpu.memory_space<vmem>>)
      %add3A_123 = arith.constant 1 : i32
      %add3A_124 = arith.addi %mul3A_91, %add3A_123 : i32
      %dma_start3A_125 = arith.constant 0 : i32
      %dma_start3A_126 = tpu.memref_slice %arg7[%add3A_124, %dma_start3A_125] : memref<160x128xi32, #tpu.memory_space<vmem>> -> memref<1x128xi32, #tpu.memory_space<vmem>>
      %dma_start3A_127 = tpu.memref_squeeze %dma_start3A_126 : memref<1x128xi32, #tpu.memory_space<vmem>> -> memref<128xi32, #tpu.memory_space<vmem>>
      %dma_start3A_128 = arith.constant 0 : i32
      %dma_start3A_129 = arith.constant 0 : i32
      %dma_start3A_130 = tpu.memref_slice %arg12[%dma_start3A_128, %dma_start3A_129] : memref<10112x64xf32, #tpu.memory_space<vmem_shared>> -> memref<10112x64xf32, #tpu.memory_space<vmem_shared>>
      tpu.enqueue_indirect_dma source(%arg9 : memref<128x64xf32, #tpu.memory_space<vmem>>) target(%dma_start3A_130 : memref<10112x64xf32, #tpu.memory_space<vmem_shared>>) offsets(%dma_start3A_127 : memref<128xi32, #tpu.memory_space<vmem>>) semaphore(%arg18 : memref<!tpu.dma_semaphore, #tpu.memory_space<semaphore_mem>>) {add = true}
      %add3A_131 = arith.constant 2 : i32
      %add3A_132 = arith.addi %mul3A_91, %add3A_131 : i32
      %dma_wait3A_133 = arith.constant 0 : i32
      %dma_wait3A_134 = tpu.memref_slice %arg6[%add3A_132, %dma_wait3A_133] : memref<160x128xi32, #tpu.memory_space<vmem>> -> memref<1x128xi32, #tpu.memory_space<vmem>>
      %dma_wait3A_135 = tpu.memref_squeeze %dma_wait3A_134 : memref<1x128xi32, #tpu.memory_space<vmem>> -> memref<128xi32, #tpu.memory_space<vmem>>
      %dma_wait3A_136 = arith.constant 0 : i32
      %dma_wait3A_137 = arith.constant 0 : i32
      %dma_wait3A_138 = tpu.memref_slice %arg2[%arg0, %dma_wait3A_136, %dma_wait3A_137] : memref<2x10000x64xf32, #tpu.memory_space<hbm>> -> memref<1x10000x64xf32, #tpu.memory_space<hbm>>
      %dma_wait3A_139 = tpu.memref_squeeze %dma_wait3A_138 : memref<1x10000x64xf32, #tpu.memory_space<hbm>> -> memref<10000x64xf32, #tpu.memory_space<hbm>>
      %dma_wait3A_140 = arith.constant 0 : i32
      %dma_wait3A_141 = arith.constant 0 : i32
      %dma_wait3A_142 = tpu.memref_slice %dma_wait3A_139[%dma_wait3A_140, %dma_wait3A_141] : memref<10000x64xf32, #tpu.memory_space<hbm>> -> memref<10000x64xf32, #tpu.memory_space<hbm>>
      tpu.wait_indirect_dma semaphore(%arg15 : memref<!tpu.dma_semaphore, #tpu.memory_space<semaphore_mem>>) src(%dma_wait3A_142 : memref<10000x64xf32, #tpu.memory_space<hbm>>) dst(%arg10 : memref<128x64xf32, #tpu.memory_space<vmem>>)
      %add3A_143 = arith.constant 2 : i32
      %add3A_144 = arith.addi %mul3A_91, %add3A_143 : i32
      %dma_start3A_145 = arith.constant 0 : i32
      %dma_start3A_146 = tpu.memref_slice %arg7[%add3A_144, %dma_start3A_145] : memref<160x128xi32, #tpu.memory_space<vmem>> -> memref<1x128xi32, #tpu.memory_space<vmem>>
      %dma_start3A_147 = tpu.memref_squeeze %dma_start3A_146 : memref<1x128xi32, #tpu.memory_space<vmem>> -> memref<128xi32, #tpu.memory_space<vmem>>
      %dma_start3A_148 = arith.constant 0 : i32
      %dma_start3A_149 = arith.constant 0 : i32
      %dma_start3A_150 = tpu.memref_slice %arg12[%dma_start3A_148, %dma_start3A_149] : memref<10112x64xf32, #tpu.memory_space<vmem_shared>> -> memref<10112x64xf32, #tpu.memory_space<vmem_shared>>
      tpu.enqueue_indirect_dma source(%arg10 : memref<128x64xf32, #tpu.memory_space<vmem>>) target(%dma_start3A_150 : memref<10112x64xf32, #tpu.memory_space<vmem_shared>>) offsets(%dma_start3A_147 : memref<128xi32, #tpu.memory_space<vmem>>) semaphore(%arg19 : memref<!tpu.dma_semaphore, #tpu.memory_space<semaphore_mem>>) {add = true}
      %add3A_151 = arith.constant 3 : i32
      %add3A_152 = arith.addi %mul3A_91, %add3A_151 : i32
      %dma_wait3A_153 = arith.constant 0 : i32
      %dma_wait3A_154 = tpu.memref_slice %arg6[%add3A_152, %dma_wait3A_153] : memref<160x128xi32, #tpu.memory_space<vmem>> -> memref<1x128xi32, #tpu.memory_space<vmem>>
      %dma_wait3A_155 = tpu.memref_squeeze %dma_wait3A_154 : memref<1x128xi32, #tpu.memory_space<vmem>> -> memref<128xi32, #tpu.memory_space<vmem>>
      %dma_wait3A_156 = arith.constant 0 : i32
      %dma_wait3A_157 = arith.constant 0 : i32
      %dma_wait3A_158 = tpu.memref_slice %arg2[%arg0, %dma_wait3A_156, %dma_wait3A_157] : memref<2x10000x64xf32, #tpu.memory_space<hbm>> -> memref<1x10000x64xf32, #tpu.memory_space<hbm>>
      %dma_wait3A_159 = tpu.memref_squeeze %dma_wait3A_158 : memref<1x10000x64xf32, #tpu.memory_space<hbm>> -> memref<10000x64xf32, #tpu.memory_space<hbm>>
      %dma_wait3A_160 = arith.constant 0 : i32
      %dma_wait3A_161 = arith.constant 0 : i32
      %dma_wait3A_162 = tpu.memref_slice %dma_wait3A_159[%dma_wait3A_160, %dma_wait3A_161] : memref<10000x64xf32, #tpu.memory_space<hbm>> -> memref<10000x64xf32, #tpu.memory_space<hbm>>
      tpu.wait_indirect_dma semaphore(%arg16 : memref<!tpu.dma_semaphore, #tpu.memory_space<semaphore_mem>>) src(%dma_wait3A_162 : memref<10000x64xf32, #tpu.memory_space<hbm>>) dst(%arg11 : memref<128x64xf32, #tpu.memory_space<vmem>>)
      %add3A_163 = arith.constant 3 : i32
      %add3A_164 = arith.addi %mul3A_91, %add3A_163 : i32
      %dma_start3A_165 = arith.constant 0 : i32
      %dma_start3A_166 = tpu.memref_slice %arg7[%add3A_164, %dma_start3A_165] : memref<160x128xi32, #tpu.memory_space<vmem>> -> memref<1x128xi32, #tpu.memory_space<vmem>>
      %dma_start3A_167 = tpu.memref_squeeze %dma_start3A_166 : memref<1x128xi32, #tpu.memory_space<vmem>> -> memref<128xi32, #tpu.memory_space<vmem>>
      %dma_start3A_168 = arith.constant 0 : i32
      %dma_start3A_169 = arith.constant 0 : i32
      %dma_start3A_170 = tpu.memref_slice %arg12[%dma_start3A_168, %dma_start3A_169] : memref<10112x64xf32, #tpu.memory_space<vmem_shared>> -> memref<10112x64xf32, #tpu.memory_space<vmem_shared>>
      tpu.enqueue_indirect_dma source(%arg11 : memref<128x64xf32, #tpu.memory_space<vmem>>) target(%dma_start3A_170 : memref<10112x64xf32, #tpu.memory_space<vmem_shared>>) offsets(%dma_start3A_167 : memref<128xi32, #tpu.memory_space<vmem>>) semaphore(%arg20 : memref<!tpu.dma_semaphore, #tpu.memory_space<semaphore_mem>>) {add = true}
      %add3A_171 = arith.constant 0 : i32
      %add3A_172 = arith.addi %mul3A_91, %add3A_171 : i32
      %dma_wait3A_173 = arith.constant 0 : i32
      %dma_wait3A_174 = tpu.memref_slice %arg7[%add3A_172, %dma_wait3A_173] : memref<160x128xi32, #tpu.memory_space<vmem>> -> memref<1x128xi32, #tpu.memory_space<vmem>>
      %dma_wait3A_175 = tpu.memref_squeeze %dma_wait3A_174 : memref<1x128xi32, #tpu.memory_space<vmem>> -> memref<128xi32, #tpu.memory_space<vmem>>
      %dma_wait3A_176 = arith.constant 0 : i32
      %dma_wait3A_177 = arith.constant 0 : i32
      %dma_wait3A_178 = tpu.memref_slice %arg12[%dma_wait3A_176, %dma_wait3A_177] : memref<10112x64xf32, #tpu.memory_space<vmem_shared>> -> memref<10112x64xf32, #tpu.memory_space<vmem_shared>>
      tpu.wait_indirect_dma semaphore(%arg17 : memref<!tpu.dma_semaphore, #tpu.memory_space<semaphore_mem>>) src(%arg8 : memref<128x64xf32, #tpu.memory_space<vmem>>) dst(%dma_wait3A_178 : memref<10112x64xf32, #tpu.memory_space<vmem_shared>>)
      %add3A_179 = arith.constant 0 : i32
      %add3A_180 = arith.addi %mul3A_91, %add3A_179 : i32
      %add3A_181 = arith.constant 4 : i32
      %add3A_182 = arith.addi %add3A_180, %add3A_181 : i32
      %lt3A = arith.constant 160 : i32
      %lt3A_183 = arith.cmpi slt, %add3A_182, %lt3A : i32
      %convert_element_type3A = arith.extui %lt3A_183 : i1 to i32
      %cond3A = arith.constant 0 : i32
      %cond3A_184 = arith.cmpi ne, %convert_element_type3A, %cond3A : i32
      scf.if %cond3A_184 {
        %add3A_237 = arith.constant 0 : i32
        %add3A_238 = arith.addi %mul3A_91, %add3A_237 : i32
        %add3A_239 = arith.constant 4 : i32
        %add3A_240 = arith.addi %add3A_238, %add3A_239 : i32
        %dma_start3A_241 = arith.constant 0 : i32
        %dma_start3A_242 = tpu.memref_slice %arg6[%add3A_240, %dma_start3A_241] : memref<160x128xi32, #tpu.memory_space<vmem>> -> memref<1x128xi32, #tpu.memory_space<vmem>>
        %dma_start3A_243 = tpu.memref_squeeze %dma_start3A_242 : memref<1x128xi32, #tpu.memory_space<vmem>> -> memref<128xi32, #tpu.memory_space<vmem>>
        %dma_start3A_244 = arith.constant 0 : i32
        %dma_start3A_245 = arith.constant 0 : i32
        %dma_start3A_246 = tpu.memref_slice %arg2[%arg0, %dma_start3A_244, %dma_start3A_245] : memref<2x10000x64xf32, #tpu.memory_space<hbm>> -> memref<1x10000x64xf32, #tpu.memory_space<hbm>>
        %dma_start3A_247 = tpu.memref_squeeze %dma_start3A_246 : memref<1x10000x64xf32, #tpu.memory_space<hbm>> -> memref<10000x64xf32, #tpu.memory_space<hbm>>
        %dma_start3A_248 = arith.constant 0 : i32
        %dma_start3A_249 = arith.constant 0 : i32
        %dma_start3A_250 = tpu.memref_slice %dma_start3A_247[%dma_start3A_248, %dma_start3A_249] : memref<10000x64xf32, #tpu.memory_space<hbm>> -> memref<10000x64xf32, #tpu.memory_space<hbm>>
        tpu.enqueue_indirect_dma source(%dma_start3A_250 : memref<10000x64xf32, #tpu.memory_space<hbm>>) target(%arg8 : memref<128x64xf32, #tpu.memory_space<vmem>>) offsets(%dma_start3A_243 : memref<128xi32, #tpu.memory_space<vmem>>) semaphore(%arg13 : memref<!tpu.dma_semaphore, #tpu.memory_space<semaphore_mem>>)
      } else {
      }
      %add3A_185 = arith.constant 1 : i32
      %add3A_186 = arith.addi %mul3A_91, %add3A_185 : i32
      %dma_wait3A_187 = arith.constant 0 : i32
      %dma_wait3A_188 = tpu.memref_slice %arg7[%add3A_186, %dma_wait3A_187] : memref<160x128xi32, #tpu.memory_space<vmem>> -> memref<1x128xi32, #tpu.memory_space<vmem>>
      %dma_wait3A_189 = tpu.memref_squeeze %dma_wait3A_188 : memref<1x128xi32, #tpu.memory_space<vmem>> -> memref<128xi32, #tpu.memory_space<vmem>>
      %dma_wait3A_190 = arith.constant 0 : i32
      %dma_wait3A_191 = arith.constant 0 : i32
      %dma_wait3A_192 = tpu.memref_slice %arg12[%dma_wait3A_190, %dma_wait3A_191] : memref<10112x64xf32, #tpu.memory_space<vmem_shared>> -> memref<10112x64xf32, #tpu.memory_space<vmem_shared>>
      tpu.wait_indirect_dma semaphore(%arg18 : memref<!tpu.dma_semaphore, #tpu.memory_space<semaphore_mem>>) src(%arg9 : memref<128x64xf32, #tpu.memory_space<vmem>>) dst(%dma_wait3A_192 : memref<10112x64xf32, #tpu.memory_space<vmem_shared>>)
      %add3A_193 = arith.constant 1 : i32
      %add3A_194 = arith.addi %mul3A_91, %add3A_193 : i32
      %add3A_195 = arith.constant 4 : i32
      %add3A_196 = arith.addi %add3A_194, %add3A_195 : i32
      %lt3A_197 = arith.constant 160 : i32
      %lt3A_198 = arith.cmpi slt, %add3A_196, %lt3A_197 : i32
      %convert_element_type3A_199 = arith.extui %lt3A_198 : i1 to i32
      %cond3A_200 = arith.constant 0 : i32
      %cond3A_201 = arith.cmpi ne, %convert_element_type3A_199, %cond3A_200 : i32
      scf.if %cond3A_201 {
        %add3A_237 = arith.constant 1 : i32
        %add3A_238 = arith.addi %mul3A_91, %add3A_237 : i32
        %add3A_239 = arith.constant 4 : i32
        %add3A_240 = arith.addi %add3A_238, %add3A_239 : i32
        %dma_start3A_241 = arith.constant 0 : i32
        %dma_start3A_242 = tpu.memref_slice %arg6[%add3A_240, %dma_start3A_241] : memref<160x128xi32, #tpu.memory_space<vmem>> -> memref<1x128xi32, #tpu.memory_space<vmem>>
        %dma_start3A_243 = tpu.memref_squeeze %dma_start3A_242 : memref<1x128xi32, #tpu.memory_space<vmem>> -> memref<128xi32, #tpu.memory_space<vmem>>
        %dma_start3A_244 = arith.constant 0 : i32
        %dma_start3A_245 = arith.constant 0 : i32
        %dma_start3A_246 = tpu.memref_slice %arg2[%arg0, %dma_start3A_244, %dma_start3A_245] : memref<2x10000x64xf32, #tpu.memory_space<hbm>> -> memref<1x10000x64xf32, #tpu.memory_space<hbm>>
        %dma_start3A_247 = tpu.memref_squeeze %dma_start3A_246 : memref<1x10000x64xf32, #tpu.memory_space<hbm>> -> memref<10000x64xf32, #tpu.memory_space<hbm>>
        %dma_start3A_248 = arith.constant 0 : i32
        %dma_start3A_249 = arith.constant 0 : i32
        %dma_start3A_250 = tpu.memref_slice %dma_start3A_247[%dma_start3A_248, %dma_start3A_249] : memref<10000x64xf32, #tpu.memory_space<hbm>> -> memref<10000x64xf32, #tpu.memory_space<hbm>>
        tpu.enqueue_indirect_dma source(%dma_start3A_250 : memref<10000x64xf32, #tpu.memory_space<hbm>>) target(%arg9 : memref<128x64xf32, #tpu.memory_space<vmem>>) offsets(%dma_start3A_243 : memref<128xi32, #tpu.memory_space<vmem>>) semaphore(%arg14 : memref<!tpu.dma_semaphore, #tpu.memory_space<semaphore_mem>>)
      } else {
      }
      %add3A_202 = arith.constant 2 : i32
      %add3A_203 = arith.addi %mul3A_91, %add3A_202 : i32
      %dma_wait3A_204 = arith.constant 0 : i32
      %dma_wait3A_205 = tpu.memref_slice %arg7[%add3A_203, %dma_wait3A_204] : memref<160x128xi32, #tpu.memory_space<vmem>> -> memref<1x128xi32, #tpu.memory_space<vmem>>
      %dma_wait3A_206 = tpu.memref_squeeze %dma_wait3A_205 : memref<1x128xi32, #tpu.memory_space<vmem>> -> memref<128xi32, #tpu.memory_space<vmem>>
      %dma_wait3A_207 = arith.constant 0 : i32
      %dma_wait3A_208 = arith.constant 0 : i32
      %dma_wait3A_209 = tpu.memref_slice %arg12[%dma_wait3A_207, %dma_wait3A_208] : memref<10112x64xf32, #tpu.memory_space<vmem_shared>> -> memref<10112x64xf32, #tpu.memory_space<vmem_shared>>
      tpu.wait_indirect_dma semaphore(%arg19 : memref<!tpu.dma_semaphore, #tpu.memory_space<semaphore_mem>>) src(%arg10 : memref<128x64xf32, #tpu.memory_space<vmem>>) dst(%dma_wait3A_209 : memref<10112x64xf32, #tpu.memory_space<vmem_shared>>)
      %add3A_210 = arith.constant 2 : i32
      %add3A_211 = arith.addi %mul3A_91, %add3A_210 : i32
      %add3A_212 = arith.constant 4 : i32
      %add3A_213 = arith.addi %add3A_211, %add3A_212 : i32
      %lt3A_214 = arith.constant 160 : i32
      %lt3A_215 = arith.cmpi slt, %add3A_213, %lt3A_214 : i32
      %convert_element_type3A_216 = arith.extui %lt3A_215 : i1 to i32
      %cond3A_217 = arith.constant 0 : i32
      %cond3A_218 = arith.cmpi ne, %convert_element_type3A_216, %cond3A_217 : i32
      scf.if %cond3A_218 {
        %add3A_237 = arith.constant 2 : i32
        %add3A_238 = arith.addi %mul3A_91, %add3A_237 : i32
        %add3A_239 = arith.constant 4 : i32
        %add3A_240 = arith.addi %add3A_238, %add3A_239 : i32
        %dma_start3A_241 = arith.constant 0 : i32
        %dma_start3A_242 = tpu.memref_slice %arg6[%add3A_240, %dma_start3A_241] : memref<160x128xi32, #tpu.memory_space<vmem>> -> memref<1x128xi32, #tpu.memory_space<vmem>>
        %dma_start3A_243 = tpu.memref_squeeze %dma_start3A_242 : memref<1x128xi32, #tpu.memory_space<vmem>> -> memref<128xi32, #tpu.memory_space<vmem>>
        %dma_start3A_244 = arith.constant 0 : i32
        %dma_start3A_245 = arith.constant 0 : i32
        %dma_start3A_246 = tpu.memref_slice %arg2[%arg0, %dma_start3A_244, %dma_start3A_245] : memref<2x10000x64xf32, #tpu.memory_space<hbm>> -> memref<1x10000x64xf32, #tpu.memory_space<hbm>>
        %dma_start3A_247 = tpu.memref_squeeze %dma_start3A_246 : memref<1x10000x64xf32, #tpu.memory_space<hbm>> -> memref<10000x64xf32, #tpu.memory_space<hbm>>
        %dma_start3A_248 = arith.constant 0 : i32
        %dma_start3A_249 = arith.constant 0 : i32
        %dma_start3A_250 = tpu.memref_slice %dma_start3A_247[%dma_start3A_248, %dma_start3A_249] : memref<10000x64xf32, #tpu.memory_space<hbm>> -> memref<10000x64xf32, #tpu.memory_space<hbm>>
        tpu.enqueue_indirect_dma source(%dma_start3A_250 : memref<10000x64xf32, #tpu.memory_space<hbm>>) target(%arg10 : memref<128x64xf32, #tpu.memory_space<vmem>>) offsets(%dma_start3A_243 : memref<128xi32, #tpu.memory_space<vmem>>) semaphore(%arg15 : memref<!tpu.dma_semaphore, #tpu.memory_space<semaphore_mem>>)
      } else {
      }
      %add3A_219 = arith.constant 3 : i32
      %add3A_220 = arith.addi %mul3A_91, %add3A_219 : i32
      %dma_wait3A_221 = arith.constant 0 : i32
      %dma_wait3A_222 = tpu.memref_slice %arg7[%add3A_220, %dma_wait3A_221] : memref<160x128xi32, #tpu.memory_space<vmem>> -> memref<1x128xi32, #tpu.memory_space<vmem>>
      %dma_wait3A_223 = tpu.memref_squeeze %dma_wait3A_222 : memref<1x128xi32, #tpu.memory_space<vmem>> -> memref<128xi32, #tpu.memory_space<vmem>>
      %dma_wait3A_224 = arith.constant 0 : i32
      %dma_wait3A_225 = arith.constant 0 : i32
      %dma_wait3A_226 = tpu.memref_slice %arg12[%dma_wait3A_224, %dma_wait3A_225] : memref<10112x64xf32, #tpu.memory_space<vmem_shared>> -> memref<10112x64xf32, #tpu.memory_space<vmem_shared>>
      tpu.wait_indirect_dma semaphore(%arg20 : memref<!tpu.dma_semaphore, #tpu.memory_space<semaphore_mem>>) src(%arg11 : memref<128x64xf32, #tpu.memory_space<vmem>>) dst(%dma_wait3A_226 : memref<10112x64xf32, #tpu.memory_space<vmem_shared>>)
      %add3A_227 = arith.constant 3 : i32
      %add3A_228 = arith.addi %mul3A_91, %add3A_227 : i32
      %add3A_229 = arith.constant 4 : i32
      %add3A_230 = arith.addi %add3A_228, %add3A_229 : i32
      %lt3A_231 = arith.constant 160 : i32
      %lt3A_232 = arith.cmpi slt, %add3A_230, %lt3A_231 : i32
      %convert_element_type3A_233 = arith.extui %lt3A_232 : i1 to i32
      %cond3A_234 = arith.constant 0 : i32
      %cond3A_235 = arith.cmpi ne, %convert_element_type3A_233, %cond3A_234 : i32
      scf.if %cond3A_235 {
        %add3A_237 = arith.constant 3 : i32
        %add3A_238 = arith.addi %mul3A_91, %add3A_237 : i32
        %add3A_239 = arith.constant 4 : i32
        %add3A_240 = arith.addi %add3A_238, %add3A_239 : i32
        %dma_start3A_241 = arith.constant 0 : i32
        %dma_start3A_242 = tpu.memref_slice %arg6[%add3A_240, %dma_start3A_241] : memref<160x128xi32, #tpu.memory_space<vmem>> -> memref<1x128xi32, #tpu.memory_space<vmem>>
        %dma_start3A_243 = tpu.memref_squeeze %dma_start3A_242 : memref<1x128xi32, #tpu.memory_space<vmem>> -> memref<128xi32, #tpu.memory_space<vmem>>
        %dma_start3A_244 = arith.constant 0 : i32
        %dma_start3A_245 = arith.constant 0 : i32
        %dma_start3A_246 = tpu.memref_slice %arg2[%arg0, %dma_start3A_244, %dma_start3A_245] : memref<2x10000x64xf32, #tpu.memory_space<hbm>> -> memref<1x10000x64xf32, #tpu.memory_space<hbm>>
        %dma_start3A_247 = tpu.memref_squeeze %dma_start3A_246 : memref<1x10000x64xf32, #tpu.memory_space<hbm>> -> memref<10000x64xf32, #tpu.memory_space<hbm>>
        %dma_start3A_248 = arith.constant 0 : i32
        %dma_start3A_249 = arith.constant 0 : i32
        %dma_start3A_250 = tpu.memref_slice %dma_start3A_247[%dma_start3A_248, %dma_start3A_249] : memref<10000x64xf32, #tpu.memory_space<hbm>> -> memref<10000x64xf32, #tpu.memory_space<hbm>>
        tpu.enqueue_indirect_dma source(%dma_start3A_250 : memref<10000x64xf32, #tpu.memory_space<hbm>>) target(%arg11 : memref<128x64xf32, #tpu.memory_space<vmem>>) offsets(%dma_start3A_243 : memref<128xi32, #tpu.memory_space<vmem>>) semaphore(%arg16 : memref<!tpu.dma_semaphore, #tpu.memory_space<semaphore_mem>>)
      } else {
      }
      %scan3A_236 = arith.constant 0 : i32
      scf.yield %scan3A_236 : i32
    }
    %scan3A_66 = arith.constant 40 : i32
    %barrier3A_67 = arith.constant 0 : index
    tpu.barrier barrier_id(%barrier3A_67)
    %add3A_68 = arith.constant 0 : i32
    %add3A_69 = arith.addi %mul3A_0, %add3A_68 : i32
    "tpu.region"() ({
      %run_scoped3A = tpu.sem_alloc : memref<!tpu.dma_semaphore, #tpu.memory_space<semaphore_mem>>
      %dma_start3A_88 = arith.constant 0 : i32
      %dma_start3A_89 = arith.constant 0 : i32
      %dma_start3A_90 = tpu.memref_slice %arg8[%dma_start3A_88, %dma_start3A_89] : memref<128x64xf32, #tpu.memory_space<vmem>> -> memref<128x64xf32, #tpu.memory_space<vmem>>
      %dma_start3A_91 = arith.constant 0 : i32
      %dma_start3A_92 = tpu.memref_slice %arg12[%add3A_69, %dma_start3A_91] : memref<10112x64xf32, #tpu.memory_space<vmem_shared>> -> memref<128x64xf32, #tpu.memory_space<vmem_shared>>
      %dma_start3A_93 = arith.constant 0 : i32
      %dma_start3A_94 = arith.constant 0 : i32
      %dma_start3A_95 = tpu.memref_slice %arg8[%dma_start3A_93, %dma_start3A_94] : memref<128x64xf32, #tpu.memory_space<vmem>> -> memref<128x64xf32, #tpu.memory_space<vmem>>
      %dma_start3A_96 = arith.constant 0 : i32
      %dma_start3A_97 = tpu.memref_slice %arg12[%add3A_69, %dma_start3A_96] : memref<10112x64xf32, #tpu.memory_space<vmem_shared>> -> memref<128x64xf32, #tpu.memory_space<vmem_shared>>
      tpu.enqueue_dma source(%dma_start3A_97 : memref<128x64xf32, #tpu.memory_space<vmem_shared>>) target(%dma_start3A_95 : memref<128x64xf32, #tpu.memory_space<vmem>>) target_semaphore(%run_scoped3A : memref<!tpu.dma_semaphore, #tpu.memory_space<semaphore_mem>>)
      %dma_wait3A = arith.constant 0 : i32
      %dma_wait3A_98 = arith.constant 0 : i32
      %dma_wait3A_99 = tpu.memref_slice %arg8[%dma_wait3A, %dma_wait3A_98] : memref<128x64xf32, #tpu.memory_space<vmem>> -> memref<128x64xf32, #tpu.memory_space<vmem>>
      %dma_wait3A_100 = arith.constant 0 : i32
      %dma_wait3A_101 = tpu.memref_slice %arg12[%add3A_69, %dma_wait3A_100] : memref<10112x64xf32, #tpu.memory_space<vmem_shared>> -> memref<128x64xf32, #tpu.memory_space<vmem_shared>>
      %dma_wait3A_102 = arith.constant 0 : i32
      %dma_wait3A_103 = arith.constant 0 : i32
      %dma_wait3A_104 = tpu.memref_slice %arg8[%dma_wait3A_102, %dma_wait3A_103] : memref<128x64xf32, #tpu.memory_space<vmem>> -> memref<128x64xf32, #tpu.memory_space<vmem>>
      %dma_wait3A_105 = arith.constant 0 : i32
      %dma_wait3A_106 = tpu.memref_slice %arg12[%add3A_69, %dma_wait3A_105] : memref<10112x64xf32, #tpu.memory_space<vmem_shared>> -> memref<128x64xf32, #tpu.memory_space<vmem_shared>>
      tpu.wait_dma2 semaphore(%run_scoped3A : memref<!tpu.dma_semaphore, #tpu.memory_space<semaphore_mem>>) src(%dma_wait3A_106 : memref<128x64xf32, #tpu.memory_space<vmem_shared>>) dst(%dma_wait3A_104 : memref<128x64xf32, #tpu.memory_space<vmem>>)
      tpu.yield
    }) : () -> ()
    %add3A_70 = arith.constant 0 : i32
    %add3A_71 = arith.addi %mul3A_0, %add3A_70 : i32
    "tpu.region"() ({
      %run_scoped3A = tpu.sem_alloc : memref<!tpu.dma_semaphore, #tpu.memory_space<semaphore_mem>>
      %dma_start3A_88 = arith.constant 0 : i32
      %dma_start3A_89 = arith.constant 0 : i32
      %dma_start3A_90 = tpu.memref_slice %arg8[%dma_start3A_88, %dma_start3A_89] : memref<128x64xf32, #tpu.memory_space<vmem>> -> memref<128x64xf32, #tpu.memory_space<vmem>>
      %dma_start3A_91 = arith.constant 0 : i32
      %dma_start3A_92 = tpu.memref_slice %arg5[%arg0, %add3A_71, %dma_start3A_91] : memref<2x10112x64xf32, #tpu.memory_space<hbm>> -> memref<1x128x64xf32, #tpu.memory_space<hbm>>
      %dma_start3A_93 = tpu.memref_squeeze %dma_start3A_92 : memref<1x128x64xf32, #tpu.memory_space<hbm>> -> memref<128x64xf32, #tpu.memory_space<hbm>>
      %dma_start3A_94 = arith.constant 0 : i32
      %dma_start3A_95 = tpu.memref_slice %arg5[%arg0, %add3A_71, %dma_start3A_94] : memref<2x10112x64xf32, #tpu.memory_space<hbm>> -> memref<1x128x64xf32, #tpu.memory_space<hbm>>
      %dma_start3A_96 = tpu.memref_squeeze %dma_start3A_95 : memref<1x128x64xf32, #tpu.memory_space<hbm>> -> memref<128x64xf32, #tpu.memory_space<hbm>>
      %dma_start3A_97 = arith.constant 0 : i32
      %dma_start3A_98 = arith.constant 0 : i32
      %dma_start3A_99 = tpu.memref_slice %arg8[%dma_start3A_97, %dma_start3A_98] : memref<128x64xf32, #tpu.memory_space<vmem>> -> memref<128x64xf32, #tpu.memory_space<vmem>>
      tpu.enqueue_dma source(%dma_start3A_99 : memref<128x64xf32, #tpu.memory_space<vmem>>) target(%dma_start3A_96 : memref<128x64xf32, #tpu.memory_space<hbm>>) target_semaphore(%run_scoped3A : memref<!tpu.dma_semaphore, #tpu.memory_space<semaphore_mem>>)
      %dma_wait3A = arith.constant 0 : i32
      %dma_wait3A_100 = arith.constant 0 : i32
      %dma_wait3A_101 = tpu.memref_slice %arg8[%dma_wait3A, %dma_wait3A_100] : memref<128x64xf32, #tpu.memory_space<vmem>> -> memref<128x64xf32, #tpu.memory_space<vmem>>
      %dma_wait3A_102 = arith.constant 0 : i32
      %dma_wait3A_103 = tpu.memref_slice %arg5[%arg0, %add3A_71, %dma_wait3A_102] : memref<2x10112x64xf32, #tpu.memory_space<hbm>> -> memref<1x128x64xf32, #tpu.memory_space<hbm>>
      %dma_wait3A_104 = tpu.memref_squeeze %dma_wait3A_103 : memref<1x128x64xf32, #tpu.memory_space<hbm>> -> memref<128x64xf32, #tpu.memory_space<hbm>>
      %dma_wait3A_105 = arith.constant 0 : i32
      %dma_wait3A_106 = tpu.memref_slice %arg5[%arg0, %add3A_71, %dma_wait3A_105] : memref<2x10112x64xf32, #tpu.memory_space<hbm>> -> memref<1x128x64xf32, #tpu.memory_space<hbm>>
      %dma_wait3A_107 = tpu.memref_squeeze %dma_wait3A_106 : memref<1x128x64xf32, #tpu.memory_space<hbm>> -> memref<128x64xf32, #tpu.memory_space<hbm>>
      %dma_wait3A_108 = arith.constant 0 : i32
      %dma_wait3A_109 = arith.constant 0 : i32
      %dma_wait3A_110 = tpu.memref_slice %arg8[%dma_wait3A_108, %dma_wait3A_109] : memref<128x64xf32, #tpu.memory_space<vmem>> -> memref<128x64xf32, #tpu.memory_space<vmem>>
      tpu.wait_dma2 semaphore(%run_scoped3A : memref<!tpu.dma_semaphore, #tpu.memory_space<semaphore_mem>>) src(%dma_wait3A_110 : memref<128x64xf32, #tpu.memory_space<vmem>>) dst(%dma_wait3A_107 : memref<128x64xf32, #tpu.memory_space<hbm>>)
      tpu.yield
    }) : () -> ()
    %add3A_72 = arith.constant 128 : i32
    %add3A_73 = arith.addi %mul3A_0, %add3A_72 : i32
    "tpu.region"() ({
      %run_scoped3A = tpu.sem_alloc : memref<!tpu.dma_semaphore, #tpu.memory_space<semaphore_mem>>
      %dma_start3A_88 = arith.constant 0 : i32
      %dma_start3A_89 = arith.constant 0 : i32
      %dma_start3A_90 = tpu.memref_slice %arg8[%dma_start3A_88, %dma_start3A_89] : memref<128x64xf32, #tpu.memory_space<vmem>> -> memref<128x64xf32, #tpu.memory_space<vmem>>
      %dma_start3A_91 = arith.constant 0 : i32
      %dma_start3A_92 = tpu.memref_slice %arg12[%add3A_73, %dma_start3A_91] : memref<10112x64xf32, #tpu.memory_space<vmem_shared>> -> memref<128x64xf32, #tpu.memory_space<vmem_shared>>
      %dma_start3A_93 = arith.constant 0 : i32
      %dma_start3A_94 = arith.constant 0 : i32
      %dma_start3A_95 = tpu.memref_slice %arg8[%dma_start3A_93, %dma_start3A_94] : memref<128x64xf32, #tpu.memory_space<vmem>> -> memref<128x64xf32, #tpu.memory_space<vmem>>
      %dma_start3A_96 = arith.constant 0 : i32
      %dma_start3A_97 = tpu.memref_slice %arg12[%add3A_73, %dma_start3A_96] : memref<10112x64xf32, #tpu.memory_space<vmem_shared>> -> memref<128x64xf32, #tpu.memory_space<vmem_shared>>
      tpu.enqueue_dma source(%dma_start3A_97 : memref<128x64xf32, #tpu.memory_space<vmem_shared>>) target(%dma_start3A_95 : memref<128x64xf32, #tpu.memory_space<vmem>>) target_semaphore(%run_scoped3A : memref<!tpu.dma_semaphore, #tpu.memory_space<semaphore_mem>>)
      %dma_wait3A = arith.constant 0 : i32
      %dma_wait3A_98 = arith.constant 0 : i32
      %dma_wait3A_99 = tpu.memref_slice %arg8[%dma_wait3A, %dma_wait3A_98] : memref<128x64xf32, #tpu.memory_space<vmem>> -> memref<128x64xf32, #tpu.memory_space<vmem>>
      %dma_wait3A_100 = arith.constant 0 : i32
      %dma_wait3A_101 = tpu.memref_slice %arg12[%add3A_73, %dma_wait3A_100] : memref<10112x64xf32, #tpu.memory_space<vmem_shared>> -> memref<128x64xf32, #tpu.memory_space<vmem_shared>>
      %dma_wait3A_102 = arith.constant 0 : i32
      %dma_wait3A_103 = arith.constant 0 : i32
      %dma_wait3A_104 = tpu.memref_slice %arg8[%dma_wait3A_102, %dma_wait3A_103] : memref<128x64xf32, #tpu.memory_space<vmem>> -> memref<128x64xf32, #tpu.memory_space<vmem>>
      %dma_wait3A_105 = arith.constant 0 : i32
      %dma_wait3A_106 = tpu.memref_slice %arg12[%add3A_73, %dma_wait3A_105] : memref<10112x64xf32, #tpu.memory_space<vmem_shared>> -> memref<128x64xf32, #tpu.memory_space<vmem_shared>>
      tpu.wait_dma2 semaphore(%run_scoped3A : memref<!tpu.dma_semaphore, #tpu.memory_space<semaphore_mem>>) src(%dma_wait3A_106 : memref<128x64xf32, #tpu.memory_space<vmem_shared>>) dst(%dma_wait3A_104 : memref<128x64xf32, #tpu.memory_space<vmem>>)
      tpu.yield
    }) : () -> ()
    %add3A_74 = arith.constant 128 : i32
    %add3A_75 = arith.addi %mul3A_0, %add3A_74 : i32
    "tpu.region"() ({
      %run_scoped3A = tpu.sem_alloc : memref<!tpu.dma_semaphore, #tpu.memory_space<semaphore_mem>>
      %dma_start3A_88 = arith.constant 0 : i32
      %dma_start3A_89 = arith.constant 0 : i32
      %dma_start3A_90 = tpu.memref_slice %arg8[%dma_start3A_88, %dma_start3A_89] : memref<128x64xf32, #tpu.memory_space<vmem>> -> memref<128x64xf32, #tpu.memory_space<vmem>>
      %dma_start3A_91 = arith.constant 0 : i32
      %dma_start3A_92 = tpu.memref_slice %arg5[%arg0, %add3A_75, %dma_start3A_91] : memref<2x10112x64xf32, #tpu.memory_space<hbm>> -> memref<1x128x64xf32, #tpu.memory_space<hbm>>
      %dma_start3A_93 = tpu.memref_squeeze %dma_start3A_92 : memref<1x128x64xf32, #tpu.memory_space<hbm>> -> memref<128x64xf32, #tpu.memory_space<hbm>>
      %dma_start3A_94 = arith.constant 0 : i32
      %dma_start3A_95 = tpu.memref_slice %arg5[%arg0, %add3A_75, %dma_start3A_94] : memref<2x10112x64xf32, #tpu.memory_space<hbm>> -> memref<1x128x64xf32, #tpu.memory_space<hbm>>
      %dma_start3A_96 = tpu.memref_squeeze %dma_start3A_95 : memref<1x128x64xf32, #tpu.memory_space<hbm>> -> memref<128x64xf32, #tpu.memory_space<hbm>>
      %dma_start3A_97 = arith.constant 0 : i32
      %dma_start3A_98 = arith.constant 0 : i32
      %dma_start3A_99 = tpu.memref_slice %arg8[%dma_start3A_97, %dma_start3A_98] : memref<128x64xf32, #tpu.memory_space<vmem>> -> memref<128x64xf32, #tpu.memory_space<vmem>>
      tpu.enqueue_dma source(%dma_start3A_99 : memref<128x64xf32, #tpu.memory_space<vmem>>) target(%dma_start3A_96 : memref<128x64xf32, #tpu.memory_space<hbm>>) target_semaphore(%run_scoped3A : memref<!tpu.dma_semaphore, #tpu.memory_space<semaphore_mem>>)
      %dma_wait3A = arith.constant 0 : i32
      %dma_wait3A_100 = arith.constant 0 : i32
      %dma_wait3A_101 = tpu.memref_slice %arg8[%dma_wait3A, %dma_wait3A_100] : memref<128x64xf32, #tpu.memory_space<vmem>> -> memref<128x64xf32, #tpu.memory_space<vmem>>
      %dma_wait3A_102 = arith.constant 0 : i32
      %dma_wait3A_103 = tpu.memref_slice %arg5[%arg0, %add3A_75, %dma_wait3A_102] : memref<2x10112x64xf32, #tpu.memory_space<hbm>> -> memref<1x128x64xf32, #tpu.memory_space<hbm>>
      %dma_wait3A_104 = tpu.memref_squeeze %dma_wait3A_103 : memref<1x128x64xf32, #tpu.memory_space<hbm>> -> memref<128x64xf32, #tpu.memory_space<hbm>>
      %dma_wait3A_105 = arith.constant 0 : i32
      %dma_wait3A_106 = tpu.memref_slice %arg5[%arg0, %add3A_75, %dma_wait3A_105] : memref<2x10112x64xf32, #tpu.memory_space<hbm>> -> memref<1x128x64xf32, #tpu.memory_space<hbm>>
      %dma_wait3A_107 = tpu.memref_squeeze %dma_wait3A_106 : memref<1x128x64xf32, #tpu.memory_space<hbm>> -> memref<128x64xf32, #tpu.memory_space<hbm>>
      %dma_wait3A_108 = arith.constant 0 : i32
      %dma_wait3A_109 = arith.constant 0 : i32
      %dma_wait3A_110 = tpu.memref_slice %arg8[%dma_wait3A_108, %dma_wait3A_109] : memref<128x64xf32, #tpu.memory_space<vmem>> -> memref<128x64xf32, #tpu.memory_space<vmem>>
      tpu.wait_dma2 semaphore(%run_scoped3A : memref<!tpu.dma_semaphore, #tpu.memory_space<semaphore_mem>>) src(%dma_wait3A_110 : memref<128x64xf32, #tpu.memory_space<vmem>>) dst(%dma_wait3A_107 : memref<128x64xf32, #tpu.memory_space<hbm>>)
      tpu.yield
    }) : () -> ()
    %add3A_76 = arith.constant 256 : i32
    %add3A_77 = arith.addi %mul3A_0, %add3A_76 : i32
    "tpu.region"() ({
      %run_scoped3A = tpu.sem_alloc : memref<!tpu.dma_semaphore, #tpu.memory_space<semaphore_mem>>
      %dma_start3A_88 = arith.constant 0 : i32
      %dma_start3A_89 = arith.constant 0 : i32
      %dma_start3A_90 = tpu.memref_slice %arg8[%dma_start3A_88, %dma_start3A_89] : memref<128x64xf32, #tpu.memory_space<vmem>> -> memref<128x64xf32, #tpu.memory_space<vmem>>
      %dma_start3A_91 = arith.constant 0 : i32
      %dma_start3A_92 = tpu.memref_slice %arg12[%add3A_77, %dma_start3A_91] : memref<10112x64xf32, #tpu.memory_space<vmem_shared>> -> memref<128x64xf32, #tpu.memory_space<vmem_shared>>
      %dma_start3A_93 = arith.constant 0 : i32
      %dma_start3A_94 = arith.constant 0 : i32
      %dma_start3A_95 = tpu.memref_slice %arg8[%dma_start3A_93, %dma_start3A_94] : memref<128x64xf32, #tpu.memory_space<vmem>> -> memref<128x64xf32, #tpu.memory_space<vmem>>
      %dma_start3A_96 = arith.constant 0 : i32
      %dma_start3A_97 = tpu.memref_slice %arg12[%add3A_77, %dma_start3A_96] : memref<10112x64xf32, #tpu.memory_space<vmem_shared>> -> memref<128x64xf32, #tpu.memory_space<vmem_shared>>
      tpu.enqueue_dma source(%dma_start3A_97 : memref<128x64xf32, #tpu.memory_space<vmem_shared>>) target(%dma_start3A_95 : memref<128x64xf32, #tpu.memory_space<vmem>>) target_semaphore(%run_scoped3A : memref<!tpu.dma_semaphore, #tpu.memory_space<semaphore_mem>>)
      %dma_wait3A = arith.constant 0 : i32
      %dma_wait3A_98 = arith.constant 0 : i32
      %dma_wait3A_99 = tpu.memref_slice %arg8[%dma_wait3A, %dma_wait3A_98] : memref<128x64xf32, #tpu.memory_space<vmem>> -> memref<128x64xf32, #tpu.memory_space<vmem>>
      %dma_wait3A_100 = arith.constant 0 : i32
      %dma_wait3A_101 = tpu.memref_slice %arg12[%add3A_77, %dma_wait3A_100] : memref<10112x64xf32, #tpu.memory_space<vmem_shared>> -> memref<128x64xf32, #tpu.memory_space<vmem_shared>>
      %dma_wait3A_102 = arith.constant 0 : i32
      %dma_wait3A_103 = arith.constant 0 : i32
      %dma_wait3A_104 = tpu.memref_slice %arg8[%dma_wait3A_102, %dma_wait3A_103] : memref<128x64xf32, #tpu.memory_space<vmem>> -> memref<128x64xf32, #tpu.memory_space<vmem>>
      %dma_wait3A_105 = arith.constant 0 : i32
      %dma_wait3A_106 = tpu.memref_slice %arg12[%add3A_77, %dma_wait3A_105] : memref<10112x64xf32, #tpu.memory_space<vmem_shared>> -> memref<128x64xf32, #tpu.memory_space<vmem_shared>>
      tpu.wait_dma2 semaphore(%run_scoped3A : memref<!tpu.dma_semaphore, #tpu.memory_space<semaphore_mem>>) src(%dma_wait3A_106 : memref<128x64xf32, #tpu.memory_space<vmem_shared>>) dst(%dma_wait3A_104 : memref<128x64xf32, #tpu.memory_space<vmem>>)
      tpu.yield
    }) : () -> ()
    %add3A_78 = arith.constant 256 : i32
    %add3A_79 = arith.addi %mul3A_0, %add3A_78 : i32
    "tpu.region"() ({
      %run_scoped3A = tpu.sem_alloc : memref<!tpu.dma_semaphore, #tpu.memory_space<semaphore_mem>>
      %dma_start3A_88 = arith.constant 0 : i32
      %dma_start3A_89 = arith.constant 0 : i32
      %dma_start3A_90 = tpu.memref_slice %arg8[%dma_start3A_88, %dma_start3A_89] : memref<128x64xf32, #tpu.memory_space<vmem>> -> memref<128x64xf32, #tpu.memory_space<vmem>>
      %dma_start3A_91 = arith.constant 0 : i32
      %dma_start3A_92 = tpu.memref_slice %arg5[%arg0, %add3A_79, %dma_start3A_91] : memref<2x10112x64xf32, #tpu.memory_space<hbm>> -> memref<1x128x64xf32, #tpu.memory_space<hbm>>
      %dma_start3A_93 = tpu.memref_squeeze %dma_start3A_92 : memref<1x128x64xf32, #tpu.memory_space<hbm>> -> memref<128x64xf32, #tpu.memory_space<hbm>>
      %dma_start3A_94 = arith.constant 0 : i32
      %dma_start3A_95 = tpu.memref_slice %arg5[%arg0, %add3A_79, %dma_start3A_94] : memref<2x10112x64xf32, #tpu.memory_space<hbm>> -> memref<1x128x64xf32, #tpu.memory_space<hbm>>
      %dma_start3A_96 = tpu.memref_squeeze %dma_start3A_95 : memref<1x128x64xf32, #tpu.memory_space<hbm>> -> memref<128x64xf32, #tpu.memory_space<hbm>>
      %dma_start3A_97 = arith.constant 0 : i32
      %dma_start3A_98 = arith.constant 0 : i32
      %dma_start3A_99 = tpu.memref_slice %arg8[%dma_start3A_97, %dma_start3A_98] : memref<128x64xf32, #tpu.memory_space<vmem>> -> memref<128x64xf32, #tpu.memory_space<vmem>>
      tpu.enqueue_dma source(%dma_start3A_99 : memref<128x64xf32, #tpu.memory_space<vmem>>) target(%dma_start3A_96 : memref<128x64xf32, #tpu.memory_space<hbm>>) target_semaphore(%run_scoped3A : memref<!tpu.dma_semaphore, #tpu.memory_space<semaphore_mem>>)
      %dma_wait3A = arith.constant 0 : i32
      %dma_wait3A_100 = arith.constant 0 : i32
      %dma_wait3A_101 = tpu.memref_slice %arg8[%dma_wait3A, %dma_wait3A_100] : memref<128x64xf32, #tpu.memory_space<vmem>> -> memref<128x64xf32, #tpu.memory_space<vmem>>
      %dma_wait3A_102 = arith.constant 0 : i32
      %dma_wait3A_103 = tpu.memref_slice %arg5[%arg0, %add3A_79, %dma_wait3A_102] : memref<2x10112x64xf32, #tpu.memory_space<hbm>> -> memref<1x128x64xf32, #tpu.memory_space<hbm>>
      %dma_wait3A_104 = tpu.memref_squeeze %dma_wait3A_103 : memref<1x128x64xf32, #tpu.memory_space<hbm>> -> memref<128x64xf32, #tpu.memory_space<hbm>>
      %dma_wait3A_105 = arith.constant 0 : i32
      %dma_wait3A_106 = tpu.memref_slice %arg5[%arg0, %add3A_79, %dma_wait3A_105] : memref<2x10112x64xf32, #tpu.memory_space<hbm>> -> memref<1x128x64xf32, #tpu.memory_space<hbm>>
      %dma_wait3A_107 = tpu.memref_squeeze %dma_wait3A_106 : memref<1x128x64xf32, #tpu.memory_space<hbm>> -> memref<128x64xf32, #tpu.memory_space<hbm>>
      %dma_wait3A_108 = arith.constant 0 : i32
      %dma_wait3A_109 = arith.constant 0 : i32
      %dma_wait3A_110 = tpu.memref_slice %arg8[%dma_wait3A_108, %dma_wait3A_109] : memref<128x64xf32, #tpu.memory_space<vmem>> -> memref<128x64xf32, #tpu.memory_space<vmem>>
      tpu.wait_dma2 semaphore(%run_scoped3A : memref<!tpu.dma_semaphore, #tpu.memory_space<semaphore_mem>>) src(%dma_wait3A_110 : memref<128x64xf32, #tpu.memory_space<vmem>>) dst(%dma_wait3A_107 : memref<128x64xf32, #tpu.memory_space<hbm>>)
      tpu.yield
    }) : () -> ()
    %add3A_80 = arith.constant 384 : i32
    %add3A_81 = arith.addi %mul3A_0, %add3A_80 : i32
    "tpu.region"() ({
      %run_scoped3A = tpu.sem_alloc : memref<!tpu.dma_semaphore, #tpu.memory_space<semaphore_mem>>
      %dma_start3A_88 = arith.constant 0 : i32
      %dma_start3A_89 = arith.constant 0 : i32
      %dma_start3A_90 = tpu.memref_slice %arg8[%dma_start3A_88, %dma_start3A_89] : memref<128x64xf32, #tpu.memory_space<vmem>> -> memref<128x64xf32, #tpu.memory_space<vmem>>
      %dma_start3A_91 = arith.constant 0 : i32
      %dma_start3A_92 = tpu.memref_slice %arg12[%add3A_81, %dma_start3A_91] : memref<10112x64xf32, #tpu.memory_space<vmem_shared>> -> memref<128x64xf32, #tpu.memory_space<vmem_shared>>
      %dma_start3A_93 = arith.constant 0 : i32
      %dma_start3A_94 = arith.constant 0 : i32
      %dma_start3A_95 = tpu.memref_slice %arg8[%dma_start3A_93, %dma_start3A_94] : memref<128x64xf32, #tpu.memory_space<vmem>> -> memref<128x64xf32, #tpu.memory_space<vmem>>
      %dma_start3A_96 = arith.constant 0 : i32
      %dma_start3A_97 = tpu.memref_slice %arg12[%add3A_81, %dma_start3A_96] : memref<10112x64xf32, #tpu.memory_space<vmem_shared>> -> memref<128x64xf32, #tpu.memory_space<vmem_shared>>
      tpu.enqueue_dma source(%dma_start3A_97 : memref<128x64xf32, #tpu.memory_space<vmem_shared>>) target(%dma_start3A_95 : memref<128x64xf32, #tpu.memory_space<vmem>>) target_semaphore(%run_scoped3A : memref<!tpu.dma_semaphore, #tpu.memory_space<semaphore_mem>>)
      %dma_wait3A = arith.constant 0 : i32
      %dma_wait3A_98 = arith.constant 0 : i32
      %dma_wait3A_99 = tpu.memref_slice %arg8[%dma_wait3A, %dma_wait3A_98] : memref<128x64xf32, #tpu.memory_space<vmem>> -> memref<128x64xf32, #tpu.memory_space<vmem>>
      %dma_wait3A_100 = arith.constant 0 : i32
      %dma_wait3A_101 = tpu.memref_slice %arg12[%add3A_81, %dma_wait3A_100] : memref<10112x64xf32, #tpu.memory_space<vmem_shared>> -> memref<128x64xf32, #tpu.memory_space<vmem_shared>>
      %dma_wait3A_102 = arith.constant 0 : i32
      %dma_wait3A_103 = arith.constant 0 : i32
      %dma_wait3A_104 = tpu.memref_slice %arg8[%dma_wait3A_102, %dma_wait3A_103] : memref<128x64xf32, #tpu.memory_space<vmem>> -> memref<128x64xf32, #tpu.memory_space<vmem>>
      %dma_wait3A_105 = arith.constant 0 : i32
      %dma_wait3A_106 = tpu.memref_slice %arg12[%add3A_81, %dma_wait3A_105] : memref<10112x64xf32, #tpu.memory_space<vmem_shared>> -> memref<128x64xf32, #tpu.memory_space<vmem_shared>>
      tpu.wait_dma2 semaphore(%run_scoped3A : memref<!tpu.dma_semaphore, #tpu.memory_space<semaphore_mem>>) src(%dma_wait3A_106 : memref<128x64xf32, #tpu.memory_space<vmem_shared>>) dst(%dma_wait3A_104 : memref<128x64xf32, #tpu.memory_space<vmem>>)
      tpu.yield
    }) : () -> ()
    %add3A_82 = arith.constant 384 : i32
    %add3A_83 = arith.addi %mul3A_0, %add3A_82 : i32
    "tpu.region"() ({
      %run_scoped3A = tpu.sem_alloc : memref<!tpu.dma_semaphore, #tpu.memory_space<semaphore_mem>>
      %dma_start3A_88 = arith.constant 0 : i32
      %dma_start3A_89 = arith.constant 0 : i32
      %dma_start3A_90 = tpu.memref_slice %arg8[%dma_start3A_88, %dma_start3A_89] : memref<128x64xf32, #tpu.memory_space<vmem>> -> memref<128x64xf32, #tpu.memory_space<vmem>>
      %dma_start3A_91 = arith.constant 0 : i32
      %dma_start3A_92 = tpu.memref_slice %arg5[%arg0, %add3A_83, %dma_start3A_91] : memref<2x10112x64xf32, #tpu.memory_space<hbm>> -> memref<1x128x64xf32, #tpu.memory_space<hbm>>
      %dma_start3A_93 = tpu.memref_squeeze %dma_start3A_92 : memref<1x128x64xf32, #tpu.memory_space<hbm>> -> memref<128x64xf32, #tpu.memory_space<hbm>>
      %dma_start3A_94 = arith.constant 0 : i32
      %dma_start3A_95 = tpu.memref_slice %arg5[%arg0, %add3A_83, %dma_start3A_94] : memref<2x10112x64xf32, #tpu.memory_space<hbm>> -> memref<1x128x64xf32, #tpu.memory_space<hbm>>
      %dma_start3A_96 = tpu.memref_squeeze %dma_start3A_95 : memref<1x128x64xf32, #tpu.memory_space<hbm>> -> memref<128x64xf32, #tpu.memory_space<hbm>>
      %dma_start3A_97 = arith.constant 0 : i32
      %dma_start3A_98 = arith.constant 0 : i32
      %dma_start3A_99 = tpu.memref_slice %arg8[%dma_start3A_97, %dma_start3A_98] : memref<128x64xf32, #tpu.memory_space<vmem>> -> memref<128x64xf32, #tpu.memory_space<vmem>>
      tpu.enqueue_dma source(%dma_start3A_99 : memref<128x64xf32, #tpu.memory_space<vmem>>) target(%dma_start3A_96 : memref<128x64xf32, #tpu.memory_space<hbm>>) target_semaphore(%run_scoped3A : memref<!tpu.dma_semaphore, #tpu.memory_space<semaphore_mem>>)
      %dma_wait3A = arith.constant 0 : i32
      %dma_wait3A_100 = arith.constant 0 : i32
      %dma_wait3A_101 = tpu.memref_slice %arg8[%dma_wait3A, %dma_wait3A_100] : memref<128x64xf32, #tpu.memory_space<vmem>> -> memref<128x64xf32, #tpu.memory_space<vmem>>
      %dma_wait3A_102 = arith.constant 0 : i32
      %dma_wait3A_103 = tpu.memref_slice %arg5[%arg0, %add3A_83, %dma_wait3A_102] : memref<2x10112x64xf32, #tpu.memory_space<hbm>> -> memref<1x128x64xf32, #tpu.memory_space<hbm>>
      %dma_wait3A_104 = tpu.memref_squeeze %dma_wait3A_103 : memref<1x128x64xf32, #tpu.memory_space<hbm>> -> memref<128x64xf32, #tpu.memory_space<hbm>>
      %dma_wait3A_105 = arith.constant 0 : i32
      %dma_wait3A_106 = tpu.memref_slice %arg5[%arg0, %add3A_83, %dma_wait3A_105] : memref<2x10112x64xf32, #tpu.memory_space<hbm>> -> memref<1x128x64xf32, #tpu.memory_space<hbm>>
      %dma_wait3A_107 = tpu.memref_squeeze %dma_wait3A_106 : memref<1x128x64xf32, #tpu.memory_space<hbm>> -> memref<128x64xf32, #tpu.memory_space<hbm>>
      %dma_wait3A_108 = arith.constant 0 : i32
      %dma_wait3A_109 = arith.constant 0 : i32
      %dma_wait3A_110 = tpu.memref_slice %arg8[%dma_wait3A_108, %dma_wait3A_109] : memref<128x64xf32, #tpu.memory_space<vmem>> -> memref<128x64xf32, #tpu.memory_space<vmem>>
      tpu.wait_dma2 semaphore(%run_scoped3A : memref<!tpu.dma_semaphore, #tpu.memory_space<semaphore_mem>>) src(%dma_wait3A_110 : memref<128x64xf32, #tpu.memory_space<vmem>>) dst(%dma_wait3A_107 : memref<128x64xf32, #tpu.memory_space<hbm>>)
      tpu.yield
    }) : () -> ()
    %add3A_84 = arith.constant 512 : i32
    %add3A_85 = arith.addi %mul3A_0, %add3A_84 : i32
    "tpu.region"() ({
      %run_scoped3A = tpu.sem_alloc : memref<!tpu.dma_semaphore, #tpu.memory_space<semaphore_mem>>
      %dma_start3A_88 = arith.constant 0 : i32
      %dma_start3A_89 = arith.constant 0 : i32
      %dma_start3A_90 = tpu.memref_slice %arg8[%dma_start3A_88, %dma_start3A_89] : memref<128x64xf32, #tpu.memory_space<vmem>> -> memref<120x64xf32, #tpu.memory_space<vmem>>
      %dma_start3A_91 = arith.constant 0 : i32
      %dma_start3A_92 = tpu.memref_slice %arg12[%add3A_85, %dma_start3A_91] : memref<10112x64xf32, #tpu.memory_space<vmem_shared>> -> memref<120x64xf32, #tpu.memory_space<vmem_shared>>
      %dma_start3A_93 = arith.constant 0 : i32
      %dma_start3A_94 = arith.constant 0 : i32
      %dma_start3A_95 = tpu.memref_slice %arg8[%dma_start3A_93, %dma_start3A_94] : memref<128x64xf32, #tpu.memory_space<vmem>> -> memref<120x64xf32, #tpu.memory_space<vmem>>
      %dma_start3A_96 = arith.constant 0 : i32
      %dma_start3A_97 = tpu.memref_slice %arg12[%add3A_85, %dma_start3A_96] : memref<10112x64xf32, #tpu.memory_space<vmem_shared>> -> memref<120x64xf32, #tpu.memory_space<vmem_shared>>
      tpu.enqueue_dma source(%dma_start3A_97 : memref<120x64xf32, #tpu.memory_space<vmem_shared>>) target(%dma_start3A_95 : memref<120x64xf32, #tpu.memory_space<vmem>>) target_semaphore(%run_scoped3A : memref<!tpu.dma_semaphore, #tpu.memory_space<semaphore_mem>>)
      %dma_wait3A = arith.constant 0 : i32
      %dma_wait3A_98 = arith.constant 0 : i32
      %dma_wait3A_99 = tpu.memref_slice %arg8[%dma_wait3A, %dma_wait3A_98] : memref<128x64xf32, #tpu.memory_space<vmem>> -> memref<120x64xf32, #tpu.memory_space<vmem>>
      %dma_wait3A_100 = arith.constant 0 : i32
      %dma_wait3A_101 = tpu.memref_slice %arg12[%add3A_85, %dma_wait3A_100] : memref<10112x64xf32, #tpu.memory_space<vmem_shared>> -> memref<120x64xf32, #tpu.memory_space<vmem_shared>>
      %dma_wait3A_102 = arith.constant 0 : i32
      %dma_wait3A_103 = arith.constant 0 : i32
      %dma_wait3A_104 = tpu.memref_slice %arg8[%dma_wait3A_102, %dma_wait3A_103] : memref<128x64xf32, #tpu.memory_space<vmem>> -> memref<120x64xf32, #tpu.memory_space<vmem>>
      %dma_wait3A_105 = arith.constant 0 : i32
      %dma_wait3A_106 = tpu.memref_slice %arg12[%add3A_85, %dma_wait3A_105] : memref<10112x64xf32, #tpu.memory_space<vmem_shared>> -> memref<120x64xf32, #tpu.memory_space<vmem_shared>>
      tpu.wait_dma2 semaphore(%run_scoped3A : memref<!tpu.dma_semaphore, #tpu.memory_space<semaphore_mem>>) src(%dma_wait3A_106 : memref<120x64xf32, #tpu.memory_space<vmem_shared>>) dst(%dma_wait3A_104 : memref<120x64xf32, #tpu.memory_space<vmem>>)
      tpu.yield
    }) : () -> ()
    %add3A_86 = arith.constant 512 : i32
    %add3A_87 = arith.addi %mul3A_0, %add3A_86 : i32
    "tpu.region"() ({
      %run_scoped3A = tpu.sem_alloc : memref<!tpu.dma_semaphore, #tpu.memory_space<semaphore_mem>>
      %dma_start3A_88 = arith.constant 0 : i32
      %dma_start3A_89 = arith.constant 0 : i32
      %dma_start3A_90 = tpu.memref_slice %arg8[%dma_start3A_88, %dma_start3A_89] : memref<128x64xf32, #tpu.memory_space<vmem>> -> memref<120x64xf32, #tpu.memory_space<vmem>>
      %dma_start3A_91 = arith.constant 0 : i32
      %dma_start3A_92 = tpu.memref_slice %arg5[%arg0, %add3A_87, %dma_start3A_91] : memref<2x10112x64xf32, #tpu.memory_space<hbm>> -> memref<1x120x64xf32, #tpu.memory_space<hbm>>
      %dma_start3A_93 = tpu.memref_squeeze %dma_start3A_92 : memref<1x120x64xf32, #tpu.memory_space<hbm>> -> memref<120x64xf32, #tpu.memory_space<hbm>>
      %dma_start3A_94 = arith.constant 0 : i32
      %dma_start3A_95 = tpu.memref_slice %arg5[%arg0, %add3A_87, %dma_start3A_94] : memref<2x10112x64xf32, #tpu.memory_space<hbm>> -> memref<1x120x64xf32, #tpu.memory_space<hbm>>
      %dma_start3A_96 = tpu.memref_squeeze %dma_start3A_95 : memref<1x120x64xf32, #tpu.memory_space<hbm>> -> memref<120x64xf32, #tpu.memory_space<hbm>>
      %dma_start3A_97 = arith.constant 0 : i32
      %dma_start3A_98 = arith.constant 0 : i32
      %dma_start3A_99 = tpu.memref_slice %arg8[%dma_start3A_97, %dma_start3A_98] : memref<128x64xf32, #tpu.memory_space<vmem>> -> memref<120x64xf32, #tpu.memory_space<vmem>>
      tpu.enqueue_dma source(%dma_start3A_99 : memref<120x64xf32, #tpu.memory_space<vmem>>) target(%dma_start3A_96 : memref<120x64xf32, #tpu.memory_space<hbm>>) target_semaphore(%run_scoped3A : memref<!tpu.dma_semaphore, #tpu.memory_space<semaphore_mem>>)
      %dma_wait3A = arith.constant 0 : i32
      %dma_wait3A_100 = arith.constant 0 : i32
      %dma_wait3A_101 = tpu.memref_slice %arg8[%dma_wait3A, %dma_wait3A_100] : memref<128x64xf32, #tpu.memory_space<vmem>> -> memref<120x64xf32, #tpu.memory_space<vmem>>
      %dma_wait3A_102 = arith.constant 0 : i32
      %dma_wait3A_103 = tpu.memref_slice %arg5[%arg0, %add3A_87, %dma_wait3A_102] : memref<2x10112x64xf32, #tpu.memory_space<hbm>> -> memref<1x120x64xf32, #tpu.memory_space<hbm>>
      %dma_wait3A_104 = tpu.memref_squeeze %dma_wait3A_103 : memref<1x120x64xf32, #tpu.memory_space<hbm>> -> memref<120x64xf32, #tpu.memory_space<hbm>>
      %dma_wait3A_105 = arith.constant 0 : i32
      %dma_wait3A_106 = tpu.memref_slice %arg5[%arg0, %add3A_87, %dma_wait3A_105] : memref<2x10112x64xf32, #tpu.memory_space<hbm>> -> memref<1x120x64xf32, #tpu.memory_space<hbm>>
      %dma_wait3A_107 = tpu.memref_squeeze %dma_wait3A_106 : memref<1x120x64xf32, #tpu.memory_space<hbm>> -> memref<120x64xf32, #tpu.memory_space<hbm>>
      %dma_wait3A_108 = arith.constant 0 : i32
      %dma_wait3A_109 = arith.constant 0 : i32
      %dma_wait3A_110 = tpu.memref_slice %arg8[%dma_wait3A_108, %dma_wait3A_109] : memref<128x64xf32, #tpu.memory_space<vmem>> -> memref<120x64xf32, #tpu.memory_space<vmem>>
      tpu.wait_dma2 semaphore(%run_scoped3A : memref<!tpu.dma_semaphore, #tpu.memory_space<semaphore_mem>>) src(%dma_wait3A_110 : memref<120x64xf32, #tpu.memory_space<vmem>>) dst(%dma_wait3A_107 : memref<120x64xf32, #tpu.memory_space<hbm>>)
      tpu.yield
    }) : () -> ()
    return
  }
}

module attributes {stable_mosaic.version = 14 : i64} {
  func.func @_tc_prep_body(%arg0: i32, %arg1: memref<400x128xf32, #tpu.memory_space<vmem>>, %arg2: memref<2x400x16xf32, #tpu.memory_space<vmem>>, %arg3: memref<2x400x64xf32, #tpu.memory_space<vmem>>) attributes {dimension_semantics = [#tpu.dimension_semantics<arbitrary>], iteration_bounds = array<i64: 25>, scalar_prefetch = 0 : i64, scratch_operands = 0 : i64, tpu.core_type = #tpu.core_type<tc>, window_params = [{transform_indices = @transform_0, window_bounds = array<i64: 400, 128>}, {transform_indices = @transform_1, window_bounds = array<i64: 2, 400, 16>}, {transform_indices = @transform_2, window_bounds = array<i64: 2, 400, 64>}]} {
    %get3A = arith.constant 0 : index
    %get3A_0 = arith.constant 0 : index
    %get3A_1 = vector.load %arg1[%get3A, %get3A_0] : memref<400x128xf32, #tpu.memory_space<vmem>>, vector<400x128xf32>
    %get3A_2 = arith.constant 0 : index
    %get3A_3 = arith.constant 0 : index
    %get3A_4 = arith.constant 0 : index
    %get3A_5 = vector.load %arg2[%get3A_2, %get3A_3, %get3A_4] : memref<2x400x16xf32, #tpu.memory_space<vmem>>, vector<1x400x1xf32>
    %get3A_6 = vector.shape_cast %get3A_5 : vector<1x400x1xf32> to vector<400x1xf32>
    %get3A_7 = arith.constant 1 : index
    %get3A_8 = arith.constant 0 : index
    %get3A_9 = arith.constant 0 : index
    %get3A_10 = vector.load %arg2[%get3A_7, %get3A_8, %get3A_9] : memref<2x400x16xf32, #tpu.memory_space<vmem>>, vector<1x400x1xf32>
    %get3A_11 = vector.shape_cast %get3A_10 : vector<1x400x1xf32> to vector<400x1xf32>
    %add3A = arith.addf %get3A_6, %get3A_11 : vector<400x1xf32>
    %max3A = arith.constant 1.000000e+00 : f32
    %max3A_12 = vector.broadcast %max3A : f32 to vector<400x1xf32>
    %max3A_13 = arith.maximumf %add3A, %max3A_12 : vector<400x1xf32>
    %rsqrt3A = math.rsqrt %max3A_13 : vector<400x1xf32>
    %mul3A = vector.broadcast %rsqrt3A : vector<400x1xf32> to vector<400x128xf32>
    %mul3A_14 = arith.mulf %get3A_1, %mul3A : vector<400x128xf32>
    %slice3A = vector.extract_strided_slice %mul3A_14 {offsets = [0, 0], sizes = [400, 64], strides = [1, 1]} : vector<400x128xf32> to vector<400x64xf32>
    %swap3A = arith.constant 0 : index
    %swap3A_15 = arith.constant 0 : index
    %swap3A_16 = arith.constant 0 : index
    %swap3A_17 = vector.load %arg3[%swap3A, %swap3A_15, %swap3A_16] : memref<2x400x64xf32, #tpu.memory_space<vmem>>, vector<1x400x64xf32>
    %swap3A_18 = vector.shape_cast %swap3A_17 : vector<1x400x64xf32> to vector<400x64xf32>
    %swap3A_19 = vector.shape_cast %slice3A : vector<400x64xf32> to vector<1x400x64xf32>
    tpu.vector_store %arg3[%swap3A, %swap3A_15, %swap3A_16], %swap3A_19 {strides = array<i32>} : memref<2x400x64xf32, #tpu.memory_space<vmem>>, vector<1x400x64xf32>,
    %slice3A_20 = vector.extract_strided_slice %mul3A_14 {offsets = [0, 64], sizes = [400, 64], strides = [1, 1]} : vector<400x128xf32> to vector<400x64xf32>
    %swap3A_21 = arith.constant 1 : index
    %swap3A_22 = arith.constant 0 : index
    %swap3A_23 = arith.constant 0 : index
    %swap3A_24 = vector.load %arg3[%swap3A_21, %swap3A_22, %swap3A_23] : memref<2x400x64xf32, #tpu.memory_space<vmem>>, vector<1x400x64xf32>
    %swap3A_25 = vector.shape_cast %swap3A_24 : vector<1x400x64xf32> to vector<400x64xf32>
    %swap3A_26 = vector.shape_cast %slice3A_20 : vector<400x64xf32> to vector<1x400x64xf32>
    tpu.vector_store %arg3[%swap3A_21, %swap3A_22, %swap3A_23], %swap3A_26 {strides = array<i32>} : memref<2x400x64xf32, #tpu.memory_space<vmem>>, vector<1x400x64xf32>,
    return
  }
  func.func @transform_0(%arg0: i32) -> (i32, i32) {
    %c0_i32 = arith.constant 0 : i32
    %c0_i32_0 = arith.constant 0 : i32
    return %arg0, %c0_i32 : i32, i32
  }
  func.func @transform_1(%arg0: i32) -> (i32, i32, i32) {
    %c0_i32 = arith.constant 0 : i32
    %c0_i32_0 = arith.constant 0 : i32
    %c0_i32_1 = arith.constant 0 : i32
    return %c0_i32, %arg0, %c0_i32_0 : i32, i32, i32
  }
  func.func @transform_2(%arg0: i32) -> (i32, i32, i32) {
    %c0_i32 = arith.constant 0 : i32
    %c0_i32_0 = arith.constant 0 : i32
    %c0_i32_1 = arith.constant 0 : i32
    return %c0_i32, %arg0, %c0_i32_0 : i32, i32, i32
  }
}

module attributes {stable_mosaic.version = 14 : i64} {
  func.func @_tc_layer_body(%arg0: i32, %arg1: memref<2x400x64xf32, #tpu.memory_space<vmem>>, %arg2: memref<2x400x16xf32, #tpu.memory_space<vmem>>, %arg3: memref<2x400x16xf32, #tpu.memory_space<vmem>>, %arg4: memref<128x128xf32, #tpu.memory_space<vmem>>, %arg5: memref<1x128xf32, #tpu.memory_space<vmem>>, %arg6: memref<2x400x64xf32, #tpu.memory_space<vmem>>) attributes {dimension_semantics = [#tpu.dimension_semantics<arbitrary>], iteration_bounds = array<i64: 25>, scalar_prefetch = 0 : i64, scratch_operands = 0 : i64, tpu.core_type = #tpu.core_type<tc>, window_params = [{transform_indices = @transform_0, window_bounds = array<i64: 2, 400, 64>}, {transform_indices = @transform_1, window_bounds = array<i64: 2, 400, 16>}, {transform_indices = @transform_2, window_bounds = array<i64: 2, 400, 16>}, {pipeline_mode = #tpu.pipeline_mode<synchronous>, transform_indices = @transform_3, window_bounds = array<i64: 128, 128>}, {pipeline_mode = #tpu.pipeline_mode<synchronous>, transform_indices = @transform_4, window_bounds = array<i64: 1, 128>}, {transform_indices = @transform_5, window_bounds = array<i64: 2, 400, 64>}]} {
    %get3A = arith.constant 0 : index
    %get3A_0 = arith.constant 0 : index
    %get3A_1 = arith.constant 0 : index
    %get3A_2 = vector.load %arg2[%get3A, %get3A_0, %get3A_1] : memref<2x400x16xf32, #tpu.memory_space<vmem>>, vector<1x400x1xf32>
    %get3A_3 = vector.shape_cast %get3A_2 : vector<1x400x1xf32> to vector<400x1xf32>
    %get3A_4 = arith.constant 1 : index
    %get3A_5 = arith.constant 0 : index
    %get3A_6 = arith.constant 0 : index
    %get3A_7 = vector.load %arg2[%get3A_4, %get3A_5, %get3A_6] : memref<2x400x16xf32, #tpu.memory_space<vmem>>, vector<1x400x1xf32>
    %get3A_8 = vector.shape_cast %get3A_7 : vector<1x400x1xf32> to vector<400x1xf32>
    %add3A = arith.addf %get3A_3, %get3A_8 : vector<400x1xf32>
    %max3A = arith.constant 1.000000e+00 : f32
    %max3A_9 = vector.broadcast %max3A : f32 to vector<400x1xf32>
    %max3A_10 = arith.maximumf %add3A, %max3A_9 : vector<400x1xf32>
    %rsqrt3A = math.rsqrt %max3A_10 : vector<400x1xf32>
    %get3A_11 = arith.constant 0 : index
    %get3A_12 = arith.constant 0 : index
    %get3A_13 = arith.constant 0 : index
    %get3A_14 = vector.load %arg1[%get3A_11, %get3A_12, %get3A_13] : memref<2x400x64xf32, #tpu.memory_space<vmem>>, vector<1x400x64xf32>
    %get3A_15 = vector.shape_cast %get3A_14 : vector<1x400x64xf32> to vector<400x64xf32>
    %mul3A = vector.broadcast %rsqrt3A : vector<400x1xf32> to vector<400x64xf32>
    %mul3A_16 = arith.mulf %get3A_15, %mul3A : vector<400x64xf32>
    %get3A_17 = arith.constant 1 : index
    %get3A_18 = arith.constant 0 : index
    %get3A_19 = arith.constant 0 : index
    %get3A_20 = vector.load %arg1[%get3A_17, %get3A_18, %get3A_19] : memref<2x400x64xf32, #tpu.memory_space<vmem>>, vector<1x400x64xf32>
    %get3A_21 = vector.shape_cast %get3A_20 : vector<1x400x64xf32> to vector<400x64xf32>
    %mul3A_22 = vector.broadcast %rsqrt3A : vector<400x1xf32> to vector<400x64xf32>
    %mul3A_23 = arith.mulf %get3A_21, %mul3A_22 : vector<400x64xf32>
    %get3A_24 = arith.constant 0 : index
    %get3A_25 = arith.constant 0 : index
    %get3A_26 = vector.load %arg4[%get3A_24, %get3A_25] : memref<128x128xf32, #tpu.memory_space<vmem>>, vector<64x128xf32>
    %dot_general3A = arith.constant dense<0.000000e+00> : vector<400x128xf32>
    %dot_general3A_27 = tpu.matmul %mul3A_16, %get3A_26, %dot_general3A {dimension_numbers = #tpu.dot_dimension_numbers<[1], [0], [0], [1], [0, 0, 1, 1], [], []>, transpose_lhs_hint = false} : vector<400x64xf32>, vector<64x128xf32>, vector<400x128xf32> -> vector<400x128xf32>
    %get3A_28 = arith.constant 64 : index
    %get3A_29 = arith.constant 0 : index
    %get3A_30 = vector.load %arg4[%get3A_28, %get3A_29] : memref<128x128xf32, #tpu.memory_space<vmem>>, vector<64x128xf32>
    %dot_general3A_31 = arith.constant dense<0.000000e+00> : vector<400x128xf32>
    %dot_general3A_32 = tpu.matmul %mul3A_23, %get3A_30, %dot_general3A_31 {dimension_numbers = #tpu.dot_dimension_numbers<[1], [0], [0], [1], [0, 0, 1, 1], [], []>, transpose_lhs_hint = false} : vector<400x64xf32>, vector<64x128xf32>, vector<400x128xf32> -> vector<400x128xf32>
    %add3A_33 = arith.addf %dot_general3A_27, %dot_general3A_32 : vector<400x128xf32>
    %get3A_34 = arith.constant 0 : index
    %get3A_35 = arith.constant 0 : index
    %get3A_36 = vector.load %arg5[%get3A_34, %get3A_35] : memref<1x128xf32, #tpu.memory_space<vmem>>, vector<1x128xf32>
    %add3A_37 = vector.broadcast %get3A_36 : vector<1x128xf32> to vector<400x128xf32>
    %add3A_38 = arith.addf %add3A_33, %add3A_37 : vector<400x128xf32>
    %max3A_39 = arith.constant 0.000000e+00 : f32
    %max3A_40 = vector.broadcast %max3A_39 : f32 to vector<400x128xf32>
    %max3A_41 = arith.maximumf %add3A_38, %max3A_40 : vector<400x128xf32>
    %get3A_42 = arith.constant 0 : index
    %get3A_43 = arith.constant 0 : index
    %get3A_44 = arith.constant 0 : index
    %get3A_45 = vector.load %arg3[%get3A_42, %get3A_43, %get3A_44] : memref<2x400x16xf32, #tpu.memory_space<vmem>>, vector<1x400x1xf32>
    %get3A_46 = vector.shape_cast %get3A_45 : vector<1x400x1xf32> to vector<400x1xf32>
    %get3A_47 = arith.constant 1 : index
    %get3A_48 = arith.constant 0 : index
    %get3A_49 = arith.constant 0 : index
    %get3A_50 = vector.load %arg3[%get3A_47, %get3A_48, %get3A_49] : memref<2x400x16xf32, #tpu.memory_space<vmem>>, vector<1x400x1xf32>
    %get3A_51 = vector.shape_cast %get3A_50 : vector<1x400x1xf32> to vector<400x1xf32>
    %add3A_52 = arith.addf %get3A_46, %get3A_51 : vector<400x1xf32>
    %max3A_53 = arith.constant 1.000000e+00 : f32
    %max3A_54 = vector.broadcast %max3A_53 : f32 to vector<400x1xf32>
    %max3A_55 = arith.maximumf %add3A_52, %max3A_54 : vector<400x1xf32>
    %rsqrt3A_56 = math.rsqrt %max3A_55 : vector<400x1xf32>
    %mul3A_57 = vector.broadcast %rsqrt3A_56 : vector<400x1xf32> to vector<400x128xf32>
    %mul3A_58 = arith.mulf %max3A_41, %mul3A_57 : vector<400x128xf32>
    %slice3A = vector.extract_strided_slice %mul3A_58 {offsets = [0, 0], sizes = [400, 64], strides = [1, 1]} : vector<400x128xf32> to vector<400x64xf32>
    %swap3A = arith.constant 0 : index
    %swap3A_59 = arith.constant 0 : index
    %swap3A_60 = arith.constant 0 : index
    %swap3A_61 = vector.load %arg6[%swap3A, %swap3A_59, %swap3A_60] : memref<2x400x64xf32, #tpu.memory_space<vmem>>, vector<1x400x64xf32>
    %swap3A_62 = vector.shape_cast %swap3A_61 : vector<1x400x64xf32> to vector<400x64xf32>
    %swap3A_63 = vector.shape_cast %slice3A : vector<400x64xf32> to vector<1x400x64xf32>
    tpu.vector_store %arg6[%swap3A, %swap3A_59, %swap3A_60], %swap3A_63 {strides = array<i32>} : memref<2x400x64xf32, #tpu.memory_space<vmem>>, vector<1x400x64xf32>,
    %slice3A_64 = vector.extract_strided_slice %mul3A_58 {offsets = [0, 64], sizes = [400, 64], strides = [1, 1]} : vector<400x128xf32> to vector<400x64xf32>
    %swap3A_65 = arith.constant 1 : index
    %swap3A_66 = arith.constant 0 : index
    %swap3A_67 = arith.constant 0 : index
    %swap3A_68 = vector.load %arg6[%swap3A_65, %swap3A_66, %swap3A_67] : memref<2x400x64xf32, #tpu.memory_space<vmem>>, vector<1x400x64xf32>
    %swap3A_69 = vector.shape_cast %swap3A_68 : vector<1x400x64xf32> to vector<400x64xf32>
    %swap3A_70 = vector.shape_cast %slice3A_64 : vector<400x64xf32> to vector<1x400x64xf32>
    tpu.vector_store %arg6[%swap3A_65, %swap3A_66, %swap3A_67], %swap3A_70 {strides = array<i32>} : memref<2x400x64xf32, #tpu.memory_space<vmem>>, vector<1x400x64xf32>,
    return
  }
  func.func @transform_0(%arg0: i32) -> (i32, i32, i32) {
    %c0_i32 = arith.constant 0 : i32
    %c0_i32_0 = arith.constant 0 : i32
    %c0_i32_1 = arith.constant 0 : i32
    return %c0_i32, %arg0, %c0_i32_0 : i32, i32, i32
  }
  func.func @transform_1(%arg0: i32) -> (i32, i32, i32) {
    %c0_i32 = arith.constant 0 : i32
    %c0_i32_0 = arith.constant 0 : i32
    %c0_i32_1 = arith.constant 0 : i32
    return %c0_i32, %arg0, %c0_i32_0 : i32, i32, i32
  }
  func.func @transform_2(%arg0: i32) -> (i32, i32, i32) {
    %c0_i32 = arith.constant 0 : i32
    %c0_i32_0 = arith.constant 0 : i32
    %c0_i32_1 = arith.constant 0 : i32
    return %c0_i32, %arg0, %c0_i32_0 : i32, i32, i32
  }
  func.func @transform_3(%arg0: i32) -> (i32, i32) {
    %c0_i32 = arith.constant 0 : i32
    %c0_i32_0 = arith.constant 0 : i32
    %c0_i32_1 = arith.constant 0 : i32
    return %c0_i32, %c0_i32_0 : i32, i32
  }
  func.func @transform_4(%arg0: i32) -> (i32, i32) {
    %c0_i32 = arith.constant 0 : i32
    %c0_i32_0 = arith.constant 0 : i32
    %c0_i32_1 = arith.constant 0 : i32
    return %c0_i32, %c0_i32_0 : i32, i32
  }
  func.func @transform_5(%arg0: i32) -> (i32, i32, i32) {
    %c0_i32 = arith.constant 0 : i32
    %c0_i32_0 = arith.constant 0 : i32
    %c0_i32_1 = arith.constant 0 : i32
    return %c0_i32, %arg0, %c0_i32_0 : i32, i32, i32
  }
}

module attributes {stable_mosaic.version = 14 : i64} {
  func.func @_tc_layer_body(%arg0: i32, %arg1: memref<2x400x64xf32, #tpu.memory_space<vmem>>, %arg2: memref<2x400x16xf32, #tpu.memory_space<vmem>>, %arg3: memref<2x400x16xf32, #tpu.memory_space<vmem>>, %arg4: memref<128x128xf32, #tpu.memory_space<vmem>>, %arg5: memref<1x128xf32, #tpu.memory_space<vmem>>, %arg6: memref<400x128xf32, #tpu.memory_space<vmem>>) attributes {dimension_semantics = [#tpu.dimension_semantics<arbitrary>], iteration_bounds = array<i64: 25>, scalar_prefetch = 0 : i64, scratch_operands = 0 : i64, tpu.core_type = #tpu.core_type<tc>, window_params = [{transform_indices = @transform_0, window_bounds = array<i64: 2, 400, 64>}, {transform_indices = @transform_1, window_bounds = array<i64: 2, 400, 16>}, {transform_indices = @transform_2, window_bounds = array<i64: 2, 400, 16>}, {pipeline_mode = #tpu.pipeline_mode<synchronous>, transform_indices = @transform_3, window_bounds = array<i64: 128, 128>}, {pipeline_mode = #tpu.pipeline_mode<synchronous>, transform_indices = @transform_4, window_bounds = array<i64: 1, 128>}, {transform_indices = @transform_5, window_bounds = array<i64: 400, 128>}]} {
    %get3A = arith.constant 0 : index
    %get3A_0 = arith.constant 0 : index
    %get3A_1 = arith.constant 0 : index
    %get3A_2 = vector.load %arg2[%get3A, %get3A_0, %get3A_1] : memref<2x400x16xf32, #tpu.memory_space<vmem>>, vector<1x400x1xf32>
    %get3A_3 = vector.shape_cast %get3A_2 : vector<1x400x1xf32> to vector<400x1xf32>
    %get3A_4 = arith.constant 1 : index
    %get3A_5 = arith.constant 0 : index
    %get3A_6 = arith.constant 0 : index
    %get3A_7 = vector.load %arg2[%get3A_4, %get3A_5, %get3A_6] : memref<2x400x16xf32, #tpu.memory_space<vmem>>, vector<1x400x1xf32>
    %get3A_8 = vector.shape_cast %get3A_7 : vector<1x400x1xf32> to vector<400x1xf32>
    %add3A = arith.addf %get3A_3, %get3A_8 : vector<400x1xf32>
    %max3A = arith.constant 1.000000e+00 : f32
    %max3A_9 = vector.broadcast %max3A : f32 to vector<400x1xf32>
    %max3A_10 = arith.maximumf %add3A, %max3A_9 : vector<400x1xf32>
    %rsqrt3A = math.rsqrt %max3A_10 : vector<400x1xf32>
    %get3A_11 = arith.constant 0 : index
    %get3A_12 = arith.constant 0 : index
    %get3A_13 = arith.constant 0 : index
    %get3A_14 = vector.load %arg1[%get3A_11, %get3A_12, %get3A_13] : memref<2x400x64xf32, #tpu.memory_space<vmem>>, vector<1x400x64xf32>
    %get3A_15 = vector.shape_cast %get3A_14 : vector<1x400x64xf32> to vector<400x64xf32>
    %mul3A = vector.broadcast %rsqrt3A : vector<400x1xf32> to vector<400x64xf32>
    %mul3A_16 = arith.mulf %get3A_15, %mul3A : vector<400x64xf32>
    %get3A_17 = arith.constant 1 : index
    %get3A_18 = arith.constant 0 : index
    %get3A_19 = arith.constant 0 : index
    %get3A_20 = vector.load %arg1[%get3A_17, %get3A_18, %get3A_19] : memref<2x400x64xf32, #tpu.memory_space<vmem>>, vector<1x400x64xf32>
    %get3A_21 = vector.shape_cast %get3A_20 : vector<1x400x64xf32> to vector<400x64xf32>
    %mul3A_22 = vector.broadcast %rsqrt3A : vector<400x1xf32> to vector<400x64xf32>
    %mul3A_23 = arith.mulf %get3A_21, %mul3A_22 : vector<400x64xf32>
    %get3A_24 = arith.constant 0 : index
    %get3A_25 = arith.constant 0 : index
    %get3A_26 = vector.load %arg4[%get3A_24, %get3A_25] : memref<128x128xf32, #tpu.memory_space<vmem>>, vector<64x128xf32>
    %dot_general3A = arith.constant dense<0.000000e+00> : vector<400x128xf32>
    %dot_general3A_27 = tpu.matmul %mul3A_16, %get3A_26, %dot_general3A {dimension_numbers = #tpu.dot_dimension_numbers<[1], [0], [0], [1], [0, 0, 1, 1], [], []>, transpose_lhs_hint = false} : vector<400x64xf32>, vector<64x128xf32>, vector<400x128xf32> -> vector<400x128xf32>
    %get3A_28 = arith.constant 64 : index
    %get3A_29 = arith.constant 0 : index
    %get3A_30 = vector.load %arg4[%get3A_28, %get3A_29] : memref<128x128xf32, #tpu.memory_space<vmem>>, vector<64x128xf32>
    %dot_general3A_31 = arith.constant dense<0.000000e+00> : vector<400x128xf32>
    %dot_general3A_32 = tpu.matmul %mul3A_23, %get3A_30, %dot_general3A_31 {dimension_numbers = #tpu.dot_dimension_numbers<[1], [0], [0], [1], [0, 0, 1, 1], [], []>, transpose_lhs_hint = false} : vector<400x64xf32>, vector<64x128xf32>, vector<400x128xf32> -> vector<400x128xf32>
    %add3A_33 = arith.addf %dot_general3A_27, %dot_general3A_32 : vector<400x128xf32>
    %get3A_34 = arith.constant 0 : index
    %get3A_35 = arith.constant 0 : index
    %get3A_36 = vector.load %arg5[%get3A_34, %get3A_35] : memref<1x128xf32, #tpu.memory_space<vmem>>, vector<1x128xf32>
    %add3A_37 = vector.broadcast %get3A_36 : vector<1x128xf32> to vector<400x128xf32>
    %add3A_38 = arith.addf %add3A_33, %add3A_37 : vector<400x128xf32>
    %swap3A = arith.constant 0 : index
    %swap3A_39 = arith.constant 0 : index
    %swap3A_40 = vector.load %arg6[%swap3A, %swap3A_39] : memref<400x128xf32, #tpu.memory_space<vmem>>, vector<400x128xf32>
    tpu.vector_store %arg6[%swap3A, %swap3A_39], %add3A_38 {strides = array<i32>} : memref<400x128xf32, #tpu.memory_space<vmem>>, vector<400x128xf32>,
    return
  }
  func.func @transform_0(%arg0: i32) -> (i32, i32, i32) {
    %c0_i32 = arith.constant 0 : i32
    %c0_i32_0 = arith.constant 0 : i32
    %c0_i32_1 = arith.constant 0 : i32
    return %c0_i32, %arg0, %c0_i32_0 : i32, i32, i32
  }
  func.func @transform_1(%arg0: i32) -> (i32, i32, i32) {
    %c0_i32 = arith.constant 0 : i32
    %c0_i32_0 = arith.constant 0 : i32
    %c0_i32_1 = arith.constant 0 : i32
    return %c0_i32, %arg0, %c0_i32_0 : i32, i32, i32
  }
  func.func @transform_2(%arg0: i32) -> (i32, i32, i32) {
    %c0_i32 = arith.constant 0 : i32
    %c0_i32_0 = arith.constant 0 : i32
    %c0_i32_1 = arith.constant 0 : i32
    return %c0_i32, %arg0, %c0_i32_0 : i32, i32, i32
  }
  func.func @transform_3(%arg0: i32) -> (i32, i32) {
    %c0_i32 = arith.constant 0 : i32
    %c0_i32_0 = arith.constant 0 : i32
    %c0_i32_1 = arith.constant 0 : i32
    return %c0_i32, %c0_i32_0 : i32, i32
  }
  func.func @transform_4(%arg0: i32) -> (i32, i32) {
    %c0_i32 = arith.constant 0 : i32
    %c0_i32_0 = arith.constant 0 : i32
    %c0_i32_1 = arith.constant 0 : i32
    return %c0_i32, %c0_i32_0 : i32, i32
  }
  func.func @transform_5(%arg0: i32) -> (i32, i32) {
    %c0_i32 = arith.constant 0 : i32
    %c0_i32_0 = arith.constant 0 : i32
    return %arg0, %c0_i32 : i32, i32
  }
}

</mosaic_0001>

<sc_bundles>
// kernel: kernel.10.cloned.1.call-start
scs
__scs_entry_jumppad:
0x0: {  	(pc) =	sbr.rel $0x88, $3  }
0x1: {  	(tag) =	ssettag $0x0;
	lr =	simm.s32 $0x1  }
0x2: {  	[smem:$0x3F99] =	sst lr;
	_ =	strace $0xD0000000  }
0x3: {  	_ = 	snop  }
0x4: {  	_ = 	snop  }
0x5: {  	_ = 	snop  }
0x6: {  	_ = 	snop  }
0x7: {  	_ = 	snop  }
__scs_overlays_trampoline_lowered:
0x8: {  	[smem:$0x3FA8] =	sst s0  }
0x9: {  	[smem:$0x3FA9] =	sst s1  }
0xa: {  	[smem:$0x3FAA] =	sst s2  }
0xb: {  	[smem:$0x3FAB] =	sst s3  }
0xc: {  	[smem:$0x3FAC] =	sst s4  }
0xd: {  	[smem:$0x3FAD] =	sst s5  }
0xe: {  	[smem:$0x3FAE] =	sst s6  }
0xf: {  	[smem:$0x3FAF] =	sst s7  }
0x10: {  	[smem:$0x3FB0] =	sst s8  }
0x11: {  	[smem:$0x3FB1] =	sst s9;
	s0 =	simm.s32 @!p0 $0x0  }
0x12: {  	s1 =	sld [smem:$0x3F97];
	s0 =	simm.s32 @p0 $0x1  }
0x13: {  	[smem:$0x3FB2] =	sst s0;
	s0 =	simm.s32 @!p1 $0x0  }
0x14: {  	s2 =	sld [smem:$0x3F96];
	s0 =	simm.s32 @p1 $0x1  }
0x15: {  	[smem:$0x3FB3] =	sst s0;
	s0 =	simm.s32 @!p2 $0x0  }
0x16: {  	s3 =	sld [smem:$0x3FDB];
	s0 =	simm.s32 @p2 $0x1  }
0x17: {  	s4 =	simm.s32 $0x1BF5;
	[smem:$0x3FB5] =	sst s0  }
0x18: {  	s0 =	sld [smem:$0x3F98];
	_ =	swait.ge [sflag:s4], $0x0  }
0x19: {  	s7 =	sld [smem:$0x3F99]  }
0x1a: {  	s8 =	sadd.s32 $0xFFFFE003, lr  }
0x1b: {  	s9 =	sadd.s32 $0xFFFFFEF7, lr;
	s5 =	simm.s32 $0xFFFFFFFF;
	p2 =	slt.u32 s8, $0xFFFFF086  }
0x1c: {  	p1 =	slt.u32 s9, $0xF7A;
	s5 =	simm.s32 @!p2 $0x0  }
0x1d: {  	s5 =	simm.s32 @p1 $0x1;
	p0 =	seq.s32 s7, s2  }
0x1e: {  	s7 =	smul.u32 @!p0 $0xF7A, s2;
	p2 =	seq.s32 @!p0 s5, $0x0  }
0x1f: {  	s9 =	smul.u32 $0xF7A, s1;
	s8 =	simm.s32 @!p0 $0x1BF5;
	p2 =	por !p2, p0  }
0x20: {  	[sflag:s8] =	ssyncset.s32 @!p0 $0xFFFFF086;
	s6 =	sadd.s32 @!p0 s3, s7;
	s7 =	simm.s32 @!p0 $0x108  }
0x21: {  	s3 =	sadd.s32 s3, s9;
	s6 =	sadd.s32 @!p0 $0x88, s6;
	s7 =	simm.s32 @p2 $0x1082  }
0x22: {  	[simem:s7], [sflag:s8] =	dma.local @!p0 [hbm:s6], $0xF7A  }
0x23: {  	s9 =	sor.u32 $0xD0000000, s2;
	s6 =	simm.s32 $0x108;
	_ =	swait.ge @!p0 [sflag:s8], $0x0  }
0x24: {  	s3 =	sadd.s32 $0x88, s3;
	s6 =	simm.s32 @!p1 $0x1082;
	[sflag:s4] =	ssyncset.s32 $0xFFFFF086  }
0x25: {  	[simem:s6], [sflag:s4] =	dma.local [hbm:s3], $0xF7A  }
0x26: {  	[smem:$0x3F99] =	sst s1;
	(tag) =	ssettag s2;
	_ =	strace s9  }
0x27: {  	s1 =	sld [smem:$0x3FA9]  }
0x28: {  	s2 =	sld [smem:$0x3FAA]  }
0x29: {  	s4 =	sld [smem:$0x3FAC]  }
0x2a: {  	p0 =	seq.s32 s5, $0x0;
	s5 =	sld [smem:$0x3FAD]  }
0x2b: {  	s6 =	sld [smem:$0x3FAE]  }
0x2c: {  	s7 =	sld [smem:$0x3FAF]  }
0x2d: {  	s3 =	simm.s32 $0x108;
	s8 =	sld [smem:$0x3FB0]  }
0x2e: {  	s3 =	simm.s32 @!p0 $0x1082;
	s9 =	sld [smem:$0x3FB1]  }
0x2f: {  	lr =	sadd.s32 s0, s3;
	s0 =	sld [smem:$0x3FA8]  }
0x30: {  	s3 =	sld [smem:$0x3FAB]  }
0x31: {  	[smem:$0x3FB4] =	sst s10  }
0x32: {  	s10 =	sld [smem:$0x3FB2];
	_ =	sdelay $0x3  }
0x33: {  	p0 =	seq.s32 s10, $0x1;
	s10 =	sld [smem:$0x3FB4];
	_ =	sdelay $0x3  }
0x34: {  	[smem:$0x3FB4] =	sst s10  }
0x35: {  	s10 =	sld [smem:$0x3FB3];
	_ =	sdelay $0x3  }
0x36: {  	p1 =	seq.s32 s10, $0x1;
	s10 =	sld [smem:$0x3FB4];
	_ =	sdelay $0x3  }
0x37: {  	[smem:$0x3FB4] =	sst s10  }
0x38: {  	s10 =	sld [smem:$0x3FB5]  }
0x39: {  	_ = 	snop;
	(pc) =	sbr.ind lr, $3  }
0x3a: {  	_ = 	snop  }
0x3b: {  	_ = 	snop  }
0x3c: {  	p2 =	seq.s32 s10, $0x1;
	s10 =	sld [smem:$0x3FB4]  }
0x3d: {  	_ =	shalt  }
0x3e: {  	_ =	shalt  }
0x3f: {  	_ =	shalt  }
0x40: {  	_ =	shalt  }
0x41: {  	_ =	shalt  }
0x42: {  	_ =	shalt  }
0x43: {  	_ =	shalt  }
0x44: {  	_ =	shalt  }
0x45: {  	_ =	shalt  }
0x46: {  	_ =	shalt  }
0x47: {  	_ =	shalt  }
0x48: {  	_ =	shalt  }
0x49: {  	_ =	shalt  }
0x4a: {  	_ =	shalt  }
0x4b: {  	_ =	shalt  }
0x4c: {  	_ =	shalt  }
0x4d: {  	_ =	shalt  }
0x4e: {  	_ =	shalt  }
0x4f: {  	_ =	shalt  }
0x50: {  	_ =	shalt  }
0x51: {  	_ =	shalt  }
0x52: {  	_ =	shalt  }
0x53: {  	_ =	shalt  }
0x54: {  	_ =	shalt  }
0x55: {  	_ =	shalt  }
0x56: {  	_ =	shalt  }
0x57: {  	_ =	shalt  }
0x58: {  	_ =	shalt  }
0x59: {  	_ =	shalt  }
0x5a: {  	_ =	shalt  }
0x5b: {  	_ =	shalt  }
0x5c: {  	_ =	shalt  }
0x5d: {  	_ =	shalt  }
0x5e: {  	_ =	shalt  }
0x5f: {  	_ =	shalt  }
0x60: {  	_ =	shalt  }
0x61: {  	_ =	shalt  }
0x62: {  	_ =	shalt  }
0x63: {  	_ =	shalt  }
0x64: {  	_ =	shalt  }
0x65: {  	_ =	shalt  }
0x66: {  	_ =	shalt  }
0x67: {  	_ =	shalt  }
0x68: {  	_ =	shalt  }
0x69: {  	_ =	shalt  }
0x6a: {  	_ =	shalt  }
0x6b: {  	_ =	shalt  }
0x6c: {  	_ =	shalt  }
0x6d: {  	_ =	shalt  }
0x6e: {  	_ =	shalt  }
0x6f: {  	_ =	shalt  }
0x70: {  	_ =	shalt  }
0x71: {  	_ =	shalt  }
0x72: {  	_ =	shalt  }
0x73: {  	_ =	shalt  }
0x74: {  	_ =	shalt  }
0x75: {  	_ =	shalt  }
0x76: {  	_ =	shalt  }
0x77: {  	_ =	shalt  }
0x78: {  	_ =	shalt  }
0x79: {  	_ =	shalt  }
0x7a: {  	_ =	shalt  }
0x7b: {  	_ =	shalt  }
0x7c: {  	_ =	shalt  }
0x7d: {  	_ =	shalt  }
0x7e: {  	_ =	shalt  }
0x7f: {  	_ =	shalt  }
0x80: {  	_ =	shalt  }
0x81: {  	_ =	shalt  }
0x82: {  	_ =	shalt  }
0x83: {  	_ =	shalt  }
0x84: {  	_ =	shalt  }
0x85: {  	_ =	shalt  }
0x86: {  	_ =	shalt  }
0x87: {  	_ =	shalt  }
.Lfunc_end0:
.L_simem_size_0:
called_computation_lowered:
.L_overlay_start_0:
0x88: {  	s2 =	sld [smem:$0x3FD9]  }
0x89: {  	s3 =	sld [smem:$0x3FFE];
	_ =	sdelay $0x1  }
0x8a: {  	s1 =	srdreg.scid  }
0x8b: {  	s0 =	sand.u32 $0x1, s1  }
0x8c: {  	s17 =	sshll.u32 s0, $0xA;
	s2 =	sadd.s32 s3, s2  }
0x8d: {  	s2 =	sadd.s32 s2, s17  }
0x8e: {  	[smem:$0x3FC0] =	sst s2  }
0x8f: {  	_ = 	snop  }
0x90: {  	s2 =	sld [smem:$0x3FD0];
	(tm) =	ssettm $0x1  }
0x91: {  	s18 =	sld [smem:$0x3FFB];
	_ =	sdelay $0x3  }
0x92: {  	_ =	strace s18  }
0x93: {  	s3 =	sld [smem:$0x3FFC];
	_ =	sdelay $0x3  }
0x94: {  	_ =	strace s3  }
0x95: {  	s3 =	sld [smem:$0x3FFD];
	_ =	sdelay $0x3  }
0x96: {  	_ =	strace s3  }
0x97: {  	_ =	strace $0x8FFFFFFF  }
0x98: {  	s19 =	sld [smem:$0x3FDB];
	_ =	sdelay $0x1  }
0x99: {  	s4 =	simm.s32 $_scs_section_size  }
0x9a: {  	s5 =	simm.s32 $_size__tile_overlayer_lowered;
	s6 =	simm.s32 $_tile_overlayer_lowered  }
0x9b: {  	s22 =	simm.s32 $0x1BFF;
	s21 =	sshll.u32 s6, $0x1;
	s3 =	sadd.s32 s4, s19  }
0x9c: {  	s7 =	simm.s32 $0x0;
	s20 =	sshll.u32 s5, $0x1;
	s5 =	sadd.s32 s21, s3  }
0x9d: {  	[timem:s7], [sflag:s22] =	dma.local [hbm:s5], s20  }
0x9e: {  	_ =	swait.ge [sflag:s22], s20  }
0x9f: {  	s4 =	ssub.s32 $0x0, s20;
	[sflag:s22] =	ssyncset.done $0x0  }
0xa0: {  	[sflag:s22] =	ssyncadd.s32 s4;
	_ =	sdelay $0x1  }
0xa1: {  	s23 =	simm.s32 $0x1B8B  }
0xa2: {  	_ =	swait.ge [sflag:s23], $0x1  }
0xa3: {  	[sflag:s23] =	ssyncset.done $0x0  }
0xa4: {  	s25 =	simm.s32 $0x1B8E;
	s24 =	sld [smem:$0x3FFE];
	[sflag:s23] =	ssyncadd.s32 $0xFFFFFFFF  }
0xa5: {  	s26 =	simm.s32 $execute0_lowered;
	[smem:$0x3FD2] =	sst s25  }
0xa6: {  	s5 =	sshll.u32 s26, $0x1;
	_ =	strace $0x80000046;
	[dreg:$0x1] =	wrdreg $0xFFFFFFFF  }
0xa7: {  	s28 =	simm.s32 $_size_execute0_lowered;
	s3 =	sadd.s32 s3, s5;
	[dreg:$0x0] =	wrdreg $0x0  }
0xa8: {  	s5 =	sshll.u32 s28, $0x1;
	[dreg:$0x2] =	wrdreg s3  }
0xa9: {  	[dreg:$0x3] =	wrdreg s5  }
0xaa: {  	[dreg:$0x4] =	wrdreg $0xC0  }
0xab: {  	_ =	task [dreg:s7], $0x5FFFF  }
0xac: {  	[dreg:$0x1] =	wrdreg $0xFFFFFFFF  }
0xad: {  	[dreg:$0x0] =	wrdreg $0x60  }
0xae: {  	[dreg:$0x2] =	wrdreg s2  }
0xaf: {  	[dreg:$0x3] =	wrdreg s24  }
0xb0: {  	[dreg:$0x4] =	wrdreg $0x60000  }
0xb1: {  	[dreg:$0x5] =	wrdreg $0x87800  }
0xb2: {  	[dreg:$0x6] =	wrdreg $0x9  }
0xb3: {  	_ =	task.clear_ibuf [dreg:s7], $0x7FFFF;
	_ =	strace $0x90000046  }
0xb4: {  	s29 =	simm.s32 $0x9;
	_ =	strace $0x80000048  }
0xb5: {  	_ =	swait.ge [sflag:s29], $0x1  }
0xb6: {  	[sflag:s29] =	ssyncadd.s32 $0xFFFFFFFF  }
0xb7: {  	_ =	strace $0x90000048  }
0xb8: {  	_ =	sfence  }
0xb9: {  	s30 =	sld [smem:$0x0];
	_ =	sdelay $0x2  }
0xba: {  	s31 =	sshll.u32 s1, $0xD;
	s1 =	sshrl.u32 s1, $0x2  }
0xbb: {  	s3 =	sand.u32 $0x4000, s31;
	s1 =	sadd.s32 s1, s30  }
0xbc: {  	s0 =	sor.u32 s3, s0;
	s1 =	sshll.u32 s1, $0x11  }
0xbd: {  	s0 =	sor.u32 s1, s0  }
0xbe: {  	s0 =	sadd.s32 $0x8F2B, s0  }
0xbf: {  	[sflag:s0] =	ssyncadd.remote.s32 $0x1  }
0xc0: {  	_ =	sfence.sel $0xFFFF  }
0xc1: {  	[dreg:$0x0] =	wrdreg $0xFFFFFFFF;
	(pc) =	sbr.abs _section_cstart, $3  }
0xc2: {  	[dreg:$0x1] =	wrdreg $0xFFFFFFFF  }
0xc3: {  	_ =	task.clear_ibuf [dreg:s7], $0x2FFFF;
	_ =	strace $0x9FFFFFFF  }
0xc4: {  	(tm) =	ssettm $0x7FFFFFFF  }
0xc5: {  	_ =	shalt  }
tec
execute0_lowered:
.L_overlay_start_1:
0x0: {  	(tag) =	ssettag $0x1  }
0x1: {  	s0 =	rddreg [dreg:$0x0]  }
0x2: {  	s1 =	rddreg [dreg:$0x1]  }
0x3: {  	s2 =	rddreg [dreg:$0x2];
	s4 =	srdreg.scid  }
0x4: {  	s6 =	stileid.u32;
	s3 =	rddreg [dreg:$0x3];
	s29 =	simm.s32 $0x5800  }
0x5: {  	s30 =	simm.s32 $0x1;
	s31 =	simm.s32 $0x0;
	s8 =	sand.u32 $0x1, s4  }
0x6: {  	s5 =	sshll.u32 s6, $0x1;
	s4 =	simm.s32 $0x0;
	s11 =	smul.u32 $0x2780, s6  }
0x7: {  	s14 =	sadd.s32 $0x17000, s1;
	s5 =	sor.u32 s8, s5;
	[smem:$0x7FF] =	sst s4  }
0x8: {  	s13 =	ssub.s32 $0x2, s8;
	s9 =	smul.u32 $0x500, s5;
	_ =	strace $0x80000047  }
0x9: {  	s15 =	sshrl.u32 s13, $0x1;
	s5 =	sadd.s32 s11, s2;
	s12 =	sadd.s32 $0x800, s11  }
0xa: {  	s6 =	sadd.s32 s11, s3;
	s21 =	sadd.s32 $0x1000, s11;
	s23 =	sadd.s32 $0x1800, s11  }
0xb: {  	s25 =	sadd.s32 $0x2000, s11;
	s28 =	ssub.s32 s13, s15;
	s7 =	sadd.s32 s12, s2  }
0xc: {  	s13 =	smul.u32 $0x27800, s8;
	s8 =	sadd.s32 s12, s3;
	s10 =	sadd.s32 s9, s1  }
0xd: {  	s1 =	sadd.s32 $0x20E00, s1;
	s0 =	sadd.s32 s0, s9;
	s28 =	smax.u32 s28, $0x1  }
0xe: {  	s11 =	sadd.s32 s11, s13;
	s12 =	sadd.s32 s13, s12;
	[dreg:$0x5] =	wrdreg s0  }
0xf: {  	s24 =	sadd.s32 s13, s21;
	s15 =	sadd.s32 s13, s23;
	s13 =	sadd.s32 s13, s25  }
0x10: {  	s0 =	simm.s32 $0x5000;
	s16 =	sshrl.u32 s11, $0x3;
	s20 =	sshrl.u32 s12, $0x3  }
0x11: {  	s17 =	sshrl.u32 s24, $0x3;
	s18 =	sshrl.u32 s15, $0x3;
	s19 =	sshrl.u32 s13, $0x3  }
0x12: {  	s24 =	sadd.s32 s25, s2;
	s25 =	sadd.s32 s25, s3;
	s11 =	sadd.s32 s14, s16  }
0x13: {  	s22 =	sadd.s32 s14, s20;
	s26 =	sadd.s32 s14, s17;
	s13 =	sadd.s32 s14, s18  }
0x14: {  	s14 =	sadd.s32 s14, s19;
	s15 =	sadd.s32 s1, s16;
	s16 =	sadd.s32 s1, s20  }
0x15: {  	s17 =	sadd.s32 s1, s17;
	s18 =	sadd.s32 s1, s18;
	[dreg:$0x6] =	wrdreg s11  }
0x16: {  	s19 =	sadd.s32 s1, s19;
	s20 =	sadd.s32 s21, s2;
	[dreg:$0x7] =	wrdreg s22  }
0x17: {  	s21 =	sadd.s32 s21, s3;
	s1 =	simm.s32 $0x80;
	[dreg:$0x8] =	wrdreg s26  }
0x18: {  	v0 =	vimm.f32 $1.000000000e+00;
	v1 =	vimm.f32 $0.0e+00;
	s22 =	sadd.s32 s23, s2;
	s23 =	sadd.s32 s23, s3;
	s26 =	sadd.s32 $0xD000, s10  }
.LBB2_1:
0x19: {  	s9 =	simm.s32 $0x0  }
.LBB2_2:
0x1a: {  	p0 =	sne.s32 s9, $0x1FC0  }
.Ltmp0:
0x1b: {  	_ = 	snop;
	(pc) =	sbr.rel @p0 .LBB2_2-.Ltmp0, $3  }
0x1c: {  	_ =	sdelay $0x1  }
0x1d: {  	s10 =	sshra.s32 s9, $0x2  }
0x1e: {  	s9 =	sadd.s32 $0x40, s9;
	[tilespmem:s10+$0x5000] =	vst v0  }
0x1f: {  	s9 =	simm.s32 $0x40;
	s10 =	simm.s32 $0x0  }
.LBB2_4:
0x20: {  	p0 =	sne.s32 s9, $0x1FC0;
	[tilespmem:s10+$0x5800] =	vst v1;
	s10 =	smov.u32 s9;
	s9 =	sadd.s32 $0x40, s9  }
.Ltmp1:
0x21: {  	(pc) =	sbr.rel @p0 .LBB2_4-.Ltmp1, $2  }
0x22: {  	_ =	sdelay $0x2  }
0x23: {  	s10 =	sshra.s32 s10, $0x2  }
0x24: {  	[tilespmem:s10+$0x5800] =	vst v1  }
0x25: {  	[spmem:s5] =	stream.linear.scatter [tilespmem:s29], [sflag:$0x1], $0x800, $0x38;
	[tilespmem:$0xAF00] =	vst v63  }
0x26: {  	_ =	swait.ge [sflag:s30], $0x800  }
0x27: {  	[sflag:s30] =	ssyncset.done $0x0  }
0x28: {  	[sflag:s30] =	ssyncadd.s32 $0xFFFFF800  }
0x29: {  	[spmem:s6] =	stream.linear.scatter [tilespmem:s29], [sflag:$0x1], $0x800, $0x38;
	[tilespmem:$0xAF00] =	vst v63  }
0x2a: {  	_ =	swait.ge [sflag:s30], $0x800  }
0x2b: {  	[sflag:s30] =	ssyncset.done $0x0  }
0x2c: {  	[sflag:s30] =	ssyncadd.s32 $0xFFFFF800  }
0x2d: {  	[spmem:s7] =	stream.linear.scatter [tilespmem:s29], [sflag:$0x1], $0x800, $0x38;
	[tilespmem:$0xAF00] =	vst v63  }
0x2e: {  	_ =	swait.ge [sflag:s30], $0x800  }
0x2f: {  	[sflag:s30] =	ssyncset.done $0x0  }
0x30: {  	[sflag:s30] =	ssyncadd.s32 $0xFFFFF800  }
0x31: {  	[spmem:s8] =	stream.linear.scatter [tilespmem:s29], [sflag:$0x1], $0x800, $0x38;
	[tilespmem:$0xAF00] =	vst v63  }
0x32: {  	_ =	swait.ge [sflag:s30], $0x800  }
0x33: {  	[sflag:s30] =	ssyncset.done $0x0  }
0x34: {  	[sflag:s30] =	ssyncadd.s32 $0xFFFFF800  }
0x35: {  	[spmem:s20] =	stream.linear.scatter [tilespmem:s29], [sflag:$0x1], $0x800, $0x38;
	[tilespmem:$0xAF00] =	vst v63  }
0x36: {  	_ =	swait.ge [sflag:s30], $0x800  }
0x37: {  	[sflag:s30] =	ssyncset.done $0x0  }
0x38: {  	[sflag:s30] =	ssyncadd.s32 $0xFFFFF800  }
0x39: {  	[spmem:s21] =	stream.linear.scatter [tilespmem:s29], [sflag:$0x1], $0x800, $0x38;
	[tilespmem:$0xAF00] =	vst v63  }
0x3a: {  	_ =	swait.ge [sflag:s30], $0x800  }
0x3b: {  	[sflag:s30] =	ssyncset.done $0x0  }
0x3c: {  	[sflag:s30] =	ssyncadd.s32 $0xFFFFF800  }
0x3d: {  	[spmem:s22] =	stream.linear.scatter [tilespmem:s29], [sflag:$0x1], $0x800, $0x38;
	[tilespmem:$0xAF00] =	vst v63  }
0x3e: {  	_ =	swait.ge [sflag:s30], $0x800  }
0x3f: {  	[sflag:s30] =	ssyncset.done $0x0  }
0x40: {  	[sflag:s30] =	ssyncadd.s32 $0xFFFFF800  }
0x41: {  	[spmem:s23] =	stream.linear.scatter [tilespmem:s29], [sflag:$0x1], $0x800, $0x38;
	[tilespmem:$0xAF00] =	vst v63  }
0x42: {  	_ =	swait.ge [sflag:s30], $0x800  }
0x43: {  	[sflag:s30] =	ssyncset.done $0x0  }
0x44: {  	[sflag:s30] =	ssyncadd.s32 $0xFFFFF800  }
0x45: {  	[spmem:s24] =	stream.linear.scatter [tilespmem:s29], [sflag:$0x1], $0x780, $0x38;
	[tilespmem:$0xAF00] =	vst v63  }
0x46: {  	_ =	swait.ge [sflag:s30], $0x780  }
0x47: {  	[sflag:s30] =	ssyncset.done $0x0  }
0x48: {  	[sflag:s30] =	ssyncadd.s32 $0xFFFFF880  }
0x49: {  	[spmem:s25] =	stream.linear.scatter [tilespmem:s29], [sflag:$0x1], $0x780, $0x38;
	[tilespmem:$0xAF00] =	vst v63  }
0x4a: {  	_ =	swait.ge [sflag:s30], $0x780  }
0x4b: {  	[sflag:s30] =	ssyncset.done $0x0  }
0x4c: {  	[sflag:s30] =	ssyncadd.s32 $0xFFFFF880  }
0x4d: {  	[bflag:$0x0] =	sbarrier.arrive $0xFFFF  }
0x4e: {  	s9 =	simm.s32 $0x0;
	s11 =	rddreg [dreg:$0x5]  }
0x4f: {  	[tilespmem:s9], [sflag:$0x1] =	stream.linear.gather [hbm4b:s11+s9], $0x2800, $0x38;
	[tilespmem:$0xAF00] =	vst v63  }
0x50: {  	_ =	swait.ge [sflag:s30], $0x2800  }
0x51: {  	[sflag:s30] =	ssyncset.done $0x0  }
0x52: {  	s12 =	simm.s32 $0x2800;
	[sflag:s30] =	ssyncadd.s32 $0xFFFFD800  }
0x53: {  	[tilespmem:s12], [sflag:$0x1] =	stream.linear.gather [hbm4b:s26+s9], $0x2800, $0x38;
	[tilespmem:$0xAF00] =	vst v63  }
0x54: {  	_ =	swait.ge [sflag:s30], $0x2800  }
0x55: {  	[sflag:s30] =	ssyncset.done $0x0  }
0x56: {  	s11 =	simm.s32 $0x0;
	[sflag:s30] =	ssyncadd.s32 $0xFFFFD800  }
0x57: {  	[spmem:s2] =	stream.indirect.scatter.add.f32 [tilespmem:s0], [sflag:$0x1], $0x10, s11, s1, $0xb8;
	[tilespmem:$0xAF00] =	vst v63  }
0x58: {  	_ =	swait.ge [sflag:s30], $0x800  }
0x59: {  	[sflag:s30] =	ssyncset.done $0x0  }
0x5a: {  	s12 =	simm.s32 $0x2800;
	[sflag:s30] =	ssyncadd.s32 $0xFFFFF800  }
0x5b: {  	[spmem:s3] =	stream.indirect.scatter.add.f32 [tilespmem:s0], [sflag:$0x1], $0x10, s12, s1, $0xb8;
	[tilespmem:$0xAF00] =	vst v63  }
0x5c: {  	_ =	swait.ge [sflag:s30], $0x800  }
0x5d: {  	s10 =	simm.s32 $0x400;
	s9 =	simm.s32 $0x200;
	[sflag:s30] =	ssyncset.done $0x0  }
.LBB2_6:
0x5e: {  	s11 =	sshra.s32 s9, $0x2  }
0x5f: {  	[sflag:s30] =	ssyncadd.s32 $0xFFFFF800;
	s9 =	smov.u32 s10;
	s12 =	sadd.s32 $0x200, s10  }
0x60: {  	[spmem:s2] =	stream.indirect.scatter.add.f32 [tilespmem:s0], [sflag:$0x1], $0x10, s11, s1, $0xb8;
	[tilespmem:$0xAF00] =	vst v63  }
0x61: {  	p0 =	sne.s32 s10, $0x9E00;
	_ =	swait.ge [sflag:s30], $0x800  }
.Ltmp2:
0x62: {  	[sflag:s30] =	ssyncset.done $0x0;
	(pc) =	sbr.rel @p0 .LBB2_6-.Ltmp2, $4  }
0x63: {  	s10 =	sadd.s32 $0x2800, s11;
	[sflag:s30] =	ssyncadd.s32 $0xFFFFF800  }
0x64: {  	[spmem:s3] =	stream.indirect.scatter.add.f32 [tilespmem:s0], [sflag:$0x1], $0x10, s10, s1, $0xb8;
	[tilespmem:$0xAF00] =	vst v63  }
0x65: {  	_ =	swait.ge [sflag:s30], $0x800  }
0x66: {  	s10 =	smov.u32 s12;
	[sflag:s30] =	ssyncset.done $0x0  }
0x67: {  	s9 =	sshra.s32 s9, $0x2;
	[sflag:s30] =	ssyncadd.s32 $0xFFFFF800  }
0x68: {  	[spmem:s2] =	stream.indirect.scatter.add.f32 [tilespmem:s0], [sflag:$0x1], $0x10, s9, s1, $0xb8;
	[tilespmem:$0xAF00] =	vst v63  }
0x69: {  	_ =	swait.ge [sflag:s30], $0x800  }
0x6a: {  	[sflag:s30] =	ssyncset.done $0x0  }
0x6b: {  	s9 =	sadd.s32 $0x2800, s9;
	[sflag:s30] =	ssyncadd.s32 $0xFFFFF800  }
0x6c: {  	[spmem:s3] =	stream.indirect.scatter.add.f32 [tilespmem:s0], [sflag:$0x1], $0x10, s9, s1, $0xb8;
	[tilespmem:$0xAF00] =	vst v63  }
0x6d: {  	_ =	swait.ge [sflag:s30], $0x800  }
0x6e: {  	[sflag:s30] =	ssyncset.done $0x0  }
0x6f: {  	[sflag:s30] =	ssyncadd.s32 $0xFFFFF800  }
0x70: {  	[bflag:$0x0] =	sbarrier.arrive $0xFFFF  }
0x71: {  	[tilespmem:s29], [sflag:$0x1] =	stream.linear.gather [spmem:s5], $0x800, $0x38;
	[tilespmem:$0xAF00] =	vst v63  }
0x72: {  	_ =	swait.ge [sflag:s30], $0x800  }
0x73: {  	[sflag:s30] =	ssyncset.done $0x0  }
0x74: {  	s10 =	rddreg [dreg:$0x6];
	[sflag:s30] =	ssyncadd.s32 $0xFFFFF800  }
0x75: {  	[hbm4b:s10+s4] =	stream.linear.scatter [tilespmem:s29], [sflag:$0x1], $0x800, $0x38;
	[tilespmem:$0xAF00] =	vst v63  }
0x76: {  	_ =	swait.ge [sflag:s30], $0x800  }
0x77: {  	[sflag:s30] =	ssyncset.done $0x0  }
0x78: {  	[sflag:s30] =	ssyncadd.s32 $0xFFFFF800  }
0x79: {  	[tilespmem:s29], [sflag:$0x1] =	stream.linear.gather [spmem:s7], $0x800, $0x38;
	[tilespmem:$0xAF00] =	vst v63  }
0x7a: {  	_ =	swait.ge [sflag:s30], $0x800  }
0x7b: {  	[sflag:s30] =	ssyncset.done $0x0  }
0x7c: {  	s11 =	rddreg [dreg:$0x7];
	[sflag:s30] =	ssyncadd.s32 $0xFFFFF800  }
0x7d: {  	[hbm4b:s11+s4] =	stream.linear.scatter [tilespmem:s29], [sflag:$0x1], $0x800, $0x38;
	[tilespmem:$0xAF00] =	vst v63  }
0x7e: {  	_ =	swait.ge [sflag:s30], $0x800  }
0x7f: {  	[sflag:s30] =	ssyncset.done $0x0  }
0x80: {  	[sflag:s30] =	ssyncadd.s32 $0xFFFFF800  }
0x81: {  	[tilespmem:s29], [sflag:$0x1] =	stream.linear.gather [spmem:s20], $0x800, $0x38;
	[tilespmem:$0xAF00] =	vst v63  }
0x82: {  	_ =	swait.ge [sflag:s30], $0x800  }
0x83: {  	[sflag:s30] =	ssyncset.done $0x0  }
0x84: {  	s12 =	rddreg [dreg:$0x8];
	[sflag:s30] =	ssyncadd.s32 $0xFFFFF800  }
0x85: {  	[hbm4b:s12+s4] =	stream.linear.scatter [tilespmem:s29], [sflag:$0x1], $0x800, $0x38;
	[tilespmem:$0xAF00] =	vst v63  }
0x86: {  	_ =	swait.ge [sflag:s30], $0x800  }
0x87: {  	[sflag:s30] =	ssyncset.done $0x0  }
0x88: {  	[sflag:s30] =	ssyncadd.s32 $0xFFFFF800  }
0x89: {  	[tilespmem:s29], [sflag:$0x1] =	stream.linear.gather [spmem:s22], $0x800, $0x38;
	[tilespmem:$0xAF00] =	vst v63  }
0x8a: {  	_ =	swait.ge [sflag:s30], $0x800  }
0x8b: {  	[sflag:s30] =	ssyncset.done $0x0  }
0x8c: {  	[sflag:s30] =	ssyncadd.s32 $0xFFFFF800  }
0x8d: {  	[hbm4b:s13+s4] =	stream.linear.scatter [tilespmem:s29], [sflag:$0x1], $0x800, $0x38;
	[tilespmem:$0xAF00] =	vst v63  }
0x8e: {  	_ =	swait.ge [sflag:s30], $0x800  }
0x8f: {  	[sflag:s30] =	ssyncset.done $0x0  }
0x90: {  	[sflag:s30] =	ssyncadd.s32 $0xFFFFF800  }
0x91: {  	[tilespmem:s29], [sflag:$0x1] =	stream.linear.gather [spmem:s24], $0x780, $0x38;
	[tilespmem:$0xAF00] =	vst v63  }
0x92: {  	_ =	swait.ge [sflag:s30], $0x780  }
0x93: {  	[sflag:s30] =	ssyncset.done $0x0  }
0x94: {  	[sflag:s30] =	ssyncadd.s32 $0xFFFFF880  }
0x95: {  	[hbm4b:s14+s4] =	stream.linear.scatter [tilespmem:s29], [sflag:$0x1], $0x780, $0x38;
	[tilespmem:$0xAF00] =	vst v63  }
0x96: {  	_ =	swait.ge [sflag:s30], $0x780  }
0x97: {  	[sflag:s30] =	ssyncset.done $0x0  }
0x98: {  	[sflag:s30] =	ssyncadd.s32 $0xFFFFF880  }
0x99: {  	[tilespmem:s29], [sflag:$0x1] =	stream.linear.gather [spmem:s6], $0x800, $0x38;
	[tilespmem:$0xAF00] =	vst v63  }
0x9a: {  	_ =	swait.ge [sflag:s30], $0x800  }
0x9b: {  	[sflag:s30] =	ssyncset.done $0x0  }
0x9c: {  	[sflag:s30] =	ssyncadd.s32 $0xFFFFF800  }
0x9d: {  	[hbm4b:s15+s4] =	stream.linear.scatter [tilespmem:s29], [sflag:$0x1], $0x800, $0x38;
	[tilespmem:$0xAF00] =	vst v63  }
0x9e: {  	_ =	swait.ge [sflag:s30], $0x800  }
0x9f: {  	[sflag:s30] =	ssyncset.done $0x0  }
0xa0: {  	[sflag:s30] =	ssyncadd.s32 $0xFFFFF800  }
0xa1: {  	[tilespmem:s29], [sflag:$0x1] =	stream.linear.gather [spmem:s8], $0x800, $0x38;
	[tilespmem:$0xAF00] =	vst v63  }
0xa2: {  	_ =	swait.ge [sflag:s30], $0x800  }
0xa3: {  	[sflag:s30] =	ssyncset.done $0x0  }
0xa4: {  	[sflag:s30] =	ssyncadd.s32 $0xFFFFF800  }
0xa5: {  	[hbm4b:s16+s4] =	stream.linear.scatter [tilespmem:s29], [sflag:$0x1], $0x800, $0x38;
	[tilespmem:$0xAF00] =	vst v63  }
0xa6: {  	_ =	swait.ge [sflag:s30], $0x800  }
0xa7: {  	[sflag:s30] =	ssyncset.done $0x0  }
0xa8: {  	[sflag:s30] =	ssyncadd.s32 $0xFFFFF800  }
0xa9: {  	[tilespmem:s29], [sflag:$0x1] =	stream.linear.gather [spmem:s21], $0x800, $0x38;
	[tilespmem:$0xAF00] =	vst v63  }
0xaa: {  	_ =	swait.ge [sflag:s30], $0x800  }
0xab: {  	[sflag:s30] =	ssyncset.done $0x0  }
0xac: {  	[sflag:s30] =	ssyncadd.s32 $0xFFFFF800  }
0xad: {  	[hbm4b:s17+s4] =	stream.linear.scatter [tilespmem:s29], [sflag:$0x1], $0x800, $0x38;
	[tilespmem:$0xAF00] =	vst v63  }
0xae: {  	_ =	swait.ge [sflag:s30], $0x800  }
0xaf: {  	[sflag:s30] =	ssyncset.done $0x0  }
0xb0: {  	[sflag:s30] =	ssyncadd.s32 $0xFFFFF800  }
0xb1: {  	[tilespmem:s29], [sflag:$0x1] =	stream.linear.gather [spmem:s23], $0x800, $0x38;
	[tilespmem:$0xAF00] =	vst v63  }
0xb2: {  	_ =	swait.ge [sflag:s30], $0x800  }
0xb3: {  	[sflag:s30] =	ssyncset.done $0x0  }
0xb4: {  	[sflag:s30] =	ssyncadd.s32 $0xFFFFF800  }
0xb5: {  	[hbm4b:s18+s4] =	stream.linear.scatter [tilespmem:s29], [sflag:$0x1], $0x800, $0x38;
	[tilespmem:$0xAF00] =	vst v63  }
0xb6: {  	_ =	swait.ge [sflag:s30], $0x800  }
0xb7: {  	[sflag:s30] =	ssyncset.done $0x0  }
0xb8: {  	[sflag:s30] =	ssyncadd.s32 $0xFFFFF800  }
0xb9: {  	[tilespmem:s29], [sflag:$0x1] =	stream.linear.gather [spmem:s25], $0x780, $0x38;
	[tilespmem:$0xAF00] =	vst v63  }
0xba: {  	s31 =	sadd.s32 $0x1, s31;
	_ =	swait.ge [sflag:s30], $0x780  }
0xbb: {  	p0 =	sne.s32 s31, s28;
	[sflag:s30] =	ssyncset.done $0x0  }
.Ltmp3:
0xbc: {  	[sflag:s30] =	ssyncadd.s32 $0xFFFFF880;
	(pc) =	sbr.rel @p0 .LBB2_1-.Ltmp3, $4  }
0xbd: {  	[hbm4b:s19+s4] =	stream.linear.scatter [tilespmem:s29], [sflag:$0x1], $0x780, $0x38;
	[tilespmem:$0xAF00] =	vst v63  }
0xbe: {  	_ =	swait.ge [sflag:s30], $0x780  }
0xbf: {  	[sflag:s30] =	ssyncset.done $0x0  }
0xc0: {  	[sflag:s30] =	ssyncadd.s32 $0xFFFFF880  }
0xc1: {  	_ =	sfence.sel $0x180000  }
0xc2: {  	[bflag:$0x0] =	sbarrier.arrive $0xFFFF  }
0xc3: {  	_ =	strace $0x90000047  }
0xc4: {  	s0 =	stileid.u32;
	[bflag:$0x2] =	sbarrier.arrive $0xFFFF  }
0xc5: {  	p0 =	sne.s32 s0, $0x0;
	s0 =	rddreg [dreg:$0x4]  }
0xc6: {  	s0 =	sadd.s32 @!p0 $0x100000, s0  }
0xc7: {  	[sflag:s0] =	ssyncadd.tile.s32 @!p0 $0x1;
	_ =	shalt  }
.Lfunc_end2:
_tile_overlayer_lowered:
.L_overlay_start_2:
0xc8: {  	(tag) =	ssettag $0x2  }
0xc9: {  	s0 =	rddreg [dreg:$0x0];
	s2 =	stileid.u32  }
0xca: {  	s1 =	rddreg [dreg:$0x1];
	p0 =	sne.s32 s2, $0x0  }
0xcb: {  	s3 =	rddreg [dreg:$0x2];
	[bflag:$0x3] =	sbarrier.arrive $0xFFFF;
	s2 =	simm.s32 @!p0 $0x1C01  }
0xcc: {  	[timem:s3], [sflag:s2] =	dma.local @!p0 [hbm:s0], s1  }
0xcd: {  	s0 =	simm.s32 @!p0 $0x1  }
0xce: {  	_ =	swait.ge @!p0 [sflag:s0], s1  }
0xcf: {  	s1 =	ssub.s32 @!p0 $0x0, s1;
	[sflag:s0] =	ssyncset.done @!p0 $0x0  }
0xd0: {  	[sflag:s0] =	ssyncadd.s32 @!p0 s1  }
0xd1: {  	[bflag:$0x3] =	sbarrier.arrive $0xFFFF  }
0xd2: {  	_ =	shalt  }

// kernel: kernel.13.cloned.1.call-start
scs
__scs_entry_jumppad:
0x0: {  	(pc) =	sbr.rel $0x88, $3  }
0x1: {  	(tag) =	ssettag $0x0;
	lr =	simm.s32 $0x1  }
0x2: {  	[smem:$0x3F99] =	sst lr;
	_ =	strace $0xD0000000  }
0x3: {  	_ = 	snop  }
0x4: {  	_ = 	snop  }
0x5: {  	_ = 	snop  }
0x6: {  	_ = 	snop  }
0x7: {  	_ = 	snop  }
__scs_overlays_trampoline_lowered:
0x8: {  	[smem:$0x3FA8] =	sst s0  }
0x9: {  	[smem:$0x3FA9] =	sst s1  }
0xa: {  	[smem:$0x3FAA] =	sst s2  }
0xb: {  	[smem:$0x3FAB] =	sst s3  }
0xc: {  	[smem:$0x3FAC] =	sst s4  }
0xd: {  	[smem:$0x3FAD] =	sst s5  }
0xe: {  	[smem:$0x3FAE] =	sst s6  }
0xf: {  	[smem:$0x3FAF] =	sst s7  }
0x10: {  	[smem:$0x3FB0] =	sst s8  }
0x11: {  	[smem:$0x3FB1] =	sst s9;
	s0 =	simm.s32 @!p0 $0x0  }
0x12: {  	s1 =	sld [smem:$0x3F97];
	s0 =	simm.s32 @p0 $0x1  }
0x13: {  	[smem:$0x3FB2] =	sst s0;
	s0 =	simm.s32 @!p1 $0x0  }
0x14: {  	s2 =	sld [smem:$0x3F96];
	s0 =	simm.s32 @p1 $0x1  }
0x15: {  	[smem:$0x3FB3] =	sst s0;
	s0 =	simm.s32 @!p2 $0x0  }
0x16: {  	s3 =	sld [smem:$0x3FDB];
	s0 =	simm.s32 @p2 $0x1  }
0x17: {  	s4 =	simm.s32 $0x1BF5;
	[smem:$0x3FB5] =	sst s0  }
0x18: {  	s0 =	sld [smem:$0x3F98];
	_ =	swait.ge [sflag:s4], $0x0  }
0x19: {  	s7 =	sld [smem:$0x3F99]  }
0x1a: {  	s8 =	sadd.s32 $0xFFFFE003, lr  }
0x1b: {  	s9 =	sadd.s32 $0xFFFFFEF7, lr;
	s5 =	simm.s32 $0xFFFFFFFF;
	p2 =	slt.u32 s8, $0xFFFFF086  }
0x1c: {  	p1 =	slt.u32 s9, $0xF7A;
	s5 =	simm.s32 @!p2 $0x0  }
0x1d: {  	s5 =	simm.s32 @p1 $0x1;
	p0 =	seq.s32 s7, s2  }
0x1e: {  	s7 =	smul.u32 @!p0 $0xF7A, s2;
	p2 =	seq.s32 @!p0 s5, $0x0  }
0x1f: {  	s9 =	smul.u32 $0xF7A, s1;
	s8 =	simm.s32 @!p0 $0x1BF5;
	p2 =	por !p2, p0  }
0x20: {  	[sflag:s8] =	ssyncset.s32 @!p0 $0xFFFFF086;
	s6 =	sadd.s32 @!p0 s3, s7;
	s7 =	simm.s32 @!p0 $0x108  }
0x21: {  	s3 =	sadd.s32 s3, s9;
	s6 =	sadd.s32 @!p0 $0x88, s6;
	s7 =	simm.s32 @p2 $0x1082  }
0x22: {  	[simem:s7], [sflag:s8] =	dma.local @!p0 [hbm:s6], $0xF7A  }
0x23: {  	s9 =	sor.u32 $0xD0000000, s2;
	s6 =	simm.s32 $0x108;
	_ =	swait.ge @!p0 [sflag:s8], $0x0  }
0x24: {  	s3 =	sadd.s32 $0x88, s3;
	s6 =	simm.s32 @!p1 $0x1082;
	[sflag:s4] =	ssyncset.s32 $0xFFFFF086  }
0x25: {  	[simem:s6], [sflag:s4] =	dma.local [hbm:s3], $0xF7A  }
0x26: {  	[smem:$0x3F99] =	sst s1;
	(tag) =	ssettag s2;
	_ =	strace s9  }
0x27: {  	s1 =	sld [smem:$0x3FA9]  }
0x28: {  	s2 =	sld [smem:$0x3FAA]  }
0x29: {  	s4 =	sld [smem:$0x3FAC]  }
0x2a: {  	p0 =	seq.s32 s5, $0x0;
	s5 =	sld [smem:$0x3FAD]  }
0x2b: {  	s6 =	sld [smem:$0x3FAE]  }
0x2c: {  	s7 =	sld [smem:$0x3FAF]  }
0x2d: {  	s3 =	simm.s32 $0x108;
	s8 =	sld [smem:$0x3FB0]  }
0x2e: {  	s3 =	simm.s32 @!p0 $0x1082;
	s9 =	sld [smem:$0x3FB1]  }
0x2f: {  	lr =	sadd.s32 s0, s3;
	s0 =	sld [smem:$0x3FA8]  }
0x30: {  	s3 =	sld [smem:$0x3FAB]  }
0x31: {  	[smem:$0x3FB4] =	sst s10  }
0x32: {  	s10 =	sld [smem:$0x3FB2];
	_ =	sdelay $0x3  }
0x33: {  	p0 =	seq.s32 s10, $0x1;
	s10 =	sld [smem:$0x3FB4];
	_ =	sdelay $0x3  }
0x34: {  	[smem:$0x3FB4] =	sst s10  }
0x35: {  	s10 =	sld [smem:$0x3FB3];
	_ =	sdelay $0x3  }
0x36: {  	p1 =	seq.s32 s10, $0x1;
	s10 =	sld [smem:$0x3FB4];
	_ =	sdelay $0x3  }
0x37: {  	[smem:$0x3FB4] =	sst s10  }
0x38: {  	s10 =	sld [smem:$0x3FB5]  }
0x39: {  	_ = 	snop;
	(pc) =	sbr.ind lr, $3  }
0x3a: {  	_ = 	snop  }
0x3b: {  	_ = 	snop  }
0x3c: {  	p2 =	seq.s32 s10, $0x1;
	s10 =	sld [smem:$0x3FB4]  }
0x3d: {  	_ =	shalt  }
0x3e: {  	_ =	shalt  }
0x3f: {  	_ =	shalt  }
0x40: {  	_ =	shalt  }
0x41: {  	_ =	shalt  }
0x42: {  	_ =	shalt  }
0x43: {  	_ =	shalt  }
0x44: {  	_ =	shalt  }
0x45: {  	_ =	shalt  }
0x46: {  	_ =	shalt  }
0x47: {  	_ =	shalt  }
0x48: {  	_ =	shalt  }
0x49: {  	_ =	shalt  }
0x4a: {  	_ =	shalt  }
0x4b: {  	_ =	shalt  }
0x4c: {  	_ =	shalt  }
0x4d: {  	_ =	shalt  }
0x4e: {  	_ =	shalt  }
0x4f: {  	_ =	shalt  }
0x50: {  	_ =	shalt  }
0x51: {  	_ =	shalt  }
0x52: {  	_ =	shalt  }
0x53: {  	_ =	shalt  }
0x54: {  	_ =	shalt  }
0x55: {  	_ =	shalt  }
0x56: {  	_ =	shalt  }
0x57: {  	_ =	shalt  }
0x58: {  	_ =	shalt  }
0x59: {  	_ =	shalt  }
0x5a: {  	_ =	shalt  }
0x5b: {  	_ =	shalt  }
0x5c: {  	_ =	shalt  }
0x5d: {  	_ =	shalt  }
0x5e: {  	_ =	shalt  }
0x5f: {  	_ =	shalt  }
0x60: {  	_ =	shalt  }
0x61: {  	_ =	shalt  }
0x62: {  	_ =	shalt  }
0x63: {  	_ =	shalt  }
0x64: {  	_ =	shalt  }
0x65: {  	_ =	shalt  }
0x66: {  	_ =	shalt  }
0x67: {  	_ =	shalt  }
0x68: {  	_ =	shalt  }
0x69: {  	_ =	shalt  }
0x6a: {  	_ =	shalt  }
0x6b: {  	_ =	shalt  }
0x6c: {  	_ =	shalt  }
0x6d: {  	_ =	shalt  }
0x6e: {  	_ =	shalt  }
0x6f: {  	_ =	shalt  }
0x70: {  	_ =	shalt  }
0x71: {  	_ =	shalt  }
0x72: {  	_ =	shalt  }
0x73: {  	_ =	shalt  }
0x74: {  	_ =	shalt  }
0x75: {  	_ =	shalt  }
0x76: {  	_ =	shalt  }
0x77: {  	_ =	shalt  }
0x78: {  	_ =	shalt  }
0x79: {  	_ =	shalt  }
0x7a: {  	_ =	shalt  }
0x7b: {  	_ =	shalt  }
0x7c: {  	_ =	shalt  }
0x7d: {  	_ =	shalt  }
0x7e: {  	_ =	shalt  }
0x7f: {  	_ =	shalt  }
0x80: {  	_ =	shalt  }
0x81: {  	_ =	shalt  }
0x82: {  	_ =	shalt  }
0x83: {  	_ =	shalt  }
0x84: {  	_ =	shalt  }
0x85: {  	_ =	shalt  }
0x86: {  	_ =	shalt  }
0x87: {  	_ =	shalt  }
.Lfunc_end0:
.L_simem_size_0:
called_computation.1_lowered:
.L_overlay_start_0:
0x88: {  	s2 =	sld [smem:$0x3FD9]  }
0x89: {  	s3 =	sld [smem:$0x3FFE];
	_ =	sdelay $0x1  }
0x8a: {  	s1 =	srdreg.scid  }
0x8b: {  	s0 =	sand.u32 $0x1, s1  }
0x8c: {  	s17 =	sshll.u32 s0, $0xA;
	s2 =	sadd.s32 s3, s2  }
0x8d: {  	s2 =	sadd.s32 s2, s17  }
0x8e: {  	[smem:$0x3FC0] =	sst s2  }
0x8f: {  	_ = 	snop  }
0x90: {  	s2 =	sld [smem:$0x3FD0];
	(tm) =	ssettm $0x1  }
0x91: {  	s18 =	sld [smem:$0x3FFB];
	_ =	sdelay $0x3  }
0x92: {  	_ =	strace s18  }
0x93: {  	s3 =	sld [smem:$0x3FFC];
	_ =	sdelay $0x3  }
0x94: {  	_ =	strace s3  }
0x95: {  	s3 =	sld [smem:$0x3FFD];
	_ =	sdelay $0x3  }
0x96: {  	_ =	strace s3  }
0x97: {  	_ =	strace $0x8FFFFFFF  }
0x98: {  	s19 =	sld [smem:$0x3FDB];
	_ =	sdelay $0x1  }
0x99: {  	s4 =	simm.s32 $_scs_section_size  }
0x9a: {  	s5 =	simm.s32 $_size__tile_overlayer_lowered;
	s6 =	simm.s32 $_tile_overlayer_lowered  }
0x9b: {  	s22 =	simm.s32 $0x1BFF;
	s21 =	sshll.u32 s6, $0x1;
	s3 =	sadd.s32 s4, s19  }
0x9c: {  	s7 =	simm.s32 $0x0;
	s20 =	sshll.u32 s5, $0x1;
	s5 =	sadd.s32 s21, s3  }
0x9d: {  	[timem:s7], [sflag:s22] =	dma.local [hbm:s5], s20  }
0x9e: {  	_ =	swait.ge [sflag:s22], s20  }
0x9f: {  	s4 =	ssub.s32 $0x0, s20;
	[sflag:s22] =	ssyncset.done $0x0  }
0xa0: {  	[sflag:s22] =	ssyncadd.s32 s4;
	_ =	sdelay $0x1  }
0xa1: {  	s23 =	simm.s32 $0x1B8B  }
0xa2: {  	_ =	swait.ge [sflag:s23], $0x1  }
0xa3: {  	[sflag:s23] =	ssyncset.done $0x0  }
0xa4: {  	s25 =	simm.s32 $0x1B8E;
	s24 =	sld [smem:$0x3FFE];
	[sflag:s23] =	ssyncadd.s32 $0xFFFFFFFF  }
0xa5: {  	s26 =	simm.s32 $execute0_lowered;
	[smem:$0x3FD2] =	sst s25  }
0xa6: {  	s5 =	sshll.u32 s26, $0x1;
	_ =	strace $0x80000049;
	[dreg:$0x1] =	wrdreg $0xFFFFFFFF  }
0xa7: {  	s28 =	simm.s32 $_size_execute0_lowered;
	s3 =	sadd.s32 s3, s5;
	[dreg:$0x0] =	wrdreg $0x0  }
0xa8: {  	s5 =	sshll.u32 s28, $0x1;
	[dreg:$0x2] =	wrdreg s3  }
0xa9: {  	[dreg:$0x3] =	wrdreg s5  }
0xaa: {  	[dreg:$0x4] =	wrdreg $0xC0  }
0xab: {  	_ =	task [dreg:s7], $0x5FFFF  }
0xac: {  	[dreg:$0x1] =	wrdreg $0xFFFFFFFF  }
0xad: {  	[dreg:$0x0] =	wrdreg $0x60  }
0xae: {  	[dreg:$0x2] =	wrdreg s2  }
0xaf: {  	[dreg:$0x3] =	wrdreg s24  }
0xb0: {  	[dreg:$0x4] =	wrdreg $0x120000  }
0xb1: {  	[dreg:$0x5] =	wrdreg $0x9  }
0xb2: {  	_ =	task.clear_ibuf [dreg:s7], $0x6FFFF;
	_ =	strace $0x90000049  }
0xb3: {  	s29 =	simm.s32 $0x9;
	_ =	strace $0x8000004B  }
0xb4: {  	_ =	swait.ge [sflag:s29], $0x1  }
0xb5: {  	[sflag:s29] =	ssyncadd.s32 $0xFFFFFFFF  }
0xb6: {  	_ =	strace $0x9000004B  }
0xb7: {  	_ =	sfence  }
0xb8: {  	s30 =	sld [smem:$0x0];
	_ =	sdelay $0x2  }
0xb9: {  	s31 =	sshll.u32 s1, $0xD;
	s1 =	sshrl.u32 s1, $0x2  }
0xba: {  	s3 =	sand.u32 $0x4000, s31;
	s1 =	sadd.s32 s1, s30  }
0xbb: {  	s0 =	sor.u32 s3, s0;
	s1 =	sshll.u32 s1, $0x11  }
0xbc: {  	s0 =	sor.u32 s1, s0  }
0xbd: {  	s0 =	sadd.s32 $0x8F2B, s0  }
0xbe: {  	[sflag:s0] =	ssyncadd.remote.s32 $0x1  }
0xbf: {  	_ =	sfence.sel $0xFFFF  }
0xc0: {  	[dreg:$0x0] =	wrdreg $0xFFFFFFFF;
	(pc) =	sbr.abs _section_cstart, $3  }
0xc1: {  	[dreg:$0x1] =	wrdreg $0xFFFFFFFF  }
0xc2: {  	_ =	task.clear_ibuf [dreg:s7], $0x2FFFF;
	_ =	strace $0x9FFFFFFF  }
0xc3: {  	(tm) =	ssettm $0x7FFFFFFF  }
tec
execute0_lowered:
.L_overlay_start_1:
0x0: {  	(tag) =	ssettag $0x1  }
0x1: {  	s0 =	rddreg [dreg:$0x0]  }
0x2: {  	s1 =	rddreg [dreg:$0x1]  }
0x3: {  	s2 =	rddreg [dreg:$0x2];
	s3 =	simm.s32 $0x0  }
0x4: {  	s8 =	stileid.u32;
	s4 =	srdreg.scid;
	s28 =	simm.s32 $0x1  }
0x5: {  	s29 =	simm.s32 $0x2;
	s30 =	simm.s32 $0x3;
	s5 =	smul.u32 $0xA00, s8  }
0x6: {  	[smem:$0x7FF] =	sst s3;
	s4 =	sand.u32 $0x1, s4;
	s10 =	smul.u32 $0x9E00, s8  }
0x7: {  	s31 =	simm.s32 $0x4;
	_ =	strace $0x8000004A;
	s16 =	smul.u32 $0x9E000, s4  }
0x8: {  	s6 =	ssub.s32 $0x2, s4;
	s4 =	smul.u32 $0x13880, s4;
	s5 =	sadd.s32 s5, s1  }
0x9: {  	s7 =	sshrl.u32 s6, $0x1;
	s1 =	sadd.s32 $0x79C00, s1;
	s20 =	sadd.s32 $0x2000, s10  }
0xa: {  	s14 =	sadd.s32 $0x4000, s10;
	s15 =	sadd.s32 $0x6000, s10;
	s18 =	sadd.s32 $0x8000, s10  }
0xb: {  	s17 =	ssub.s32 s6, s7;
	s19 =	sadd.s32 $0x3000, s5;
	s5 =	sadd.s32 $0xD000, s5  }
0xc: {  	s6 =	sadd.s32 s10, s2;
	s7 =	sadd.s32 s20, s2;
	s8 =	sadd.s32 s14, s2  }
0xd: {  	s9 =	sadd.s32 s15, s2;
	s11 =	sadd.s32 s10, s16;
	s10 =	sadd.s32 s18, s2  }
0xe: {  	s23 =	sadd.s32 s16, s14;
	s24 =	sadd.s32 s16, s15;
	[dreg:$0x4] =	wrdreg s19  }
0xf: {  	s25 =	sadd.s32 s16, s18;
	s18 =	simm.s32 $0x9;
	[dreg:$0x5] =	wrdreg s5  }
0x10: {  	s12 =	sshrl.u32 s11, $0x3;
	s5 =	sadd.s32 s16, s20;
	s11 =	sadd.s32 s0, s4  }
0x11: {  	s0 =	sshrl.u32 s23, $0x3;
	s4 =	sshrl.u32 s24, $0x3;
	s26 =	sshrl.u32 s25, $0x3  }
0x12: {  	s17 =	smax.u32 s17, $0x1;
	s20 =	simm.s32 $0xA000;
	s24 =	simm.s32 $0xE000  }
0x13: {  	s19 =	simm.s32 $0x7;
	s23 =	simm.s32 $0x8;
	s25 =	simm.s32 $0x0  }
0x14: {  	s21 =	sadd.s32 s1, s12;
	s22 =	sshrl.u32 s5, $0x3;
	s14 =	sadd.s32 s1, s0  }
0x15: {  	s15 =	sadd.s32 s1, s4;
	s16 =	sadd.s32 s1, s26;
	s26 =	simm.s32 $0x10000  }
0x16: {  	s0 =	simm.s32 $0x5;
	[dreg:$0x6] =	wrdreg s21;
	s13 =	sadd.s32 s1, s22  }
0x17: {  	v0 =	vimm.f32 $0.0e+00;
	s21 =	simm.s32 $0x80;
	s22 =	simm.s32 $0xC000;
	s1 =	simm.s32 $0x6  }
.LBB2_1:
0x18: {  	s4 =	rddreg [dreg:$0x4]  }
0x19: {  	[tilespmem:s3], [sflag:$0x9] =	stream.linear.gather [hbm4b:s4+s3], $0x5000, $0x38;
	[tilespmem:$0x1BE00] =	vst v63  }
0x1a: {  	_ =	swait.ge [sflag:s18], $0x5000  }
0x1b: {  	[sflag:s18] =	ssyncset.done $0x0  }
0x1c: {  	s5 =	simm.s32 $0x5000;
	s12 =	rddreg [dreg:$0x5];
	[sflag:s18] =	ssyncadd.s32 $0xFFFFB000  }
0x1d: {  	[tilespmem:s5], [sflag:$0x9] =	stream.linear.gather [hbm4b:s12+s3], $0x5000, $0x38;
	[tilespmem:$0x1BE00] =	vst v63  }
0x1e: {  	_ =	swait.ge [sflag:s18], $0x5000  }
0x1f: {  	[sflag:s18] =	ssyncset.done $0x0  }
0x20: {  	s4 =	simm.s32 $0x0;
	s5 =	simm.s32 $0x100;
	[sflag:s18] =	ssyncadd.s32 $0xFFFFB000  }
.LBB2_2:
0x21: {  	p0 =	sne.s32 s5, $0x7F00;
	[tilespmem:s4+$0xA030] =	vst v0;
	s12 =	smov.u32 s5;
	s5 =	sadd.s32 $0x100, s5  }
.Ltmp0:
0x22: {  	[tilespmem:s4+$0xA020] =	vst v0;
	(pc) =	sbr.rel @p0 .LBB2_2-.Ltmp0, $3  }
0x23: {  	[tilespmem:s4+$0xA000] =	vst v0  }
0x24: {  	[tilespmem:s4+$0xA010] =	vst v0;
	_ =	sdelay $0x1  }
0x25: {  	s4 =	sshra.s32 s12, $0x2  }
0x26: {  	[tilespmem:s4+$0xA030] =	vst v0  }
0x27: {  	[tilespmem:s4+$0xA020] =	vst v0  }
0x28: {  	[tilespmem:s4+$0xA000] =	vst v0  }
0x29: {  	[tilespmem:s4+$0xA010] =	vst v0  }
0x2a: {  	[spmem:s6] =	stream.linear.scatter [tilespmem:s20], [sflag:$0x9], $0x2000, $0x38;
	[tilespmem:$0x1BE00] =	vst v63  }
0x2b: {  	_ =	swait.ge [sflag:s18], $0x2000  }
0x2c: {  	[sflag:s18] =	ssyncset.done $0x0  }
0x2d: {  	[sflag:s18] =	ssyncadd.s32 $0xFFFFE000  }
0x2e: {  	[spmem:s7] =	stream.linear.scatter [tilespmem:s20], [sflag:$0x9], $0x2000, $0x38;
	[tilespmem:$0x1BE00] =	vst v63  }
0x2f: {  	_ =	swait.ge [sflag:s18], $0x2000  }
0x30: {  	[sflag:s18] =	ssyncset.done $0x0  }
0x31: {  	[sflag:s18] =	ssyncadd.s32 $0xFFFFE000  }
0x32: {  	[spmem:s8] =	stream.linear.scatter [tilespmem:s20], [sflag:$0x9], $0x2000, $0x38;
	[tilespmem:$0x1BE00] =	vst v63  }
0x33: {  	_ =	swait.ge [sflag:s18], $0x2000  }
0x34: {  	[sflag:s18] =	ssyncset.done $0x0  }
0x35: {  	[sflag:s18] =	ssyncadd.s32 $0xFFFFE000  }
0x36: {  	[spmem:s9] =	stream.linear.scatter [tilespmem:s20], [sflag:$0x9], $0x2000, $0x38;
	[tilespmem:$0x1BE00] =	vst v63  }
0x37: {  	_ =	swait.ge [sflag:s18], $0x2000  }
0x38: {  	[sflag:s18] =	ssyncset.done $0x0  }
0x39: {  	[sflag:s18] =	ssyncadd.s32 $0xFFFFE000  }
0x3a: {  	[spmem:s10] =	stream.linear.scatter [tilespmem:s20], [sflag:$0x9], $0x1E00, $0x38;
	[tilespmem:$0x1BE00] =	vst v63  }
0x3b: {  	_ =	swait.ge [sflag:s18], $0x1E00  }
0x3c: {  	[sflag:s18] =	ssyncset.done $0x0  }
0x3d: {  	[sflag:s18] =	ssyncadd.s32 $0xFFFFE200  }
0x3e: {  	s5 =	simm.s32 $0x0;
	[bflag:$0x0] =	sbarrier.arrive $0xFFFF  }
0x3f: {  	[tilespmem:s20], [sflag:$0x1] =	stream.indirect.gather [hbm4b:s11+s21], $0x40, s5, s21, $0xb8;
	[tilespmem:$0x1BE00] =	vst v63  }
0x40: {  	_ = 	snop  }
0x41: {  	[tilespmem:s22], [sflag:$0x2] =	stream.indirect.gather [hbm4b:s11+s21], $0x40, s21, s21, $0xb8;
	[tilespmem:$0x1BE00] =	vst v63  }
0x42: {  	s12 =	simm.s32 $0x100  }
0x43: {  	[tilespmem:s24], [sflag:$0x3] =	stream.indirect.gather [hbm4b:s11+s21], $0x40, s12, s21, $0xb8;
	[tilespmem:$0x1BE00] =	vst v63  }
0x44: {  	s5 =	simm.s32 $0x180  }
0x45: {  	[tilespmem:s26], [sflag:$0x4] =	stream.indirect.gather [hbm4b:s11+s21], $0x40, s5, s21, $0xb8;
	[tilespmem:$0x1BE00] =	vst v63  }
0x46: {  	_ =	swait.ge [sflag:s28], $0x2000  }
0x47: {  	[sflag:s28] =	ssyncset.done $0x0  }
0x48: {  	s12 =	simm.s32 $0x5000;
	[sflag:s28] =	ssyncadd.s32 $0xFFFFE000  }
0x49: {  	[spmem:s2] =	stream.indirect.scatter.add.f32 [tilespmem:s20], [sflag:$0x5], $0x40, s12, s21, $0xb8;
	[tilespmem:$0x1BE00] =	vst v63  }
0x4a: {  	_ =	swait.ge [sflag:s29], $0x2000  }
0x4b: {  	[sflag:s29] =	ssyncset.done $0x0  }
0x4c: {  	s5 =	simm.s32 $0x5080;
	[sflag:s29] =	ssyncadd.s32 $0xFFFFE000  }
0x4d: {  	[spmem:s2] =	stream.indirect.scatter.add.f32 [tilespmem:s22], [sflag:$0x6], $0x40, s5, s21, $0xb8;
	[tilespmem:$0x1BE00] =	vst v63  }
0x4e: {  	_ =	swait.ge [sflag:s30], $0x2000  }
0x4f: {  	[sflag:s30] =	ssyncset.done $0x0  }
0x50: {  	s12 =	simm.s32 $0x5100;
	[sflag:s30] =	ssyncadd.s32 $0xFFFFE000  }
0x51: {  	[spmem:s2] =	stream.indirect.scatter.add.f32 [tilespmem:s24], [sflag:$0x7], $0x40, s12, s21, $0xb8;
	[tilespmem:$0x1BE00] =	vst v63  }
0x52: {  	_ =	swait.ge [sflag:s31], $0x2000  }
0x53: {  	[sflag:s31] =	ssyncset.done $0x0  }
0x54: {  	s5 =	simm.s32 $0x5180;
	[sflag:s31] =	ssyncadd.s32 $0xFFFFE000  }
0x55: {  	[spmem:s2] =	stream.indirect.scatter.add.f32 [tilespmem:s26], [sflag:$0x8], $0x40, s5, s21, $0xb8;
	[tilespmem:$0x1BE00] =	vst v63  }
0x56: {  	_ =	swait.ge [sflag:s0], $0x2000  }
0x57: {  	[sflag:s0] =	ssyncset.done $0x0  }
0x58: {  	s12 =	simm.s32 $0x200;
	[sflag:s0] =	ssyncadd.s32 $0xFFFFE000  }
0x59: {  	[tilespmem:s20], [sflag:$0x1] =	stream.indirect.gather [hbm4b:s11+s21], $0x40, s12, s21, $0xb8;
	[tilespmem:$0x1BE00] =	vst v63  }
0x5a: {  	_ =	swait.ge [sflag:s1], $0x2000  }
0x5b: {  	[sflag:s1] =	ssyncset.done $0x0  }
0x5c: {  	s5 =	simm.s32 $0x280;
	[sflag:s1] =	ssyncadd.s32 $0xFFFFE000  }
0x5d: {  	[tilespmem:s22], [sflag:$0x2] =	stream.indirect.gather [hbm4b:s11+s21], $0x40, s5, s21, $0xb8;
	[tilespmem:$0x1BE00] =	vst v63  }
0x5e: {  	_ =	swait.ge [sflag:s19], $0x2000  }
0x5f: {  	[sflag:s19] =	ssyncset.done $0x0  }
0x60: {  	s12 =	simm.s32 $0x300;
	[sflag:s19] =	ssyncadd.s32 $0xFFFFE000  }
0x61: {  	[tilespmem:s24], [sflag:$0x3] =	stream.indirect.gather [hbm4b:s11+s21], $0x40, s12, s21, $0xb8;
	[tilespmem:$0x1BE00] =	vst v63  }
0x62: {  	_ =	swait.ge [sflag:s23], $0x2000  }
0x63: {  	[sflag:s23] =	ssyncset.done $0x0  }
0x64: {  	s4 =	simm.s32 $0x800;
	s5 =	simm.s32 $0x380;
	[sflag:s23] =	ssyncadd.s32 $0xFFFFE000  }
.LBB2_4:
0x65: {  	[tilespmem:s26], [sflag:$0x4] =	stream.indirect.gather [hbm4b:s11+s21], $0x40, s5, s21, $0xb8;
	[tilespmem:$0x1BE00] =	vst v63  }
0x66: {  	s5 =	smov.u32 s4  }
0x67: {  	p0 =	sne.s32 s4, $0x13000;
	s4 =	sadd.s32 $0x800, s4;
	_ =	swait.ge [sflag:s28], $0x2000  }
0x68: {  	s5 =	sshra.s32 s5, $0x2;
	[sflag:s28] =	ssyncset.done $0x0  }
0x69: {  	s12 =	sadd.s32 $0x5000, s5;
	[sflag:s28] =	ssyncadd.s32 $0xFFFFE000  }
0x6a: {  	[spmem:s2] =	stream.indirect.scatter.add.f32 [tilespmem:s20], [sflag:$0x5], $0x40, s12, s21, $0xb8;
	[tilespmem:$0x1BE00] =	vst v63  }
0x6b: {  	_ =	swait.ge [sflag:s29], $0x2000  }
0x6c: {  	[sflag:s29] =	ssyncset.done $0x0  }
0x6d: {  	s12 =	sadd.s32 $0x5080, s5;
	[sflag:s29] =	ssyncadd.s32 $0xFFFFE000  }
0x6e: {  	[spmem:s2] =	stream.indirect.scatter.add.f32 [tilespmem:s22], [sflag:$0x6], $0x40, s12, s21, $0xb8;
	[tilespmem:$0x1BE00] =	vst v63  }
0x6f: {  	_ =	swait.ge [sflag:s30], $0x2000  }
0x70: {  	[sflag:s30] =	ssyncset.done $0x0  }
0x71: {  	s12 =	sadd.s32 $0x5100, s5;
	[sflag:s30] =	ssyncadd.s32 $0xFFFFE000  }
0x72: {  	[spmem:s2] =	stream.indirect.scatter.add.f32 [tilespmem:s24], [sflag:$0x7], $0x40, s12, s21, $0xb8;
	[tilespmem:$0x1BE00] =	vst v63  }
0x73: {  	_ =	swait.ge [sflag:s31], $0x2000  }
0x74: {  	[sflag:s31] =	ssyncset.done $0x0  }
0x75: {  	s12 =	sadd.s32 $0x5180, s5;
	[sflag:s31] =	ssyncadd.s32 $0xFFFFE000  }
0x76: {  	[spmem:s2] =	stream.indirect.scatter.add.f32 [tilespmem:s26], [sflag:$0x8], $0x40, s12, s21, $0xb8;
	[tilespmem:$0x1BE00] =	vst v63  }
0x77: {  	_ =	swait.ge [sflag:s0], $0x2000  }
0x78: {  	[sflag:s0] =	ssyncset.done $0x0  }
0x79: {  	s12 =	sadd.s32 $0x200, s5;
	[sflag:s0] =	ssyncadd.s32 $0xFFFFE000  }
0x7a: {  	[tilespmem:s20], [sflag:$0x1] =	stream.indirect.gather [hbm4b:s11+s21], $0x40, s12, s21, $0xb8;
	[tilespmem:$0x1BE00] =	vst v63  }
0x7b: {  	_ =	swait.ge [sflag:s1], $0x2000  }
0x7c: {  	[sflag:s1] =	ssyncset.done $0x0  }
0x7d: {  	s12 =	sadd.s32 $0x280, s5;
	[sflag:s1] =	ssyncadd.s32 $0xFFFFE000  }
0x7e: {  	[tilespmem:s22], [sflag:$0x2] =	stream.indirect.gather [hbm4b:s11+s21], $0x40, s12, s21, $0xb8;
	[tilespmem:$0x1BE00] =	vst v63  }
0x7f: {  	_ =	swait.ge [sflag:s19], $0x2000  }
0x80: {  	[sflag:s19] =	ssyncset.done $0x0  }
.Ltmp1:
0x81: {  	s12 =	sadd.s32 $0x300, s5;
	[sflag:s19] =	ssyncadd.s32 $0xFFFFE000;
	(pc) =	sbr.rel @p0 .LBB2_4-.Ltmp1, $4  }
0x82: {  	[tilespmem:s24], [sflag:$0x3] =	stream.indirect.gather [hbm4b:s11+s21], $0x40, s12, s21, $0xb8;
	[tilespmem:$0x1BE00] =	vst v63  }
0x83: {  	_ =	swait.ge [sflag:s23], $0x2000  }
0x84: {  	[sflag:s23] =	ssyncset.done $0x0  }
0x85: {  	s5 =	sadd.s32 $0x380, s5;
	[sflag:s23] =	ssyncadd.s32 $0xFFFFE000  }
0x86: {  	[tilespmem:s26], [sflag:$0x4] =	stream.indirect.gather [hbm4b:s11+s21], $0x40, s5, s21, $0xb8;
	[tilespmem:$0x1BE00] =	vst v63  }
0x87: {  	_ =	swait.ge [sflag:s28], $0x2000  }
0x88: {  	[sflag:s28] =	ssyncset.done $0x0  }
0x89: {  	s4 =	simm.s32 $0x9E00;
	[sflag:s28] =	ssyncadd.s32 $0xFFFFE000  }
0x8a: {  	[spmem:s2] =	stream.indirect.scatter.add.f32 [tilespmem:s20], [sflag:$0x5], $0x40, s4, s21, $0xb8;
	[tilespmem:$0x1BE00] =	vst v63  }
0x8b: {  	_ =	swait.ge [sflag:s29], $0x2000  }
0x8c: {  	[sflag:s29] =	ssyncset.done $0x0  }
0x8d: {  	s5 =	simm.s32 $0x9E80;
	[sflag:s29] =	ssyncadd.s32 $0xFFFFE000  }
0x8e: {  	[spmem:s2] =	stream.indirect.scatter.add.f32 [tilespmem:s22], [sflag:$0x6], $0x40, s5, s21, $0xb8;
	[tilespmem:$0x1BE00] =	vst v63  }
0x8f: {  	_ =	swait.ge [sflag:s30], $0x2000  }
0x90: {  	[sflag:s30] =	ssyncset.done $0x0  }
0x91: {  	s12 =	simm.s32 $0x9F00;
	[sflag:s30] =	ssyncadd.s32 $0xFFFFE000  }
0x92: {  	[spmem:s2] =	stream.indirect.scatter.add.f32 [tilespmem:s24], [sflag:$0x7], $0x40, s12, s21, $0xb8;
	[tilespmem:$0x1BE00] =	vst v63  }
0x93: {  	_ =	swait.ge [sflag:s31], $0x2000  }
0x94: {  	[sflag:s31] =	ssyncset.done $0x0  }
0x95: {  	s5 =	simm.s32 $0x9F80;
	[sflag:s31] =	ssyncadd.s32 $0xFFFFE000  }
0x96: {  	[spmem:s2] =	stream.indirect.scatter.add.f32 [tilespmem:s26], [sflag:$0x8], $0x40, s5, s21, $0xb8;
	[tilespmem:$0x1BE00] =	vst v63  }
0x97: {  	_ =	swait.ge [sflag:s0], $0x2000  }
0x98: {  	[sflag:s0] =	ssyncset.done $0x0  }
0x99: {  	[sflag:s0] =	ssyncadd.s32 $0xFFFFE000  }
0x9a: {  	_ =	swait.ge [sflag:s1], $0x2000  }
0x9b: {  	[sflag:s1] =	ssyncset.done $0x0  }
0x9c: {  	[sflag:s1] =	ssyncadd.s32 $0xFFFFE000  }
0x9d: {  	_ =	swait.ge [sflag:s19], $0x2000  }
0x9e: {  	[sflag:s19] =	ssyncset.done $0x0  }
0x9f: {  	[sflag:s19] =	ssyncadd.s32 $0xFFFFE000  }
0xa0: {  	_ =	swait.ge [sflag:s23], $0x2000  }
0xa1: {  	[sflag:s23] =	ssyncset.done $0x0  }
0xa2: {  	[sflag:s23] =	ssyncadd.s32 $0xFFFFE000  }
0xa3: {  	[bflag:$0x0] =	sbarrier.arrive $0xFFFF  }
0xa4: {  	[tilespmem:s20], [sflag:$0x9] =	stream.linear.gather [spmem:s6], $0x2000, $0x38;
	[tilespmem:$0x1BE00] =	vst v63  }
0xa5: {  	_ =	swait.ge [sflag:s18], $0x2000  }
0xa6: {  	[sflag:s18] =	ssyncset.done $0x0  }
0xa7: {  	s12 =	rddreg [dreg:$0x6];
	[sflag:s18] =	ssyncadd.s32 $0xFFFFE000  }
0xa8: {  	[hbm4b:s12+s3] =	stream.linear.scatter [tilespmem:s20], [sflag:$0x9], $0x2000, $0x38;
	[tilespmem:$0x1BE00] =	vst v63  }
0xa9: {  	_ =	swait.ge [sflag:s18], $0x2000  }
0xaa: {  	[sflag:s18] =	ssyncset.done $0x0  }
0xab: {  	[sflag:s18] =	ssyncadd.s32 $0xFFFFE000  }
0xac: {  	[tilespmem:s20], [sflag:$0x9] =	stream.linear.gather [spmem:s7], $0x2000, $0x38;
	[tilespmem:$0x1BE00] =	vst v63  }
0xad: {  	_ =	swait.ge [sflag:s18], $0x2000  }
0xae: {  	[sflag:s18] =	ssyncset.done $0x0  }
0xaf: {  	[sflag:s18] =	ssyncadd.s32 $0xFFFFE000  }
0xb0: {  	[hbm4b:s13+s3] =	stream.linear.scatter [tilespmem:s20], [sflag:$0x9], $0x2000, $0x38;
	[tilespmem:$0x1BE00] =	vst v63  }
0xb1: {  	_ =	swait.ge [sflag:s18], $0x2000  }
0xb2: {  	[sflag:s18] =	ssyncset.done $0x0  }
0xb3: {  	[sflag:s18] =	ssyncadd.s32 $0xFFFFE000  }
0xb4: {  	[tilespmem:s20], [sflag:$0x9] =	stream.linear.gather [spmem:s8], $0x2000, $0x38;
	[tilespmem:$0x1BE00] =	vst v63  }
0xb5: {  	_ =	swait.ge [sflag:s18], $0x2000  }
0xb6: {  	[sflag:s18] =	ssyncset.done $0x0  }
0xb7: {  	[sflag:s18] =	ssyncadd.s32 $0xFFFFE000  }
0xb8: {  	[hbm4b:s14+s3] =	stream.linear.scatter [tilespmem:s20], [sflag:$0x9], $0x2000, $0x38;
	[tilespmem:$0x1BE00] =	vst v63  }
0xb9: {  	_ =	swait.ge [sflag:s18], $0x2000  }
0xba: {  	[sflag:s18] =	ssyncset.done $0x0  }
0xbb: {  	[sflag:s18] =	ssyncadd.s32 $0xFFFFE000  }
0xbc: {  	[tilespmem:s20], [sflag:$0x9] =	stream.linear.gather [spmem:s9], $0x2000, $0x38;
	[tilespmem:$0x1BE00] =	vst v63  }
0xbd: {  	_ =	swait.ge [sflag:s18], $0x2000  }
0xbe: {  	[sflag:s18] =	ssyncset.done $0x0  }
0xbf: {  	[sflag:s18] =	ssyncadd.s32 $0xFFFFE000  }
0xc0: {  	[hbm4b:s15+s3] =	stream.linear.scatter [tilespmem:s20], [sflag:$0x9], $0x2000, $0x38;
	[tilespmem:$0x1BE00] =	vst v63  }
0xc1: {  	_ =	swait.ge [sflag:s18], $0x2000  }
0xc2: {  	[sflag:s18] =	ssyncset.done $0x0  }
0xc3: {  	[sflag:s18] =	ssyncadd.s32 $0xFFFFE000  }
0xc4: {  	[tilespmem:s20], [sflag:$0x9] =	stream.linear.gather [spmem:s10], $0x1E00, $0x38;
	[tilespmem:$0x1BE00] =	vst v63  }
0xc5: {  	s25 =	sadd.s32 $0x1, s25;
	_ =	swait.ge [sflag:s18], $0x1E00  }
0xc6: {  	p0 =	sne.s32 s25, s17;
	[sflag:s18] =	ssyncset.done $0x0  }
.Ltmp2:
0xc7: {  	[sflag:s18] =	ssyncadd.s32 $0xFFFFE200;
	(pc) =	sbr.rel @p0 .LBB2_1-.Ltmp2, $4  }
0xc8: {  	[hbm4b:s16+s3] =	stream.linear.scatter [tilespmem:s20], [sflag:$0x9], $0x1E00, $0x38;
	[tilespmem:$0x1BE00] =	vst v63  }
0xc9: {  	_ =	swait.ge [sflag:s18], $0x1E00  }
0xca: {  	[sflag:s18] =	ssyncset.done $0x0  }
0xcb: {  	[sflag:s18] =	ssyncadd.s32 $0xFFFFE200  }
0xcc: {  	_ =	sfence.sel $0x180000  }
0xcd: {  	[bflag:$0x0] =	sbarrier.arrive $0xFFFF  }
0xce: {  	_ =	strace $0x9000004A  }
0xcf: {  	s0 =	stileid.u32;
	[bflag:$0x2] =	sbarrier.arrive $0xFFFF  }
0xd0: {  	p0 =	sne.s32 s0, $0x0;
	s0 =	rddreg [dreg:$0x3]  }
0xd1: {  	s0 =	sadd.s32 @!p0 $0x100000, s0  }
0xd2: {  	[sflag:s0] =	ssyncadd.tile.s32 @!p0 $0x1;
	_ =	shalt  }
.Lfunc_end2:
_tile_overlayer_lowered:
.L_overlay_start_2:
0xd3: {  	(tag) =	ssettag $0x2  }
0xd4: {  	s0 =	rddreg [dreg:$0x0];
	s2 =	stileid.u32  }
0xd5: {  	s1 =	rddreg [dreg:$0x1];
	p0 =	sne.s32 s2, $0x0  }
0xd6: {  	s3 =	rddreg [dreg:$0x2];
	[bflag:$0x3] =	sbarrier.arrive $0xFFFF;
	s2 =	simm.s32 @!p0 $0x1C09  }
0xd7: {  	[timem:s3], [sflag:s2] =	dma.local @!p0 [hbm:s0], s1  }
0xd8: {  	s0 =	simm.s32 @!p0 $0x9  }
0xd9: {  	_ =	swait.ge @!p0 [sflag:s0], s1  }
0xda: {  	s1 =	ssub.s32 @!p0 $0x0, s1;
	[sflag:s0] =	ssyncset.done @!p0 $0x0  }
0xdb: {  	[sflag:s0] =	ssyncadd.s32 @!p0 s1  }
0xdc: {  	[bflag:$0x3] =	sbarrier.arrive $0xFFFF  }
0xdd: {  	_ =	shalt  }

// kernel: kernel.16.cloned.1.call-start
scs
__scs_entry_jumppad:
0x0: {  	(pc) =	sbr.rel $0x88, $3  }
0x1: {  	(tag) =	ssettag $0x0;
	lr =	simm.s32 $0x1  }
0x2: {  	[smem:$0x3F99] =	sst lr;
	_ =	strace $0xD0000000  }
0x3: {  	_ = 	snop  }
0x4: {  	_ = 	snop  }
0x5: {  	_ = 	snop  }
0x6: {  	_ = 	snop  }
0x7: {  	_ = 	snop  }
__scs_overlays_trampoline_lowered:
0x8: {  	[smem:$0x3FA8] =	sst s0  }
0x9: {  	[smem:$0x3FA9] =	sst s1  }
0xa: {  	[smem:$0x3FAA] =	sst s2  }
0xb: {  	[smem:$0x3FAB] =	sst s3  }
0xc: {  	[smem:$0x3FAC] =	sst s4  }
0xd: {  	[smem:$0x3FAD] =	sst s5  }
0xe: {  	[smem:$0x3FAE] =	sst s6  }
0xf: {  	[smem:$0x3FAF] =	sst s7  }
0x10: {  	[smem:$0x3FB0] =	sst s8  }
0x11: {  	[smem:$0x3FB1] =	sst s9;
	s0 =	simm.s32 @!p0 $0x0  }
0x12: {  	s1 =	sld [smem:$0x3F97];
	s0 =	simm.s32 @p0 $0x1  }
0x13: {  	[smem:$0x3FB2] =	sst s0;
	s0 =	simm.s32 @!p1 $0x0  }
0x14: {  	s2 =	sld [smem:$0x3F96];
	s0 =	simm.s32 @p1 $0x1  }
0x15: {  	[smem:$0x3FB3] =	sst s0;
	s0 =	simm.s32 @!p2 $0x0  }
0x16: {  	s3 =	sld [smem:$0x3FDB];
	s0 =	simm.s32 @p2 $0x1  }
0x17: {  	s4 =	simm.s32 $0x1BF5;
	[smem:$0x3FB5] =	sst s0  }
0x18: {  	s0 =	sld [smem:$0x3F98];
	_ =	swait.ge [sflag:s4], $0x0  }
0x19: {  	s7 =	sld [smem:$0x3F99]  }
0x1a: {  	s8 =	sadd.s32 $0xFFFFE003, lr  }
0x1b: {  	s9 =	sadd.s32 $0xFFFFFEF7, lr;
	s5 =	simm.s32 $0xFFFFFFFF;
	p2 =	slt.u32 s8, $0xFFFFF086  }
0x1c: {  	p1 =	slt.u32 s9, $0xF7A;
	s5 =	simm.s32 @!p2 $0x0  }
0x1d: {  	s5 =	simm.s32 @p1 $0x1;
	p0 =	seq.s32 s7, s2  }
0x1e: {  	s7 =	smul.u32 @!p0 $0xF7A, s2;
	p2 =	seq.s32 @!p0 s5, $0x0  }
0x1f: {  	s9 =	smul.u32 $0xF7A, s1;
	s8 =	simm.s32 @!p0 $0x1BF5;
	p2 =	por !p2, p0  }
0x20: {  	[sflag:s8] =	ssyncset.s32 @!p0 $0xFFFFF086;
	s6 =	sadd.s32 @!p0 s3, s7;
	s7 =	simm.s32 @!p0 $0x108  }
0x21: {  	s3 =	sadd.s32 s3, s9;
	s6 =	sadd.s32 @!p0 $0x88, s6;
	s7 =	simm.s32 @p2 $0x1082  }
0x22: {  	[simem:s7], [sflag:s8] =	dma.local @!p0 [hbm:s6], $0xF7A  }
0x23: {  	s9 =	sor.u32 $0xD0000000, s2;
	s6 =	simm.s32 $0x108;
	_ =	swait.ge @!p0 [sflag:s8], $0x0  }
0x24: {  	s3 =	sadd.s32 $0x88, s3;
	s6 =	simm.s32 @!p1 $0x1082;
	[sflag:s4] =	ssyncset.s32 $0xFFFFF086  }
0x25: {  	[simem:s6], [sflag:s4] =	dma.local [hbm:s3], $0xF7A  }
0x26: {  	[smem:$0x3F99] =	sst s1;
	(tag) =	ssettag s2;
	_ =	strace s9  }
0x27: {  	s1 =	sld [smem:$0x3FA9]  }
0x28: {  	s2 =	sld [smem:$0x3FAA]  }
0x29: {  	s4 =	sld [smem:$0x3FAC]  }
0x2a: {  	p0 =	seq.s32 s5, $0x0;
	s5 =	sld [smem:$0x3FAD]  }
0x2b: {  	s6 =	sld [smem:$0x3FAE]  }
0x2c: {  	s7 =	sld [smem:$0x3FAF]  }
0x2d: {  	s3 =	simm.s32 $0x108;
	s8 =	sld [smem:$0x3FB0]  }
0x2e: {  	s3 =	simm.s32 @!p0 $0x1082;
	s9 =	sld [smem:$0x3FB1]  }
0x2f: {  	lr =	sadd.s32 s0, s3;
	s0 =	sld [smem:$0x3FA8]  }
0x30: {  	s3 =	sld [smem:$0x3FAB]  }
0x31: {  	[smem:$0x3FB4] =	sst s10  }
0x32: {  	s10 =	sld [smem:$0x3FB2];
	_ =	sdelay $0x3  }
0x33: {  	p0 =	seq.s32 s10, $0x1;
	s10 =	sld [smem:$0x3FB4];
	_ =	sdelay $0x3  }
0x34: {  	[smem:$0x3FB4] =	sst s10  }
0x35: {  	s10 =	sld [smem:$0x3FB3];
	_ =	sdelay $0x3  }
0x36: {  	p1 =	seq.s32 s10, $0x1;
	s10 =	sld [smem:$0x3FB4];
	_ =	sdelay $0x3  }
0x37: {  	[smem:$0x3FB4] =	sst s10  }
0x38: {  	s10 =	sld [smem:$0x3FB5]  }
0x39: {  	_ = 	snop;
	(pc) =	sbr.ind lr, $3  }
0x3a: {  	_ = 	snop  }
0x3b: {  	_ = 	snop  }
0x3c: {  	p2 =	seq.s32 s10, $0x1;
	s10 =	sld [smem:$0x3FB4]  }
0x3d: {  	_ =	shalt  }
0x3e: {  	_ =	shalt  }
0x3f: {  	_ =	shalt  }
0x40: {  	_ =	shalt  }
0x41: {  	_ =	shalt  }
0x42: {  	_ =	shalt  }
0x43: {  	_ =	shalt  }
0x44: {  	_ =	shalt  }
0x45: {  	_ =	shalt  }
0x46: {  	_ =	shalt  }
0x47: {  	_ =	shalt  }
0x48: {  	_ =	shalt  }
0x49: {  	_ =	shalt  }
0x4a: {  	_ =	shalt  }
0x4b: {  	_ =	shalt  }
0x4c: {  	_ =	shalt  }
0x4d: {  	_ =	shalt  }
0x4e: {  	_ =	shalt  }
0x4f: {  	_ =	shalt  }
0x50: {  	_ =	shalt  }
0x51: {  	_ =	shalt  }
0x52: {  	_ =	shalt  }
0x53: {  	_ =	shalt  }
0x54: {  	_ =	shalt  }
0x55: {  	_ =	shalt  }
0x56: {  	_ =	shalt  }
0x57: {  	_ =	shalt  }
0x58: {  	_ =	shalt  }
0x59: {  	_ =	shalt  }
0x5a: {  	_ =	shalt  }
0x5b: {  	_ =	shalt  }
0x5c: {  	_ =	shalt  }
0x5d: {  	_ =	shalt  }
0x5e: {  	_ =	shalt  }
0x5f: {  	_ =	shalt  }
0x60: {  	_ =	shalt  }
0x61: {  	_ =	shalt  }
0x62: {  	_ =	shalt  }
0x63: {  	_ =	shalt  }
0x64: {  	_ =	shalt  }
0x65: {  	_ =	shalt  }
0x66: {  	_ =	shalt  }
0x67: {  	_ =	shalt  }
0x68: {  	_ =	shalt  }
0x69: {  	_ =	shalt  }
0x6a: {  	_ =	shalt  }
0x6b: {  	_ =	shalt  }
0x6c: {  	_ =	shalt  }
0x6d: {  	_ =	shalt  }
0x6e: {  	_ =	shalt  }
0x6f: {  	_ =	shalt  }
0x70: {  	_ =	shalt  }
0x71: {  	_ =	shalt  }
0x72: {  	_ =	shalt  }
0x73: {  	_ =	shalt  }
0x74: {  	_ =	shalt  }
0x75: {  	_ =	shalt  }
0x76: {  	_ =	shalt  }
0x77: {  	_ =	shalt  }
0x78: {  	_ =	shalt  }
0x79: {  	_ =	shalt  }
0x7a: {  	_ =	shalt  }
0x7b: {  	_ =	shalt  }
0x7c: {  	_ =	shalt  }
0x7d: {  	_ =	shalt  }
0x7e: {  	_ =	shalt  }
0x7f: {  	_ =	shalt  }
0x80: {  	_ =	shalt  }
0x81: {  	_ =	shalt  }
0x82: {  	_ =	shalt  }
0x83: {  	_ =	shalt  }
0x84: {  	_ =	shalt  }
0x85: {  	_ =	shalt  }
0x86: {  	_ =	shalt  }
0x87: {  	_ =	shalt  }
.Lfunc_end0:
.L_simem_size_0:
called_computation.2_lowered:
.L_overlay_start_0:
0x88: {  	s2 =	sld [smem:$0x3FD9]  }
0x89: {  	s3 =	sld [smem:$0x3FFE];
	_ =	sdelay $0x1  }
0x8a: {  	s1 =	srdreg.scid  }
0x8b: {  	s0 =	sand.u32 $0x1, s1  }
0x8c: {  	s17 =	sshll.u32 s0, $0xA;
	s2 =	sadd.s32 s3, s2  }
0x8d: {  	s2 =	sadd.s32 s2, s17  }
0x8e: {  	[smem:$0x3FC0] =	sst s2  }
0x8f: {  	_ = 	snop  }
0x90: {  	s2 =	sld [smem:$0x3FD0];
	(tm) =	ssettm $0x1  }
0x91: {  	s18 =	sld [smem:$0x3FFB];
	_ =	sdelay $0x3  }
0x92: {  	_ =	strace s18  }
0x93: {  	s3 =	sld [smem:$0x3FFC];
	_ =	sdelay $0x3  }
0x94: {  	_ =	strace s3  }
0x95: {  	s3 =	sld [smem:$0x3FFD];
	_ =	sdelay $0x3  }
0x96: {  	_ =	strace s3  }
0x97: {  	_ =	strace $0x8FFFFFFF  }
0x98: {  	s19 =	sld [smem:$0x3FDB];
	_ =	sdelay $0x1  }
0x99: {  	s4 =	simm.s32 $_scs_section_size  }
0x9a: {  	s5 =	simm.s32 $_size__tile_overlayer_lowered;
	s6 =	simm.s32 $_tile_overlayer_lowered  }
0x9b: {  	s22 =	simm.s32 $0x1BFF;
	s21 =	sshll.u32 s6, $0x1;
	s3 =	sadd.s32 s4, s19  }
0x9c: {  	s7 =	simm.s32 $0x0;
	s20 =	sshll.u32 s5, $0x1;
	s5 =	sadd.s32 s21, s3  }
0x9d: {  	[timem:s7], [sflag:s22] =	dma.local [hbm:s5], s20  }
0x9e: {  	_ =	swait.ge [sflag:s22], s20  }
0x9f: {  	s4 =	ssub.s32 $0x0, s20;
	[sflag:s22] =	ssyncset.done $0x0  }
0xa0: {  	[sflag:s22] =	ssyncadd.s32 s4;
	_ =	sdelay $0x1  }
0xa1: {  	s23 =	simm.s32 $0x1B8B  }
0xa2: {  	_ =	swait.ge [sflag:s23], $0x1  }
0xa3: {  	[sflag:s23] =	ssyncset.done $0x0  }
0xa4: {  	s25 =	simm.s32 $0x1B8E;
	s24 =	sld [smem:$0x3FFE];
	[sflag:s23] =	ssyncadd.s32 $0xFFFFFFFF  }
0xa5: {  	s26 =	simm.s32 $execute0_lowered;
	[smem:$0x3FD2] =	sst s25  }
0xa6: {  	s5 =	sshll.u32 s26, $0x1;
	_ =	strace $0x8000004C;
	[dreg:$0x1] =	wrdreg $0xFFFFFFFF  }
0xa7: {  	s28 =	simm.s32 $_size_execute0_lowered;
	s3 =	sadd.s32 s3, s5;
	[dreg:$0x0] =	wrdreg $0x0  }
0xa8: {  	s5 =	sshll.u32 s28, $0x1;
	[dreg:$0x2] =	wrdreg s3  }
0xa9: {  	[dreg:$0x3] =	wrdreg s5  }
0xaa: {  	[dreg:$0x4] =	wrdreg $0xC0  }
0xab: {  	_ =	task [dreg:s7], $0x5FFFF  }
0xac: {  	[dreg:$0x1] =	wrdreg $0xFFFFFFFF  }
0xad: {  	[dreg:$0x0] =	wrdreg $0x60  }
0xae: {  	[dreg:$0x2] =	wrdreg s2  }
0xaf: {  	[dreg:$0x3] =	wrdreg s24  }
0xb0: {  	[dreg:$0x4] =	wrdreg $0x120000  }
0xb1: {  	[dreg:$0x5] =	wrdreg $0x9  }
0xb2: {  	_ =	task.clear_ibuf [dreg:s7], $0x6FFFF;
	_ =	strace $0x9000004C  }
0xb3: {  	s29 =	simm.s32 $0x9;
	_ =	strace $0x8000004E  }
0xb4: {  	_ =	swait.ge [sflag:s29], $0x1  }
0xb5: {  	[sflag:s29] =	ssyncadd.s32 $0xFFFFFFFF  }
0xb6: {  	_ =	strace $0x9000004E  }
0xb7: {  	_ =	sfence  }
0xb8: {  	s30 =	sld [smem:$0x0];
	_ =	sdelay $0x2  }
0xb9: {  	s31 =	sshll.u32 s1, $0xD;
	s1 =	sshrl.u32 s1, $0x2  }
0xba: {  	s3 =	sand.u32 $0x4000, s31;
	s1 =	sadd.s32 s1, s30  }
0xbb: {  	s0 =	sor.u32 s3, s0;
	s1 =	sshll.u32 s1, $0x11  }
0xbc: {  	s0 =	sor.u32 s1, s0  }
0xbd: {  	s0 =	sadd.s32 $0x8F2B, s0  }
0xbe: {  	[sflag:s0] =	ssyncadd.remote.s32 $0x1  }
0xbf: {  	_ =	sfence.sel $0xFFFF  }
0xc0: {  	[dreg:$0x0] =	wrdreg $0xFFFFFFFF;
	(pc) =	sbr.abs _section_cstart, $3  }
0xc1: {  	[dreg:$0x1] =	wrdreg $0xFFFFFFFF  }
0xc2: {  	_ =	task.clear_ibuf [dreg:s7], $0x2FFFF;
	_ =	strace $0x9FFFFFFF  }
0xc3: {  	(tm) =	ssettm $0x7FFFFFFF  }
tec
execute0_lowered:
.L_overlay_start_1:
0x0: {  	(tag) =	ssettag $0x1  }
0x1: {  	s0 =	rddreg [dreg:$0x0]  }
0x2: {  	s1 =	rddreg [dreg:$0x1]  }
0x3: {  	s2 =	rddreg [dreg:$0x2];
	s3 =	simm.s32 $0x0  }
0x4: {  	s8 =	stileid.u32;
	s4 =	srdreg.scid;
	s28 =	simm.s32 $0x1  }
0x5: {  	s29 =	simm.s32 $0x2;
	s30 =	simm.s32 $0x3;
	s5 =	smul.u32 $0xA00, s8  }
0x6: {  	[smem:$0x7FF] =	sst s3;
	s4 =	sand.u32 $0x1, s4;
	s10 =	smul.u32 $0x9E00, s8  }
0x7: {  	s31 =	simm.s32 $0x4;
	_ =	strace $0x8000004D;
	s16 =	smul.u32 $0x9E000, s4  }
0x8: {  	s6 =	ssub.s32 $0x2, s4;
	s4 =	smul.u32 $0x13880, s4;
	s5 =	sadd.s32 s5, s1  }
0x9: {  	s7 =	sshrl.u32 s6, $0x1;
	s1 =	sadd.s32 $0x79C00, s1;
	s20 =	sadd.s32 $0x2000, s10  }
0xa: {  	s14 =	sadd.s32 $0x4000, s10;
	s15 =	sadd.s32 $0x6000, s10;
	s18 =	sadd.s32 $0x8000, s10  }
0xb: {  	s17 =	ssub.s32 s6, s7;
	s19 =	sadd.s32 $0x3000, s5;
	s5 =	sadd.s32 $0xD000, s5  }
0xc: {  	s6 =	sadd.s32 s10, s2;
	s7 =	sadd.s32 s20, s2;
	s8 =	sadd.s32 s14, s2  }
0xd: {  	s9 =	sadd.s32 s15, s2;
	s11 =	sadd.s32 s10, s16;
	s10 =	sadd.s32 s18, s2  }
0xe: {  	s23 =	sadd.s32 s16, s14;
	s24 =	sadd.s32 s16, s15;
	[dreg:$0x4] =	wrdreg s19  }
0xf: {  	s25 =	sadd.s32 s16, s18;
	s18 =	simm.s32 $0x9;
	[dreg:$0x5] =	wrdreg s5  }
0x10: {  	s12 =	sshrl.u32 s11, $0x3;
	s5 =	sadd.s32 s16, s20;
	s11 =	sadd.s32 s0, s4  }
0x11: {  	s0 =	sshrl.u32 s23, $0x3;
	s4 =	sshrl.u32 s24, $0x3;
	s26 =	sshrl.u32 s25, $0x3  }
0x12: {  	s17 =	smax.u32 s17, $0x1;
	s20 =	simm.s32 $0xA000;
	s24 =	simm.s32 $0xE000  }
0x13: {  	s19 =	simm.s32 $0x7;
	s23 =	simm.s32 $0x8;
	s25 =	simm.s32 $0x0  }
0x14: {  	s21 =	sadd.s32 s1, s12;
	s22 =	sshrl.u32 s5, $0x3;
	s14 =	sadd.s32 s1, s0  }
0x15: {  	s15 =	sadd.s32 s1, s4;
	s16 =	sadd.s32 s1, s26;
	s26 =	simm.s32 $0x10000  }
0x16: {  	s0 =	simm.s32 $0x5;
	[dreg:$0x6] =	wrdreg s21;
	s13 =	sadd.s32 s1, s22  }
0x17: {  	v0 =	vimm.f32 $0.0e+00;
	s21 =	simm.s32 $0x80;
	s22 =	simm.s32 $0xC000;
	s1 =	simm.s32 $0x6  }
.LBB2_1:
0x18: {  	s4 =	rddreg [dreg:$0x4]  }
0x19: {  	[tilespmem:s3], [sflag:$0x9] =	stream.linear.gather [hbm4b:s4+s3], $0x5000, $0x38;
	[tilespmem:$0x1BE00] =	vst v63  }
0x1a: {  	_ =	swait.ge [sflag:s18], $0x5000  }
0x1b: {  	[sflag:s18] =	ssyncset.done $0x0  }
0x1c: {  	s5 =	simm.s32 $0x5000;
	s12 =	rddreg [dreg:$0x5];
	[sflag:s18] =	ssyncadd.s32 $0xFFFFB000  }
0x1d: {  	[tilespmem:s5], [sflag:$0x9] =	stream.linear.gather [hbm4b:s12+s3], $0x5000, $0x38;
	[tilespmem:$0x1BE00] =	vst v63  }
0x1e: {  	_ =	swait.ge [sflag:s18], $0x5000  }
0x1f: {  	[sflag:s18] =	ssyncset.done $0x0  }
0x20: {  	s4 =	simm.s32 $0x0;
	s5 =	simm.s32 $0x100;
	[sflag:s18] =	ssyncadd.s32 $0xFFFFB000  }
.LBB2_2:
0x21: {  	p0 =	sne.s32 s5, $0x7F00;
	[tilespmem:s4+$0xA030] =	vst v0;
	s12 =	smov.u32 s5;
	s5 =	sadd.s32 $0x100, s5  }
.Ltmp0:
0x22: {  	[tilespmem:s4+$0xA020] =	vst v0;
	(pc) =	sbr.rel @p0 .LBB2_2-.Ltmp0, $3  }
0x23: {  	[tilespmem:s4+$0xA000] =	vst v0  }
0x24: {  	[tilespmem:s4+$0xA010] =	vst v0;
	_ =	sdelay $0x1  }
0x25: {  	s4 =	sshra.s32 s12, $0x2  }
0x26: {  	[tilespmem:s4+$0xA030] =	vst v0  }
0x27: {  	[tilespmem:s4+$0xA020] =	vst v0  }
0x28: {  	[tilespmem:s4+$0xA000] =	vst v0  }
0x29: {  	[tilespmem:s4+$0xA010] =	vst v0  }
0x2a: {  	[spmem:s6] =	stream.linear.scatter [tilespmem:s20], [sflag:$0x9], $0x2000, $0x38;
	[tilespmem:$0x1BE00] =	vst v63  }
0x2b: {  	_ =	swait.ge [sflag:s18], $0x2000  }
0x2c: {  	[sflag:s18] =	ssyncset.done $0x0  }
0x2d: {  	[sflag:s18] =	ssyncadd.s32 $0xFFFFE000  }
0x2e: {  	[spmem:s7] =	stream.linear.scatter [tilespmem:s20], [sflag:$0x9], $0x2000, $0x38;
	[tilespmem:$0x1BE00] =	vst v63  }
0x2f: {  	_ =	swait.ge [sflag:s18], $0x2000  }
0x30: {  	[sflag:s18] =	ssyncset.done $0x0  }
0x31: {  	[sflag:s18] =	ssyncadd.s32 $0xFFFFE000  }
0x32: {  	[spmem:s8] =	stream.linear.scatter [tilespmem:s20], [sflag:$0x9], $0x2000, $0x38;
	[tilespmem:$0x1BE00] =	vst v63  }
0x33: {  	_ =	swait.ge [sflag:s18], $0x2000  }
0x34: {  	[sflag:s18] =	ssyncset.done $0x0  }
0x35: {  	[sflag:s18] =	ssyncadd.s32 $0xFFFFE000  }
0x36: {  	[spmem:s9] =	stream.linear.scatter [tilespmem:s20], [sflag:$0x9], $0x2000, $0x38;
	[tilespmem:$0x1BE00] =	vst v63  }
0x37: {  	_ =	swait.ge [sflag:s18], $0x2000  }
0x38: {  	[sflag:s18] =	ssyncset.done $0x0  }
0x39: {  	[sflag:s18] =	ssyncadd.s32 $0xFFFFE000  }
0x3a: {  	[spmem:s10] =	stream.linear.scatter [tilespmem:s20], [sflag:$0x9], $0x1E00, $0x38;
	[tilespmem:$0x1BE00] =	vst v63  }
0x3b: {  	_ =	swait.ge [sflag:s18], $0x1E00  }
0x3c: {  	[sflag:s18] =	ssyncset.done $0x0  }
0x3d: {  	[sflag:s18] =	ssyncadd.s32 $0xFFFFE200  }
0x3e: {  	s5 =	simm.s32 $0x0;
	[bflag:$0x0] =	sbarrier.arrive $0xFFFF  }
0x3f: {  	[tilespmem:s20], [sflag:$0x1] =	stream.indirect.gather [hbm4b:s11+s21], $0x40, s5, s21, $0xb8;
	[tilespmem:$0x1BE00] =	vst v63  }
0x40: {  	_ = 	snop  }
0x41: {  	[tilespmem:s22], [sflag:$0x2] =	stream.indirect.gather [hbm4b:s11+s21], $0x40, s21, s21, $0xb8;
	[tilespmem:$0x1BE00] =	vst v63  }
0x42: {  	s12 =	simm.s32 $0x100  }
0x43: {  	[tilespmem:s24], [sflag:$0x3] =	stream.indirect.gather [hbm4b:s11+s21], $0x40, s12, s21, $0xb8;
	[tilespmem:$0x1BE00] =	vst v63  }
0x44: {  	s5 =	simm.s32 $0x180  }
0x45: {  	[tilespmem:s26], [sflag:$0x4] =	stream.indirect.gather [hbm4b:s11+s21], $0x40, s5, s21, $0xb8;
	[tilespmem:$0x1BE00] =	vst v63  }
0x46: {  	_ =	swait.ge [sflag:s28], $0x2000  }
0x47: {  	[sflag:s28] =	ssyncset.done $0x0  }
0x48: {  	s12 =	simm.s32 $0x5000;
	[sflag:s28] =	ssyncadd.s32 $0xFFFFE000  }
0x49: {  	[spmem:s2] =	stream.indirect.scatter.add.f32 [tilespmem:s20], [sflag:$0x5], $0x40, s12, s21, $0xb8;
	[tilespmem:$0x1BE00] =	vst v63  }
0x4a: {  	_ =	swait.ge [sflag:s29], $0x2000  }
0x4b: {  	[sflag:s29] =	ssyncset.done $0x0  }
0x4c: {  	s5 =	simm.s32 $0x5080;
	[sflag:s29] =	ssyncadd.s32 $0xFFFFE000  }
0x4d: {  	[spmem:s2] =	stream.indirect.scatter.add.f32 [tilespmem:s22], [sflag:$0x6], $0x40, s5, s21, $0xb8;
	[tilespmem:$0x1BE00] =	vst v63  }
0x4e: {  	_ =	swait.ge [sflag:s30], $0x2000  }
0x4f: {  	[sflag:s30] =	ssyncset.done $0x0  }
0x50: {  	s12 =	simm.s32 $0x5100;
	[sflag:s30] =	ssyncadd.s32 $0xFFFFE000  }
0x51: {  	[spmem:s2] =	stream.indirect.scatter.add.f32 [tilespmem:s24], [sflag:$0x7], $0x40, s12, s21, $0xb8;
	[tilespmem:$0x1BE00] =	vst v63  }
0x52: {  	_ =	swait.ge [sflag:s31], $0x2000  }
0x53: {  	[sflag:s31] =	ssyncset.done $0x0  }
0x54: {  	s5 =	simm.s32 $0x5180;
	[sflag:s31] =	ssyncadd.s32 $0xFFFFE000  }
0x55: {  	[spmem:s2] =	stream.indirect.scatter.add.f32 [tilespmem:s26], [sflag:$0x8], $0x40, s5, s21, $0xb8;
	[tilespmem:$0x1BE00] =	vst v63  }
0x56: {  	_ =	swait.ge [sflag:s0], $0x2000  }
0x57: {  	[sflag:s0] =	ssyncset.done $0x0  }
0x58: {  	s12 =	simm.s32 $0x200;
	[sflag:s0] =	ssyncadd.s32 $0xFFFFE000  }
0x59: {  	[tilespmem:s20], [sflag:$0x1] =	stream.indirect.gather [hbm4b:s11+s21], $0x40, s12, s21, $0xb8;
	[tilespmem:$0x1BE00] =	vst v63  }
0x5a: {  	_ =	swait.ge [sflag:s1], $0x2000  }
0x5b: {  	[sflag:s1] =	ssyncset.done $0x0  }
0x5c: {  	s5 =	simm.s32 $0x280;
	[sflag:s1] =	ssyncadd.s32 $0xFFFFE000  }
0x5d: {  	[tilespmem:s22], [sflag:$0x2] =	stream.indirect.gather [hbm4b:s11+s21], $0x40, s5, s21, $0xb8;
	[tilespmem:$0x1BE00] =	vst v63  }
0x5e: {  	_ =	swait.ge [sflag:s19], $0x2000  }
0x5f: {  	[sflag:s19] =	ssyncset.done $0x0  }
0x60: {  	s12 =	simm.s32 $0x300;
	[sflag:s19] =	ssyncadd.s32 $0xFFFFE000  }
0x61: {  	[tilespmem:s24], [sflag:$0x3] =	stream.indirect.gather [hbm4b:s11+s21], $0x40, s12, s21, $0xb8;
	[tilespmem:$0x1BE00] =	vst v63  }
0x62: {  	_ =	swait.ge [sflag:s23], $0x2000  }
0x63: {  	[sflag:s23] =	ssyncset.done $0x0  }
0x64: {  	s4 =	simm.s32 $0x800;
	s5 =	simm.s32 $0x380;
	[sflag:s23] =	ssyncadd.s32 $0xFFFFE000  }
.LBB2_4:
0x65: {  	[tilespmem:s26], [sflag:$0x4] =	stream.indirect.gather [hbm4b:s11+s21], $0x40, s5, s21, $0xb8;
	[tilespmem:$0x1BE00] =	vst v63  }
0x66: {  	s5 =	smov.u32 s4  }
0x67: {  	p0 =	sne.s32 s4, $0x13000;
	s4 =	sadd.s32 $0x800, s4;
	_ =	swait.ge [sflag:s28], $0x2000  }
0x68: {  	s5 =	sshra.s32 s5, $0x2;
	[sflag:s28] =	ssyncset.done $0x0  }
0x69: {  	s12 =	sadd.s32 $0x5000, s5;
	[sflag:s28] =	ssyncadd.s32 $0xFFFFE000  }
0x6a: {  	[spmem:s2] =	stream.indirect.scatter.add.f32 [tilespmem:s20], [sflag:$0x5], $0x40, s12, s21, $0xb8;
	[tilespmem:$0x1BE00] =	vst v63  }
0x6b: {  	_ =	swait.ge [sflag:s29], $0x2000  }
0x6c: {  	[sflag:s29] =	ssyncset.done $0x0  }
0x6d: {  	s12 =	sadd.s32 $0x5080, s5;
	[sflag:s29] =	ssyncadd.s32 $0xFFFFE000  }
0x6e: {  	[spmem:s2] =	stream.indirect.scatter.add.f32 [tilespmem:s22], [sflag:$0x6], $0x40, s12, s21, $0xb8;
	[tilespmem:$0x1BE00] =	vst v63  }
0x6f: {  	_ =	swait.ge [sflag:s30], $0x2000  }
0x70: {  	[sflag:s30] =	ssyncset.done $0x0  }
0x71: {  	s12 =	sadd.s32 $0x5100, s5;
	[sflag:s30] =	ssyncadd.s32 $0xFFFFE000  }
0x72: {  	[spmem:s2] =	stream.indirect.scatter.add.f32 [tilespmem:s24], [sflag:$0x7], $0x40, s12, s21, $0xb8;
	[tilespmem:$0x1BE00] =	vst v63  }
0x73: {  	_ =	swait.ge [sflag:s31], $0x2000  }
0x74: {  	[sflag:s31] =	ssyncset.done $0x0  }
0x75: {  	s12 =	sadd.s32 $0x5180, s5;
	[sflag:s31] =	ssyncadd.s32 $0xFFFFE000  }
0x76: {  	[spmem:s2] =	stream.indirect.scatter.add.f32 [tilespmem:s26], [sflag:$0x8], $0x40, s12, s21, $0xb8;
	[tilespmem:$0x1BE00] =	vst v63  }
0x77: {  	_ =	swait.ge [sflag:s0], $0x2000  }
0x78: {  	[sflag:s0] =	ssyncset.done $0x0  }
0x79: {  	s12 =	sadd.s32 $0x200, s5;
	[sflag:s0] =	ssyncadd.s32 $0xFFFFE000  }
0x7a: {  	[tilespmem:s20], [sflag:$0x1] =	stream.indirect.gather [hbm4b:s11+s21], $0x40, s12, s21, $0xb8;
	[tilespmem:$0x1BE00] =	vst v63  }
0x7b: {  	_ =	swait.ge [sflag:s1], $0x2000  }
0x7c: {  	[sflag:s1] =	ssyncset.done $0x0  }
0x7d: {  	s12 =	sadd.s32 $0x280, s5;
	[sflag:s1] =	ssyncadd.s32 $0xFFFFE000  }
0x7e: {  	[tilespmem:s22], [sflag:$0x2] =	stream.indirect.gather [hbm4b:s11+s21], $0x40, s12, s21, $0xb8;
	[tilespmem:$0x1BE00] =	vst v63  }
0x7f: {  	_ =	swait.ge [sflag:s19], $0x2000  }
0x80: {  	[sflag:s19] =	ssyncset.done $0x0  }
.Ltmp1:
0x81: {  	s12 =	sadd.s32 $0x300, s5;
	[sflag:s19] =	ssyncadd.s32 $0xFFFFE000;
	(pc) =	sbr.rel @p0 .LBB2_4-.Ltmp1, $4  }
0x82: {  	[tilespmem:s24], [sflag:$0x3] =	stream.indirect.gather [hbm4b:s11+s21], $0x40, s12, s21, $0xb8;
	[tilespmem:$0x1BE00] =	vst v63  }
0x83: {  	_ =	swait.ge [sflag:s23], $0x2000  }
0x84: {  	[sflag:s23] =	ssyncset.done $0x0  }
0x85: {  	s5 =	sadd.s32 $0x380, s5;
	[sflag:s23] =	ssyncadd.s32 $0xFFFFE000  }
0x86: {  	[tilespmem:s26], [sflag:$0x4] =	stream.indirect.gather [hbm4b:s11+s21], $0x40, s5, s21, $0xb8;
	[tilespmem:$0x1BE00] =	vst v63  }
0x87: {  	_ =	swait.ge [sflag:s28], $0x2000  }
0x88: {  	[sflag:s28] =	ssyncset.done $0x0  }
0x89: {  	s4 =	simm.s32 $0x9E00;
	[sflag:s28] =	ssyncadd.s32 $0xFFFFE000  }
0x8a: {  	[spmem:s2] =	stream.indirect.scatter.add.f32 [tilespmem:s20], [sflag:$0x5], $0x40, s4, s21, $0xb8;
	[tilespmem:$0x1BE00] =	vst v63  }
0x8b: {  	_ =	swait.ge [sflag:s29], $0x2000  }
0x8c: {  	[sflag:s29] =	ssyncset.done $0x0  }
0x8d: {  	s5 =	simm.s32 $0x9E80;
	[sflag:s29] =	ssyncadd.s32 $0xFFFFE000  }
0x8e: {  	[spmem:s2] =	stream.indirect.scatter.add.f32 [tilespmem:s22], [sflag:$0x6], $0x40, s5, s21, $0xb8;
	[tilespmem:$0x1BE00] =	vst v63  }
0x8f: {  	_ =	swait.ge [sflag:s30], $0x2000  }
0x90: {  	[sflag:s30] =	ssyncset.done $0x0  }
0x91: {  	s12 =	simm.s32 $0x9F00;
	[sflag:s30] =	ssyncadd.s32 $0xFFFFE000  }
0x92: {  	[spmem:s2] =	stream.indirect.scatter.add.f32 [tilespmem:s24], [sflag:$0x7], $0x40, s12, s21, $0xb8;
	[tilespmem:$0x1BE00] =	vst v63  }
0x93: {  	_ =	swait.ge [sflag:s31], $0x2000  }
0x94: {  	[sflag:s31] =	ssyncset.done $0x0  }
0x95: {  	s5 =	simm.s32 $0x9F80;
	[sflag:s31] =	ssyncadd.s32 $0xFFFFE000  }
0x96: {  	[spmem:s2] =	stream.indirect.scatter.add.f32 [tilespmem:s26], [sflag:$0x8], $0x40, s5, s21, $0xb8;
	[tilespmem:$0x1BE00] =	vst v63  }
0x97: {  	_ =	swait.ge [sflag:s0], $0x2000  }
0x98: {  	[sflag:s0] =	ssyncset.done $0x0  }
0x99: {  	[sflag:s0] =	ssyncadd.s32 $0xFFFFE000  }
0x9a: {  	_ =	swait.ge [sflag:s1], $0x2000  }
0x9b: {  	[sflag:s1] =	ssyncset.done $0x0  }
0x9c: {  	[sflag:s1] =	ssyncadd.s32 $0xFFFFE000  }
0x9d: {  	_ =	swait.ge [sflag:s19], $0x2000  }
0x9e: {  	[sflag:s19] =	ssyncset.done $0x0  }
0x9f: {  	[sflag:s19] =	ssyncadd.s32 $0xFFFFE000  }
0xa0: {  	_ =	swait.ge [sflag:s23], $0x2000  }
0xa1: {  	[sflag:s23] =	ssyncset.done $0x0  }
0xa2: {  	[sflag:s23] =	ssyncadd.s32 $0xFFFFE000  }
0xa3: {  	[bflag:$0x0] =	sbarrier.arrive $0xFFFF  }
0xa4: {  	[tilespmem:s20], [sflag:$0x9] =	stream.linear.gather [spmem:s6], $0x2000, $0x38;
	[tilespmem:$0x1BE00] =	vst v63  }
0xa5: {  	_ =	swait.ge [sflag:s18], $0x2000  }
0xa6: {  	[sflag:s18] =	ssyncset.done $0x0  }
0xa7: {  	s12 =	rddreg [dreg:$0x6];
	[sflag:s18] =	ssyncadd.s32 $0xFFFFE000  }
0xa8: {  	[hbm4b:s12+s3] =	stream.linear.scatter [tilespmem:s20], [sflag:$0x9], $0x2000, $0x38;
	[tilespmem:$0x1BE00] =	vst v63  }
0xa9: {  	_ =	swait.ge [sflag:s18], $0x2000  }
0xaa: {  	[sflag:s18] =	ssyncset.done $0x0  }
0xab: {  	[sflag:s18] =	ssyncadd.s32 $0xFFFFE000  }
0xac: {  	[tilespmem:s20], [sflag:$0x9] =	stream.linear.gather [spmem:s7], $0x2000, $0x38;
	[tilespmem:$0x1BE00] =	vst v63  }
0xad: {  	_ =	swait.ge [sflag:s18], $0x2000  }
0xae: {  	[sflag:s18] =	ssyncset.done $0x0  }
0xaf: {  	[sflag:s18] =	ssyncadd.s32 $0xFFFFE000  }
0xb0: {  	[hbm4b:s13+s3] =	stream.linear.scatter [tilespmem:s20], [sflag:$0x9], $0x2000, $0x38;
	[tilespmem:$0x1BE00] =	vst v63  }
0xb1: {  	_ =	swait.ge [sflag:s18], $0x2000  }
0xb2: {  	[sflag:s18] =	ssyncset.done $0x0  }
0xb3: {  	[sflag:s18] =	ssyncadd.s32 $0xFFFFE000  }
0xb4: {  	[tilespmem:s20], [sflag:$0x9] =	stream.linear.gather [spmem:s8], $0x2000, $0x38;
	[tilespmem:$0x1BE00] =	vst v63  }
0xb5: {  	_ =	swait.ge [sflag:s18], $0x2000  }
0xb6: {  	[sflag:s18] =	ssyncset.done $0x0  }
0xb7: {  	[sflag:s18] =	ssyncadd.s32 $0xFFFFE000  }
0xb8: {  	[hbm4b:s14+s3] =	stream.linear.scatter [tilespmem:s20], [sflag:$0x9], $0x2000, $0x38;
	[tilespmem:$0x1BE00] =	vst v63  }
0xb9: {  	_ =	swait.ge [sflag:s18], $0x2000  }
0xba: {  	[sflag:s18] =	ssyncset.done $0x0  }
0xbb: {  	[sflag:s18] =	ssyncadd.s32 $0xFFFFE000  }
0xbc: {  	[tilespmem:s20], [sflag:$0x9] =	stream.linear.gather [spmem:s9], $0x2000, $0x38;
	[tilespmem:$0x1BE00] =	vst v63  }
0xbd: {  	_ =	swait.ge [sflag:s18], $0x2000  }
0xbe: {  	[sflag:s18] =	ssyncset.done $0x0  }
0xbf: {  	[sflag:s18] =	ssyncadd.s32 $0xFFFFE000  }
0xc0: {  	[hbm4b:s15+s3] =	stream.linear.scatter [tilespmem:s20], [sflag:$0x9], $0x2000, $0x38;
	[tilespmem:$0x1BE00] =	vst v63  }
0xc1: {  	_ =	swait.ge [sflag:s18], $0x2000  }
0xc2: {  	[sflag:s18] =	ssyncset.done $0x0  }
0xc3: {  	[sflag:s18] =	ssyncadd.s32 $0xFFFFE000  }
0xc4: {  	[tilespmem:s20], [sflag:$0x9] =	stream.linear.gather [spmem:s10], $0x1E00, $0x38;
	[tilespmem:$0x1BE00] =	vst v63  }
0xc5: {  	s25 =	sadd.s32 $0x1, s25;
	_ =	swait.ge [sflag:s18], $0x1E00  }
0xc6: {  	p0 =	sne.s32 s25, s17;
	[sflag:s18] =	ssyncset.done $0x0  }
.Ltmp2:
0xc7: {  	[sflag:s18] =	ssyncadd.s32 $0xFFFFE200;
	(pc) =	sbr.rel @p0 .LBB2_1-.Ltmp2, $4  }
0xc8: {  	[hbm4b:s16+s3] =	stream.linear.scatter [tilespmem:s20], [sflag:$0x9], $0x1E00, $0x38;
	[tilespmem:$0x1BE00] =	vst v63  }
0xc9: {  	_ =	swait.ge [sflag:s18], $0x1E00  }
0xca: {  	[sflag:s18] =	ssyncset.done $0x0  }
0xcb: {  	[sflag:s18] =	ssyncadd.s32 $0xFFFFE200  }
0xcc: {  	_ =	sfence.sel $0x180000  }
0xcd: {  	[bflag:$0x0] =	sbarrier.arrive $0xFFFF  }
0xce: {  	_ =	strace $0x9000004D  }
0xcf: {  	s0 =	stileid.u32;
	[bflag:$0x2] =	sbarrier.arrive $0xFFFF  }
0xd0: {  	p0 =	sne.s32 s0, $0x0;
	s0 =	rddreg [dreg:$0x3]  }
0xd1: {  	s0 =	sadd.s32 @!p0 $0x100000, s0  }
0xd2: {  	[sflag:s0] =	ssyncadd.tile.s32 @!p0 $0x1;
	_ =	shalt  }
.Lfunc_end2:
_tile_overlayer_lowered:
.L_overlay_start_2:
0xd3: {  	(tag) =	ssettag $0x2  }
0xd4: {  	s0 =	rddreg [dreg:$0x0];
	s2 =	stileid.u32  }
0xd5: {  	s1 =	rddreg [dreg:$0x1];
	p0 =	sne.s32 s2, $0x0  }
0xd6: {  	s3 =	rddreg [dreg:$0x2];
	[bflag:$0x3] =	sbarrier.arrive $0xFFFF;
	s2 =	simm.s32 @!p0 $0x1C09  }
0xd7: {  	[timem:s3], [sflag:s2] =	dma.local @!p0 [hbm:s0], s1  }
0xd8: {  	s0 =	simm.s32 @!p0 $0x9  }
0xd9: {  	_ =	swait.ge @!p0 [sflag:s0], s1  }
0xda: {  	s1 =	ssub.s32 @!p0 $0x0, s1;
	[sflag:s0] =	ssyncset.done @!p0 $0x0  }
0xdb: {  	[sflag:s0] =	ssyncadd.s32 @!p0 s1  }
0xdc: {  	[bflag:$0x3] =	sbarrier.arrive $0xFFFF  }
0xdd: {  	_ =	shalt  }

// kernel: kernel.19.cloned.1.call-start
scs
__scs_entry_jumppad:
0x0: {  	(pc) =	sbr.rel $0x88, $3  }
0x1: {  	(tag) =	ssettag $0x0;
	lr =	simm.s32 $0x1  }
0x2: {  	[smem:$0x3F99] =	sst lr;
	_ =	strace $0xD0000000  }
0x3: {  	_ = 	snop  }
0x4: {  	_ = 	snop  }
0x5: {  	_ = 	snop  }
0x6: {  	_ = 	snop  }
0x7: {  	_ = 	snop  }
__scs_overlays_trampoline_lowered:
0x8: {  	[smem:$0x3FA8] =	sst s0  }
0x9: {  	[smem:$0x3FA9] =	sst s1  }
0xa: {  	[smem:$0x3FAA] =	sst s2  }
0xb: {  	[smem:$0x3FAB] =	sst s3  }
0xc: {  	[smem:$0x3FAC] =	sst s4  }
0xd: {  	[smem:$0x3FAD] =	sst s5  }
0xe: {  	[smem:$0x3FAE] =	sst s6  }
0xf: {  	[smem:$0x3FAF] =	sst s7  }
0x10: {  	[smem:$0x3FB0] =	sst s8  }
0x11: {  	[smem:$0x3FB1] =	sst s9;
	s0 =	simm.s32 @!p0 $0x0  }
0x12: {  	s1 =	sld [smem:$0x3F97];
	s0 =	simm.s32 @p0 $0x1  }
0x13: {  	[smem:$0x3FB2] =	sst s0;
	s0 =	simm.s32 @!p1 $0x0  }
0x14: {  	s2 =	sld [smem:$0x3F96];
	s0 =	simm.s32 @p1 $0x1  }
0x15: {  	[smem:$0x3FB3] =	sst s0;
	s0 =	simm.s32 @!p2 $0x0  }
0x16: {  	s3 =	sld [smem:$0x3FDB];
	s0 =	simm.s32 @p2 $0x1  }
0x17: {  	s4 =	simm.s32 $0x1BF5;
	[smem:$0x3FB5] =	sst s0  }
0x18: {  	s0 =	sld [smem:$0x3F98];
	_ =	swait.ge [sflag:s4], $0x0  }
0x19: {  	s7 =	sld [smem:$0x3F99]  }
0x1a: {  	s8 =	sadd.s32 $0xFFFFE003, lr  }
0x1b: {  	s9 =	sadd.s32 $0xFFFFFEF7, lr;
	s5 =	simm.s32 $0xFFFFFFFF;
	p2 =	slt.u32 s8, $0xFFFFF086  }
0x1c: {  	p1 =	slt.u32 s9, $0xF7A;
	s5 =	simm.s32 @!p2 $0x0  }
0x1d: {  	s5 =	simm.s32 @p1 $0x1;
	p0 =	seq.s32 s7, s2  }
0x1e: {  	s7 =	smul.u32 @!p0 $0xF7A, s2;
	p2 =	seq.s32 @!p0 s5, $0x0  }
0x1f: {  	s9 =	smul.u32 $0xF7A, s1;
	s8 =	simm.s32 @!p0 $0x1BF5;
	p2 =	por !p2, p0  }
0x20: {  	[sflag:s8] =	ssyncset.s32 @!p0 $0xFFFFF086;
	s6 =	sadd.s32 @!p0 s3, s7;
	s7 =	simm.s32 @!p0 $0x108  }
0x21: {  	s3 =	sadd.s32 s3, s9;
	s6 =	sadd.s32 @!p0 $0x88, s6;
	s7 =	simm.s32 @p2 $0x1082  }
0x22: {  	[simem:s7], [sflag:s8] =	dma.local @!p0 [hbm:s6], $0xF7A  }
0x23: {  	s9 =	sor.u32 $0xD0000000, s2;
	s6 =	simm.s32 $0x108;
	_ =	swait.ge @!p0 [sflag:s8], $0x0  }
0x24: {  	s3 =	sadd.s32 $0x88, s3;
	s6 =	simm.s32 @!p1 $0x1082;
	[sflag:s4] =	ssyncset.s32 $0xFFFFF086  }
0x25: {  	[simem:s6], [sflag:s4] =	dma.local [hbm:s3], $0xF7A  }
0x26: {  	[smem:$0x3F99] =	sst s1;
	(tag) =	ssettag s2;
	_ =	strace s9  }
0x27: {  	s1 =	sld [smem:$0x3FA9]  }
0x28: {  	s2 =	sld [smem:$0x3FAA]  }
0x29: {  	s4 =	sld [smem:$0x3FAC]  }
0x2a: {  	p0 =	seq.s32 s5, $0x0;
	s5 =	sld [smem:$0x3FAD]  }
0x2b: {  	s6 =	sld [smem:$0x3FAE]  }
0x2c: {  	s7 =	sld [smem:$0x3FAF]  }
0x2d: {  	s3 =	simm.s32 $0x108;
	s8 =	sld [smem:$0x3FB0]  }
0x2e: {  	s3 =	simm.s32 @!p0 $0x1082;
	s9 =	sld [smem:$0x3FB1]  }
0x2f: {  	lr =	sadd.s32 s0, s3;
	s0 =	sld [smem:$0x3FA8]  }
0x30: {  	s3 =	sld [smem:$0x3FAB]  }
0x31: {  	[smem:$0x3FB4] =	sst s10  }
0x32: {  	s10 =	sld [smem:$0x3FB2];
	_ =	sdelay $0x3  }
0x33: {  	p0 =	seq.s32 s10, $0x1;
	s10 =	sld [smem:$0x3FB4];
	_ =	sdelay $0x3  }
0x34: {  	[smem:$0x3FB4] =	sst s10  }
0x35: {  	s10 =	sld [smem:$0x3FB3];
	_ =	sdelay $0x3  }
0x36: {  	p1 =	seq.s32 s10, $0x1;
	s10 =	sld [smem:$0x3FB4];
	_ =	sdelay $0x3  }
0x37: {  	[smem:$0x3FB4] =	sst s10  }
0x38: {  	s10 =	sld [smem:$0x3FB5]  }
0x39: {  	_ = 	snop;
	(pc) =	sbr.ind lr, $3  }
0x3a: {  	_ = 	snop  }
0x3b: {  	_ = 	snop  }
0x3c: {  	p2 =	seq.s32 s10, $0x1;
	s10 =	sld [smem:$0x3FB4]  }
0x3d: {  	_ =	shalt  }
0x3e: {  	_ =	shalt  }
0x3f: {  	_ =	shalt  }
0x40: {  	_ =	shalt  }
0x41: {  	_ =	shalt  }
0x42: {  	_ =	shalt  }
0x43: {  	_ =	shalt  }
0x44: {  	_ =	shalt  }
0x45: {  	_ =	shalt  }
0x46: {  	_ =	shalt  }
0x47: {  	_ =	shalt  }
0x48: {  	_ =	shalt  }
0x49: {  	_ =	shalt  }
0x4a: {  	_ =	shalt  }
0x4b: {  	_ =	shalt  }
0x4c: {  	_ =	shalt  }
0x4d: {  	_ =	shalt  }
0x4e: {  	_ =	shalt  }
0x4f: {  	_ =	shalt  }
0x50: {  	_ =	shalt  }
0x51: {  	_ =	shalt  }
0x52: {  	_ =	shalt  }
0x53: {  	_ =	shalt  }
0x54: {  	_ =	shalt  }
0x55: {  	_ =	shalt  }
0x56: {  	_ =	shalt  }
0x57: {  	_ =	shalt  }
0x58: {  	_ =	shalt  }
0x59: {  	_ =	shalt  }
0x5a: {  	_ =	shalt  }
0x5b: {  	_ =	shalt  }
0x5c: {  	_ =	shalt  }
0x5d: {  	_ =	shalt  }
0x5e: {  	_ =	shalt  }
0x5f: {  	_ =	shalt  }
0x60: {  	_ =	shalt  }
0x61: {  	_ =	shalt  }
0x62: {  	_ =	shalt  }
0x63: {  	_ =	shalt  }
0x64: {  	_ =	shalt  }
0x65: {  	_ =	shalt  }
0x66: {  	_ =	shalt  }
0x67: {  	_ =	shalt  }
0x68: {  	_ =	shalt  }
0x69: {  	_ =	shalt  }
0x6a: {  	_ =	shalt  }
0x6b: {  	_ =	shalt  }
0x6c: {  	_ =	shalt  }
0x6d: {  	_ =	shalt  }
0x6e: {  	_ =	shalt  }
0x6f: {  	_ =	shalt  }
0x70: {  	_ =	shalt  }
0x71: {  	_ =	shalt  }
0x72: {  	_ =	shalt  }
0x73: {  	_ =	shalt  }
0x74: {  	_ =	shalt  }
0x75: {  	_ =	shalt  }
0x76: {  	_ =	shalt  }
0x77: {  	_ =	shalt  }
0x78: {  	_ =	shalt  }
0x79: {  	_ =	shalt  }
0x7a: {  	_ =	shalt  }
0x7b: {  	_ =	shalt  }
0x7c: {  	_ =	shalt  }
0x7d: {  	_ =	shalt  }
0x7e: {  	_ =	shalt  }
0x7f: {  	_ =	shalt  }
0x80: {  	_ =	shalt  }
0x81: {  	_ =	shalt  }
0x82: {  	_ =	shalt  }
0x83: {  	_ =	shalt  }
0x84: {  	_ =	shalt  }
0x85: {  	_ =	shalt  }
0x86: {  	_ =	shalt  }
0x87: {  	_ =	shalt  }
.Lfunc_end0:
.L_simem_size_0:
called_computation.3_lowered:
.L_overlay_start_0:
0x88: {  	s2 =	sld [smem:$0x3FD9]  }
0x89: {  	s3 =	sld [smem:$0x3FFE];
	_ =	sdelay $0x1  }
0x8a: {  	s1 =	srdreg.scid  }
0x8b: {  	s0 =	sand.u32 $0x1, s1  }
0x8c: {  	s17 =	sshll.u32 s0, $0xA;
	s2 =	sadd.s32 s3, s2  }
0x8d: {  	s2 =	sadd.s32 s2, s17  }
0x8e: {  	[smem:$0x3FC0] =	sst s2  }
0x8f: {  	_ = 	snop  }
0x90: {  	s2 =	sld [smem:$0x3FD0];
	(tm) =	ssettm $0x1  }
0x91: {  	s18 =	sld [smem:$0x3FFB];
	_ =	sdelay $0x3  }
0x92: {  	_ =	strace s18  }
0x93: {  	s3 =	sld [smem:$0x3FFC];
	_ =	sdelay $0x3  }
0x94: {  	_ =	strace s3  }
0x95: {  	s3 =	sld [smem:$0x3FFD];
	_ =	sdelay $0x3  }
0x96: {  	_ =	strace s3  }
0x97: {  	_ =	strace $0x8FFFFFFF  }
0x98: {  	s19 =	sld [smem:$0x3FDB];
	_ =	sdelay $0x1  }
0x99: {  	s4 =	simm.s32 $_scs_section_size  }
0x9a: {  	s5 =	simm.s32 $_size__tile_overlayer_lowered;
	s6 =	simm.s32 $_tile_overlayer_lowered  }
0x9b: {  	s22 =	simm.s32 $0x1BFF;
	s21 =	sshll.u32 s6, $0x1;
	s3 =	sadd.s32 s4, s19  }
0x9c: {  	s7 =	simm.s32 $0x0;
	s20 =	sshll.u32 s5, $0x1;
	s5 =	sadd.s32 s21, s3  }
0x9d: {  	[timem:s7], [sflag:s22] =	dma.local [hbm:s5], s20  }
0x9e: {  	_ =	swait.ge [sflag:s22], s20  }
0x9f: {  	s4 =	ssub.s32 $0x0, s20;
	[sflag:s22] =	ssyncset.done $0x0  }
0xa0: {  	[sflag:s22] =	ssyncadd.s32 s4;
	_ =	sdelay $0x1  }
0xa1: {  	s23 =	simm.s32 $0x1B8B  }
0xa2: {  	_ =	swait.ge [sflag:s23], $0x1  }
0xa3: {  	[sflag:s23] =	ssyncset.done $0x0  }
0xa4: {  	s25 =	simm.s32 $0x1B8E;
	s24 =	sld [smem:$0x3FFE];
	[sflag:s23] =	ssyncadd.s32 $0xFFFFFFFF  }
0xa5: {  	s26 =	simm.s32 $execute0_lowered;
	[smem:$0x3FD2] =	sst s25  }
0xa6: {  	s5 =	sshll.u32 s26, $0x1;
	_ =	strace $0x8000004F;
	[dreg:$0x1] =	wrdreg $0xFFFFFFFF  }
0xa7: {  	s28 =	simm.s32 $_size_execute0_lowered;
	s3 =	sadd.s32 s3, s5;
	[dreg:$0x0] =	wrdreg $0x0  }
0xa8: {  	s5 =	sshll.u32 s28, $0x1;
	[dreg:$0x2] =	wrdreg s3  }
0xa9: {  	[dreg:$0x3] =	wrdreg s5  }
0xaa: {  	[dreg:$0x4] =	wrdreg $0xC0  }
0xab: {  	_ =	task [dreg:s7], $0x5FFFF  }
0xac: {  	[dreg:$0x1] =	wrdreg $0xFFFFFFFF  }
0xad: {  	[dreg:$0x0] =	wrdreg $0x60  }
0xae: {  	[dreg:$0x2] =	wrdreg s2  }
0xaf: {  	[dreg:$0x3] =	wrdreg s24  }
0xb0: {  	[dreg:$0x4] =	wrdreg $0x120000  }
0xb1: {  	[dreg:$0x5] =	wrdreg $0x9  }
0xb2: {  	_ =	task.clear_ibuf [dreg:s7], $0x6FFFF;
	_ =	strace $0x9000004F  }
0xb3: {  	s29 =	simm.s32 $0x9;
	_ =	strace $0x80000051  }
0xb4: {  	_ =	swait.ge [sflag:s29], $0x1  }
0xb5: {  	[sflag:s29] =	ssyncadd.s32 $0xFFFFFFFF  }
0xb6: {  	_ =	strace $0x90000051  }
0xb7: {  	_ =	sfence  }
0xb8: {  	s30 =	sld [smem:$0x0];
	_ =	sdelay $0x2  }
0xb9: {  	s31 =	sshll.u32 s1, $0xD;
	s1 =	sshrl.u32 s1, $0x2  }
0xba: {  	s3 =	sand.u32 $0x4000, s31;
	s1 =	sadd.s32 s1, s30  }
0xbb: {  	s0 =	sor.u32 s3, s0;
	s1 =	sshll.u32 s1, $0x11  }
0xbc: {  	s0 =	sor.u32 s1, s0  }
0xbd: {  	s0 =	sadd.s32 $0x8F2B, s0  }
0xbe: {  	[sflag:s0] =	ssyncadd.remote.s32 $0x1  }
0xbf: {  	_ =	sfence.sel $0xFFFF  }
0xc0: {  	[dreg:$0x0] =	wrdreg $0xFFFFFFFF;
	(pc) =	sbr.abs _section_cstart, $3  }
0xc1: {  	[dreg:$0x1] =	wrdreg $0xFFFFFFFF  }
0xc2: {  	_ =	task.clear_ibuf [dreg:s7], $0x2FFFF;
	_ =	strace $0x9FFFFFFF  }
0xc3: {  	(tm) =	ssettm $0x7FFFFFFF  }
tec
execute0_lowered:
.L_overlay_start_1:
0x0: {  	(tag) =	ssettag $0x1  }
0x1: {  	s0 =	rddreg [dreg:$0x0]  }
0x2: {  	s1 =	rddreg [dreg:$0x1]  }
0x3: {  	s2 =	rddreg [dreg:$0x2];
	s3 =	simm.s32 $0x0  }
0x4: {  	s8 =	stileid.u32;
	s4 =	srdreg.scid;
	s28 =	simm.s32 $0x1  }
0x5: {  	s29 =	simm.s32 $0x2;
	s30 =	simm.s32 $0x3;
	s5 =	smul.u32 $0xA00, s8  }
0x6: {  	[smem:$0x7FF] =	sst s3;
	s4 =	sand.u32 $0x1, s4;
	s10 =	smul.u32 $0x9E00, s8  }
0x7: {  	s31 =	simm.s32 $0x4;
	_ =	strace $0x80000050;
	s16 =	smul.u32 $0x9E000, s4  }
0x8: {  	s6 =	ssub.s32 $0x2, s4;
	s4 =	smul.u32 $0x13880, s4;
	s5 =	sadd.s32 s5, s1  }
0x9: {  	s7 =	sshrl.u32 s6, $0x1;
	s1 =	sadd.s32 $0x79C00, s1;
	s20 =	sadd.s32 $0x2000, s10  }
0xa: {  	s14 =	sadd.s32 $0x4000, s10;
	s15 =	sadd.s32 $0x6000, s10;
	s18 =	sadd.s32 $0x8000, s10  }
0xb: {  	s17 =	ssub.s32 s6, s7;
	s19 =	sadd.s32 $0x3000, s5;
	s5 =	sadd.s32 $0xD000, s5  }
0xc: {  	s6 =	sadd.s32 s10, s2;
	s7 =	sadd.s32 s20, s2;
	s8 =	sadd.s32 s14, s2  }
0xd: {  	s9 =	sadd.s32 s15, s2;
	s11 =	sadd.s32 s10, s16;
	s10 =	sadd.s32 s18, s2  }
0xe: {  	s23 =	sadd.s32 s16, s14;
	s24 =	sadd.s32 s16, s15;
	[dreg:$0x4] =	wrdreg s19  }
0xf: {  	s25 =	sadd.s32 s16, s18;
	s18 =	simm.s32 $0x9;
	[dreg:$0x5] =	wrdreg s5  }
0x10: {  	s12 =	sshrl.u32 s11, $0x3;
	s5 =	sadd.s32 s16, s20;
	s11 =	sadd.s32 s0, s4  }
0x11: {  	s0 =	sshrl.u32 s23, $0x3;
	s4 =	sshrl.u32 s24, $0x3;
	s26 =	sshrl.u32 s25, $0x3  }
0x12: {  	s17 =	smax.u32 s17, $0x1;
	s20 =	simm.s32 $0xA000;
	s24 =	simm.s32 $0xE000  }
0x13: {  	s19 =	simm.s32 $0x7;
	s23 =	simm.s32 $0x8;
	s25 =	simm.s32 $0x0  }
0x14: {  	s21 =	sadd.s32 s1, s12;
	s22 =	sshrl.u32 s5, $0x3;
	s14 =	sadd.s32 s1, s0  }
0x15: {  	s15 =	sadd.s32 s1, s4;
	s16 =	sadd.s32 s1, s26;
	s26 =	simm.s32 $0x10000  }
0x16: {  	s0 =	simm.s32 $0x5;
	[dreg:$0x6] =	wrdreg s21;
	s13 =	sadd.s32 s1, s22  }
0x17: {  	v0 =	vimm.f32 $0.0e+00;
	s21 =	simm.s32 $0x80;
	s22 =	simm.s32 $0xC000;
	s1 =	simm.s32 $0x6  }
.LBB2_1:
0x18: {  	s4 =	rddreg [dreg:$0x4]  }
0x19: {  	[tilespmem:s3], [sflag:$0x9] =	stream.linear.gather [hbm4b:s4+s3], $0x5000, $0x38;
	[tilespmem:$0x1BE00] =	vst v63  }
0x1a: {  	_ =	swait.ge [sflag:s18], $0x5000  }
0x1b: {  	[sflag:s18] =	ssyncset.done $0x0  }
0x1c: {  	s5 =	simm.s32 $0x5000;
	s12 =	rddreg [dreg:$0x5];
	[sflag:s18] =	ssyncadd.s32 $0xFFFFB000  }
0x1d: {  	[tilespmem:s5], [sflag:$0x9] =	stream.linear.gather [hbm4b:s12+s3], $0x5000, $0x38;
	[tilespmem:$0x1BE00] =	vst v63  }
0x1e: {  	_ =	swait.ge [sflag:s18], $0x5000  }
0x1f: {  	[sflag:s18] =	ssyncset.done $0x0  }
0x20: {  	s4 =	simm.s32 $0x0;
	s5 =	simm.s32 $0x100;
	[sflag:s18] =	ssyncadd.s32 $0xFFFFB000  }
.LBB2_2:
0x21: {  	p0 =	sne.s32 s5, $0x7F00;
	[tilespmem:s4+$0xA030] =	vst v0;
	s12 =	smov.u32 s5;
	s5 =	sadd.s32 $0x100, s5  }
.Ltmp0:
0x22: {  	[tilespmem:s4+$0xA020] =	vst v0;
	(pc) =	sbr.rel @p0 .LBB2_2-.Ltmp0, $3  }
0x23: {  	[tilespmem:s4+$0xA000] =	vst v0  }
0x24: {  	[tilespmem:s4+$0xA010] =	vst v0;
	_ =	sdelay $0x1  }
0x25: {  	s4 =	sshra.s32 s12, $0x2  }
0x26: {  	[tilespmem:s4+$0xA030] =	vst v0  }
0x27: {  	[tilespmem:s4+$0xA020] =	vst v0  }
0x28: {  	[tilespmem:s4+$0xA000] =	vst v0  }
0x29: {  	[tilespmem:s4+$0xA010] =	vst v0  }
0x2a: {  	[spmem:s6] =	stream.linear.scatter [tilespmem:s20], [sflag:$0x9], $0x2000, $0x38;
	[tilespmem:$0x1BE00] =	vst v63  }
0x2b: {  	_ =	swait.ge [sflag:s18], $0x2000  }
0x2c: {  	[sflag:s18] =	ssyncset.done $0x0  }
0x2d: {  	[sflag:s18] =	ssyncadd.s32 $0xFFFFE000  }
0x2e: {  	[spmem:s7] =	stream.linear.scatter [tilespmem:s20], [sflag:$0x9], $0x2000, $0x38;
	[tilespmem:$0x1BE00] =	vst v63  }
0x2f: {  	_ =	swait.ge [sflag:s18], $0x2000  }
0x30: {  	[sflag:s18] =	ssyncset.done $0x0  }
0x31: {  	[sflag:s18] =	ssyncadd.s32 $0xFFFFE000  }
0x32: {  	[spmem:s8] =	stream.linear.scatter [tilespmem:s20], [sflag:$0x9], $0x2000, $0x38;
	[tilespmem:$0x1BE00] =	vst v63  }
0x33: {  	_ =	swait.ge [sflag:s18], $0x2000  }
0x34: {  	[sflag:s18] =	ssyncset.done $0x0  }
0x35: {  	[sflag:s18] =	ssyncadd.s32 $0xFFFFE000  }
0x36: {  	[spmem:s9] =	stream.linear.scatter [tilespmem:s20], [sflag:$0x9], $0x2000, $0x38;
	[tilespmem:$0x1BE00] =	vst v63  }
0x37: {  	_ =	swait.ge [sflag:s18], $0x2000  }
0x38: {  	[sflag:s18] =	ssyncset.done $0x0  }
0x39: {  	[sflag:s18] =	ssyncadd.s32 $0xFFFFE000  }
0x3a: {  	[spmem:s10] =	stream.linear.scatter [tilespmem:s20], [sflag:$0x9], $0x1E00, $0x38;
	[tilespmem:$0x1BE00] =	vst v63  }
0x3b: {  	_ =	swait.ge [sflag:s18], $0x1E00  }
0x3c: {  	[sflag:s18] =	ssyncset.done $0x0  }
0x3d: {  	[sflag:s18] =	ssyncadd.s32 $0xFFFFE200  }
0x3e: {  	s5 =	simm.s32 $0x0;
	[bflag:$0x0] =	sbarrier.arrive $0xFFFF  }
0x3f: {  	[tilespmem:s20], [sflag:$0x1] =	stream.indirect.gather [hbm4b:s11+s21], $0x40, s5, s21, $0xb8;
	[tilespmem:$0x1BE00] =	vst v63  }
0x40: {  	_ = 	snop  }
0x41: {  	[tilespmem:s22], [sflag:$0x2] =	stream.indirect.gather [hbm4b:s11+s21], $0x40, s21, s21, $0xb8;
	[tilespmem:$0x1BE00] =	vst v63  }
0x42: {  	s12 =	simm.s32 $0x100  }
0x43: {  	[tilespmem:s24], [sflag:$0x3] =	stream.indirect.gather [hbm4b:s11+s21], $0x40, s12, s21, $0xb8;
	[tilespmem:$0x1BE00] =	vst v63  }
0x44: {  	s5 =	simm.s32 $0x180  }
0x45: {  	[tilespmem:s26], [sflag:$0x4] =	stream.indirect.gather [hbm4b:s11+s21], $0x40, s5, s21, $0xb8;
	[tilespmem:$0x1BE00] =	vst v63  }
0x46: {  	_ =	swait.ge [sflag:s28], $0x2000  }
0x47: {  	[sflag:s28] =	ssyncset.done $0x0  }
0x48: {  	s12 =	simm.s32 $0x5000;
	[sflag:s28] =	ssyncadd.s32 $0xFFFFE000  }
0x49: {  	[spmem:s2] =	stream.indirect.scatter.add.f32 [tilespmem:s20], [sflag:$0x5], $0x40, s12, s21, $0xb8;
	[tilespmem:$0x1BE00] =	vst v63  }
0x4a: {  	_ =	swait.ge [sflag:s29], $0x2000  }
0x4b: {  	[sflag:s29] =	ssyncset.done $0x0  }
0x4c: {  	s5 =	simm.s32 $0x5080;
	[sflag:s29] =	ssyncadd.s32 $0xFFFFE000  }
0x4d: {  	[spmem:s2] =	stream.indirect.scatter.add.f32 [tilespmem:s22], [sflag:$0x6], $0x40, s5, s21, $0xb8;
	[tilespmem:$0x1BE00] =	vst v63  }
0x4e: {  	_ =	swait.ge [sflag:s30], $0x2000  }
0x4f: {  	[sflag:s30] =	ssyncset.done $0x0  }
0x50: {  	s12 =	simm.s32 $0x5100;
	[sflag:s30] =	ssyncadd.s32 $0xFFFFE000  }
0x51: {  	[spmem:s2] =	stream.indirect.scatter.add.f32 [tilespmem:s24], [sflag:$0x7], $0x40, s12, s21, $0xb8;
	[tilespmem:$0x1BE00] =	vst v63  }
0x52: {  	_ =	swait.ge [sflag:s31], $0x2000  }
0x53: {  	[sflag:s31] =	ssyncset.done $0x0  }
0x54: {  	s5 =	simm.s32 $0x5180;
	[sflag:s31] =	ssyncadd.s32 $0xFFFFE000  }
0x55: {  	[spmem:s2] =	stream.indirect.scatter.add.f32 [tilespmem:s26], [sflag:$0x8], $0x40, s5, s21, $0xb8;
	[tilespmem:$0x1BE00] =	vst v63  }
0x56: {  	_ =	swait.ge [sflag:s0], $0x2000  }
0x57: {  	[sflag:s0] =	ssyncset.done $0x0  }
0x58: {  	s12 =	simm.s32 $0x200;
	[sflag:s0] =	ssyncadd.s32 $0xFFFFE000  }
0x59: {  	[tilespmem:s20], [sflag:$0x1] =	stream.indirect.gather [hbm4b:s11+s21], $0x40, s12, s21, $0xb8;
	[tilespmem:$0x1BE00] =	vst v63  }
0x5a: {  	_ =	swait.ge [sflag:s1], $0x2000  }
0x5b: {  	[sflag:s1] =	ssyncset.done $0x0  }
0x5c: {  	s5 =	simm.s32 $0x280;
	[sflag:s1] =	ssyncadd.s32 $0xFFFFE000  }
0x5d: {  	[tilespmem:s22], [sflag:$0x2] =	stream.indirect.gather [hbm4b:s11+s21], $0x40, s5, s21, $0xb8;
	[tilespmem:$0x1BE00] =	vst v63  }
0x5e: {  	_ =	swait.ge [sflag:s19], $0x2000  }
0x5f: {  	[sflag:s19] =	ssyncset.done $0x0  }
0x60: {  	s12 =	simm.s32 $0x300;
	[sflag:s19] =	ssyncadd.s32 $0xFFFFE000  }
0x61: {  	[tilespmem:s24], [sflag:$0x3] =	stream.indirect.gather [hbm4b:s11+s21], $0x40, s12, s21, $0xb8;
	[tilespmem:$0x1BE00] =	vst v63  }
0x62: {  	_ =	swait.ge [sflag:s23], $0x2000  }
0x63: {  	[sflag:s23] =	ssyncset.done $0x0  }
0x64: {  	s4 =	simm.s32 $0x800;
	s5 =	simm.s32 $0x380;
	[sflag:s23] =	ssyncadd.s32 $0xFFFFE000  }
.LBB2_4:
0x65: {  	[tilespmem:s26], [sflag:$0x4] =	stream.indirect.gather [hbm4b:s11+s21], $0x40, s5, s21, $0xb8;
	[tilespmem:$0x1BE00] =	vst v63  }
0x66: {  	s5 =	smov.u32 s4  }
0x67: {  	p0 =	sne.s32 s4, $0x13000;
	s4 =	sadd.s32 $0x800, s4;
	_ =	swait.ge [sflag:s28], $0x2000  }
0x68: {  	s5 =	sshra.s32 s5, $0x2;
	[sflag:s28] =	ssyncset.done $0x0  }
0x69: {  	s12 =	sadd.s32 $0x5000, s5;
	[sflag:s28] =	ssyncadd.s32 $0xFFFFE000  }
0x6a: {  	[spmem:s2] =	stream.indirect.scatter.add.f32 [tilespmem:s20], [sflag:$0x5], $0x40, s12, s21, $0xb8;
	[tilespmem:$0x1BE00] =	vst v63  }
0x6b: {  	_ =	swait.ge [sflag:s29], $0x2000  }
0x6c: {  	[sflag:s29] =	ssyncset.done $0x0  }
0x6d: {  	s12 =	sadd.s32 $0x5080, s5;
	[sflag:s29] =	ssyncadd.s32 $0xFFFFE000  }
0x6e: {  	[spmem:s2] =	stream.indirect.scatter.add.f32 [tilespmem:s22], [sflag:$0x6], $0x40, s12, s21, $0xb8;
	[tilespmem:$0x1BE00] =	vst v63  }
0x6f: {  	_ =	swait.ge [sflag:s30], $0x2000  }
0x70: {  	[sflag:s30] =	ssyncset.done $0x0  }
0x71: {  	s12 =	sadd.s32 $0x5100, s5;
	[sflag:s30] =	ssyncadd.s32 $0xFFFFE000  }
0x72: {  	[spmem:s2] =	stream.indirect.scatter.add.f32 [tilespmem:s24], [sflag:$0x7], $0x40, s12, s21, $0xb8;
	[tilespmem:$0x1BE00] =	vst v63  }
0x73: {  	_ =	swait.ge [sflag:s31], $0x2000  }
0x74: {  	[sflag:s31] =	ssyncset.done $0x0  }
0x75: {  	s12 =	sadd.s32 $0x5180, s5;
	[sflag:s31] =	ssyncadd.s32 $0xFFFFE000  }
0x76: {  	[spmem:s2] =	stream.indirect.scatter.add.f32 [tilespmem:s26], [sflag:$0x8], $0x40, s12, s21, $0xb8;
	[tilespmem:$0x1BE00] =	vst v63  }
0x77: {  	_ =	swait.ge [sflag:s0], $0x2000  }
0x78: {  	[sflag:s0] =	ssyncset.done $0x0  }
0x79: {  	s12 =	sadd.s32 $0x200, s5;
	[sflag:s0] =	ssyncadd.s32 $0xFFFFE000  }
0x7a: {  	[tilespmem:s20], [sflag:$0x1] =	stream.indirect.gather [hbm4b:s11+s21], $0x40, s12, s21, $0xb8;
	[tilespmem:$0x1BE00] =	vst v63  }
0x7b: {  	_ =	swait.ge [sflag:s1], $0x2000  }
0x7c: {  	[sflag:s1] =	ssyncset.done $0x0  }
0x7d: {  	s12 =	sadd.s32 $0x280, s5;
	[sflag:s1] =	ssyncadd.s32 $0xFFFFE000  }
0x7e: {  	[tilespmem:s22], [sflag:$0x2] =	stream.indirect.gather [hbm4b:s11+s21], $0x40, s12, s21, $0xb8;
	[tilespmem:$0x1BE00] =	vst v63  }
0x7f: {  	_ =	swait.ge [sflag:s19], $0x2000  }
0x80: {  	[sflag:s19] =	ssyncset.done $0x0  }
.Ltmp1:
0x81: {  	s12 =	sadd.s32 $0x300, s5;
	[sflag:s19] =	ssyncadd.s32 $0xFFFFE000;
	(pc) =	sbr.rel @p0 .LBB2_4-.Ltmp1, $4  }
0x82: {  	[tilespmem:s24], [sflag:$0x3] =	stream.indirect.gather [hbm4b:s11+s21], $0x40, s12, s21, $0xb8;
	[tilespmem:$0x1BE00] =	vst v63  }
0x83: {  	_ =	swait.ge [sflag:s23], $0x2000  }
0x84: {  	[sflag:s23] =	ssyncset.done $0x0  }
0x85: {  	s5 =	sadd.s32 $0x380, s5;
	[sflag:s23] =	ssyncadd.s32 $0xFFFFE000  }
0x86: {  	[tilespmem:s26], [sflag:$0x4] =	stream.indirect.gather [hbm4b:s11+s21], $0x40, s5, s21, $0xb8;
	[tilespmem:$0x1BE00] =	vst v63  }
0x87: {  	_ =	swait.ge [sflag:s28], $0x2000  }
0x88: {  	[sflag:s28] =	ssyncset.done $0x0  }
0x89: {  	s4 =	simm.s32 $0x9E00;
	[sflag:s28] =	ssyncadd.s32 $0xFFFFE000  }
0x8a: {  	[spmem:s2] =	stream.indirect.scatter.add.f32 [tilespmem:s20], [sflag:$0x5], $0x40, s4, s21, $0xb8;
	[tilespmem:$0x1BE00] =	vst v63  }
0x8b: {  	_ =	swait.ge [sflag:s29], $0x2000  }
0x8c: {  	[sflag:s29] =	ssyncset.done $0x0  }
0x8d: {  	s5 =	simm.s32 $0x9E80;
	[sflag:s29] =	ssyncadd.s32 $0xFFFFE000  }
0x8e: {  	[spmem:s2] =	stream.indirect.scatter.add.f32 [tilespmem:s22], [sflag:$0x6], $0x40, s5, s21, $0xb8;
	[tilespmem:$0x1BE00] =	vst v63  }
0x8f: {  	_ =	swait.ge [sflag:s30], $0x2000  }
0x90: {  	[sflag:s30] =	ssyncset.done $0x0  }
0x91: {  	s12 =	simm.s32 $0x9F00;
	[sflag:s30] =	ssyncadd.s32 $0xFFFFE000  }
0x92: {  	[spmem:s2] =	stream.indirect.scatter.add.f32 [tilespmem:s24], [sflag:$0x7], $0x40, s12, s21, $0xb8;
	[tilespmem:$0x1BE00] =	vst v63  }
0x93: {  	_ =	swait.ge [sflag:s31], $0x2000  }
0x94: {  	[sflag:s31] =	ssyncset.done $0x0  }
0x95: {  	s5 =	simm.s32 $0x9F80;
	[sflag:s31] =	ssyncadd.s32 $0xFFFFE000  }
0x96: {  	[spmem:s2] =	stream.indirect.scatter.add.f32 [tilespmem:s26], [sflag:$0x8], $0x40, s5, s21, $0xb8;
	[tilespmem:$0x1BE00] =	vst v63  }
0x97: {  	_ =	swait.ge [sflag:s0], $0x2000  }
0x98: {  	[sflag:s0] =	ssyncset.done $0x0  }
0x99: {  	[sflag:s0] =	ssyncadd.s32 $0xFFFFE000  }
0x9a: {  	_ =	swait.ge [sflag:s1], $0x2000  }
0x9b: {  	[sflag:s1] =	ssyncset.done $0x0  }
0x9c: {  	[sflag:s1] =	ssyncadd.s32 $0xFFFFE000  }
0x9d: {  	_ =	swait.ge [sflag:s19], $0x2000  }
0x9e: {  	[sflag:s19] =	ssyncset.done $0x0  }
0x9f: {  	[sflag:s19] =	ssyncadd.s32 $0xFFFFE000  }
0xa0: {  	_ =	swait.ge [sflag:s23], $0x2000  }
0xa1: {  	[sflag:s23] =	ssyncset.done $0x0  }
0xa2: {  	[sflag:s23] =	ssyncadd.s32 $0xFFFFE000  }
0xa3: {  	[bflag:$0x0] =	sbarrier.arrive $0xFFFF  }
0xa4: {  	[tilespmem:s20], [sflag:$0x9] =	stream.linear.gather [spmem:s6], $0x2000, $0x38;
	[tilespmem:$0x1BE00] =	vst v63  }
0xa5: {  	_ =	swait.ge [sflag:s18], $0x2000  }
0xa6: {  	[sflag:s18] =	ssyncset.done $0x0  }
0xa7: {  	s12 =	rddreg [dreg:$0x6];
	[sflag:s18] =	ssyncadd.s32 $0xFFFFE000  }
0xa8: {  	[hbm4b:s12+s3] =	stream.linear.scatter [tilespmem:s20], [sflag:$0x9], $0x2000, $0x38;
	[tilespmem:$0x1BE00] =	vst v63  }
0xa9: {  	_ =	swait.ge [sflag:s18], $0x2000  }
0xaa: {  	[sflag:s18] =	ssyncset.done $0x0  }
0xab: {  	[sflag:s18] =	ssyncadd.s32 $0xFFFFE000  }
0xac: {  	[tilespmem:s20], [sflag:$0x9] =	stream.linear.gather [spmem:s7], $0x2000, $0x38;
	[tilespmem:$0x1BE00] =	vst v63  }
0xad: {  	_ =	swait.ge [sflag:s18], $0x2000  }
0xae: {  	[sflag:s18] =	ssyncset.done $0x0  }
0xaf: {  	[sflag:s18] =	ssyncadd.s32 $0xFFFFE000  }
0xb0: {  	[hbm4b:s13+s3] =	stream.linear.scatter [tilespmem:s20], [sflag:$0x9], $0x2000, $0x38;
	[tilespmem:$0x1BE00] =	vst v63  }
0xb1: {  	_ =	swait.ge [sflag:s18], $0x2000  }
0xb2: {  	[sflag:s18] =	ssyncset.done $0x0  }
0xb3: {  	[sflag:s18] =	ssyncadd.s32 $0xFFFFE000  }
0xb4: {  	[tilespmem:s20], [sflag:$0x9] =	stream.linear.gather [spmem:s8], $0x2000, $0x38;
	[tilespmem:$0x1BE00] =	vst v63  }
0xb5: {  	_ =	swait.ge [sflag:s18], $0x2000  }
0xb6: {  	[sflag:s18] =	ssyncset.done $0x0  }
0xb7: {  	[sflag:s18] =	ssyncadd.s32 $0xFFFFE000  }
0xb8: {  	[hbm4b:s14+s3] =	stream.linear.scatter [tilespmem:s20], [sflag:$0x9], $0x2000, $0x38;
	[tilespmem:$0x1BE00] =	vst v63  }
0xb9: {  	_ =	swait.ge [sflag:s18], $0x2000  }
0xba: {  	[sflag:s18] =	ssyncset.done $0x0  }
0xbb: {  	[sflag:s18] =	ssyncadd.s32 $0xFFFFE000  }
0xbc: {  	[tilespmem:s20], [sflag:$0x9] =	stream.linear.gather [spmem:s9], $0x2000, $0x38;
	[tilespmem:$0x1BE00] =	vst v63  }
0xbd: {  	_ =	swait.ge [sflag:s18], $0x2000  }
0xbe: {  	[sflag:s18] =	ssyncset.done $0x0  }
0xbf: {  	[sflag:s18] =	ssyncadd.s32 $0xFFFFE000  }
0xc0: {  	[hbm4b:s15+s3] =	stream.linear.scatter [tilespmem:s20], [sflag:$0x9], $0x2000, $0x38;
	[tilespmem:$0x1BE00] =	vst v63  }
0xc1: {  	_ =	swait.ge [sflag:s18], $0x2000  }
0xc2: {  	[sflag:s18] =	ssyncset.done $0x0  }
0xc3: {  	[sflag:s18] =	ssyncadd.s32 $0xFFFFE000  }
0xc4: {  	[tilespmem:s20], [sflag:$0x9] =	stream.linear.gather [spmem:s10], $0x1E00, $0x38;
	[tilespmem:$0x1BE00] =	vst v63  }
0xc5: {  	s25 =	sadd.s32 $0x1, s25;
	_ =	swait.ge [sflag:s18], $0x1E00  }
0xc6: {  	p0 =	sne.s32 s25, s17;
	[sflag:s18] =	ssyncset.done $0x0  }
.Ltmp2:
0xc7: {  	[sflag:s18] =	ssyncadd.s32 $0xFFFFE200;
	(pc) =	sbr.rel @p0 .LBB2_1-.Ltmp2, $4  }
0xc8: {  	[hbm4b:s16+s3] =	stream.linear.scatter [tilespmem:s20], [sflag:$0x9], $0x1E00, $0x38;
	[tilespmem:$0x1BE00] =	vst v63  }
0xc9: {  	_ =	swait.ge [sflag:s18], $0x1E00  }
0xca: {  	[sflag:s18] =	ssyncset.done $0x0  }
0xcb: {  	[sflag:s18] =	ssyncadd.s32 $0xFFFFE200  }
0xcc: {  	_ =	sfence.sel $0x180000  }
0xcd: {  	[bflag:$0x0] =	sbarrier.arrive $0xFFFF  }
0xce: {  	_ =	strace $0x90000050  }
0xcf: {  	s0 =	stileid.u32;
	[bflag:$0x2] =	sbarrier.arrive $0xFFFF  }
0xd0: {  	p0 =	sne.s32 s0, $0x0;
	s0 =	rddreg [dreg:$0x3]  }
0xd1: {  	s0 =	sadd.s32 @!p0 $0x100000, s0  }
0xd2: {  	[sflag:s0] =	ssyncadd.tile.s32 @!p0 $0x1;
	_ =	shalt  }
.Lfunc_end2:
_tile_overlayer_lowered:
.L_overlay_start_2:
0xd3: {  	(tag) =	ssettag $0x2  }
0xd4: {  	s0 =	rddreg [dreg:$0x0];
	s2 =	stileid.u32  }
0xd5: {  	s1 =	rddreg [dreg:$0x1];
	p0 =	sne.s32 s2, $0x0  }
0xd6: {  	s3 =	rddreg [dreg:$0x2];
	[bflag:$0x3] =	sbarrier.arrive $0xFFFF;
	s2 =	simm.s32 @!p0 $0x1C09  }
0xd7: {  	[timem:s3], [sflag:s2] =	dma.local @!p0 [hbm:s0], s1  }
0xd8: {  	s0 =	simm.s32 @!p0 $0x9  }
0xd9: {  	_ =	swait.ge @!p0 [sflag:s0], s1  }
0xda: {  	s1 =	ssub.s32 @!p0 $0x0, s1;
	[sflag:s0] =	ssyncset.done @!p0 $0x0  }
0xdb: {  	[sflag:s0] =	ssyncadd.s32 @!p0 s1  }
0xdc: {  	[bflag:$0x3] =	sbarrier.arrive $0xFFFF  }
0xdd: {  	_ =	shalt  }

</sc_bundles>
